<compile_context>
chip_gen: v7x
topology: tpu7x:2x2x1
jax: 0.10.2.dev20260603
libtpu: 0.0.44.dev20260713+nightly
codegen_flags: <defaults>
</compile_context>

<pallas_src>
import functools

import jax
import jax.numpy as jnp
from jax import lax
from jax.experimental import pallas as pl
from jax.experimental.pallas import tpu as pltpu
from jax.experimental.pallas import tpu_sc as plsc

VOCAB = 1_000_000
EMBED_DIM = 32
BATCH = 16384
HIST_LEN = 50
TOTAL = BATCH * HIST_LEN

NUM_CORES = 2
NUM_SUBCORES = 16
NW = NUM_CORES * NUM_SUBCORES
LB = 128
NBLK = BATCH // LB
BLK_PER_W = NBLK // NW
CHUNK = LB
NCHUNK = BLK_PER_W * HIST_LEN
NBUF = 4
FBLK = EMBED_DIM // 8

_mesh = plsc.VectorSubcoreMesh(core_axis_name="c", subcore_axis_name="s")


@functools.partial(
    pl.kernel,
    mesh=_mesh,
    out_type=jax.ShapeDtypeStruct(
        (HIST_LEN, FBLK, NBLK, 8 * LB), jnp.float32
    ),
    scratch_types=(
        [pltpu.VMEM((NCHUNK, CHUNK), jnp.int32)]
        + [pltpu.VMEM((CHUNK, EMBED_DIM), jnp.float32) for _ in range(NBUF)]
        + [pltpu.VMEM((FBLK * 8 * LB,), jnp.float32) for _ in range(NBUF)]
        + [pltpu.SemaphoreType.DMA((NBUF,)), pltpu.SemaphoreType.DMA((NBUF,))]
    ),
    compiler_params=pltpu.CompilerParams(
        use_tc_tiling_on_sc=False, needs_layout_passes=False
    ),
)
def _sc_gather(table_hbm, idx_hbm, out_hbm, idx_v, *rest):
    rows_bufs = rest[:NBUF]
    tile_bufs = rest[NBUF:2 * NBUF]
    gsems, wsems = rest[2 * NBUF], rest[2 * NBUF + 1]

    wid = lax.axis_index("s") * NUM_CORES + lax.axis_index("c")

    pltpu.sync_copy(idx_hbm.at[wid], idx_v)

    lane = lax.iota(jnp.int32, 16)
    perms = [jnp.bitwise_and(lane + i, 15) for i in range(16)]
    pbases = [lax.shift_left(p, 7) for p in perms]

    def fire(j, b):
        pltpu.async_copy(table_hbm.at[idx_v.at[j]], rows_bufs[b], gsems.at[b])

    for b in range(NBUF):
        fire(b, b)

    def round_body(g, _):
        for b in range(NBUF):
            j = g * NBUF + b
            c = wid * BLK_PER_W + j // HIST_LEN
            h = j % HIST_LEN

            pltpu.make_async_copy(
                table_hbm.at[idx_v.at[j]], rows_bufs[b], gsems.at[b]
            ).wait()

            @pl.when(j >= NBUF)
            def _():
                for a in range(FBLK):
                    pltpu.make_async_copy(
                        tile_bufs[b].at[pl.ds(a * 8 * LB, 8 * LB)],
                        out_hbm.at[0, 0, 0],
                        wsems.at[b],
                    ).wait()

            src = rows_bufs[b]
            dst = tile_bufs[b]

            @plsc.parallel_loop(0, CHUNK // 16, 1, unroll=4)
            def _(k):
                rows = lane + 16 * k
                rows2 = rows + (16 << 7)
                for f0 in range(0, EMBED_DIM, 16):
                    for i in range(16):
                        colv = perms[i] + f0 if f0 else perms[i]
                        vals = plsc.load_gather(src, [rows, colv])
                        flat = pbases[i] + (rows2 if f0 else rows)
                        plsc.store_scatter(dst, [flat], vals)

            for a in range(FBLK):
                pltpu.async_copy(
                    tile_bufs[b].at[pl.ds(a * 8 * LB, 8 * LB)],
                    out_hbm.at[h, a, c],
                    wsems.at[b],
                )

            @pl.when(j + NBUF < NCHUNK)
            def _():
                fire(j + NBUF, b)

        return _

    lax.fori_loop(0, NCHUNK // NBUF, round_body, None)

    for b in range(NBUF):
        for a in range(FBLK):
            pltpu.make_async_copy(
                tile_bufs[b].at[pl.ds(a * 8 * LB, 8 * LB)],
                out_hbm.at[0, 0, 0],
                wsems.at[b],
            ).wait()


def kernel(params, inputs):
    idx = inputs.reshape(NBLK, LB, HIST_LEN).transpose(0, 2, 1)
    idx = idx.reshape(NW, NCHUNK, CHUNK)
    out4 = _sc_gather(params, idx)
    out5 = out4.reshape(HIST_LEN, FBLK, NBLK, 8, LB)
    return out5.transpose(2, 4, 0, 1, 3).reshape(BATCH, HIST_LEN, EMBED_DIM)

# --- scband reference (transcript-rebuilt; emitter-appended) ---
"""Pipeline reference for scband-std-one-hot-34565896798467 (READ-ONLY COPY).

The authoritative reference and input builder live on the scoring server;
editing this copy changes nothing except your own understanding.
"""

import jax, jax.numpy as jnp
import numpy as np

VOCAB = 1000000
EMBED_DIM = 32
BATCH = 16384
HIST_LEN = 50


def setup_inputs(seed: int = 0) -> dict:
    key = jax.random.key(seed)
    k1, k2 = jax.random.split(key)
    # Learned embedding table (the `params` init arg of StdOneHot)
    params = jax.random.normal(k1, (VOCAB, EMBED_DIM), dtype=jnp.float32) * 0.02
    # id tensor: [batch, hist_len], values in [0, vocab)
    inputs = jax.random.randint(k2, (BATCH, HIST_LEN), 0, VOCAB, dtype=jnp.int32)
    return {"params": params, "inputs": inputs}


def reference(params, inputs):
    # hashtable is None -> ids used directly
    ids = inputs
    # tf.nn.embedding_lookup -> row gather
    result = jnp.take(params, ids, axis=0)
    # Faithful to the keras layer: if lookup produced a 2-D result
    # (i.e. ids were 1-D), expand a middle axis.
    if result.ndim == 2:
        result = jnp.expand_dims(result, axis=-2)
    return result

if __name__ == "__main__":
    import jax
    _d = setup_inputs()
    print(jax.jit(kernel)(*tuple(_d.values())))

</pallas_src>

<mosaic_0001>
#map = affine_map<(d0, d1) -> (0, 0)>
#map1 = affine_map<(d0, d1) -> (0, 0, 0)>
#map2 = affine_map<(d0, d1) -> (0, 0, 0, 0)>
module attributes {stable_mosaic.version = 14 : i64} {
  func.func @_sc_gather(%arg0: i32, %arg1: i32, %arg2: memref<1000000x32xf32, #tpu.memory_space<hbm>>, %arg3: memref<32x200x128xi32, #tpu.memory_space<hbm>>, %arg4: memref<50x4x128x1024xf32, #tpu.memory_space<hbm>>, %arg5: memref<200x128xi32, #tpu.memory_space<vmem>>, %arg6: memref<128x32xf32, #tpu.memory_space<vmem>>, %arg7: memref<128x32xf32, #tpu.memory_space<vmem>>, %arg8: memref<128x32xf32, #tpu.memory_space<vmem>>, %arg9: memref<128x32xf32, #tpu.memory_space<vmem>>, %arg10: memref<4096xf32, #tpu.memory_space<vmem>>, %arg11: memref<4096xf32, #tpu.memory_space<vmem>>, %arg12: memref<4096xf32, #tpu.memory_space<vmem>>, %arg13: memref<4096xf32, #tpu.memory_space<vmem>>, %arg14: memref<4x!tpu.dma_semaphore, #tpu.memory_space<semaphore_mem>>, %arg15: memref<4x!tpu.dma_semaphore, #tpu.memory_space<semaphore_mem>>) attributes {dimension_semantics = [#tpu.dimension_semantics<core_parallel>, #tpu.dimension_semantics<subcore_parallel>], iteration_bounds = array<i64: 2, 16>, scalar_prefetch = 0 : i64, scratch_operands = 11 : i64, tpu.core_type = #tpu.core_type<sc_vector_subcore>, window_params = [{transform_indices = #map}, {transform_indices = #map1}, {transform_indices = #map2}]} {
    %mul3A = arith.constant 2 : i32
    %mul3A_0 = arith.muli %arg1, %mul3A : i32
    %add3A = arith.addi %mul3A_0, %arg0 : i32
    "tpu.region"() ({
      %run_scoped3A = tpu.sem_alloc : memref<!tpu.dma_semaphore, #tpu.memory_space<semaphore_mem>>
      %dma_start3A_441 = arith.constant 0 : i32
      %dma_start3A_442 = arith.constant 0 : i32
      %dma_start3A_443 = tpu.memref_slice %arg3[%add3A, %dma_start3A_441, %dma_start3A_442] : memref<32x200x128xi32, #tpu.memory_space<hbm>> -> memref<1x200x128xi32, #tpu.memory_space<hbm>>
      %dma_start3A_444 = tpu.memref_squeeze %dma_start3A_443 : memref<1x200x128xi32, #tpu.memory_space<hbm>> -> memref<200x128xi32, #tpu.memory_space<hbm>>
      %dma_start3A_445 = arith.constant 0 : i32
      %dma_start3A_446 = arith.constant 0 : i32
      %dma_start3A_447 = tpu.memref_slice %arg3[%add3A, %dma_start3A_445, %dma_start3A_446] : memref<32x200x128xi32, #tpu.memory_space<hbm>> -> memref<1x200x128xi32, #tpu.memory_space<hbm>>
      %dma_start3A_448 = tpu.memref_squeeze %dma_start3A_447 : memref<1x200x128xi32, #tpu.memory_space<hbm>> -> memref<200x128xi32, #tpu.memory_space<hbm>>
      tpu.enqueue_dma source(%dma_start3A_448 : memref<200x128xi32, #tpu.memory_space<hbm>>) target(%arg5 : memref<200x128xi32, #tpu.memory_space<vmem>>) target_semaphore(%run_scoped3A : memref<!tpu.dma_semaphore, #tpu.memory_space<semaphore_mem>>)
      %dma_wait3A_449 = arith.constant 0 : i32
      %dma_wait3A_450 = arith.constant 0 : i32
      %dma_wait3A_451 = tpu.memref_slice %arg3[%add3A, %dma_wait3A_449, %dma_wait3A_450] : memref<32x200x128xi32, #tpu.memory_space<hbm>> -> memref<1x200x128xi32, #tpu.memory_space<hbm>>
      %dma_wait3A_452 = tpu.memref_squeeze %dma_wait3A_451 : memref<1x200x128xi32, #tpu.memory_space<hbm>> -> memref<200x128xi32, #tpu.memory_space<hbm>>
      %dma_wait3A_453 = arith.constant 0 : i32
      %dma_wait3A_454 = arith.constant 0 : i32
      %dma_wait3A_455 = tpu.memref_slice %arg3[%add3A, %dma_wait3A_453, %dma_wait3A_454] : memref<32x200x128xi32, #tpu.memory_space<hbm>> -> memref<1x200x128xi32, #tpu.memory_space<hbm>>
      %dma_wait3A_456 = tpu.memref_squeeze %dma_wait3A_455 : memref<1x200x128xi32, #tpu.memory_space<hbm>> -> memref<200x128xi32, #tpu.memory_space<hbm>>
      tpu.wait_dma2 semaphore(%run_scoped3A : memref<!tpu.dma_semaphore, #tpu.memory_space<semaphore_mem>>) src(%dma_wait3A_456 : memref<200x128xi32, #tpu.memory_space<hbm>>) dst(%arg5 : memref<200x128xi32, #tpu.memory_space<vmem>>)
      tpu.yield
    }) : () -> ()
    %iota3A = tpu.iota {dimensions = array<i32: 0>} : vector<16xi32>
    %add3A_1 = arith.constant 0 : i32
    %add3A_2 = vector.broadcast %add3A_1 : i32 to vector<16xi32>
    %add3A_3 = arith.addi %iota3A, %add3A_2 : vector<16xi32>
    %and3A = arith.constant 15 : i32
    %and3A_4 = vector.broadcast %and3A : i32 to vector<16xi32>
    %and3A_5 = arith.andi %add3A_3, %and3A_4 : vector<16xi32>
    %add3A_6 = arith.constant 1 : i32
    %add3A_7 = vector.broadcast %add3A_6 : i32 to vector<16xi32>
    %add3A_8 = arith.addi %iota3A, %add3A_7 : vector<16xi32>
    %and3A_9 = arith.constant 15 : i32
    %and3A_10 = vector.broadcast %and3A_9 : i32 to vector<16xi32>
    %and3A_11 = arith.andi %add3A_8, %and3A_10 : vector<16xi32>
    %add3A_12 = arith.constant 2 : i32
    %add3A_13 = vector.broadcast %add3A_12 : i32 to vector<16xi32>
    %add3A_14 = arith.addi %iota3A, %add3A_13 : vector<16xi32>
    %and3A_15 = arith.constant 15 : i32
    %and3A_16 = vector.broadcast %and3A_15 : i32 to vector<16xi32>
    %and3A_17 = arith.andi %add3A_14, %and3A_16 : vector<16xi32>
    %add3A_18 = arith.constant 3 : i32
    %add3A_19 = vector.broadcast %add3A_18 : i32 to vector<16xi32>
    %add3A_20 = arith.addi %iota3A, %add3A_19 : vector<16xi32>
    %and3A_21 = arith.constant 15 : i32
    %and3A_22 = vector.broadcast %and3A_21 : i32 to vector<16xi32>
    %and3A_23 = arith.andi %add3A_20, %and3A_22 : vector<16xi32>
    %add3A_24 = arith.constant 4 : i32
    %add3A_25 = vector.broadcast %add3A_24 : i32 to vector<16xi32>
    %add3A_26 = arith.addi %iota3A, %add3A_25 : vector<16xi32>
    %and3A_27 = arith.constant 15 : i32
    %and3A_28 = vector.broadcast %and3A_27 : i32 to vector<16xi32>
    %and3A_29 = arith.andi %add3A_26, %and3A_28 : vector<16xi32>
    %add3A_30 = arith.constant 5 : i32
    %add3A_31 = vector.broadcast %add3A_30 : i32 to vector<16xi32>
    %add3A_32 = arith.addi %iota3A, %add3A_31 : vector<16xi32>
    %and3A_33 = arith.constant 15 : i32
    %and3A_34 = vector.broadcast %and3A_33 : i32 to vector<16xi32>
    %and3A_35 = arith.andi %add3A_32, %and3A_34 : vector<16xi32>
    %add3A_36 = arith.constant 6 : i32
    %add3A_37 = vector.broadcast %add3A_36 : i32 to vector<16xi32>
    %add3A_38 = arith.addi %iota3A, %add3A_37 : vector<16xi32>
    %and3A_39 = arith.constant 15 : i32
    %and3A_40 = vector.broadcast %and3A_39 : i32 to vector<16xi32>
    %and3A_41 = arith.andi %add3A_38, %and3A_40 : vector<16xi32>
    %add3A_42 = arith.constant 7 : i32
    %add3A_43 = vector.broadcast %add3A_42 : i32 to vector<16xi32>
    %add3A_44 = arith.addi %iota3A, %add3A_43 : vector<16xi32>
    %and3A_45 = arith.constant 15 : i32
    %and3A_46 = vector.broadcast %and3A_45 : i32 to vector<16xi32>
    %and3A_47 = arith.andi %add3A_44, %and3A_46 : vector<16xi32>
    %add3A_48 = arith.constant 8 : i32
    %add3A_49 = vector.broadcast %add3A_48 : i32 to vector<16xi32>
    %add3A_50 = arith.addi %iota3A, %add3A_49 : vector<16xi32>
    %and3A_51 = arith.constant 15 : i32
    %and3A_52 = vector.broadcast %and3A_51 : i32 to vector<16xi32>
    %and3A_53 = arith.andi %add3A_50, %and3A_52 : vector<16xi32>
    %add3A_54 = arith.constant 9 : i32
    %add3A_55 = vector.broadcast %add3A_54 : i32 to vector<16xi32>
    %add3A_56 = arith.addi %iota3A, %add3A_55 : vector<16xi32>
    %and3A_57 = arith.constant 15 : i32
    %and3A_58 = vector.broadcast %and3A_57 : i32 to vector<16xi32>
    %and3A_59 = arith.andi %add3A_56, %and3A_58 : vector<16xi32>
    %add3A_60 = arith.constant 10 : i32
    %add3A_61 = vector.broadcast %add3A_60 : i32 to vector<16xi32>
    %add3A_62 = arith.addi %iota3A, %add3A_61 : vector<16xi32>
    %and3A_63 = arith.constant 15 : i32
    %and3A_64 = vector.broadcast %and3A_63 : i32 to vector<16xi32>
    %and3A_65 = arith.andi %add3A_62, %and3A_64 : vector<16xi32>
    %add3A_66 = arith.constant 11 : i32
    %add3A_67 = vector.broadcast %add3A_66 : i32 to vector<16xi32>
    %add3A_68 = arith.addi %iota3A, %add3A_67 : vector<16xi32>
    %and3A_69 = arith.constant 15 : i32
    %and3A_70 = vector.broadcast %and3A_69 : i32 to vector<16xi32>
    %and3A_71 = arith.andi %add3A_68, %and3A_70 : vector<16xi32>
    %add3A_72 = arith.constant 12 : i32
    %add3A_73 = vector.broadcast %add3A_72 : i32 to vector<16xi32>
    %add3A_74 = arith.addi %iota3A, %add3A_73 : vector<16xi32>
    %and3A_75 = arith.constant 15 : i32
    %and3A_76 = vector.broadcast %and3A_75 : i32 to vector<16xi32>
    %and3A_77 = arith.andi %add3A_74, %and3A_76 : vector<16xi32>
    %add3A_78 = arith.constant 13 : i32
    %add3A_79 = vector.broadcast %add3A_78 : i32 to vector<16xi32>
    %add3A_80 = arith.addi %iota3A, %add3A_79 : vector<16xi32>
    %and3A_81 = arith.constant 15 : i32
    %and3A_82 = vector.broadcast %and3A_81 : i32 to vector<16xi32>
    %and3A_83 = arith.andi %add3A_80, %and3A_82 : vector<16xi32>
    %add3A_84 = arith.constant 14 : i32
    %add3A_85 = vector.broadcast %add3A_84 : i32 to vector<16xi32>
    %add3A_86 = arith.addi %iota3A, %add3A_85 : vector<16xi32>
    %and3A_87 = arith.constant 15 : i32
    %and3A_88 = vector.broadcast %and3A_87 : i32 to vector<16xi32>
    %and3A_89 = arith.andi %add3A_86, %and3A_88 : vector<16xi32>
    %add3A_90 = arith.constant 15 : i32
    %add3A_91 = vector.broadcast %add3A_90 : i32 to vector<16xi32>
    %add3A_92 = arith.addi %iota3A, %add3A_91 : vector<16xi32>
    %and3A_93 = arith.constant 15 : i32
    %and3A_94 = vector.broadcast %and3A_93 : i32 to vector<16xi32>
    %and3A_95 = arith.andi %add3A_92, %and3A_94 : vector<16xi32>
    %shift_left3A = arith.constant 7 : i32
    %shift_left3A_96 = vector.broadcast %shift_left3A : i32 to vector<16xi32>
    %shift_left3A_97 = arith.shli %and3A_5, %shift_left3A_96 : vector<16xi32>
    %shift_left3A_98 = arith.constant 7 : i32
    %shift_left3A_99 = vector.broadcast %shift_left3A_98 : i32 to vector<16xi32>
    %shift_left3A_100 = arith.shli %and3A_11, %shift_left3A_99 : vector<16xi32>
    %shift_left3A_101 = arith.constant 7 : i32
    %shift_left3A_102 = vector.broadcast %shift_left3A_101 : i32 to vector<16xi32>
    %shift_left3A_103 = arith.shli %and3A_17, %shift_left3A_102 : vector<16xi32>
    %shift_left3A_104 = arith.constant 7 : i32
    %shift_left3A_105 = vector.broadcast %shift_left3A_104 : i32 to vector<16xi32>
    %shift_left3A_106 = arith.shli %and3A_23, %shift_left3A_105 : vector<16xi32>
    %shift_left3A_107 = arith.constant 7 : i32
    %shift_left3A_108 = vector.broadcast %shift_left3A_107 : i32 to vector<16xi32>
    %shift_left3A_109 = arith.shli %and3A_29, %shift_left3A_108 : vector<16xi32>
    %shift_left3A_110 = arith.constant 7 : i32
    %shift_left3A_111 = vector.broadcast %shift_left3A_110 : i32 to vector<16xi32>
    %shift_left3A_112 = arith.shli %and3A_35, %shift_left3A_111 : vector<16xi32>
    %shift_left3A_113 = arith.constant 7 : i32
    %shift_left3A_114 = vector.broadcast %shift_left3A_113 : i32 to vector<16xi32>
    %shift_left3A_115 = arith.shli %and3A_41, %shift_left3A_114 : vector<16xi32>
    %shift_left3A_116 = arith.constant 7 : i32
    %shift_left3A_117 = vector.broadcast %shift_left3A_116 : i32 to vector<16xi32>
    %shift_left3A_118 = arith.shli %and3A_47, %shift_left3A_117 : vector<16xi32>
    %shift_left3A_119 = arith.constant 7 : i32
    %shift_left3A_120 = vector.broadcast %shift_left3A_119 : i32 to vector<16xi32>
    %shift_left3A_121 = arith.shli %and3A_53, %shift_left3A_120 : vector<16xi32>
    %shift_left3A_122 = arith.constant 7 : i32
    %shift_left3A_123 = vector.broadcast %shift_left3A_122 : i32 to vector<16xi32>
    %shift_left3A_124 = arith.shli %and3A_59, %shift_left3A_123 : vector<16xi32>
    %shift_left3A_125 = arith.constant 7 : i32
    %shift_left3A_126 = vector.broadcast %shift_left3A_125 : i32 to vector<16xi32>
    %shift_left3A_127 = arith.shli %and3A_65, %shift_left3A_126 : vector<16xi32>
    %shift_left3A_128 = arith.constant 7 : i32
    %shift_left3A_129 = vector.broadcast %shift_left3A_128 : i32 to vector<16xi32>
    %shift_left3A_130 = arith.shli %and3A_71, %shift_left3A_129 : vector<16xi32>
    %shift_left3A_131 = arith.constant 7 : i32
    %shift_left3A_132 = vector.broadcast %shift_left3A_131 : i32 to vector<16xi32>
    %shift_left3A_133 = arith.shli %and3A_77, %shift_left3A_132 : vector<16xi32>
    %shift_left3A_134 = arith.constant 7 : i32
    %shift_left3A_135 = vector.broadcast %shift_left3A_134 : i32 to vector<16xi32>
    %shift_left3A_136 = arith.shli %and3A_83, %shift_left3A_135 : vector<16xi32>
    %shift_left3A_137 = arith.constant 7 : i32
    %shift_left3A_138 = vector.broadcast %shift_left3A_137 : i32 to vector<16xi32>
    %shift_left3A_139 = arith.shli %and3A_89, %shift_left3A_138 : vector<16xi32>
    %shift_left3A_140 = arith.constant 7 : i32
    %shift_left3A_141 = vector.broadcast %shift_left3A_140 : i32 to vector<16xi32>
    %shift_left3A_142 = arith.shli %and3A_95, %shift_left3A_141 : vector<16xi32>
    %dma_start3A = arith.constant 0 : i32
    %dma_start3A_143 = arith.constant 0 : i32
    %dma_start3A_144 = arith.constant 0 : i32
    %dma_start3A_145 = tpu.memref_slice %arg5[%dma_start3A, %dma_start3A_144] : memref<200x128xi32, #tpu.memory_space<vmem>> -> memref<1x128xi32, #tpu.memory_space<vmem>>
    %dma_start3A_146 = tpu.memref_squeeze %dma_start3A_145 : memref<1x128xi32, #tpu.memory_space<vmem>> -> memref<128xi32, #tpu.memory_space<vmem>>
    %dma_start3A_147 = arith.constant 0 : i32
    %dma_start3A_148 = arith.constant 0 : i32
    %dma_start3A_149 = tpu.memref_slice %arg2[%dma_start3A_147, %dma_start3A_148] : memref<1000000x32xf32, #tpu.memory_space<hbm>> -> memref<1000000x32xf32, #tpu.memory_space<hbm>>
    %dma_start3A_150 = tpu.memref_slice %arg14[%dma_start3A_143] : memref<4x!tpu.dma_semaphore, #tpu.memory_space<semaphore_mem>> -> memref<1x!tpu.dma_semaphore, #tpu.memory_space<semaphore_mem>>
    %dma_start3A_151 = tpu.memref_squeeze %dma_start3A_150 : memref<1x!tpu.dma_semaphore, #tpu.memory_space<semaphore_mem>> -> memref<!tpu.dma_semaphore, #tpu.memory_space<semaphore_mem>>
    tpu.enqueue_indirect_dma source(%dma_start3A_149 : memref<1000000x32xf32, #tpu.memory_space<hbm>>) target(%arg6 : memref<128x32xf32, #tpu.memory_space<vmem>>) offsets(%dma_start3A_146 : memref<128xi32, #tpu.memory_space<vmem>>) semaphore(%dma_start3A_151 : memref<!tpu.dma_semaphore, #tpu.memory_space<semaphore_mem>>)
    %dma_start3A_152 = arith.constant 1 : i32
    %dma_start3A_153 = arith.constant 1 : i32
    %dma_start3A_154 = arith.constant 0 : i32
    %dma_start3A_155 = tpu.memref_slice %arg5[%dma_start3A_152, %dma_start3A_154] : memref<200x128xi32, #tpu.memory_space<vmem>> -> memref<1x128xi32, #tpu.memory_space<vmem>>
    %dma_start3A_156 = tpu.memref_squeeze %dma_start3A_155 : memref<1x128xi32, #tpu.memory_space<vmem>> -> memref<128xi32, #tpu.memory_space<vmem>>
    %dma_start3A_157 = arith.constant 0 : i32
    %dma_start3A_158 = arith.constant 0 : i32
    %dma_start3A_159 = tpu.memref_slice %arg2[%dma_start3A_157, %dma_start3A_158] : memref<1000000x32xf32, #tpu.memory_space<hbm>> -> memref<1000000x32xf32, #tpu.memory_space<hbm>>
    %dma_start3A_160 = tpu.memref_slice %arg14[%dma_start3A_153] : memref<4x!tpu.dma_semaphore, #tpu.memory_space<semaphore_mem>> -> memref<1x!tpu.dma_semaphore, #tpu.memory_space<semaphore_mem>>
    %dma_start3A_161 = tpu.memref_squeeze %dma_start3A_160 : memref<1x!tpu.dma_semaphore, #tpu.memory_space<semaphore_mem>> -> memref<!tpu.dma_semaphore, #tpu.memory_space<semaphore_mem>>
    tpu.enqueue_indirect_dma source(%dma_start3A_159 : memref<1000000x32xf32, #tpu.memory_space<hbm>>) target(%arg7 : memref<128x32xf32, #tpu.memory_space<vmem>>) offsets(%dma_start3A_156 : memref<128xi32, #tpu.memory_space<vmem>>) semaphore(%dma_start3A_161 : memref<!tpu.dma_semaphore, #tpu.memory_space<semaphore_mem>>)
    %dma_start3A_162 = arith.constant 2 : i32
    %dma_start3A_163 = arith.constant 2 : i32
    %dma_start3A_164 = arith.constant 0 : i32
    %dma_start3A_165 = tpu.memref_slice %arg5[%dma_start3A_162, %dma_start3A_164] : memref<200x128xi32, #tpu.memory_space<vmem>> -> memref<1x128xi32, #tpu.memory_space<vmem>>
    %dma_start3A_166 = tpu.memref_squeeze %dma_start3A_165 : memref<1x128xi32, #tpu.memory_space<vmem>> -> memref<128xi32, #tpu.memory_space<vmem>>
    %dma_start3A_167 = arith.constant 0 : i32
    %dma_start3A_168 = arith.constant 0 : i32
    %dma_start3A_169 = tpu.memref_slice %arg2[%dma_start3A_167, %dma_start3A_168] : memref<1000000x32xf32, #tpu.memory_space<hbm>> -> memref<1000000x32xf32, #tpu.memory_space<hbm>>
    %dma_start3A_170 = tpu.memref_slice %arg14[%dma_start3A_163] : memref<4x!tpu.dma_semaphore, #tpu.memory_space<semaphore_mem>> -> memref<1x!tpu.dma_semaphore, #tpu.memory_space<semaphore_mem>>
    %dma_start3A_171 = tpu.memref_squeeze %dma_start3A_170 : memref<1x!tpu.dma_semaphore, #tpu.memory_space<semaphore_mem>> -> memref<!tpu.dma_semaphore, #tpu.memory_space<semaphore_mem>>
    tpu.enqueue_indirect_dma source(%dma_start3A_169 : memref<1000000x32xf32, #tpu.memory_space<hbm>>) target(%arg8 : memref<128x32xf32, #tpu.memory_space<vmem>>) offsets(%dma_start3A_166 : memref<128xi32, #tpu.memory_space<vmem>>) semaphore(%dma_start3A_171 : memref<!tpu.dma_semaphore, #tpu.memory_space<semaphore_mem>>)
    %dma_start3A_172 = arith.constant 3 : i32
    %dma_start3A_173 = arith.constant 3 : i32
    %dma_start3A_174 = arith.constant 0 : i32
    %dma_start3A_175 = tpu.memref_slice %arg5[%dma_start3A_172, %dma_start3A_174] : memref<200x128xi32, #tpu.memory_space<vmem>> -> memref<1x128xi32, #tpu.memory_space<vmem>>
    %dma_start3A_176 = tpu.memref_squeeze %dma_start3A_175 : memref<1x128xi32, #tpu.memory_space<vmem>> -> memref<128xi32, #tpu.memory_space<vmem>>
    %dma_start3A_177 = arith.constant 0 : i32
    %dma_start3A_178 = arith.constant 0 : i32
    %dma_start3A_179 = tpu.memref_slice %arg2[%dma_start3A_177, %dma_start3A_178] : memref<1000000x32xf32, #tpu.memory_space<hbm>> -> memref<1000000x32xf32, #tpu.memory_space<hbm>>
    %dma_start3A_180 = tpu.memref_slice %arg14[%dma_start3A_173] : memref<4x!tpu.dma_semaphore, #tpu.memory_space<semaphore_mem>> -> memref<1x!tpu.dma_semaphore, #tpu.memory_space<semaphore_mem>>
    %dma_start3A_181 = tpu.memref_squeeze %dma_start3A_180 : memref<1x!tpu.dma_semaphore, #tpu.memory_space<semaphore_mem>> -> memref<!tpu.dma_semaphore, #tpu.memory_space<semaphore_mem>>
    tpu.enqueue_indirect_dma source(%dma_start3A_179 : memref<1000000x32xf32, #tpu.memory_space<hbm>>) target(%arg9 : memref<128x32xf32, #tpu.memory_space<vmem>>) offsets(%dma_start3A_176 : memref<128xi32, #tpu.memory_space<vmem>>) semaphore(%dma_start3A_181 : memref<!tpu.dma_semaphore, #tpu.memory_space<semaphore_mem>>)
    %scan3A = arith.constant 0 : i32
    %scan3A_182 = arith.constant 50 : i32
    %scan3A_183 = arith.addi %scan3A, %scan3A_182 : i32
    %scan3A_184 = arith.constant 1 : i32
    scf.for %scan3A_441 = %scan3A to %scan3A_183 step %scan3A_184  : i32 {
      %mul3A_442 = arith.constant 4 : i32
      %mul3A_443 = arith.muli %scan3A_441, %mul3A_442 : i32
      %add3A_444 = arith.constant 0 : i32
      %add3A_445 = arith.addi %mul3A_443, %add3A_444 : i32
      %mul3A_446 = arith.constant 4 : i32
      %mul3A_447 = arith.muli %add3A, %mul3A_446 : i32
      %jit3A = arith.constant 50 : i32
      %div3A = arith.divsi %add3A_445, %jit3A : i32
      %sign3A = arith.constant 0 : i32
      %sign3A_448 = arith.cmpi sgt, %add3A_445, %sign3A : i32
      %sign3A_449 = arith.extui %sign3A_448 : i1 to i32
      %sign3A_450 = arith.constant 0 : i32
      %sign3A_451 = arith.cmpi slt, %add3A_445, %sign3A_450 : i32
      %sign3A_452 = arith.extui %sign3A_451 : i1 to i32
      %sign3A_453 = arith.subi %sign3A_449, %sign3A_452 : i32
      %sign3A_454 = arith.constant 0 : i32
      %sign3A_455 = arith.cmpi sgt, %jit3A, %sign3A_454 : i32
      %sign3A_456 = arith.extui %sign3A_455 : i1 to i32
      %sign3A_457 = arith.constant 0 : i32
      %sign3A_458 = arith.cmpi slt, %jit3A, %sign3A_457 : i32
      %sign3A_459 = arith.extui %sign3A_458 : i1 to i32
      %sign3A_460 = arith.subi %sign3A_456, %sign3A_459 : i32
      %ne3A = arith.cmpi ne, %sign3A_453, %sign3A_460 : i32
      %rem3A = arith.remsi %add3A_445, %jit3A : i32
      %ne3A_461 = arith.constant 0 : i32
      %ne3A_462 = arith.cmpi ne, %rem3A, %ne3A_461 : i32
      %and3A_463 = arith.andi %ne3A, %ne3A_462 : i1
      %sub3A = arith.constant 1 : i32
      %sub3A_464 = arith.subi %div3A, %sub3A : i32
      %select_n3A = arith.select %and3A_463, %sub3A_464, %div3A : i32
      %add3A_465 = arith.addi %mul3A_447, %select_n3A : i32
      %jit3A_466 = arith.constant 50 : i32
      %eq3A = arith.constant 0 : i32
      %eq3A_467 = arith.cmpi eq, %jit3A_466, %eq3A : i32
      %jit3A_468 = arith.constant 1 : i32
      %select_n3A_469 = arith.select %eq3A_467, %jit3A_468, %jit3A_466 : i32
      %rem3A_470 = arith.remsi %add3A_445, %select_n3A_469 : i32
      %ne3A_471 = arith.constant 0 : i32
      %ne3A_472 = arith.cmpi ne, %rem3A_470, %ne3A_471 : i32
      %lt3A = arith.constant 0 : i32
      %lt3A_473 = arith.cmpi slt, %rem3A_470, %lt3A : i32
      %lt3A_474 = arith.constant 0 : i32
      %lt3A_475 = arith.cmpi slt, %select_n3A_469, %lt3A_474 : i32
      %ne3A_476 = arith.xori %lt3A_473, %lt3A_475 : i1
      %and3A_477 = arith.andi %ne3A_476, %ne3A_472 : i1
      %add3A_478 = arith.addi %rem3A_470, %select_n3A_469 : i32
      %select_n3A_479 = arith.select %and3A_477, %add3A_478, %rem3A_470 : i32
      %dma_wait3A_480 = arith.constant 0 : i32
      %dma_wait3A_481 = arith.constant 0 : i32
      %dma_wait3A_482 = tpu.memref_slice %arg5[%add3A_445, %dma_wait3A_481] : memref<200x128xi32, #tpu.memory_space<vmem>> -> memref<1x128xi32, #tpu.memory_space<vmem>>
      %dma_wait3A_483 = tpu.memref_squeeze %dma_wait3A_482 : memref<1x128xi32, #tpu.memory_space<vmem>> -> memref<128xi32, #tpu.memory_space<vmem>>
      %dma_wait3A_484 = arith.constant 0 : i32
      %dma_wait3A_485 = arith.constant 0 : i32
      %dma_wait3A_486 = tpu.memref_slice %arg2[%dma_wait3A_484, %dma_wait3A_485] : memref<1000000x32xf32, #tpu.memory_space<hbm>> -> memref<1000000x32xf32, #tpu.memory_space<hbm>>
      %dma_wait3A_487 = tpu.memref_slice %arg14[%dma_wait3A_480] : memref<4x!tpu.dma_semaphore, #tpu.memory_space<semaphore_mem>> -> memref<1x!tpu.dma_semaphore, #tpu.memory_space<semaphore_mem>>
      %dma_wait3A_488 = tpu.memref_squeeze %dma_wait3A_487 : memref<1x!tpu.dma_semaphore, #tpu.memory_space<semaphore_mem>> -> memref<!tpu.dma_semaphore, #tpu.memory_space<semaphore_mem>>
      tpu.wait_indirect_dma semaphore(%dma_wait3A_488 : memref<!tpu.dma_semaphore, #tpu.memory_space<semaphore_mem>>) src(%dma_wait3A_486 : memref<1000000x32xf32, #tpu.memory_space<hbm>>) dst(%arg6 : memref<128x32xf32, #tpu.memory_space<vmem>>)
      %ge3A = arith.constant 4 : i32
      %ge3A_489 = arith.cmpi sge, %add3A_445, %ge3A : i32
      %convert_element_type3A = arith.extui %ge3A_489 : i1 to i32
      %cond3A = arith.constant 0 : i32
      %cond3A_490 = arith.cmpi ne, %convert_element_type3A, %cond3A : i32
      scf.if %cond3A_490 {
        %dma_wait3A_937 = arith.constant 0 : i32
        %dma_wait3A_938 = arith.constant 0 : i32
        %dma_wait3A_939 = arith.constant 0 : i32
        %dma_wait3A_940 = arith.constant 0 : i32
        %dma_wait3A_941 = arith.constant 0 : i32
        %dma_wait3A_942 = tpu.memref_slice %arg10[%dma_wait3A_941] : memref<4096xf32, #tpu.memory_space<vmem>> -> memref<1024xf32, #tpu.memory_space<vmem>>
        %dma_wait3A_943 = arith.constant 0 : i32
        %dma_wait3A_944 = tpu.memref_slice %arg4[%dma_wait3A_937, %dma_wait3A_938, %dma_wait3A_939, %dma_wait3A_943] : memref<50x4x128x1024xf32, #tpu.memory_space<hbm>> -> memref<1x1x1x1024xf32, #tpu.memory_space<hbm>>
        %dma_wait3A_945 = tpu.memref_squeeze %dma_wait3A_944 : memref<1x1x1x1024xf32, #tpu.memory_space<hbm>> -> memref<1024xf32, #tpu.memory_space<hbm>>
        %dma_wait3A_946 = tpu.memref_slice %arg15[%dma_wait3A_940] : memref<4x!tpu.dma_semaphore, #tpu.memory_space<semaphore_mem>> -> memref<1x!tpu.dma_semaphore, #tpu.memory_space<semaphore_mem>>
        %dma_wait3A_947 = tpu.memref_squeeze %dma_wait3A_946 : memref<1x!tpu.dma_semaphore, #tpu.memory_space<semaphore_mem>> -> memref<!tpu.dma_semaphore, #tpu.memory_space<semaphore_mem>>
        %dma_wait3A_948 = arith.constant 0 : i32
        %dma_wait3A_949 = tpu.memref_slice %arg4[%dma_wait3A_937, %dma_wait3A_938, %dma_wait3A_939, %dma_wait3A_948] : memref<50x4x128x1024xf32, #tpu.memory_space<hbm>> -> memref<1x1x1x1024xf32, #tpu.memory_space<hbm>>
        %dma_wait3A_950 = tpu.memref_squeeze %dma_wait3A_949 : memref<1x1x1x1024xf32, #tpu.memory_space<hbm>> -> memref<1024xf32, #tpu.memory_space<hbm>>
        %dma_wait3A_951 = arith.constant 0 : i32
        %dma_wait3A_952 = tpu.memref_slice %arg10[%dma_wait3A_951] : memref<4096xf32, #tpu.memory_space<vmem>> -> memref<1024xf32, #tpu.memory_space<vmem>>
        tpu.wait_dma2 semaphore(%dma_wait3A_947 : memref<!tpu.dma_semaphore, #tpu.memory_space<semaphore_mem>>) src(%dma_wait3A_952 : memref<1024xf32, #tpu.memory_space<vmem>>) dst(%dma_wait3A_950 : memref<1024xf32, #tpu.memory_space<hbm>>)
        %dma_wait3A_953 = arith.constant 0 : i32
        %dma_wait3A_954 = arith.constant 0 : i32
        %dma_wait3A_955 = arith.constant 0 : i32
        %dma_wait3A_956 = arith.constant 0 : i32
        %dma_wait3A_957 = arith.constant 1024 : i32
        %dma_wait3A_958 = tpu.memref_slice %arg10[%dma_wait3A_957] : memref<4096xf32, #tpu.memory_space<vmem>> -> memref<1024xf32, #tpu.memory_space<vmem>>
        %dma_wait3A_959 = arith.constant 0 : i32
        %dma_wait3A_960 = tpu.memref_slice %arg4[%dma_wait3A_953, %dma_wait3A_954, %dma_wait3A_955, %dma_wait3A_959] : memref<50x4x128x1024xf32, #tpu.memory_space<hbm>> -> memref<1x1x1x1024xf32, #tpu.memory_space<hbm>>
        %dma_wait3A_961 = tpu.memref_squeeze %dma_wait3A_960 : memref<1x1x1x1024xf32, #tpu.memory_space<hbm>> -> memref<1024xf32, #tpu.memory_space<hbm>>
        %dma_wait3A_962 = tpu.memref_slice %arg15[%dma_wait3A_956] : memref<4x!tpu.dma_semaphore, #tpu.memory_space<semaphore_mem>> -> memref<1x!tpu.dma_semaphore, #tpu.memory_space<semaphore_mem>>
        %dma_wait3A_963 = tpu.memref_squeeze %dma_wait3A_962 : memref<1x!tpu.dma_semaphore, #tpu.memory_space<semaphore_mem>> -> memref<!tpu.dma_semaphore, #tpu.memory_space<semaphore_mem>>
        %dma_wait3A_964 = arith.constant 0 : i32
        %dma_wait3A_965 = tpu.memref_slice %arg4[%dma_wait3A_953, %dma_wait3A_954, %dma_wait3A_955, %dma_wait3A_964] : memref<50x4x128x1024xf32, #tpu.memory_space<hbm>> -> memref<1x1x1x1024xf32, #tpu.memory_space<hbm>>
        %dma_wait3A_966 = tpu.memref_squeeze %dma_wait3A_965 : memref<1x1x1x1024xf32, #tpu.memory_space<hbm>> -> memref<1024xf32, #tpu.memory_space<hbm>>
        %dma_wait3A_967 = arith.constant 1024 : i32
        %dma_wait3A_968 = tpu.memref_slice %arg10[%dma_wait3A_967] : memref<4096xf32, #tpu.memory_space<vmem>> -> memref<1024xf32, #tpu.memory_space<vmem>>
        tpu.wait_dma2 semaphore(%dma_wait3A_963 : memref<!tpu.dma_semaphore, #tpu.memory_space<semaphore_mem>>) src(%dma_wait3A_968 : memref<1024xf32, #tpu.memory_space<vmem>>) dst(%dma_wait3A_966 : memref<1024xf32, #tpu.memory_space<hbm>>)
        %dma_wait3A_969 = arith.constant 0 : i32
        %dma_wait3A_970 = arith.constant 0 : i32
        %dma_wait3A_971 = arith.constant 0 : i32
        %dma_wait3A_972 = arith.constant 0 : i32
        %dma_wait3A_973 = arith.constant 2048 : i32
        %dma_wait3A_974 = tpu.memref_slice %arg10[%dma_wait3A_973] : memref<4096xf32, #tpu.memory_space<vmem>> -> memref<1024xf32, #tpu.memory_space<vmem>>
        %dma_wait3A_975 = arith.constant 0 : i32
        %dma_wait3A_976 = tpu.memref_slice %arg4[%dma_wait3A_969, %dma_wait3A_970, %dma_wait3A_971, %dma_wait3A_975] : memref<50x4x128x1024xf32, #tpu.memory_space<hbm>> -> memref<1x1x1x1024xf32, #tpu.memory_space<hbm>>
        %dma_wait3A_977 = tpu.memref_squeeze %dma_wait3A_976 : memref<1x1x1x1024xf32, #tpu.memory_space<hbm>> -> memref<1024xf32, #tpu.memory_space<hbm>>
        %dma_wait3A_978 = tpu.memref_slice %arg15[%dma_wait3A_972] : memref<4x!tpu.dma_semaphore, #tpu.memory_space<semaphore_mem>> -> memref<1x!tpu.dma_semaphore, #tpu.memory_space<semaphore_mem>>
        %dma_wait3A_979 = tpu.memref_squeeze %dma_wait3A_978 : memref<1x!tpu.dma_semaphore, #tpu.memory_space<semaphore_mem>> -> memref<!tpu.dma_semaphore, #tpu.memory_space<semaphore_mem>>
        %dma_wait3A_980 = arith.constant 0 : i32
        %dma_wait3A_981 = tpu.memref_slice %arg4[%dma_wait3A_969, %dma_wait3A_970, %dma_wait3A_971, %dma_wait3A_980] : memref<50x4x128x1024xf32, #tpu.memory_space<hbm>> -> memref<1x1x1x1024xf32, #tpu.memory_space<hbm>>
        %dma_wait3A_982 = tpu.memref_squeeze %dma_wait3A_981 : memref<1x1x1x1024xf32, #tpu.memory_space<hbm>> -> memref<1024xf32, #tpu.memory_space<hbm>>
        %dma_wait3A_983 = arith.constant 2048 : i32
        %dma_wait3A_984 = tpu.memref_slice %arg10[%dma_wait3A_983] : memref<4096xf32, #tpu.memory_space<vmem>> -> memref<1024xf32, #tpu.memory_space<vmem>>
        tpu.wait_dma2 semaphore(%dma_wait3A_979 : memref<!tpu.dma_semaphore, #tpu.memory_space<semaphore_mem>>) src(%dma_wait3A_984 : memref<1024xf32, #tpu.memory_space<vmem>>) dst(%dma_wait3A_982 : memref<1024xf32, #tpu.memory_space<hbm>>)
        %dma_wait3A_985 = arith.constant 0 : i32
        %dma_wait3A_986 = arith.constant 0 : i32
        %dma_wait3A_987 = arith.constant 0 : i32
        %dma_wait3A_988 = arith.constant 0 : i32
        %dma_wait3A_989 = arith.constant 3072 : i32
        %dma_wait3A_990 = tpu.memref_slice %arg10[%dma_wait3A_989] : memref<4096xf32, #tpu.memory_space<vmem>> -> memref<1024xf32, #tpu.memory_space<vmem>>
        %dma_wait3A_991 = arith.constant 0 : i32
        %dma_wait3A_992 = tpu.memref_slice %arg4[%dma_wait3A_985, %dma_wait3A_986, %dma_wait3A_987, %dma_wait3A_991] : memref<50x4x128x1024xf32, #tpu.memory_space<hbm>> -> memref<1x1x1x1024xf32, #tpu.memory_space<hbm>>
        %dma_wait3A_993 = tpu.memref_squeeze %dma_wait3A_992 : memref<1x1x1x1024xf32, #tpu.memory_space<hbm>> -> memref<1024xf32, #tpu.memory_space<hbm>>
        %dma_wait3A_994 = tpu.memref_slice %arg15[%dma_wait3A_988] : memref<4x!tpu.dma_semaphore, #tpu.memory_space<semaphore_mem>> -> memref<1x!tpu.dma_semaphore, #tpu.memory_space<semaphore_mem>>
        %dma_wait3A_995 = tpu.memref_squeeze %dma_wait3A_994 : memref<1x!tpu.dma_semaphore, #tpu.memory_space<semaphore_mem>> -> memref<!tpu.dma_semaphore, #tpu.memory_space<semaphore_mem>>
        %dma_wait3A_996 = arith.constant 0 : i32
        %dma_wait3A_997 = tpu.memref_slice %arg4[%dma_wait3A_985, %dma_wait3A_986, %dma_wait3A_987, %dma_wait3A_996] : memref<50x4x128x1024xf32, #tpu.memory_space<hbm>> -> memref<1x1x1x1024xf32, #tpu.memory_space<hbm>>
        %dma_wait3A_998 = tpu.memref_squeeze %dma_wait3A_997 : memref<1x1x1x1024xf32, #tpu.memory_space<hbm>> -> memref<1024xf32, #tpu.memory_space<hbm>>
        %dma_wait3A_999 = arith.constant 3072 : i32
        %dma_wait3A_1000 = tpu.memref_slice %arg10[%dma_wait3A_999] : memref<4096xf32, #tpu.memory_space<vmem>> -> memref<1024xf32, #tpu.memory_space<vmem>>
        tpu.wait_dma2 semaphore(%dma_wait3A_995 : memref<!tpu.dma_semaphore, #tpu.memory_space<semaphore_mem>>) src(%dma_wait3A_1000 : memref<1024xf32, #tpu.memory_space<vmem>>) dst(%dma_wait3A_998 : memref<1024xf32, #tpu.memory_space<hbm>>)
      } else {
      }
      %parallel_loop3A = arith.constant 0 : i32
      %parallel_loop3A_491 = arith.constant 8 : i32
      %parallel_loop3A_492 = arith.constant 1 : i32
      scf.for %parallel_loop3A_937 = %parallel_loop3A to %parallel_loop3A_491 step %parallel_loop3A_492  : i32 {
        %parallel_loop3A_938 = arith.constant 16 : i32
        %parallel_loop3A_939 = arith.muli %parallel_loop3A_938, %parallel_loop3A_937 : i32
        %parallel_loop3A_940 = vector.broadcast %parallel_loop3A_939 : i32 to vector<16xi32>
        %parallel_loop3A_941 = arith.addi %iota3A, %parallel_loop3A_940 : vector<16xi32>
        %parallel_loop3A_942 = arith.constant 2048 : i32
        %parallel_loop3A_943 = vector.broadcast %parallel_loop3A_942 : i32 to vector<16xi32>
        %parallel_loop3A_944 = arith.addi %parallel_loop3A_941, %parallel_loop3A_943 : vector<16xi32>
        %parallel_loop3A_945 = tpu.vector_load_idx %arg6[%parallel_loop3A_941, %and3A_5] : memref<128x32xf32, #tpu.memory_space<vmem>>[vector<16xi32>, vector<16xi32>], vector<16xf32>,
        %parallel_loop3A_946 = arith.addi %shift_left3A_97, %parallel_loop3A_941 : vector<16xi32>
        tpu.vector_store_idx %arg10[%parallel_loop3A_946], %parallel_loop3A_945 : memref<4096xf32, #tpu.memory_space<vmem>>[vector<16xi32>], vector<16xf32>,
        %parallel_loop3A_947 = tpu.vector_load_idx %arg6[%parallel_loop3A_941, %and3A_11] : memref<128x32xf32, #tpu.memory_space<vmem>>[vector<16xi32>, vector<16xi32>], vector<16xf32>,
        %parallel_loop3A_948 = arith.addi %shift_left3A_100, %parallel_loop3A_941 : vector<16xi32>
        tpu.vector_store_idx %arg10[%parallel_loop3A_948], %parallel_loop3A_947 : memref<4096xf32, #tpu.memory_space<vmem>>[vector<16xi32>], vector<16xf32>,
        %parallel_loop3A_949 = tpu.vector_load_idx %arg6[%parallel_loop3A_941, %and3A_17] : memref<128x32xf32, #tpu.memory_space<vmem>>[vector<16xi32>, vector<16xi32>], vector<16xf32>,
        %parallel_loop3A_950 = arith.addi %shift_left3A_103, %parallel_loop3A_941 : vector<16xi32>
        tpu.vector_store_idx %arg10[%parallel_loop3A_950], %parallel_loop3A_949 : memref<4096xf32, #tpu.memory_space<vmem>>[vector<16xi32>], vector<16xf32>,
        %parallel_loop3A_951 = tpu.vector_load_idx %arg6[%parallel_loop3A_941, %and3A_23] : memref<128x32xf32, #tpu.memory_space<vmem>>[vector<16xi32>, vector<16xi32>], vector<16xf32>,
        %parallel_loop3A_952 = arith.addi %shift_left3A_106, %parallel_loop3A_941 : vector<16xi32>
        tpu.vector_store_idx %arg10[%parallel_loop3A_952], %parallel_loop3A_951 : memref<4096xf32, #tpu.memory_space<vmem>>[vector<16xi32>], vector<16xf32>,
        %parallel_loop3A_953 = tpu.vector_load_idx %arg6[%parallel_loop3A_941, %and3A_29] : memref<128x32xf32, #tpu.memory_space<vmem>>[vector<16xi32>, vector<16xi32>], vector<16xf32>,
        %parallel_loop3A_954 = arith.addi %shift_left3A_109, %parallel_loop3A_941 : vector<16xi32>
        tpu.vector_store_idx %arg10[%parallel_loop3A_954], %parallel_loop3A_953 : memref<4096xf32, #tpu.memory_space<vmem>>[vector<16xi32>], vector<16xf32>,
        %parallel_loop3A_955 = tpu.vector_load_idx %arg6[%parallel_loop3A_941, %and3A_35] : memref<128x32xf32, #tpu.memory_space<vmem>>[vector<16xi32>, vector<16xi32>], vector<16xf32>,
        %parallel_loop3A_956 = arith.addi %shift_left3A_112, %parallel_loop3A_941 : vector<16xi32>
        tpu.vector_store_idx %arg10[%parallel_loop3A_956], %parallel_loop3A_955 : memref<4096xf32, #tpu.memory_space<vmem>>[vector<16xi32>], vector<16xf32>,
        %parallel_loop3A_957 = tpu.vector_load_idx %arg6[%parallel_loop3A_941, %and3A_41] : memref<128x32xf32, #tpu.memory_space<vmem>>[vector<16xi32>, vector<16xi32>], vector<16xf32>,
        %parallel_loop3A_958 = arith.addi %shift_left3A_115, %parallel_loop3A_941 : vector<16xi32>
        tpu.vector_store_idx %arg10[%parallel_loop3A_958], %parallel_loop3A_957 : memref<4096xf32, #tpu.memory_space<vmem>>[vector<16xi32>], vector<16xf32>,
        %parallel_loop3A_959 = tpu.vector_load_idx %arg6[%parallel_loop3A_941, %and3A_47] : memref<128x32xf32, #tpu.memory_space<vmem>>[vector<16xi32>, vector<16xi32>], vector<16xf32>,
        %parallel_loop3A_960 = arith.addi %shift_left3A_118, %parallel_loop3A_941 : vector<16xi32>
        tpu.vector_store_idx %arg10[%parallel_loop3A_960], %parallel_loop3A_959 : memref<4096xf32, #tpu.memory_space<vmem>>[vector<16xi32>], vector<16xf32>,
        %parallel_loop3A_961 = tpu.vector_load_idx %arg6[%parallel_loop3A_941, %and3A_53] : memref<128x32xf32, #tpu.memory_space<vmem>>[vector<16xi32>, vector<16xi32>], vector<16xf32>,
        %parallel_loop3A_962 = arith.addi %shift_left3A_121, %parallel_loop3A_941 : vector<16xi32>
        tpu.vector_store_idx %arg10[%parallel_loop3A_962], %parallel_loop3A_961 : memref<4096xf32, #tpu.memory_space<vmem>>[vector<16xi32>], vector<16xf32>,
        %parallel_loop3A_963 = tpu.vector_load_idx %arg6[%parallel_loop3A_941, %and3A_59] : memref<128x32xf32, #tpu.memory_space<vmem>>[vector<16xi32>, vector<16xi32>], vector<16xf32>,
        %parallel_loop3A_964 = arith.addi %shift_left3A_124, %parallel_loop3A_941 : vector<16xi32>
        tpu.vector_store_idx %arg10[%parallel_loop3A_964], %parallel_loop3A_963 : memref<4096xf32, #tpu.memory_space<vmem>>[vector<16xi32>], vector<16xf32>,
        %parallel_loop3A_965 = tpu.vector_load_idx %arg6[%parallel_loop3A_941, %and3A_65] : memref<128x32xf32, #tpu.memory_space<vmem>>[vector<16xi32>, vector<16xi32>], vector<16xf32>,
        %parallel_loop3A_966 = arith.addi %shift_left3A_127, %parallel_loop3A_941 : vector<16xi32>
        tpu.vector_store_idx %arg10[%parallel_loop3A_966], %parallel_loop3A_965 : memref<4096xf32, #tpu.memory_space<vmem>>[vector<16xi32>], vector<16xf32>,
        %parallel_loop3A_967 = tpu.vector_load_idx %arg6[%parallel_loop3A_941, %and3A_71] : memref<128x32xf32, #tpu.memory_space<vmem>>[vector<16xi32>, vector<16xi32>], vector<16xf32>,
        %parallel_loop3A_968 = arith.addi %shift_left3A_130, %parallel_loop3A_941 : vector<16xi32>
        tpu.vector_store_idx %arg10[%parallel_loop3A_968], %parallel_loop3A_967 : memref<4096xf32, #tpu.memory_space<vmem>>[vector<16xi32>], vector<16xf32>,
        %parallel_loop3A_969 = tpu.vector_load_idx %arg6[%parallel_loop3A_941, %and3A_77] : memref<128x32xf32, #tpu.memory_space<vmem>>[vector<16xi32>, vector<16xi32>], vector<16xf32>,
        %parallel_loop3A_970 = arith.addi %shift_left3A_133, %parallel_loop3A_941 : vector<16xi32>
        tpu.vector_store_idx %arg10[%parallel_loop3A_970], %parallel_loop3A_969 : memref<4096xf32, #tpu.memory_space<vmem>>[vector<16xi32>], vector<16xf32>,
        %parallel_loop3A_971 = tpu.vector_load_idx %arg6[%parallel_loop3A_941, %and3A_83] : memref<128x32xf32, #tpu.memory_space<vmem>>[vector<16xi32>, vector<16xi32>], vector<16xf32>,
        %parallel_loop3A_972 = arith.addi %shift_left3A_136, %parallel_loop3A_941 : vector<16xi32>
        tpu.vector_store_idx %arg10[%parallel_loop3A_972], %parallel_loop3A_971 : memref<4096xf32, #tpu.memory_space<vmem>>[vector<16xi32>], vector<16xf32>,
        %parallel_loop3A_973 = tpu.vector_load_idx %arg6[%parallel_loop3A_941, %and3A_89] : memref<128x32xf32, #tpu.memory_space<vmem>>[vector<16xi32>, vector<16xi32>], vector<16xf32>,
        %parallel_loop3A_974 = arith.addi %shift_left3A_139, %parallel_loop3A_941 : vector<16xi32>
        tpu.vector_store_idx %arg10[%parallel_loop3A_974], %parallel_loop3A_973 : memref<4096xf32, #tpu.memory_space<vmem>>[vector<16xi32>], vector<16xf32>,
        %parallel_loop3A_975 = tpu.vector_load_idx %arg6[%parallel_loop3A_941, %and3A_95] : memref<128x32xf32, #tpu.memory_space<vmem>>[vector<16xi32>, vector<16xi32>], vector<16xf32>,
        %parallel_loop3A_976 = arith.addi %shift_left3A_142, %parallel_loop3A_941 : vector<16xi32>
        tpu.vector_store_idx %arg10[%parallel_loop3A_976], %parallel_loop3A_975 : memref<4096xf32, #tpu.memory_space<vmem>>[vector<16xi32>], vector<16xf32>,
        %parallel_loop3A_977 = arith.constant 16 : i32
        %parallel_loop3A_978 = vector.broadcast %parallel_loop3A_977 : i32 to vector<16xi32>
        %parallel_loop3A_979 = arith.addi %and3A_5, %parallel_loop3A_978 : vector<16xi32>
        %parallel_loop3A_980 = tpu.vector_load_idx %arg6[%parallel_loop3A_941, %parallel_loop3A_979] : memref<128x32xf32, #tpu.memory_space<vmem>>[vector<16xi32>, vector<16xi32>], vector<16xf32>,
        %parallel_loop3A_981 = arith.addi %shift_left3A_97, %parallel_loop3A_944 : vector<16xi32>
        tpu.vector_store_idx %arg10[%parallel_loop3A_981], %parallel_loop3A_980 : memref<4096xf32, #tpu.memory_space<vmem>>[vector<16xi32>], vector<16xf32>,
        %parallel_loop3A_982 = arith.constant 16 : i32
        %parallel_loop3A_983 = vector.broadcast %parallel_loop3A_982 : i32 to vector<16xi32>
        %parallel_loop3A_984 = arith.addi %and3A_11, %parallel_loop3A_983 : vector<16xi32>
        %parallel_loop3A_985 = tpu.vector_load_idx %arg6[%parallel_loop3A_941, %parallel_loop3A_984] : memref<128x32xf32, #tpu.memory_space<vmem>>[vector<16xi32>, vector<16xi32>], vector<16xf32>,
        %parallel_loop3A_986 = arith.addi %shift_left3A_100, %parallel_loop3A_944 : vector<16xi32>
        tpu.vector_store_idx %arg10[%parallel_loop3A_986], %parallel_loop3A_985 : memref<4096xf32, #tpu.memory_space<vmem>>[vector<16xi32>], vector<16xf32>,
        %parallel_loop3A_987 = arith.constant 16 : i32
        %parallel_loop3A_988 = vector.broadcast %parallel_loop3A_987 : i32 to vector<16xi32>
        %parallel_loop3A_989 = arith.addi %and3A_17, %parallel_loop3A_988 : vector<16xi32>
        %parallel_loop3A_990 = tpu.vector_load_idx %arg6[%parallel_loop3A_941, %parallel_loop3A_989] : memref<128x32xf32, #tpu.memory_space<vmem>>[vector<16xi32>, vector<16xi32>], vector<16xf32>,
        %parallel_loop3A_991 = arith.addi %shift_left3A_103, %parallel_loop3A_944 : vector<16xi32>
        tpu.vector_store_idx %arg10[%parallel_loop3A_991], %parallel_loop3A_990 : memref<4096xf32, #tpu.memory_space<vmem>>[vector<16xi32>], vector<16xf32>,
        %parallel_loop3A_992 = arith.constant 16 : i32
        %parallel_loop3A_993 = vector.broadcast %parallel_loop3A_992 : i32 to vector<16xi32>
        %parallel_loop3A_994 = arith.addi %and3A_23, %parallel_loop3A_993 : vector<16xi32>
        %parallel_loop3A_995 = tpu.vector_load_idx %arg6[%parallel_loop3A_941, %parallel_loop3A_994] : memref<128x32xf32, #tpu.memory_space<vmem>>[vector<16xi32>, vector<16xi32>], vector<16xf32>,
        %parallel_loop3A_996 = arith.addi %shift_left3A_106, %parallel_loop3A_944 : vector<16xi32>
        tpu.vector_store_idx %arg10[%parallel_loop3A_996], %parallel_loop3A_995 : memref<4096xf32, #tpu.memory_space<vmem>>[vector<16xi32>], vector<16xf32>,
        %parallel_loop3A_997 = arith.constant 16 : i32
        %parallel_loop3A_998 = vector.broadcast %parallel_loop3A_997 : i32 to vector<16xi32>
        %parallel_loop3A_999 = arith.addi %and3A_29, %parallel_loop3A_998 : vector<16xi32>
        %parallel_loop3A_1000 = tpu.vector_load_idx %arg6[%parallel_loop3A_941, %parallel_loop3A_999] : memref<128x32xf32, #tpu.memory_space<vmem>>[vector<16xi32>, vector<16xi32>], vector<16xf32>,
        %parallel_loop3A_1001 = arith.addi %shift_left3A_109, %parallel_loop3A_944 : vector<16xi32>
        tpu.vector_store_idx %arg10[%parallel_loop3A_1001], %parallel_loop3A_1000 : memref<4096xf32, #tpu.memory_space<vmem>>[vector<16xi32>], vector<16xf32>,
        %parallel_loop3A_1002 = arith.constant 16 : i32
        %parallel_loop3A_1003 = vector.broadcast %parallel_loop3A_1002 : i32 to vector<16xi32>
        %parallel_loop3A_1004 = arith.addi %and3A_35, %parallel_loop3A_1003 : vector<16xi32>
        %parallel_loop3A_1005 = tpu.vector_load_idx %arg6[%parallel_loop3A_941, %parallel_loop3A_1004] : memref<128x32xf32, #tpu.memory_space<vmem>>[vector<16xi32>, vector<16xi32>], vector<16xf32>,
        %parallel_loop3A_1006 = arith.addi %shift_left3A_112, %parallel_loop3A_944 : vector<16xi32>
        tpu.vector_store_idx %arg10[%parallel_loop3A_1006], %parallel_loop3A_1005 : memref<4096xf32, #tpu.memory_space<vmem>>[vector<16xi32>], vector<16xf32>,
        %parallel_loop3A_1007 = arith.constant 16 : i32
        %parallel_loop3A_1008 = vector.broadcast %parallel_loop3A_1007 : i32 to vector<16xi32>
        %parallel_loop3A_1009 = arith.addi %and3A_41, %parallel_loop3A_1008 : vector<16xi32>
        %parallel_loop3A_1010 = tpu.vector_load_idx %arg6[%parallel_loop3A_941, %parallel_loop3A_1009] : memref<128x32xf32, #tpu.memory_space<vmem>>[vector<16xi32>, vector<16xi32>], vector<16xf32>,
        %parallel_loop3A_1011 = arith.addi %shift_left3A_115, %parallel_loop3A_944 : vector<16xi32>
        tpu.vector_store_idx %arg10[%parallel_loop3A_1011], %parallel_loop3A_1010 : memref<4096xf32, #tpu.memory_space<vmem>>[vector<16xi32>], vector<16xf32>,
        %parallel_loop3A_1012 = arith.constant 16 : i32
        %parallel_loop3A_1013 = vector.broadcast %parallel_loop3A_1012 : i32 to vector<16xi32>
        %parallel_loop3A_1014 = arith.addi %and3A_47, %parallel_loop3A_1013 : vector<16xi32>
        %parallel_loop3A_1015 = tpu.vector_load_idx %arg6[%parallel_loop3A_941, %parallel_loop3A_1014] : memref<128x32xf32, #tpu.memory_space<vmem>>[vector<16xi32>, vector<16xi32>], vector<16xf32>,
        %parallel_loop3A_1016 = arith.addi %shift_left3A_118, %parallel_loop3A_944 : vector<16xi32>
        tpu.vector_store_idx %arg10[%parallel_loop3A_1016], %parallel_loop3A_1015 : memref<4096xf32, #tpu.memory_space<vmem>>[vector<16xi32>], vector<16xf32>,
        %parallel_loop3A_1017 = arith.constant 16 : i32
        %parallel_loop3A_1018 = vector.broadcast %parallel_loop3A_1017 : i32 to vector<16xi32>
        %parallel_loop3A_1019 = arith.addi %and3A_53, %parallel_loop3A_1018 : vector<16xi32>
        %parallel_loop3A_1020 = tpu.vector_load_idx %arg6[%parallel_loop3A_941, %parallel_loop3A_1019] : memref<128x32xf32, #tpu.memory_space<vmem>>[vector<16xi32>, vector<16xi32>], vector<16xf32>,
        %parallel_loop3A_1021 = arith.addi %shift_left3A_121, %parallel_loop3A_944 : vector<16xi32>
        tpu.vector_store_idx %arg10[%parallel_loop3A_1021], %parallel_loop3A_1020 : memref<4096xf32, #tpu.memory_space<vmem>>[vector<16xi32>], vector<16xf32>,
        %parallel_loop3A_1022 = arith.constant 16 : i32
        %parallel_loop3A_1023 = vector.broadcast %parallel_loop3A_1022 : i32 to vector<16xi32>
        %parallel_loop3A_1024 = arith.addi %and3A_59, %parallel_loop3A_1023 : vector<16xi32>
        %parallel_loop3A_1025 = tpu.vector_load_idx %arg6[%parallel_loop3A_941, %parallel_loop3A_1024] : memref<128x32xf32, #tpu.memory_space<vmem>>[vector<16xi32>, vector<16xi32>], vector<16xf32>,
        %parallel_loop3A_1026 = arith.addi %shift_left3A_124, %parallel_loop3A_944 : vector<16xi32>
        tpu.vector_store_idx %arg10[%parallel_loop3A_1026], %parallel_loop3A_1025 : memref<4096xf32, #tpu.memory_space<vmem>>[vector<16xi32>], vector<16xf32>,
        %parallel_loop3A_1027 = arith.constant 16 : i32
        %parallel_loop3A_1028 = vector.broadcast %parallel_loop3A_1027 : i32 to vector<16xi32>
        %parallel_loop3A_1029 = arith.addi %and3A_65, %parallel_loop3A_1028 : vector<16xi32>
        %parallel_loop3A_1030 = tpu.vector_load_idx %arg6[%parallel_loop3A_941, %parallel_loop3A_1029] : memref<128x32xf32, #tpu.memory_space<vmem>>[vector<16xi32>, vector<16xi32>], vector<16xf32>,
        %parallel_loop3A_1031 = arith.addi %shift_left3A_127, %parallel_loop3A_944 : vector<16xi32>
        tpu.vector_store_idx %arg10[%parallel_loop3A_1031], %parallel_loop3A_1030 : memref<4096xf32, #tpu.memory_space<vmem>>[vector<16xi32>], vector<16xf32>,
        %parallel_loop3A_1032 = arith.constant 16 : i32
        %parallel_loop3A_1033 = vector.broadcast %parallel_loop3A_1032 : i32 to vector<16xi32>
        %parallel_loop3A_1034 = arith.addi %and3A_71, %parallel_loop3A_1033 : vector<16xi32>
        %parallel_loop3A_1035 = tpu.vector_load_idx %arg6[%parallel_loop3A_941, %parallel_loop3A_1034] : memref<128x32xf32, #tpu.memory_space<vmem>>[vector<16xi32>, vector<16xi32>], vector<16xf32>,
        %parallel_loop3A_1036 = arith.addi %shift_left3A_130, %parallel_loop3A_944 : vector<16xi32>
        tpu.vector_store_idx %arg10[%parallel_loop3A_1036], %parallel_loop3A_1035 : memref<4096xf32, #tpu.memory_space<vmem>>[vector<16xi32>], vector<16xf32>,
        %parallel_loop3A_1037 = arith.constant 16 : i32
        %parallel_loop3A_1038 = vector.broadcast %parallel_loop3A_1037 : i32 to vector<16xi32>
        %parallel_loop3A_1039 = arith.addi %and3A_77, %parallel_loop3A_1038 : vector<16xi32>
        %parallel_loop3A_1040 = tpu.vector_load_idx %arg6[%parallel_loop3A_941, %parallel_loop3A_1039] : memref<128x32xf32, #tpu.memory_space<vmem>>[vector<16xi32>, vector<16xi32>], vector<16xf32>,
        %parallel_loop3A_1041 = arith.addi %shift_left3A_133, %parallel_loop3A_944 : vector<16xi32>
        tpu.vector_store_idx %arg10[%parallel_loop3A_1041], %parallel_loop3A_1040 : memref<4096xf32, #tpu.memory_space<vmem>>[vector<16xi32>], vector<16xf32>,
        %parallel_loop3A_1042 = arith.constant 16 : i32
        %parallel_loop3A_1043 = vector.broadcast %parallel_loop3A_1042 : i32 to vector<16xi32>
        %parallel_loop3A_1044 = arith.addi %and3A_83, %parallel_loop3A_1043 : vector<16xi32>
        %parallel_loop3A_1045 = tpu.vector_load_idx %arg6[%parallel_loop3A_941, %parallel_loop3A_1044] : memref<128x32xf32, #tpu.memory_space<vmem>>[vector<16xi32>, vector<16xi32>], vector<16xf32>,
        %parallel_loop3A_1046 = arith.addi %shift_left3A_136, %parallel_loop3A_944 : vector<16xi32>
        tpu.vector_store_idx %arg10[%parallel_loop3A_1046], %parallel_loop3A_1045 : memref<4096xf32, #tpu.memory_space<vmem>>[vector<16xi32>], vector<16xf32>,
        %parallel_loop3A_1047 = arith.constant 16 : i32
        %parallel_loop3A_1048 = vector.broadcast %parallel_loop3A_1047 : i32 to vector<16xi32>
        %parallel_loop3A_1049 = arith.addi %and3A_89, %parallel_loop3A_1048 : vector<16xi32>
        %parallel_loop3A_1050 = tpu.vector_load_idx %arg6[%parallel_loop3A_941, %parallel_loop3A_1049] : memref<128x32xf32, #tpu.memory_space<vmem>>[vector<16xi32>, vector<16xi32>], vector<16xf32>,
        %parallel_loop3A_1051 = arith.addi %shift_left3A_139, %parallel_loop3A_944 : vector<16xi32>
        tpu.vector_store_idx %arg10[%parallel_loop3A_1051], %parallel_loop3A_1050 : memref<4096xf32, #tpu.memory_space<vmem>>[vector<16xi32>], vector<16xf32>,
        %parallel_loop3A_1052 = arith.constant 16 : i32
        %parallel_loop3A_1053 = vector.broadcast %parallel_loop3A_1052 : i32 to vector<16xi32>
        %parallel_loop3A_1054 = arith.addi %and3A_95, %parallel_loop3A_1053 : vector<16xi32>
        %parallel_loop3A_1055 = tpu.vector_load_idx %arg6[%parallel_loop3A_941, %parallel_loop3A_1054] : memref<128x32xf32, #tpu.memory_space<vmem>>[vector<16xi32>, vector<16xi32>], vector<16xf32>,
        %parallel_loop3A_1056 = arith.addi %shift_left3A_142, %parallel_loop3A_944 : vector<16xi32>
        tpu.vector_store_idx %arg10[%parallel_loop3A_1056], %parallel_loop3A_1055 : memref<4096xf32, #tpu.memory_space<vmem>>[vector<16xi32>], vector<16xf32>,
      } {sc.loop_unroll_factor = 4 : i64, sc.parallel_access}
      %dma_start3A_493 = arith.constant 0 : i32
      %dma_start3A_494 = arith.constant 0 : i32
      %dma_start3A_495 = arith.constant 0 : i32
      %dma_start3A_496 = tpu.memref_slice %arg10[%dma_start3A_495] : memref<4096xf32, #tpu.memory_space<vmem>> -> memref<1024xf32, #tpu.memory_space<vmem>>
      %dma_start3A_497 = arith.constant 0 : i32
      %dma_start3A_498 = tpu.memref_slice %arg4[%select_n3A_479, %dma_start3A_493, %add3A_465, %dma_start3A_497] : memref<50x4x128x1024xf32, #tpu.memory_space<hbm>> -> memref<1x1x1x1024xf32, #tpu.memory_space<hbm>>
      %dma_start3A_499 = tpu.memref_squeeze %dma_start3A_498 : memref<1x1x1x1024xf32, #tpu.memory_space<hbm>> -> memref<1024xf32, #tpu.memory_space<hbm>>
      %dma_start3A_500 = tpu.memref_slice %arg15[%dma_start3A_494] : memref<4x!tpu.dma_semaphore, #tpu.memory_space<semaphore_mem>> -> memref<1x!tpu.dma_semaphore, #tpu.memory_space<semaphore_mem>>
      %dma_start3A_501 = tpu.memref_squeeze %dma_start3A_500 : memref<1x!tpu.dma_semaphore, #tpu.memory_space<semaphore_mem>> -> memref<!tpu.dma_semaphore, #tpu.memory_space<semaphore_mem>>
      %dma_start3A_502 = arith.constant 0 : i32
      %dma_start3A_503 = tpu.memref_slice %arg4[%select_n3A_479, %dma_start3A_493, %add3A_465, %dma_start3A_502] : memref<50x4x128x1024xf32, #tpu.memory_space<hbm>> -> memref<1x1x1x1024xf32, #tpu.memory_space<hbm>>
      %dma_start3A_504 = tpu.memref_squeeze %dma_start3A_503 : memref<1x1x1x1024xf32, #tpu.memory_space<hbm>> -> memref<1024xf32, #tpu.memory_space<hbm>>
      %dma_start3A_505 = arith.constant 0 : i32
      %dma_start3A_506 = tpu.memref_slice %arg10[%dma_start3A_505] : memref<4096xf32, #tpu.memory_space<vmem>> -> memref<1024xf32, #tpu.memory_space<vmem>>
      tpu.enqueue_dma source(%dma_start3A_506 : memref<1024xf32, #tpu.memory_space<vmem>>) target(%dma_start3A_504 : memref<1024xf32, #tpu.memory_space<hbm>>) target_semaphore(%dma_start3A_501 : memref<!tpu.dma_semaphore, #tpu.memory_space<semaphore_mem>>)
      %dma_start3A_507 = arith.constant 1 : i32
      %dma_start3A_508 = arith.constant 0 : i32
      %dma_start3A_509 = arith.constant 1024 : i32
      %dma_start3A_510 = tpu.memref_slice %arg10[%dma_start3A_509] : memref<4096xf32, #tpu.memory_space<vmem>> -> memref<1024xf32, #tpu.memory_space<vmem>>
      %dma_start3A_511 = arith.constant 0 : i32
      %dma_start3A_512 = tpu.memref_slice %arg4[%select_n3A_479, %dma_start3A_507, %add3A_465, %dma_start3A_511] : memref<50x4x128x1024xf32, #tpu.memory_space<hbm>> -> memref<1x1x1x1024xf32, #tpu.memory_space<hbm>>
      %dma_start3A_513 = tpu.memref_squeeze %dma_start3A_512 : memref<1x1x1x1024xf32, #tpu.memory_space<hbm>> -> memref<1024xf32, #tpu.memory_space<hbm>>
      %dma_start3A_514 = tpu.memref_slice %arg15[%dma_start3A_508] : memref<4x!tpu.dma_semaphore, #tpu.memory_space<semaphore_mem>> -> memref<1x!tpu.dma_semaphore, #tpu.memory_space<semaphore_mem>>
      %dma_start3A_515 = tpu.memref_squeeze %dma_start3A_514 : memref<1x!tpu.dma_semaphore, #tpu.memory_space<semaphore_mem>> -> memref<!tpu.dma_semaphore, #tpu.memory_space<semaphore_mem>>
      %dma_start3A_516 = arith.constant 0 : i32
      %dma_start3A_517 = tpu.memref_slice %arg4[%select_n3A_479, %dma_start3A_507, %add3A_465, %dma_start3A_516] : memref<50x4x128x1024xf32, #tpu.memory_space<hbm>> -> memref<1x1x1x1024xf32, #tpu.memory_space<hbm>>
      %dma_start3A_518 = tpu.memref_squeeze %dma_start3A_517 : memref<1x1x1x1024xf32, #tpu.memory_space<hbm>> -> memref<1024xf32, #tpu.memory_space<hbm>>
      %dma_start3A_519 = arith.constant 1024 : i32
      %dma_start3A_520 = tpu.memref_slice %arg10[%dma_start3A_519] : memref<4096xf32, #tpu.memory_space<vmem>> -> memref<1024xf32, #tpu.memory_space<vmem>>
      tpu.enqueue_dma source(%dma_start3A_520 : memref<1024xf32, #tpu.memory_space<vmem>>) target(%dma_start3A_518 : memref<1024xf32, #tpu.memory_space<hbm>>) target_semaphore(%dma_start3A_515 : memref<!tpu.dma_semaphore, #tpu.memory_space<semaphore_mem>>)
      %dma_start3A_521 = arith.constant 2 : i32
      %dma_start3A_522 = arith.constant 0 : i32
      %dma_start3A_523 = arith.constant 2048 : i32
      %dma_start3A_524 = tpu.memref_slice %arg10[%dma_start3A_523] : memref<4096xf32, #tpu.memory_space<vmem>> -> memref<1024xf32, #tpu.memory_space<vmem>>
      %dma_start3A_525 = arith.constant 0 : i32
      %dma_start3A_526 = tpu.memref_slice %arg4[%select_n3A_479, %dma_start3A_521, %add3A_465, %dma_start3A_525] : memref<50x4x128x1024xf32, #tpu.memory_space<hbm>> -> memref<1x1x1x1024xf32, #tpu.memory_space<hbm>>
      %dma_start3A_527 = tpu.memref_squeeze %dma_start3A_526 : memref<1x1x1x1024xf32, #tpu.memory_space<hbm>> -> memref<1024xf32, #tpu.memory_space<hbm>>
      %dma_start3A_528 = tpu.memref_slice %arg15[%dma_start3A_522] : memref<4x!tpu.dma_semaphore, #tpu.memory_space<semaphore_mem>> -> memref<1x!tpu.dma_semaphore, #tpu.memory_space<semaphore_mem>>
      %dma_start3A_529 = tpu.memref_squeeze %dma_start3A_528 : memref<1x!tpu.dma_semaphore, #tpu.memory_space<semaphore_mem>> -> memref<!tpu.dma_semaphore, #tpu.memory_space<semaphore_mem>>
      %dma_start3A_530 = arith.constant 0 : i32
      %dma_start3A_531 = tpu.memref_slice %arg4[%select_n3A_479, %dma_start3A_521, %add3A_465, %dma_start3A_530] : memref<50x4x128x1024xf32, #tpu.memory_space<hbm>> -> memref<1x1x1x1024xf32, #tpu.memory_space<hbm>>
      %dma_start3A_532 = tpu.memref_squeeze %dma_start3A_531 : memref<1x1x1x1024xf32, #tpu.memory_space<hbm>> -> memref<1024xf32, #tpu.memory_space<hbm>>
      %dma_start3A_533 = arith.constant 2048 : i32
      %dma_start3A_534 = tpu.memref_slice %arg10[%dma_start3A_533] : memref<4096xf32, #tpu.memory_space<vmem>> -> memref<1024xf32, #tpu.memory_space<vmem>>
      tpu.enqueue_dma source(%dma_start3A_534 : memref<1024xf32, #tpu.memory_space<vmem>>) target(%dma_start3A_532 : memref<1024xf32, #tpu.memory_space<hbm>>) target_semaphore(%dma_start3A_529 : memref<!tpu.dma_semaphore, #tpu.memory_space<semaphore_mem>>)
      %dma_start3A_535 = arith.constant 3 : i32
      %dma_start3A_536 = arith.constant 0 : i32
      %dma_start3A_537 = arith.constant 3072 : i32
      %dma_start3A_538 = tpu.memref_slice %arg10[%dma_start3A_537] : memref<4096xf32, #tpu.memory_space<vmem>> -> memref<1024xf32, #tpu.memory_space<vmem>>
      %dma_start3A_539 = arith.constant 0 : i32
      %dma_start3A_540 = tpu.memref_slice %arg4[%select_n3A_479, %dma_start3A_535, %add3A_465, %dma_start3A_539] : memref<50x4x128x1024xf32, #tpu.memory_space<hbm>> -> memref<1x1x1x1024xf32, #tpu.memory_space<hbm>>
      %dma_start3A_541 = tpu.memref_squeeze %dma_start3A_540 : memref<1x1x1x1024xf32, #tpu.memory_space<hbm>> -> memref<1024xf32, #tpu.memory_space<hbm>>
      %dma_start3A_542 = tpu.memref_slice %arg15[%dma_start3A_536] : memref<4x!tpu.dma_semaphore, #tpu.memory_space<semaphore_mem>> -> memref<1x!tpu.dma_semaphore, #tpu.memory_space<semaphore_mem>>
      %dma_start3A_543 = tpu.memref_squeeze %dma_start3A_542 : memref<1x!tpu.dma_semaphore, #tpu.memory_space<semaphore_mem>> -> memref<!tpu.dma_semaphore, #tpu.memory_space<semaphore_mem>>
      %dma_start3A_544 = arith.constant 0 : i32
      %dma_start3A_545 = tpu.memref_slice %arg4[%select_n3A_479, %dma_start3A_535, %add3A_465, %dma_start3A_544] : memref<50x4x128x1024xf32, #tpu.memory_space<hbm>> -> memref<1x1x1x1024xf32, #tpu.memory_space<hbm>>
      %dma_start3A_546 = tpu.memref_squeeze %dma_start3A_545 : memref<1x1x1x1024xf32, #tpu.memory_space<hbm>> -> memref<1024xf32, #tpu.memory_space<hbm>>
      %dma_start3A_547 = arith.constant 3072 : i32
      %dma_start3A_548 = tpu.memref_slice %arg10[%dma_start3A_547] : memref<4096xf32, #tpu.memory_space<vmem>> -> memref<1024xf32, #tpu.memory_space<vmem>>
      tpu.enqueue_dma source(%dma_start3A_548 : memref<1024xf32, #tpu.memory_space<vmem>>) target(%dma_start3A_546 : memref<1024xf32, #tpu.memory_space<hbm>>) target_semaphore(%dma_start3A_543 : memref<!tpu.dma_semaphore, #tpu.memory_space<semaphore_mem>>)
      %add3A_549 = arith.constant 4 : i32
      %add3A_550 = arith.addi %add3A_445, %add3A_549 : i32
      %lt3A_551 = arith.constant 200 : i32
      %lt3A_552 = arith.cmpi slt, %add3A_550, %lt3A_551 : i32
      %convert_element_type3A_553 = arith.extui %lt3A_552 : i1 to i32
      %cond3A_554 = arith.constant 0 : i32
      %cond3A_555 = arith.cmpi ne, %convert_element_type3A_553, %cond3A_554 : i32
      scf.if %cond3A_555 {
        %add3A_937 = arith.constant 4 : i32
        %add3A_938 = arith.addi %add3A_445, %add3A_937 : i32
        %dma_start3A_939 = arith.constant 0 : i32
        %dma_start3A_940 = arith.constant 0 : i32
        %dma_start3A_941 = tpu.memref_slice %arg5[%add3A_938, %dma_start3A_940] : memref<200x128xi32, #tpu.memory_space<vmem>> -> memref<1x128xi32, #tpu.memory_space<vmem>>
        %dma_start3A_942 = tpu.memref_squeeze %dma_start3A_941 : memref<1x128xi32, #tpu.memory_space<vmem>> -> memref<128xi32, #tpu.memory_space<vmem>>
        %dma_start3A_943 = arith.constant 0 : i32
        %dma_start3A_944 = arith.constant 0 : i32
        %dma_start3A_945 = tpu.memref_slice %arg2[%dma_start3A_943, %dma_start3A_944] : memref<1000000x32xf32, #tpu.memory_space<hbm>> -> memref<1000000x32xf32, #tpu.memory_space<hbm>>
        %dma_start3A_946 = tpu.memref_slice %arg14[%dma_start3A_939] : memref<4x!tpu.dma_semaphore, #tpu.memory_space<semaphore_mem>> -> memref<1x!tpu.dma_semaphore, #tpu.memory_space<semaphore_mem>>
        %dma_start3A_947 = tpu.memref_squeeze %dma_start3A_946 : memref<1x!tpu.dma_semaphore, #tpu.memory_space<semaphore_mem>> -> memref<!tpu.dma_semaphore, #tpu.memory_space<semaphore_mem>>
        tpu.enqueue_indirect_dma source(%dma_start3A_945 : memref<1000000x32xf32, #tpu.memory_space<hbm>>) target(%arg6 : memref<128x32xf32, #tpu.memory_space<vmem>>) offsets(%dma_start3A_942 : memref<128xi32, #tpu.memory_space<vmem>>) semaphore(%dma_start3A_947 : memref<!tpu.dma_semaphore, #tpu.memory_space<semaphore_mem>>)
      } else {
      }
      %mul3A_556 = arith.constant 4 : i32
      %mul3A_557 = arith.muli %scan3A_441, %mul3A_556 : i32
      %add3A_558 = arith.constant 1 : i32
      %add3A_559 = arith.addi %mul3A_557, %add3A_558 : i32
      %mul3A_560 = arith.constant 4 : i32
      %mul3A_561 = arith.muli %add3A, %mul3A_560 : i32
      %jit3A_562 = arith.constant 50 : i32
      %div3A_563 = arith.divsi %add3A_559, %jit3A_562 : i32
      %sign3A_564 = arith.constant 0 : i32
      %sign3A_565 = arith.cmpi sgt, %add3A_559, %sign3A_564 : i32
      %sign3A_566 = arith.extui %sign3A_565 : i1 to i32
      %sign3A_567 = arith.constant 0 : i32
      %sign3A_568 = arith.cmpi slt, %add3A_559, %sign3A_567 : i32
      %sign3A_569 = arith.extui %sign3A_568 : i1 to i32
      %sign3A_570 = arith.subi %sign3A_566, %sign3A_569 : i32
      %sign3A_571 = arith.constant 0 : i32
      %sign3A_572 = arith.cmpi sgt, %jit3A_562, %sign3A_571 : i32
      %sign3A_573 = arith.extui %sign3A_572 : i1 to i32
      %sign3A_574 = arith.constant 0 : i32
      %sign3A_575 = arith.cmpi slt, %jit3A_562, %sign3A_574 : i32
      %sign3A_576 = arith.extui %sign3A_575 : i1 to i32
      %sign3A_577 = arith.subi %sign3A_573, %sign3A_576 : i32
      %ne3A_578 = arith.cmpi ne, %sign3A_570, %sign3A_577 : i32
      %rem3A_579 = arith.remsi %add3A_559, %jit3A_562 : i32
      %ne3A_580 = arith.constant 0 : i32
      %ne3A_581 = arith.cmpi ne, %rem3A_579, %ne3A_580 : i32
      %and3A_582 = arith.andi %ne3A_578, %ne3A_581 : i1
      %sub3A_583 = arith.constant 1 : i32
      %sub3A_584 = arith.subi %div3A_563, %sub3A_583 : i32
      %select_n3A_585 = arith.select %and3A_582, %sub3A_584, %div3A_563 : i32
      %add3A_586 = arith.addi %mul3A_561, %select_n3A_585 : i32
      %jit3A_587 = arith.constant 50 : i32
      %eq3A_588 = arith.constant 0 : i32
      %eq3A_589 = arith.cmpi eq, %jit3A_587, %eq3A_588 : i32
      %jit3A_590 = arith.constant 1 : i32
      %select_n3A_591 = arith.select %eq3A_589, %jit3A_590, %jit3A_587 : i32
      %rem3A_592 = arith.remsi %add3A_559, %select_n3A_591 : i32
      %ne3A_593 = arith.constant 0 : i32
      %ne3A_594 = arith.cmpi ne, %rem3A_592, %ne3A_593 : i32
      %lt3A_595 = arith.constant 0 : i32
      %lt3A_596 = arith.cmpi slt, %rem3A_592, %lt3A_595 : i32
      %lt3A_597 = arith.constant 0 : i32
      %lt3A_598 = arith.cmpi slt, %select_n3A_591, %lt3A_597 : i32
      %ne3A_599 = arith.xori %lt3A_596, %lt3A_598 : i1
      %and3A_600 = arith.andi %ne3A_599, %ne3A_594 : i1
      %add3A_601 = arith.addi %rem3A_592, %select_n3A_591 : i32
      %select_n3A_602 = arith.select %and3A_600, %add3A_601, %rem3A_592 : i32
      %dma_wait3A_603 = arith.constant 1 : i32
      %dma_wait3A_604 = arith.constant 0 : i32
      %dma_wait3A_605 = tpu.memref_slice %arg5[%add3A_559, %dma_wait3A_604] : memref<200x128xi32, #tpu.memory_space<vmem>> -> memref<1x128xi32, #tpu.memory_space<vmem>>
      %dma_wait3A_606 = tpu.memref_squeeze %dma_wait3A_605 : memref<1x128xi32, #tpu.memory_space<vmem>> -> memref<128xi32, #tpu.memory_space<vmem>>
      %dma_wait3A_607 = arith.constant 0 : i32
      %dma_wait3A_608 = arith.constant 0 : i32
      %dma_wait3A_609 = tpu.memref_slice %arg2[%dma_wait3A_607, %dma_wait3A_608] : memref<1000000x32xf32, #tpu.memory_space<hbm>> -> memref<1000000x32xf32, #tpu.memory_space<hbm>>
      %dma_wait3A_610 = tpu.memref_slice %arg14[%dma_wait3A_603] : memref<4x!tpu.dma_semaphore, #tpu.memory_space<semaphore_mem>> -> memref<1x!tpu.dma_semaphore, #tpu.memory_space<semaphore_mem>>
      %dma_wait3A_611 = tpu.memref_squeeze %dma_wait3A_610 : memref<1x!tpu.dma_semaphore, #tpu.memory_space<semaphore_mem>> -> memref<!tpu.dma_semaphore, #tpu.memory_space<semaphore_mem>>
      tpu.wait_indirect_dma semaphore(%dma_wait3A_611 : memref<!tpu.dma_semaphore, #tpu.memory_space<semaphore_mem>>) src(%dma_wait3A_609 : memref<1000000x32xf32, #tpu.memory_space<hbm>>) dst(%arg7 : memref<128x32xf32, #tpu.memory_space<vmem>>)
      %ge3A_612 = arith.constant 4 : i32
      %ge3A_613 = arith.cmpi sge, %add3A_559, %ge3A_612 : i32
      %convert_element_type3A_614 = arith.extui %ge3A_613 : i1 to i32
      %cond3A_615 = arith.constant 0 : i32
      %cond3A_616 = arith.cmpi ne, %convert_element_type3A_614, %cond3A_615 : i32
      scf.if %cond3A_616 {
        %dma_wait3A_937 = arith.constant 0 : i32
        %dma_wait3A_938 = arith.constant 0 : i32
        %dma_wait3A_939 = arith.constant 0 : i32
        %dma_wait3A_940 = arith.constant 1 : i32
        %dma_wait3A_941 = arith.constant 0 : i32
        %dma_wait3A_942 = tpu.memref_slice %arg11[%dma_wait3A_941] : memref<4096xf32, #tpu.memory_space<vmem>> -> memref<1024xf32, #tpu.memory_space<vmem>>
        %dma_wait3A_943 = arith.constant 0 : i32
        %dma_wait3A_944 = tpu.memref_slice %arg4[%dma_wait3A_937, %dma_wait3A_938, %dma_wait3A_939, %dma_wait3A_943] : memref<50x4x128x1024xf32, #tpu.memory_space<hbm>> -> memref<1x1x1x1024xf32, #tpu.memory_space<hbm>>
        %dma_wait3A_945 = tpu.memref_squeeze %dma_wait3A_944 : memref<1x1x1x1024xf32, #tpu.memory_space<hbm>> -> memref<1024xf32, #tpu.memory_space<hbm>>
        %dma_wait3A_946 = tpu.memref_slice %arg15[%dma_wait3A_940] : memref<4x!tpu.dma_semaphore, #tpu.memory_space<semaphore_mem>> -> memref<1x!tpu.dma_semaphore, #tpu.memory_space<semaphore_mem>>
        %dma_wait3A_947 = tpu.memref_squeeze %dma_wait3A_946 : memref<1x!tpu.dma_semaphore, #tpu.memory_space<semaphore_mem>> -> memref<!tpu.dma_semaphore, #tpu.memory_space<semaphore_mem>>
        %dma_wait3A_948 = arith.constant 0 : i32
        %dma_wait3A_949 = tpu.memref_slice %arg4[%dma_wait3A_937, %dma_wait3A_938, %dma_wait3A_939, %dma_wait3A_948] : memref<50x4x128x1024xf32, #tpu.memory_space<hbm>> -> memref<1x1x1x1024xf32, #tpu.memory_space<hbm>>
        %dma_wait3A_950 = tpu.memref_squeeze %dma_wait3A_949 : memref<1x1x1x1024xf32, #tpu.memory_space<hbm>> -> memref<1024xf32, #tpu.memory_space<hbm>>
        %dma_wait3A_951 = arith.constant 0 : i32
        %dma_wait3A_952 = tpu.memref_slice %arg11[%dma_wait3A_951] : memref<4096xf32, #tpu.memory_space<vmem>> -> memref<1024xf32, #tpu.memory_space<vmem>>
        tpu.wait_dma2 semaphore(%dma_wait3A_947 : memref<!tpu.dma_semaphore, #tpu.memory_space<semaphore_mem>>) src(%dma_wait3A_952 : memref<1024xf32, #tpu.memory_space<vmem>>) dst(%dma_wait3A_950 : memref<1024xf32, #tpu.memory_space<hbm>>)
        %dma_wait3A_953 = arith.constant 0 : i32
        %dma_wait3A_954 = arith.constant 0 : i32
        %dma_wait3A_955 = arith.constant 0 : i32
        %dma_wait3A_956 = arith.constant 1 : i32
        %dma_wait3A_957 = arith.constant 1024 : i32
        %dma_wait3A_958 = tpu.memref_slice %arg11[%dma_wait3A_957] : memref<4096xf32, #tpu.memory_space<vmem>> -> memref<1024xf32, #tpu.memory_space<vmem>>
        %dma_wait3A_959 = arith.constant 0 : i32
        %dma_wait3A_960 = tpu.memref_slice %arg4[%dma_wait3A_953, %dma_wait3A_954, %dma_wait3A_955, %dma_wait3A_959] : memref<50x4x128x1024xf32, #tpu.memory_space<hbm>> -> memref<1x1x1x1024xf32, #tpu.memory_space<hbm>>
        %dma_wait3A_961 = tpu.memref_squeeze %dma_wait3A_960 : memref<1x1x1x1024xf32, #tpu.memory_space<hbm>> -> memref<1024xf32, #tpu.memory_space<hbm>>
        %dma_wait3A_962 = tpu.memref_slice %arg15[%dma_wait3A_956] : memref<4x!tpu.dma_semaphore, #tpu.memory_space<semaphore_mem>> -> memref<1x!tpu.dma_semaphore, #tpu.memory_space<semaphore_mem>>
        %dma_wait3A_963 = tpu.memref_squeeze %dma_wait3A_962 : memref<1x!tpu.dma_semaphore, #tpu.memory_space<semaphore_mem>> -> memref<!tpu.dma_semaphore, #tpu.memory_space<semaphore_mem>>
        %dma_wait3A_964 = arith.constant 0 : i32
        %dma_wait3A_965 = tpu.memref_slice %arg4[%dma_wait3A_953, %dma_wait3A_954, %dma_wait3A_955, %dma_wait3A_964] : memref<50x4x128x1024xf32, #tpu.memory_space<hbm>> -> memref<1x1x1x1024xf32, #tpu.memory_space<hbm>>
        %dma_wait3A_966 = tpu.memref_squeeze %dma_wait3A_965 : memref<1x1x1x1024xf32, #tpu.memory_space<hbm>> -> memref<1024xf32, #tpu.memory_space<hbm>>
        %dma_wait3A_967 = arith.constant 1024 : i32
        %dma_wait3A_968 = tpu.memref_slice %arg11[%dma_wait3A_967] : memref<4096xf32, #tpu.memory_space<vmem>> -> memref<1024xf32, #tpu.memory_space<vmem>>
        tpu.wait_dma2 semaphore(%dma_wait3A_963 : memref<!tpu.dma_semaphore, #tpu.memory_space<semaphore_mem>>) src(%dma_wait3A_968 : memref<1024xf32, #tpu.memory_space<vmem>>) dst(%dma_wait3A_966 : memref<1024xf32, #tpu.memory_space<hbm>>)
        %dma_wait3A_969 = arith.constant 0 : i32
        %dma_wait3A_970 = arith.constant 0 : i32
        %dma_wait3A_971 = arith.constant 0 : i32
        %dma_wait3A_972 = arith.constant 1 : i32
        %dma_wait3A_973 = arith.constant 2048 : i32
        %dma_wait3A_974 = tpu.memref_slice %arg11[%dma_wait3A_973] : memref<4096xf32, #tpu.memory_space<vmem>> -> memref<1024xf32, #tpu.memory_space<vmem>>
        %dma_wait3A_975 = arith.constant 0 : i32
        %dma_wait3A_976 = tpu.memref_slice %arg4[%dma_wait3A_969, %dma_wait3A_970, %dma_wait3A_971, %dma_wait3A_975] : memref<50x4x128x1024xf32, #tpu.memory_space<hbm>> -> memref<1x1x1x1024xf32, #tpu.memory_space<hbm>>
        %dma_wait3A_977 = tpu.memref_squeeze %dma_wait3A_976 : memref<1x1x1x1024xf32, #tpu.memory_space<hbm>> -> memref<1024xf32, #tpu.memory_space<hbm>>
        %dma_wait3A_978 = tpu.memref_slice %arg15[%dma_wait3A_972] : memref<4x!tpu.dma_semaphore, #tpu.memory_space<semaphore_mem>> -> memref<1x!tpu.dma_semaphore, #tpu.memory_space<semaphore_mem>>
        %dma_wait3A_979 = tpu.memref_squeeze %dma_wait3A_978 : memref<1x!tpu.dma_semaphore, #tpu.memory_space<semaphore_mem>> -> memref<!tpu.dma_semaphore, #tpu.memory_space<semaphore_mem>>
        %dma_wait3A_980 = arith.constant 0 : i32
        %dma_wait3A_981 = tpu.memref_slice %arg4[%dma_wait3A_969, %dma_wait3A_970, %dma_wait3A_971, %dma_wait3A_980] : memref<50x4x128x1024xf32, #tpu.memory_space<hbm>> -> memref<1x1x1x1024xf32, #tpu.memory_space<hbm>>
        %dma_wait3A_982 = tpu.memref_squeeze %dma_wait3A_981 : memref<1x1x1x1024xf32, #tpu.memory_space<hbm>> -> memref<1024xf32, #tpu.memory_space<hbm>>
        %dma_wait3A_983 = arith.constant 2048 : i32
        %dma_wait3A_984 = tpu.memref_slice %arg11[%dma_wait3A_983] : memref<4096xf32, #tpu.memory_space<vmem>> -> memref<1024xf32, #tpu.memory_space<vmem>>
        tpu.wait_dma2 semaphore(%dma_wait3A_979 : memref<!tpu.dma_semaphore, #tpu.memory_space<semaphore_mem>>) src(%dma_wait3A_984 : memref<1024xf32, #tpu.memory_space<vmem>>) dst(%dma_wait3A_982 : memref<1024xf32, #tpu.memory_space<hbm>>)
        %dma_wait3A_985 = arith.constant 0 : i32
        %dma_wait3A_986 = arith.constant 0 : i32
        %dma_wait3A_987 = arith.constant 0 : i32
        %dma_wait3A_988 = arith.constant 1 : i32
        %dma_wait3A_989 = arith.constant 3072 : i32
        %dma_wait3A_990 = tpu.memref_slice %arg11[%dma_wait3A_989] : memref<4096xf32, #tpu.memory_space<vmem>> -> memref<1024xf32, #tpu.memory_space<vmem>>
        %dma_wait3A_991 = arith.constant 0 : i32
        %dma_wait3A_992 = tpu.memref_slice %arg4[%dma_wait3A_985, %dma_wait3A_986, %dma_wait3A_987, %dma_wait3A_991] : memref<50x4x128x1024xf32, #tpu.memory_space<hbm>> -> memref<1x1x1x1024xf32, #tpu.memory_space<hbm>>
        %dma_wait3A_993 = tpu.memref_squeeze %dma_wait3A_992 : memref<1x1x1x1024xf32, #tpu.memory_space<hbm>> -> memref<1024xf32, #tpu.memory_space<hbm>>
        %dma_wait3A_994 = tpu.memref_slice %arg15[%dma_wait3A_988] : memref<4x!tpu.dma_semaphore, #tpu.memory_space<semaphore_mem>> -> memref<1x!tpu.dma_semaphore, #tpu.memory_space<semaphore_mem>>
        %dma_wait3A_995 = tpu.memref_squeeze %dma_wait3A_994 : memref<1x!tpu.dma_semaphore, #tpu.memory_space<semaphore_mem>> -> memref<!tpu.dma_semaphore, #tpu.memory_space<semaphore_mem>>
        %dma_wait3A_996 = arith.constant 0 : i32
        %dma_wait3A_997 = tpu.memref_slice %arg4[%dma_wait3A_985, %dma_wait3A_986, %dma_wait3A_987, %dma_wait3A_996] : memref<50x4x128x1024xf32, #tpu.memory_space<hbm>> -> memref<1x1x1x1024xf32, #tpu.memory_space<hbm>>
        %dma_wait3A_998 = tpu.memref_squeeze %dma_wait3A_997 : memref<1x1x1x1024xf32, #tpu.memory_space<hbm>> -> memref<1024xf32, #tpu.memory_space<hbm>>
        %dma_wait3A_999 = arith.constant 3072 : i32
        %dma_wait3A_1000 = tpu.memref_slice %arg11[%dma_wait3A_999] : memref<4096xf32, #tpu.memory_space<vmem>> -> memref<1024xf32, #tpu.memory_space<vmem>>
        tpu.wait_dma2 semaphore(%dma_wait3A_995 : memref<!tpu.dma_semaphore, #tpu.memory_space<semaphore_mem>>) src(%dma_wait3A_1000 : memref<1024xf32, #tpu.memory_space<vmem>>) dst(%dma_wait3A_998 : memref<1024xf32, #tpu.memory_space<hbm>>)
      } else {
      }
      %parallel_loop3A_617 = arith.constant 0 : i32
      %parallel_loop3A_618 = arith.constant 8 : i32
      %parallel_loop3A_619 = arith.constant 1 : i32
      scf.for %parallel_loop3A_937 = %parallel_loop3A_617 to %parallel_loop3A_618 step %parallel_loop3A_619  : i32 {
        %parallel_loop3A_938 = arith.constant 16 : i32
        %parallel_loop3A_939 = arith.muli %parallel_loop3A_938, %parallel_loop3A_937 : i32
        %parallel_loop3A_940 = vector.broadcast %parallel_loop3A_939 : i32 to vector<16xi32>
        %parallel_loop3A_941 = arith.addi %iota3A, %parallel_loop3A_940 : vector<16xi32>
        %parallel_loop3A_942 = arith.constant 2048 : i32
        %parallel_loop3A_943 = vector.broadcast %parallel_loop3A_942 : i32 to vector<16xi32>
        %parallel_loop3A_944 = arith.addi %parallel_loop3A_941, %parallel_loop3A_943 : vector<16xi32>
        %parallel_loop3A_945 = tpu.vector_load_idx %arg7[%parallel_loop3A_941, %and3A_5] : memref<128x32xf32, #tpu.memory_space<vmem>>[vector<16xi32>, vector<16xi32>], vector<16xf32>,
        %parallel_loop3A_946 = arith.addi %shift_left3A_97, %parallel_loop3A_941 : vector<16xi32>
        tpu.vector_store_idx %arg11[%parallel_loop3A_946], %parallel_loop3A_945 : memref<4096xf32, #tpu.memory_space<vmem>>[vector<16xi32>], vector<16xf32>,
        %parallel_loop3A_947 = tpu.vector_load_idx %arg7[%parallel_loop3A_941, %and3A_11] : memref<128x32xf32, #tpu.memory_space<vmem>>[vector<16xi32>, vector<16xi32>], vector<16xf32>,
        %parallel_loop3A_948 = arith.addi %shift_left3A_100, %parallel_loop3A_941 : vector<16xi32>
        tpu.vector_store_idx %arg11[%parallel_loop3A_948], %parallel_loop3A_947 : memref<4096xf32, #tpu.memory_space<vmem>>[vector<16xi32>], vector<16xf32>,
        %parallel_loop3A_949 = tpu.vector_load_idx %arg7[%parallel_loop3A_941, %and3A_17] : memref<128x32xf32, #tpu.memory_space<vmem>>[vector<16xi32>, vector<16xi32>], vector<16xf32>,
        %parallel_loop3A_950 = arith.addi %shift_left3A_103, %parallel_loop3A_941 : vector<16xi32>
        tpu.vector_store_idx %arg11[%parallel_loop3A_950], %parallel_loop3A_949 : memref<4096xf32, #tpu.memory_space<vmem>>[vector<16xi32>], vector<16xf32>,
        %parallel_loop3A_951 = tpu.vector_load_idx %arg7[%parallel_loop3A_941, %and3A_23] : memref<128x32xf32, #tpu.memory_space<vmem>>[vector<16xi32>, vector<16xi32>], vector<16xf32>,
        %parallel_loop3A_952 = arith.addi %shift_left3A_106, %parallel_loop3A_941 : vector<16xi32>
        tpu.vector_store_idx %arg11[%parallel_loop3A_952], %parallel_loop3A_951 : memref<4096xf32, #tpu.memory_space<vmem>>[vector<16xi32>], vector<16xf32>,
        %parallel_loop3A_953 = tpu.vector_load_idx %arg7[%parallel_loop3A_941, %and3A_29] : memref<128x32xf32, #tpu.memory_space<vmem>>[vector<16xi32>, vector<16xi32>], vector<16xf32>,
        %parallel_loop3A_954 = arith.addi %shift_left3A_109, %parallel_loop3A_941 : vector<16xi32>
        tpu.vector_store_idx %arg11[%parallel_loop3A_954], %parallel_loop3A_953 : memref<4096xf32, #tpu.memory_space<vmem>>[vector<16xi32>], vector<16xf32>,
        %parallel_loop3A_955 = tpu.vector_load_idx %arg7[%parallel_loop3A_941, %and3A_35] : memref<128x32xf32, #tpu.memory_space<vmem>>[vector<16xi32>, vector<16xi32>], vector<16xf32>,
        %parallel_loop3A_956 = arith.addi %shift_left3A_112, %parallel_loop3A_941 : vector<16xi32>
        tpu.vector_store_idx %arg11[%parallel_loop3A_956], %parallel_loop3A_955 : memref<4096xf32, #tpu.memory_space<vmem>>[vector<16xi32>], vector<16xf32>,
        %parallel_loop3A_957 = tpu.vector_load_idx %arg7[%parallel_loop3A_941, %and3A_41] : memref<128x32xf32, #tpu.memory_space<vmem>>[vector<16xi32>, vector<16xi32>], vector<16xf32>,
        %parallel_loop3A_958 = arith.addi %shift_left3A_115, %parallel_loop3A_941 : vector<16xi32>
        tpu.vector_store_idx %arg11[%parallel_loop3A_958], %parallel_loop3A_957 : memref<4096xf32, #tpu.memory_space<vmem>>[vector<16xi32>], vector<16xf32>,
        %parallel_loop3A_959 = tpu.vector_load_idx %arg7[%parallel_loop3A_941, %and3A_47] : memref<128x32xf32, #tpu.memory_space<vmem>>[vector<16xi32>, vector<16xi32>], vector<16xf32>,
        %parallel_loop3A_960 = arith.addi %shift_left3A_118, %parallel_loop3A_941 : vector<16xi32>
        tpu.vector_store_idx %arg11[%parallel_loop3A_960], %parallel_loop3A_959 : memref<4096xf32, #tpu.memory_space<vmem>>[vector<16xi32>], vector<16xf32>,
        %parallel_loop3A_961 = tpu.vector_load_idx %arg7[%parallel_loop3A_941, %and3A_53] : memref<128x32xf32, #tpu.memory_space<vmem>>[vector<16xi32>, vector<16xi32>], vector<16xf32>,
        %parallel_loop3A_962 = arith.addi %shift_left3A_121, %parallel_loop3A_941 : vector<16xi32>
        tpu.vector_store_idx %arg11[%parallel_loop3A_962], %parallel_loop3A_961 : memref<4096xf32, #tpu.memory_space<vmem>>[vector<16xi32>], vector<16xf32>,
        %parallel_loop3A_963 = tpu.vector_load_idx %arg7[%parallel_loop3A_941, %and3A_59] : memref<128x32xf32, #tpu.memory_space<vmem>>[vector<16xi32>, vector<16xi32>], vector<16xf32>,
        %parallel_loop3A_964 = arith.addi %shift_left3A_124, %parallel_loop3A_941 : vector<16xi32>
        tpu.vector_store_idx %arg11[%parallel_loop3A_964], %parallel_loop3A_963 : memref<4096xf32, #tpu.memory_space<vmem>>[vector<16xi32>], vector<16xf32>,
        %parallel_loop3A_965 = tpu.vector_load_idx %arg7[%parallel_loop3A_941, %and3A_65] : memref<128x32xf32, #tpu.memory_space<vmem>>[vector<16xi32>, vector<16xi32>], vector<16xf32>,
        %parallel_loop3A_966 = arith.addi %shift_left3A_127, %parallel_loop3A_941 : vector<16xi32>
        tpu.vector_store_idx %arg11[%parallel_loop3A_966], %parallel_loop3A_965 : memref<4096xf32, #tpu.memory_space<vmem>>[vector<16xi32>], vector<16xf32>,
        %parallel_loop3A_967 = tpu.vector_load_idx %arg7[%parallel_loop3A_941, %and3A_71] : memref<128x32xf32, #tpu.memory_space<vmem>>[vector<16xi32>, vector<16xi32>], vector<16xf32>,
        %parallel_loop3A_968 = arith.addi %shift_left3A_130, %parallel_loop3A_941 : vector<16xi32>
        tpu.vector_store_idx %arg11[%parallel_loop3A_968], %parallel_loop3A_967 : memref<4096xf32, #tpu.memory_space<vmem>>[vector<16xi32>], vector<16xf32>,
        %parallel_loop3A_969 = tpu.vector_load_idx %arg7[%parallel_loop3A_941, %and3A_77] : memref<128x32xf32, #tpu.memory_space<vmem>>[vector<16xi32>, vector<16xi32>], vector<16xf32>,
        %parallel_loop3A_970 = arith.addi %shift_left3A_133, %parallel_loop3A_941 : vector<16xi32>
        tpu.vector_store_idx %arg11[%parallel_loop3A_970], %parallel_loop3A_969 : memref<4096xf32, #tpu.memory_space<vmem>>[vector<16xi32>], vector<16xf32>,
        %parallel_loop3A_971 = tpu.vector_load_idx %arg7[%parallel_loop3A_941, %and3A_83] : memref<128x32xf32, #tpu.memory_space<vmem>>[vector<16xi32>, vector<16xi32>], vector<16xf32>,
        %parallel_loop3A_972 = arith.addi %shift_left3A_136, %parallel_loop3A_941 : vector<16xi32>
        tpu.vector_store_idx %arg11[%parallel_loop3A_972], %parallel_loop3A_971 : memref<4096xf32, #tpu.memory_space<vmem>>[vector<16xi32>], vector<16xf32>,
        %parallel_loop3A_973 = tpu.vector_load_idx %arg7[%parallel_loop3A_941, %and3A_89] : memref<128x32xf32, #tpu.memory_space<vmem>>[vector<16xi32>, vector<16xi32>], vector<16xf32>,
        %parallel_loop3A_974 = arith.addi %shift_left3A_139, %parallel_loop3A_941 : vector<16xi32>
        tpu.vector_store_idx %arg11[%parallel_loop3A_974], %parallel_loop3A_973 : memref<4096xf32, #tpu.memory_space<vmem>>[vector<16xi32>], vector<16xf32>,
        %parallel_loop3A_975 = tpu.vector_load_idx %arg7[%parallel_loop3A_941, %and3A_95] : memref<128x32xf32, #tpu.memory_space<vmem>>[vector<16xi32>, vector<16xi32>], vector<16xf32>,
        %parallel_loop3A_976 = arith.addi %shift_left3A_142, %parallel_loop3A_941 : vector<16xi32>
        tpu.vector_store_idx %arg11[%parallel_loop3A_976], %parallel_loop3A_975 : memref<4096xf32, #tpu.memory_space<vmem>>[vector<16xi32>], vector<16xf32>,
        %parallel_loop3A_977 = arith.constant 16 : i32
        %parallel_loop3A_978 = vector.broadcast %parallel_loop3A_977 : i32 to vector<16xi32>
        %parallel_loop3A_979 = arith.addi %and3A_5, %parallel_loop3A_978 : vector<16xi32>
        %parallel_loop3A_980 = tpu.vector_load_idx %arg7[%parallel_loop3A_941, %parallel_loop3A_979] : memref<128x32xf32, #tpu.memory_space<vmem>>[vector<16xi32>, vector<16xi32>], vector<16xf32>,
        %parallel_loop3A_981 = arith.addi %shift_left3A_97, %parallel_loop3A_944 : vector<16xi32>
        tpu.vector_store_idx %arg11[%parallel_loop3A_981], %parallel_loop3A_980 : memref<4096xf32, #tpu.memory_space<vmem>>[vector<16xi32>], vector<16xf32>,
        %parallel_loop3A_982 = arith.constant 16 : i32
        %parallel_loop3A_983 = vector.broadcast %parallel_loop3A_982 : i32 to vector<16xi32>
        %parallel_loop3A_984 = arith.addi %and3A_11, %parallel_loop3A_983 : vector<16xi32>
        %parallel_loop3A_985 = tpu.vector_load_idx %arg7[%parallel_loop3A_941, %parallel_loop3A_984] : memref<128x32xf32, #tpu.memory_space<vmem>>[vector<16xi32>, vector<16xi32>], vector<16xf32>,
        %parallel_loop3A_986 = arith.addi %shift_left3A_100, %parallel_loop3A_944 : vector<16xi32>
        tpu.vector_store_idx %arg11[%parallel_loop3A_986], %parallel_loop3A_985 : memref<4096xf32, #tpu.memory_space<vmem>>[vector<16xi32>], vector<16xf32>,
        %parallel_loop3A_987 = arith.constant 16 : i32
        %parallel_loop3A_988 = vector.broadcast %parallel_loop3A_987 : i32 to vector<16xi32>
        %parallel_loop3A_989 = arith.addi %and3A_17, %parallel_loop3A_988 : vector<16xi32>
        %parallel_loop3A_990 = tpu.vector_load_idx %arg7[%parallel_loop3A_941, %parallel_loop3A_989] : memref<128x32xf32, #tpu.memory_space<vmem>>[vector<16xi32>, vector<16xi32>], vector<16xf32>,
        %parallel_loop3A_991 = arith.addi %shift_left3A_103, %parallel_loop3A_944 : vector<16xi32>
        tpu.vector_store_idx %arg11[%parallel_loop3A_991], %parallel_loop3A_990 : memref<4096xf32, #tpu.memory_space<vmem>>[vector<16xi32>], vector<16xf32>,
        %parallel_loop3A_992 = arith.constant 16 : i32
        %parallel_loop3A_993 = vector.broadcast %parallel_loop3A_992 : i32 to vector<16xi32>
        %parallel_loop3A_994 = arith.addi %and3A_23, %parallel_loop3A_993 : vector<16xi32>
        %parallel_loop3A_995 = tpu.vector_load_idx %arg7[%parallel_loop3A_941, %parallel_loop3A_994] : memref<128x32xf32, #tpu.memory_space<vmem>>[vector<16xi32>, vector<16xi32>], vector<16xf32>,
        %parallel_loop3A_996 = arith.addi %shift_left3A_106, %parallel_loop3A_944 : vector<16xi32>
        tpu.vector_store_idx %arg11[%parallel_loop3A_996], %parallel_loop3A_995 : memref<4096xf32, #tpu.memory_space<vmem>>[vector<16xi32>], vector<16xf32>,
        %parallel_loop3A_997 = arith.constant 16 : i32
        %parallel_loop3A_998 = vector.broadcast %parallel_loop3A_997 : i32 to vector<16xi32>
        %parallel_loop3A_999 = arith.addi %and3A_29, %parallel_loop3A_998 : vector<16xi32>
        %parallel_loop3A_1000 = tpu.vector_load_idx %arg7[%parallel_loop3A_941, %parallel_loop3A_999] : memref<128x32xf32, #tpu.memory_space<vmem>>[vector<16xi32>, vector<16xi32>], vector<16xf32>,
        %parallel_loop3A_1001 = arith.addi %shift_left3A_109, %parallel_loop3A_944 : vector<16xi32>
        tpu.vector_store_idx %arg11[%parallel_loop3A_1001], %parallel_loop3A_1000 : memref<4096xf32, #tpu.memory_space<vmem>>[vector<16xi32>], vector<16xf32>,
        %parallel_loop3A_1002 = arith.constant 16 : i32
        %parallel_loop3A_1003 = vector.broadcast %parallel_loop3A_1002 : i32 to vector<16xi32>
        %parallel_loop3A_1004 = arith.addi %and3A_35, %parallel_loop3A_1003 : vector<16xi32>
        %parallel_loop3A_1005 = tpu.vector_load_idx %arg7[%parallel_loop3A_941, %parallel_loop3A_1004] : memref<128x32xf32, #tpu.memory_space<vmem>>[vector<16xi32>, vector<16xi32>], vector<16xf32>,
        %parallel_loop3A_1006 = arith.addi %shift_left3A_112, %parallel_loop3A_944 : vector<16xi32>
        tpu.vector_store_idx %arg11[%parallel_loop3A_1006], %parallel_loop3A_1005 : memref<4096xf32, #tpu.memory_space<vmem>>[vector<16xi32>], vector<16xf32>,
        %parallel_loop3A_1007 = arith.constant 16 : i32
        %parallel_loop3A_1008 = vector.broadcast %parallel_loop3A_1007 : i32 to vector<16xi32>
        %parallel_loop3A_1009 = arith.addi %and3A_41, %parallel_loop3A_1008 : vector<16xi32>
        %parallel_loop3A_1010 = tpu.vector_load_idx %arg7[%parallel_loop3A_941, %parallel_loop3A_1009] : memref<128x32xf32, #tpu.memory_space<vmem>>[vector<16xi32>, vector<16xi32>], vector<16xf32>,
        %parallel_loop3A_1011 = arith.addi %shift_left3A_115, %parallel_loop3A_944 : vector<16xi32>
        tpu.vector_store_idx %arg11[%parallel_loop3A_1011], %parallel_loop3A_1010 : memref<4096xf32, #tpu.memory_space<vmem>>[vector<16xi32>], vector<16xf32>,
        %parallel_loop3A_1012 = arith.constant 16 : i32
        %parallel_loop3A_1013 = vector.broadcast %parallel_loop3A_1012 : i32 to vector<16xi32>
        %parallel_loop3A_1014 = arith.addi %and3A_47, %parallel_loop3A_1013 : vector<16xi32>
        %parallel_loop3A_1015 = tpu.vector_load_idx %arg7[%parallel_loop3A_941, %parallel_loop3A_1014] : memref<128x32xf32, #tpu.memory_space<vmem>>[vector<16xi32>, vector<16xi32>], vector<16xf32>,
        %parallel_loop3A_1016 = arith.addi %shift_left3A_118, %parallel_loop3A_944 : vector<16xi32>
        tpu.vector_store_idx %arg11[%parallel_loop3A_1016], %parallel_loop3A_1015 : memref<4096xf32, #tpu.memory_space<vmem>>[vector<16xi32>], vector<16xf32>,
        %parallel_loop3A_1017 = arith.constant 16 : i32
        %parallel_loop3A_1018 = vector.broadcast %parallel_loop3A_1017 : i32 to vector<16xi32>
        %parallel_loop3A_1019 = arith.addi %and3A_53, %parallel_loop3A_1018 : vector<16xi32>
        %parallel_loop3A_1020 = tpu.vector_load_idx %arg7[%parallel_loop3A_941, %parallel_loop3A_1019] : memref<128x32xf32, #tpu.memory_space<vmem>>[vector<16xi32>, vector<16xi32>], vector<16xf32>,
        %parallel_loop3A_1021 = arith.addi %shift_left3A_121, %parallel_loop3A_944 : vector<16xi32>
        tpu.vector_store_idx %arg11[%parallel_loop3A_1021], %parallel_loop3A_1020 : memref<4096xf32, #tpu.memory_space<vmem>>[vector<16xi32>], vector<16xf32>,
        %parallel_loop3A_1022 = arith.constant 16 : i32
        %parallel_loop3A_1023 = vector.broadcast %parallel_loop3A_1022 : i32 to vector<16xi32>
        %parallel_loop3A_1024 = arith.addi %and3A_59, %parallel_loop3A_1023 : vector<16xi32>
        %parallel_loop3A_1025 = tpu.vector_load_idx %arg7[%parallel_loop3A_941, %parallel_loop3A_1024] : memref<128x32xf32, #tpu.memory_space<vmem>>[vector<16xi32>, vector<16xi32>], vector<16xf32>,
        %parallel_loop3A_1026 = arith.addi %shift_left3A_124, %parallel_loop3A_944 : vector<16xi32>
        tpu.vector_store_idx %arg11[%parallel_loop3A_1026], %parallel_loop3A_1025 : memref<4096xf32, #tpu.memory_space<vmem>>[vector<16xi32>], vector<16xf32>,
        %parallel_loop3A_1027 = arith.constant 16 : i32
        %parallel_loop3A_1028 = vector.broadcast %parallel_loop3A_1027 : i32 to vector<16xi32>
        %parallel_loop3A_1029 = arith.addi %and3A_65, %parallel_loop3A_1028 : vector<16xi32>
        %parallel_loop3A_1030 = tpu.vector_load_idx %arg7[%parallel_loop3A_941, %parallel_loop3A_1029] : memref<128x32xf32, #tpu.memory_space<vmem>>[vector<16xi32>, vector<16xi32>], vector<16xf32>,
        %parallel_loop3A_1031 = arith.addi %shift_left3A_127, %parallel_loop3A_944 : vector<16xi32>
        tpu.vector_store_idx %arg11[%parallel_loop3A_1031], %parallel_loop3A_1030 : memref<4096xf32, #tpu.memory_space<vmem>>[vector<16xi32>], vector<16xf32>,
        %parallel_loop3A_1032 = arith.constant 16 : i32
        %parallel_loop3A_1033 = vector.broadcast %parallel_loop3A_1032 : i32 to vector<16xi32>
        %parallel_loop3A_1034 = arith.addi %and3A_71, %parallel_loop3A_1033 : vector<16xi32>
        %parallel_loop3A_1035 = tpu.vector_load_idx %arg7[%parallel_loop3A_941, %parallel_loop3A_1034] : memref<128x32xf32, #tpu.memory_space<vmem>>[vector<16xi32>, vector<16xi32>], vector<16xf32>,
        %parallel_loop3A_1036 = arith.addi %shift_left3A_130, %parallel_loop3A_944 : vector<16xi32>
        tpu.vector_store_idx %arg11[%parallel_loop3A_1036], %parallel_loop3A_1035 : memref<4096xf32, #tpu.memory_space<vmem>>[vector<16xi32>], vector<16xf32>,
        %parallel_loop3A_1037 = arith.constant 16 : i32
        %parallel_loop3A_1038 = vector.broadcast %parallel_loop3A_1037 : i32 to vector<16xi32>
        %parallel_loop3A_1039 = arith.addi %and3A_77, %parallel_loop3A_1038 : vector<16xi32>
        %parallel_loop3A_1040 = tpu.vector_load_idx %arg7[%parallel_loop3A_941, %parallel_loop3A_1039] : memref<128x32xf32, #tpu.memory_space<vmem>>[vector<16xi32>, vector<16xi32>], vector<16xf32>,
        %parallel_loop3A_1041 = arith.addi %shift_left3A_133, %parallel_loop3A_944 : vector<16xi32>
        tpu.vector_store_idx %arg11[%parallel_loop3A_1041], %parallel_loop3A_1040 : memref<4096xf32, #tpu.memory_space<vmem>>[vector<16xi32>], vector<16xf32>,
        %parallel_loop3A_1042 = arith.constant 16 : i32
        %parallel_loop3A_1043 = vector.broadcast %parallel_loop3A_1042 : i32 to vector<16xi32>
        %parallel_loop3A_1044 = arith.addi %and3A_83, %parallel_loop3A_1043 : vector<16xi32>
        %parallel_loop3A_1045 = tpu.vector_load_idx %arg7[%parallel_loop3A_941, %parallel_loop3A_1044] : memref<128x32xf32, #tpu.memory_space<vmem>>[vector<16xi32>, vector<16xi32>], vector<16xf32>,
        %parallel_loop3A_1046 = arith.addi %shift_left3A_136, %parallel_loop3A_944 : vector<16xi32>
        tpu.vector_store_idx %arg11[%parallel_loop3A_1046], %parallel_loop3A_1045 : memref<4096xf32, #tpu.memory_space<vmem>>[vector<16xi32>], vector<16xf32>,
        %parallel_loop3A_1047 = arith.constant 16 : i32
        %parallel_loop3A_1048 = vector.broadcast %parallel_loop3A_1047 : i32 to vector<16xi32>
        %parallel_loop3A_1049 = arith.addi %and3A_89, %parallel_loop3A_1048 : vector<16xi32>
        %parallel_loop3A_1050 = tpu.vector_load_idx %arg7[%parallel_loop3A_941, %parallel_loop3A_1049] : memref<128x32xf32, #tpu.memory_space<vmem>>[vector<16xi32>, vector<16xi32>], vector<16xf32>,
        %parallel_loop3A_1051 = arith.addi %shift_left3A_139, %parallel_loop3A_944 : vector<16xi32>
        tpu.vector_store_idx %arg11[%parallel_loop3A_1051], %parallel_loop3A_1050 : memref<4096xf32, #tpu.memory_space<vmem>>[vector<16xi32>], vector<16xf32>,
        %parallel_loop3A_1052 = arith.constant 16 : i32
        %parallel_loop3A_1053 = vector.broadcast %parallel_loop3A_1052 : i32 to vector<16xi32>
        %parallel_loop3A_1054 = arith.addi %and3A_95, %parallel_loop3A_1053 : vector<16xi32>
        %parallel_loop3A_1055 = tpu.vector_load_idx %arg7[%parallel_loop3A_941, %parallel_loop3A_1054] : memref<128x32xf32, #tpu.memory_space<vmem>>[vector<16xi32>, vector<16xi32>], vector<16xf32>,
        %parallel_loop3A_1056 = arith.addi %shift_left3A_142, %parallel_loop3A_944 : vector<16xi32>
        tpu.vector_store_idx %arg11[%parallel_loop3A_1056], %parallel_loop3A_1055 : memref<4096xf32, #tpu.memory_space<vmem>>[vector<16xi32>], vector<16xf32>,
      } {sc.loop_unroll_factor = 4 : i64, sc.parallel_access}
      %dma_start3A_620 = arith.constant 0 : i32
      %dma_start3A_621 = arith.constant 1 : i32
      %dma_start3A_622 = arith.constant 0 : i32
      %dma_start3A_623 = tpu.memref_slice %arg11[%dma_start3A_622] : memref<4096xf32, #tpu.memory_space<vmem>> -> memref<1024xf32, #tpu.memory_space<vmem>>
      %dma_start3A_624 = arith.constant 0 : i32
      %dma_start3A_625 = tpu.memref_slice %arg4[%select_n3A_602, %dma_start3A_620, %add3A_586, %dma_start3A_624] : memref<50x4x128x1024xf32, #tpu.memory_space<hbm>> -> memref<1x1x1x1024xf32, #tpu.memory_space<hbm>>
      %dma_start3A_626 = tpu.memref_squeeze %dma_start3A_625 : memref<1x1x1x1024xf32, #tpu.memory_space<hbm>> -> memref<1024xf32, #tpu.memory_space<hbm>>
      %dma_start3A_627 = tpu.memref_slice %arg15[%dma_start3A_621] : memref<4x!tpu.dma_semaphore, #tpu.memory_space<semaphore_mem>> -> memref<1x!tpu.dma_semaphore, #tpu.memory_space<semaphore_mem>>
      %dma_start3A_628 = tpu.memref_squeeze %dma_start3A_627 : memref<1x!tpu.dma_semaphore, #tpu.memory_space<semaphore_mem>> -> memref<!tpu.dma_semaphore, #tpu.memory_space<semaphore_mem>>
      %dma_start3A_629 = arith.constant 0 : i32
      %dma_start3A_630 = tpu.memref_slice %arg4[%select_n3A_602, %dma_start3A_620, %add3A_586, %dma_start3A_629] : memref<50x4x128x1024xf32, #tpu.memory_space<hbm>> -> memref<1x1x1x1024xf32, #tpu.memory_space<hbm>>
      %dma_start3A_631 = tpu.memref_squeeze %dma_start3A_630 : memref<1x1x1x1024xf32, #tpu.memory_space<hbm>> -> memref<1024xf32, #tpu.memory_space<hbm>>
      %dma_start3A_632 = arith.constant 0 : i32
      %dma_start3A_633 = tpu.memref_slice %arg11[%dma_start3A_632] : memref<4096xf32, #tpu.memory_space<vmem>> -> memref<1024xf32, #tpu.memory_space<vmem>>
      tpu.enqueue_dma source(%dma_start3A_633 : memref<1024xf32, #tpu.memory_space<vmem>>) target(%dma_start3A_631 : memref<1024xf32, #tpu.memory_space<hbm>>) target_semaphore(%dma_start3A_628 : memref<!tpu.dma_semaphore, #tpu.memory_space<semaphore_mem>>)
      %dma_start3A_634 = arith.constant 1 : i32
      %dma_start3A_635 = arith.constant 1 : i32
      %dma_start3A_636 = arith.constant 1024 : i32
      %dma_start3A_637 = tpu.memref_slice %arg11[%dma_start3A_636] : memref<4096xf32, #tpu.memory_space<vmem>> -> memref<1024xf32, #tpu.memory_space<vmem>>
      %dma_start3A_638 = arith.constant 0 : i32
      %dma_start3A_639 = tpu.memref_slice %arg4[%select_n3A_602, %dma_start3A_634, %add3A_586, %dma_start3A_638] : memref<50x4x128x1024xf32, #tpu.memory_space<hbm>> -> memref<1x1x1x1024xf32, #tpu.memory_space<hbm>>
      %dma_start3A_640 = tpu.memref_squeeze %dma_start3A_639 : memref<1x1x1x1024xf32, #tpu.memory_space<hbm>> -> memref<1024xf32, #tpu.memory_space<hbm>>
      %dma_start3A_641 = tpu.memref_slice %arg15[%dma_start3A_635] : memref<4x!tpu.dma_semaphore, #tpu.memory_space<semaphore_mem>> -> memref<1x!tpu.dma_semaphore, #tpu.memory_space<semaphore_mem>>
      %dma_start3A_642 = tpu.memref_squeeze %dma_start3A_641 : memref<1x!tpu.dma_semaphore, #tpu.memory_space<semaphore_mem>> -> memref<!tpu.dma_semaphore, #tpu.memory_space<semaphore_mem>>
      %dma_start3A_643 = arith.constant 0 : i32
      %dma_start3A_644 = tpu.memref_slice %arg4[%select_n3A_602, %dma_start3A_634, %add3A_586, %dma_start3A_643] : memref<50x4x128x1024xf32, #tpu.memory_space<hbm>> -> memref<1x1x1x1024xf32, #tpu.memory_space<hbm>>
      %dma_start3A_645 = tpu.memref_squeeze %dma_start3A_644 : memref<1x1x1x1024xf32, #tpu.memory_space<hbm>> -> memref<1024xf32, #tpu.memory_space<hbm>>
      %dma_start3A_646 = arith.constant 1024 : i32
      %dma_start3A_647 = tpu.memref_slice %arg11[%dma_start3A_646] : memref<4096xf32, #tpu.memory_space<vmem>> -> memref<1024xf32, #tpu.memory_space<vmem>>
      tpu.enqueue_dma source(%dma_start3A_647 : memref<1024xf32, #tpu.memory_space<vmem>>) target(%dma_start3A_645 : memref<1024xf32, #tpu.memory_space<hbm>>) target_semaphore(%dma_start3A_642 : memref<!tpu.dma_semaphore, #tpu.memory_space<semaphore_mem>>)
      %dma_start3A_648 = arith.constant 2 : i32
      %dma_start3A_649 = arith.constant 1 : i32
      %dma_start3A_650 = arith.constant 2048 : i32
      %dma_start3A_651 = tpu.memref_slice %arg11[%dma_start3A_650] : memref<4096xf32, #tpu.memory_space<vmem>> -> memref<1024xf32, #tpu.memory_space<vmem>>
      %dma_start3A_652 = arith.constant 0 : i32
      %dma_start3A_653 = tpu.memref_slice %arg4[%select_n3A_602, %dma_start3A_648, %add3A_586, %dma_start3A_652] : memref<50x4x128x1024xf32, #tpu.memory_space<hbm>> -> memref<1x1x1x1024xf32, #tpu.memory_space<hbm>>
      %dma_start3A_654 = tpu.memref_squeeze %dma_start3A_653 : memref<1x1x1x1024xf32, #tpu.memory_space<hbm>> -> memref<1024xf32, #tpu.memory_space<hbm>>
      %dma_start3A_655 = tpu.memref_slice %arg15[%dma_start3A_649] : memref<4x!tpu.dma_semaphore, #tpu.memory_space<semaphore_mem>> -> memref<1x!tpu.dma_semaphore, #tpu.memory_space<semaphore_mem>>
      %dma_start3A_656 = tpu.memref_squeeze %dma_start3A_655 : memref<1x!tpu.dma_semaphore, #tpu.memory_space<semaphore_mem>> -> memref<!tpu.dma_semaphore, #tpu.memory_space<semaphore_mem>>
      %dma_start3A_657 = arith.constant 0 : i32
      %dma_start3A_658 = tpu.memref_slice %arg4[%select_n3A_602, %dma_start3A_648, %add3A_586, %dma_start3A_657] : memref<50x4x128x1024xf32, #tpu.memory_space<hbm>> -> memref<1x1x1x1024xf32, #tpu.memory_space<hbm>>
      %dma_start3A_659 = tpu.memref_squeeze %dma_start3A_658 : memref<1x1x1x1024xf32, #tpu.memory_space<hbm>> -> memref<1024xf32, #tpu.memory_space<hbm>>
      %dma_start3A_660 = arith.constant 2048 : i32
      %dma_start3A_661 = tpu.memref_slice %arg11[%dma_start3A_660] : memref<4096xf32, #tpu.memory_space<vmem>> -> memref<1024xf32, #tpu.memory_space<vmem>>
      tpu.enqueue_dma source(%dma_start3A_661 : memref<1024xf32, #tpu.memory_space<vmem>>) target(%dma_start3A_659 : memref<1024xf32, #tpu.memory_space<hbm>>) target_semaphore(%dma_start3A_656 : memref<!tpu.dma_semaphore, #tpu.memory_space<semaphore_mem>>)
      %dma_start3A_662 = arith.constant 3 : i32
      %dma_start3A_663 = arith.constant 1 : i32
      %dma_start3A_664 = arith.constant 3072 : i32
      %dma_start3A_665 = tpu.memref_slice %arg11[%dma_start3A_664] : memref<4096xf32, #tpu.memory_space<vmem>> -> memref<1024xf32, #tpu.memory_space<vmem>>
      %dma_start3A_666 = arith.constant 0 : i32
      %dma_start3A_667 = tpu.memref_slice %arg4[%select_n3A_602, %dma_start3A_662, %add3A_586, %dma_start3A_666] : memref<50x4x128x1024xf32, #tpu.memory_space<hbm>> -> memref<1x1x1x1024xf32, #tpu.memory_space<hbm>>
      %dma_start3A_668 = tpu.memref_squeeze %dma_start3A_667 : memref<1x1x1x1024xf32, #tpu.memory_space<hbm>> -> memref<1024xf32, #tpu.memory_space<hbm>>
      %dma_start3A_669 = tpu.memref_slice %arg15[%dma_start3A_663] : memref<4x!tpu.dma_semaphore, #tpu.memory_space<semaphore_mem>> -> memref<1x!tpu.dma_semaphore, #tpu.memory_space<semaphore_mem>>
      %dma_start3A_670 = tpu.memref_squeeze %dma_start3A_669 : memref<1x!tpu.dma_semaphore, #tpu.memory_space<semaphore_mem>> -> memref<!tpu.dma_semaphore, #tpu.memory_space<semaphore_mem>>
      %dma_start3A_671 = arith.constant 0 : i32
      %dma_start3A_672 = tpu.memref_slice %arg4[%select_n3A_602, %dma_start3A_662, %add3A_586, %dma_start3A_671] : memref<50x4x128x1024xf32, #tpu.memory_space<hbm>> -> memref<1x1x1x1024xf32, #tpu.memory_space<hbm>>
      %dma_start3A_673 = tpu.memref_squeeze %dma_start3A_672 : memref<1x1x1x1024xf32, #tpu.memory_space<hbm>> -> memref<1024xf32, #tpu.memory_space<hbm>>
      %dma_start3A_674 = arith.constant 3072 : i32
      %dma_start3A_675 = tpu.memref_slice %arg11[%dma_start3A_674] : memref<4096xf32, #tpu.memory_space<vmem>> -> memref<1024xf32, #tpu.memory_space<vmem>>
      tpu.enqueue_dma source(%dma_start3A_675 : memref<1024xf32, #tpu.memory_space<vmem>>) target(%dma_start3A_673 : memref<1024xf32, #tpu.memory_space<hbm>>) target_semaphore(%dma_start3A_670 : memref<!tpu.dma_semaphore, #tpu.memory_space<semaphore_mem>>)
      %add3A_676 = arith.constant 4 : i32
      %add3A_677 = arith.addi %add3A_559, %add3A_676 : i32
      %lt3A_678 = arith.constant 200 : i32
      %lt3A_679 = arith.cmpi slt, %add3A_677, %lt3A_678 : i32
      %convert_element_type3A_680 = arith.extui %lt3A_679 : i1 to i32
      %cond3A_681 = arith.constant 0 : i32
      %cond3A_682 = arith.cmpi ne, %convert_element_type3A_680, %cond3A_681 : i32
      scf.if %cond3A_682 {
        %add3A_937 = arith.constant 4 : i32
        %add3A_938 = arith.addi %add3A_559, %add3A_937 : i32
        %dma_start3A_939 = arith.constant 1 : i32
        %dma_start3A_940 = arith.constant 0 : i32
        %dma_start3A_941 = tpu.memref_slice %arg5[%add3A_938, %dma_start3A_940] : memref<200x128xi32, #tpu.memory_space<vmem>> -> memref<1x128xi32, #tpu.memory_space<vmem>>
        %dma_start3A_942 = tpu.memref_squeeze %dma_start3A_941 : memref<1x128xi32, #tpu.memory_space<vmem>> -> memref<128xi32, #tpu.memory_space<vmem>>
        %dma_start3A_943 = arith.constant 0 : i32
        %dma_start3A_944 = arith.constant 0 : i32
        %dma_start3A_945 = tpu.memref_slice %arg2[%dma_start3A_943, %dma_start3A_944] : memref<1000000x32xf32, #tpu.memory_space<hbm>> -> memref<1000000x32xf32, #tpu.memory_space<hbm>>
        %dma_start3A_946 = tpu.memref_slice %arg14[%dma_start3A_939] : memref<4x!tpu.dma_semaphore, #tpu.memory_space<semaphore_mem>> -> memref<1x!tpu.dma_semaphore, #tpu.memory_space<semaphore_mem>>
        %dma_start3A_947 = tpu.memref_squeeze %dma_start3A_946 : memref<1x!tpu.dma_semaphore, #tpu.memory_space<semaphore_mem>> -> memref<!tpu.dma_semaphore, #tpu.memory_space<semaphore_mem>>
        tpu.enqueue_indirect_dma source(%dma_start3A_945 : memref<1000000x32xf32, #tpu.memory_space<hbm>>) target(%arg7 : memref<128x32xf32, #tpu.memory_space<vmem>>) offsets(%dma_start3A_942 : memref<128xi32, #tpu.memory_space<vmem>>) semaphore(%dma_start3A_947 : memref<!tpu.dma_semaphore, #tpu.memory_space<semaphore_mem>>)
      } else {
      }
      %mul3A_683 = arith.constant 4 : i32
      %mul3A_684 = arith.muli %scan3A_441, %mul3A_683 : i32
      %add3A_685 = arith.constant 2 : i32
      %add3A_686 = arith.addi %mul3A_684, %add3A_685 : i32
      %mul3A_687 = arith.constant 4 : i32
      %mul3A_688 = arith.muli %add3A, %mul3A_687 : i32
      %jit3A_689 = arith.constant 50 : i32
      %div3A_690 = arith.divsi %add3A_686, %jit3A_689 : i32
      %sign3A_691 = arith.constant 0 : i32
      %sign3A_692 = arith.cmpi sgt, %add3A_686, %sign3A_691 : i32
      %sign3A_693 = arith.extui %sign3A_692 : i1 to i32
      %sign3A_694 = arith.constant 0 : i32
      %sign3A_695 = arith.cmpi slt, %add3A_686, %sign3A_694 : i32
      %sign3A_696 = arith.extui %sign3A_695 : i1 to i32
      %sign3A_697 = arith.subi %sign3A_693, %sign3A_696 : i32
      %sign3A_698 = arith.constant 0 : i32
      %sign3A_699 = arith.cmpi sgt, %jit3A_689, %sign3A_698 : i32
      %sign3A_700 = arith.extui %sign3A_699 : i1 to i32
      %sign3A_701 = arith.constant 0 : i32
      %sign3A_702 = arith.cmpi slt, %jit3A_689, %sign3A_701 : i32
      %sign3A_703 = arith.extui %sign3A_702 : i1 to i32
      %sign3A_704 = arith.subi %sign3A_700, %sign3A_703 : i32
      %ne3A_705 = arith.cmpi ne, %sign3A_697, %sign3A_704 : i32
      %rem3A_706 = arith.remsi %add3A_686, %jit3A_689 : i32
      %ne3A_707 = arith.constant 0 : i32
      %ne3A_708 = arith.cmpi ne, %rem3A_706, %ne3A_707 : i32
      %and3A_709 = arith.andi %ne3A_705, %ne3A_708 : i1
      %sub3A_710 = arith.constant 1 : i32
      %sub3A_711 = arith.subi %div3A_690, %sub3A_710 : i32
      %select_n3A_712 = arith.select %and3A_709, %sub3A_711, %div3A_690 : i32
      %add3A_713 = arith.addi %mul3A_688, %select_n3A_712 : i32
      %jit3A_714 = arith.constant 50 : i32
      %eq3A_715 = arith.constant 0 : i32
      %eq3A_716 = arith.cmpi eq, %jit3A_714, %eq3A_715 : i32
      %jit3A_717 = arith.constant 1 : i32
      %select_n3A_718 = arith.select %eq3A_716, %jit3A_717, %jit3A_714 : i32
      %rem3A_719 = arith.remsi %add3A_686, %select_n3A_718 : i32
      %ne3A_720 = arith.constant 0 : i32
      %ne3A_721 = arith.cmpi ne, %rem3A_719, %ne3A_720 : i32
      %lt3A_722 = arith.constant 0 : i32
      %lt3A_723 = arith.cmpi slt, %rem3A_719, %lt3A_722 : i32
      %lt3A_724 = arith.constant 0 : i32
      %lt3A_725 = arith.cmpi slt, %select_n3A_718, %lt3A_724 : i32
      %ne3A_726 = arith.xori %lt3A_723, %lt3A_725 : i1
      %and3A_727 = arith.andi %ne3A_726, %ne3A_721 : i1
      %add3A_728 = arith.addi %rem3A_719, %select_n3A_718 : i32
      %select_n3A_729 = arith.select %and3A_727, %add3A_728, %rem3A_719 : i32
      %dma_wait3A_730 = arith.constant 2 : i32
      %dma_wait3A_731 = arith.constant 0 : i32
      %dma_wait3A_732 = tpu.memref_slice %arg5[%add3A_686, %dma_wait3A_731] : memref<200x128xi32, #tpu.memory_space<vmem>> -> memref<1x128xi32, #tpu.memory_space<vmem>>
      %dma_wait3A_733 = tpu.memref_squeeze %dma_wait3A_732 : memref<1x128xi32, #tpu.memory_space<vmem>> -> memref<128xi32, #tpu.memory_space<vmem>>
      %dma_wait3A_734 = arith.constant 0 : i32
      %dma_wait3A_735 = arith.constant 0 : i32
      %dma_wait3A_736 = tpu.memref_slice %arg2[%dma_wait3A_734, %dma_wait3A_735] : memref<1000000x32xf32, #tpu.memory_space<hbm>> -> memref<1000000x32xf32, #tpu.memory_space<hbm>>
      %dma_wait3A_737 = tpu.memref_slice %arg14[%dma_wait3A_730] : memref<4x!tpu.dma_semaphore, #tpu.memory_space<semaphore_mem>> -> memref<1x!tpu.dma_semaphore, #tpu.memory_space<semaphore_mem>>
      %dma_wait3A_738 = tpu.memref_squeeze %dma_wait3A_737 : memref<1x!tpu.dma_semaphore, #tpu.memory_space<semaphore_mem>> -> memref<!tpu.dma_semaphore, #tpu.memory_space<semaphore_mem>>
      tpu.wait_indirect_dma semaphore(%dma_wait3A_738 : memref<!tpu.dma_semaphore, #tpu.memory_space<semaphore_mem>>) src(%dma_wait3A_736 : memref<1000000x32xf32, #tpu.memory_space<hbm>>) dst(%arg8 : memref<128x32xf32, #tpu.memory_space<vmem>>)
      %ge3A_739 = arith.constant 4 : i32
      %ge3A_740 = arith.cmpi sge, %add3A_686, %ge3A_739 : i32
      %convert_element_type3A_741 = arith.extui %ge3A_740 : i1 to i32
      %cond3A_742 = arith.constant 0 : i32
      %cond3A_743 = arith.cmpi ne, %convert_element_type3A_741, %cond3A_742 : i32
      scf.if %cond3A_743 {
        %dma_wait3A_937 = arith.constant 0 : i32
        %dma_wait3A_938 = arith.constant 0 : i32
        %dma_wait3A_939 = arith.constant 0 : i32
        %dma_wait3A_940 = arith.constant 2 : i32
        %dma_wait3A_941 = arith.constant 0 : i32
        %dma_wait3A_942 = tpu.memref_slice %arg12[%dma_wait3A_941] : memref<4096xf32, #tpu.memory_space<vmem>> -> memref<1024xf32, #tpu.memory_space<vmem>>
        %dma_wait3A_943 = arith.constant 0 : i32
        %dma_wait3A_944 = tpu.memref_slice %arg4[%dma_wait3A_937, %dma_wait3A_938, %dma_wait3A_939, %dma_wait3A_943] : memref<50x4x128x1024xf32, #tpu.memory_space<hbm>> -> memref<1x1x1x1024xf32, #tpu.memory_space<hbm>>
        %dma_wait3A_945 = tpu.memref_squeeze %dma_wait3A_944 : memref<1x1x1x1024xf32, #tpu.memory_space<hbm>> -> memref<1024xf32, #tpu.memory_space<hbm>>
        %dma_wait3A_946 = tpu.memref_slice %arg15[%dma_wait3A_940] : memref<4x!tpu.dma_semaphore, #tpu.memory_space<semaphore_mem>> -> memref<1x!tpu.dma_semaphore, #tpu.memory_space<semaphore_mem>>
        %dma_wait3A_947 = tpu.memref_squeeze %dma_wait3A_946 : memref<1x!tpu.dma_semaphore, #tpu.memory_space<semaphore_mem>> -> memref<!tpu.dma_semaphore, #tpu.memory_space<semaphore_mem>>
        %dma_wait3A_948 = arith.constant 0 : i32
        %dma_wait3A_949 = tpu.memref_slice %arg4[%dma_wait3A_937, %dma_wait3A_938, %dma_wait3A_939, %dma_wait3A_948] : memref<50x4x128x1024xf32, #tpu.memory_space<hbm>> -> memref<1x1x1x1024xf32, #tpu.memory_space<hbm>>
        %dma_wait3A_950 = tpu.memref_squeeze %dma_wait3A_949 : memref<1x1x1x1024xf32, #tpu.memory_space<hbm>> -> memref<1024xf32, #tpu.memory_space<hbm>>
        %dma_wait3A_951 = arith.constant 0 : i32
        %dma_wait3A_952 = tpu.memref_slice %arg12[%dma_wait3A_951] : memref<4096xf32, #tpu.memory_space<vmem>> -> memref<1024xf32, #tpu.memory_space<vmem>>
        tpu.wait_dma2 semaphore(%dma_wait3A_947 : memref<!tpu.dma_semaphore, #tpu.memory_space<semaphore_mem>>) src(%dma_wait3A_952 : memref<1024xf32, #tpu.memory_space<vmem>>) dst(%dma_wait3A_950 : memref<1024xf32, #tpu.memory_space<hbm>>)
        %dma_wait3A_953 = arith.constant 0 : i32
        %dma_wait3A_954 = arith.constant 0 : i32
        %dma_wait3A_955 = arith.constant 0 : i32
        %dma_wait3A_956 = arith.constant 2 : i32
        %dma_wait3A_957 = arith.constant 1024 : i32
        %dma_wait3A_958 = tpu.memref_slice %arg12[%dma_wait3A_957] : memref<4096xf32, #tpu.memory_space<vmem>> -> memref<1024xf32, #tpu.memory_space<vmem>>
        %dma_wait3A_959 = arith.constant 0 : i32
        %dma_wait3A_960 = tpu.memref_slice %arg4[%dma_wait3A_953, %dma_wait3A_954, %dma_wait3A_955, %dma_wait3A_959] : memref<50x4x128x1024xf32, #tpu.memory_space<hbm>> -> memref<1x1x1x1024xf32, #tpu.memory_space<hbm>>
        %dma_wait3A_961 = tpu.memref_squeeze %dma_wait3A_960 : memref<1x1x1x1024xf32, #tpu.memory_space<hbm>> -> memref<1024xf32, #tpu.memory_space<hbm>>
        %dma_wait3A_962 = tpu.memref_slice %arg15[%dma_wait3A_956] : memref<4x!tpu.dma_semaphore, #tpu.memory_space<semaphore_mem>> -> memref<1x!tpu.dma_semaphore, #tpu.memory_space<semaphore_mem>>
        %dma_wait3A_963 = tpu.memref_squeeze %dma_wait3A_962 : memref<1x!tpu.dma_semaphore, #tpu.memory_space<semaphore_mem>> -> memref<!tpu.dma_semaphore, #tpu.memory_space<semaphore_mem>>
        %dma_wait3A_964 = arith.constant 0 : i32
        %dma_wait3A_965 = tpu.memref_slice %arg4[%dma_wait3A_953, %dma_wait3A_954, %dma_wait3A_955, %dma_wait3A_964] : memref<50x4x128x1024xf32, #tpu.memory_space<hbm>> -> memref<1x1x1x1024xf32, #tpu.memory_space<hbm>>
        %dma_wait3A_966 = tpu.memref_squeeze %dma_wait3A_965 : memref<1x1x1x1024xf32, #tpu.memory_space<hbm>> -> memref<1024xf32, #tpu.memory_space<hbm>>
        %dma_wait3A_967 = arith.constant 1024 : i32
        %dma_wait3A_968 = tpu.memref_slice %arg12[%dma_wait3A_967] : memref<4096xf32, #tpu.memory_space<vmem>> -> memref<1024xf32, #tpu.memory_space<vmem>>
        tpu.wait_dma2 semaphore(%dma_wait3A_963 : memref<!tpu.dma_semaphore, #tpu.memory_space<semaphore_mem>>) src(%dma_wait3A_968 : memref<1024xf32, #tpu.memory_space<vmem>>) dst(%dma_wait3A_966 : memref<1024xf32, #tpu.memory_space<hbm>>)
        %dma_wait3A_969 = arith.constant 0 : i32
        %dma_wait3A_970 = arith.constant 0 : i32
        %dma_wait3A_971 = arith.constant 0 : i32
        %dma_wait3A_972 = arith.constant 2 : i32
        %dma_wait3A_973 = arith.constant 2048 : i32
        %dma_wait3A_974 = tpu.memref_slice %arg12[%dma_wait3A_973] : memref<4096xf32, #tpu.memory_space<vmem>> -> memref<1024xf32, #tpu.memory_space<vmem>>
        %dma_wait3A_975 = arith.constant 0 : i32
        %dma_wait3A_976 = tpu.memref_slice %arg4[%dma_wait3A_969, %dma_wait3A_970, %dma_wait3A_971, %dma_wait3A_975] : memref<50x4x128x1024xf32, #tpu.memory_space<hbm>> -> memref<1x1x1x1024xf32, #tpu.memory_space<hbm>>
        %dma_wait3A_977 = tpu.memref_squeeze %dma_wait3A_976 : memref<1x1x1x1024xf32, #tpu.memory_space<hbm>> -> memref<1024xf32, #tpu.memory_space<hbm>>
        %dma_wait3A_978 = tpu.memref_slice %arg15[%dma_wait3A_972] : memref<4x!tpu.dma_semaphore, #tpu.memory_space<semaphore_mem>> -> memref<1x!tpu.dma_semaphore, #tpu.memory_space<semaphore_mem>>
        %dma_wait3A_979 = tpu.memref_squeeze %dma_wait3A_978 : memref<1x!tpu.dma_semaphore, #tpu.memory_space<semaphore_mem>> -> memref<!tpu.dma_semaphore, #tpu.memory_space<semaphore_mem>>
        %dma_wait3A_980 = arith.constant 0 : i32
        %dma_wait3A_981 = tpu.memref_slice %arg4[%dma_wait3A_969, %dma_wait3A_970, %dma_wait3A_971, %dma_wait3A_980] : memref<50x4x128x1024xf32, #tpu.memory_space<hbm>> -> memref<1x1x1x1024xf32, #tpu.memory_space<hbm>>
        %dma_wait3A_982 = tpu.memref_squeeze %dma_wait3A_981 : memref<1x1x1x1024xf32, #tpu.memory_space<hbm>> -> memref<1024xf32, #tpu.memory_space<hbm>>
        %dma_wait3A_983 = arith.constant 2048 : i32
        %dma_wait3A_984 = tpu.memref_slice %arg12[%dma_wait3A_983] : memref<4096xf32, #tpu.memory_space<vmem>> -> memref<1024xf32, #tpu.memory_space<vmem>>
        tpu.wait_dma2 semaphore(%dma_wait3A_979 : memref<!tpu.dma_semaphore, #tpu.memory_space<semaphore_mem>>) src(%dma_wait3A_984 : memref<1024xf32, #tpu.memory_space<vmem>>) dst(%dma_wait3A_982 : memref<1024xf32, #tpu.memory_space<hbm>>)
        %dma_wait3A_985 = arith.constant 0 : i32
        %dma_wait3A_986 = arith.constant 0 : i32
        %dma_wait3A_987 = arith.constant 0 : i32
        %dma_wait3A_988 = arith.constant 2 : i32
        %dma_wait3A_989 = arith.constant 3072 : i32
        %dma_wait3A_990 = tpu.memref_slice %arg12[%dma_wait3A_989] : memref<4096xf32, #tpu.memory_space<vmem>> -> memref<1024xf32, #tpu.memory_space<vmem>>
        %dma_wait3A_991 = arith.constant 0 : i32
        %dma_wait3A_992 = tpu.memref_slice %arg4[%dma_wait3A_985, %dma_wait3A_986, %dma_wait3A_987, %dma_wait3A_991] : memref<50x4x128x1024xf32, #tpu.memory_space<hbm>> -> memref<1x1x1x1024xf32, #tpu.memory_space<hbm>>
        %dma_wait3A_993 = tpu.memref_squeeze %dma_wait3A_992 : memref<1x1x1x1024xf32, #tpu.memory_space<hbm>> -> memref<1024xf32, #tpu.memory_space<hbm>>
        %dma_wait3A_994 = tpu.memref_slice %arg15[%dma_wait3A_988] : memref<4x!tpu.dma_semaphore, #tpu.memory_space<semaphore_mem>> -> memref<1x!tpu.dma_semaphore, #tpu.memory_space<semaphore_mem>>
        %dma_wait3A_995 = tpu.memref_squeeze %dma_wait3A_994 : memref<1x!tpu.dma_semaphore, #tpu.memory_space<semaphore_mem>> -> memref<!tpu.dma_semaphore, #tpu.memory_space<semaphore_mem>>
        %dma_wait3A_996 = arith.constant 0 : i32
        %dma_wait3A_997 = tpu.memref_slice %arg4[%dma_wait3A_985, %dma_wait3A_986, %dma_wait3A_987, %dma_wait3A_996] : memref<50x4x128x1024xf32, #tpu.memory_space<hbm>> -> memref<1x1x1x1024xf32, #tpu.memory_space<hbm>>
        %dma_wait3A_998 = tpu.memref_squeeze %dma_wait3A_997 : memref<1x1x1x1024xf32, #tpu.memory_space<hbm>> -> memref<1024xf32, #tpu.memory_space<hbm>>
        %dma_wait3A_999 = arith.constant 3072 : i32
        %dma_wait3A_1000 = tpu.memref_slice %arg12[%dma_wait3A_999] : memref<4096xf32, #tpu.memory_space<vmem>> -> memref<1024xf32, #tpu.memory_space<vmem>>
        tpu.wait_dma2 semaphore(%dma_wait3A_995 : memref<!tpu.dma_semaphore, #tpu.memory_space<semaphore_mem>>) src(%dma_wait3A_1000 : memref<1024xf32, #tpu.memory_space<vmem>>) dst(%dma_wait3A_998 : memref<1024xf32, #tpu.memory_space<hbm>>)
      } else {
      }
      %parallel_loop3A_744 = arith.constant 0 : i32
      %parallel_loop3A_745 = arith.constant 8 : i32
      %parallel_loop3A_746 = arith.constant 1 : i32
      scf.for %parallel_loop3A_937 = %parallel_loop3A_744 to %parallel_loop3A_745 step %parallel_loop3A_746  : i32 {
        %parallel_loop3A_938 = arith.constant 16 : i32
        %parallel_loop3A_939 = arith.muli %parallel_loop3A_938, %parallel_loop3A_937 : i32
        %parallel_loop3A_940 = vector.broadcast %parallel_loop3A_939 : i32 to vector<16xi32>
        %parallel_loop3A_941 = arith.addi %iota3A, %parallel_loop3A_940 : vector<16xi32>
        %parallel_loop3A_942 = arith.constant 2048 : i32
        %parallel_loop3A_943 = vector.broadcast %parallel_loop3A_942 : i32 to vector<16xi32>
        %parallel_loop3A_944 = arith.addi %parallel_loop3A_941, %parallel_loop3A_943 : vector<16xi32>
        %parallel_loop3A_945 = tpu.vector_load_idx %arg8[%parallel_loop3A_941, %and3A_5] : memref<128x32xf32, #tpu.memory_space<vmem>>[vector<16xi32>, vector<16xi32>], vector<16xf32>,
        %parallel_loop3A_946 = arith.addi %shift_left3A_97, %parallel_loop3A_941 : vector<16xi32>
        tpu.vector_store_idx %arg12[%parallel_loop3A_946], %parallel_loop3A_945 : memref<4096xf32, #tpu.memory_space<vmem>>[vector<16xi32>], vector<16xf32>,
        %parallel_loop3A_947 = tpu.vector_load_idx %arg8[%parallel_loop3A_941, %and3A_11] : memref<128x32xf32, #tpu.memory_space<vmem>>[vector<16xi32>, vector<16xi32>], vector<16xf32>,
        %parallel_loop3A_948 = arith.addi %shift_left3A_100, %parallel_loop3A_941 : vector<16xi32>
        tpu.vector_store_idx %arg12[%parallel_loop3A_948], %parallel_loop3A_947 : memref<4096xf32, #tpu.memory_space<vmem>>[vector<16xi32>], vector<16xf32>,
        %parallel_loop3A_949 = tpu.vector_load_idx %arg8[%parallel_loop3A_941, %and3A_17] : memref<128x32xf32, #tpu.memory_space<vmem>>[vector<16xi32>, vector<16xi32>], vector<16xf32>,
        %parallel_loop3A_950 = arith.addi %shift_left3A_103, %parallel_loop3A_941 : vector<16xi32>
        tpu.vector_store_idx %arg12[%parallel_loop3A_950], %parallel_loop3A_949 : memref<4096xf32, #tpu.memory_space<vmem>>[vector<16xi32>], vector<16xf32>,
        %parallel_loop3A_951 = tpu.vector_load_idx %arg8[%parallel_loop3A_941, %and3A_23] : memref<128x32xf32, #tpu.memory_space<vmem>>[vector<16xi32>, vector<16xi32>], vector<16xf32>,
        %parallel_loop3A_952 = arith.addi %shift_left3A_106, %parallel_loop3A_941 : vector<16xi32>
        tpu.vector_store_idx %arg12[%parallel_loop3A_952], %parallel_loop3A_951 : memref<4096xf32, #tpu.memory_space<vmem>>[vector<16xi32>], vector<16xf32>,
        %parallel_loop3A_953 = tpu.vector_load_idx %arg8[%parallel_loop3A_941, %and3A_29] : memref<128x32xf32, #tpu.memory_space<vmem>>[vector<16xi32>, vector<16xi32>], vector<16xf32>,
        %parallel_loop3A_954 = arith.addi %shift_left3A_109, %parallel_loop3A_941 : vector<16xi32>
        tpu.vector_store_idx %arg12[%parallel_loop3A_954], %parallel_loop3A_953 : memref<4096xf32, #tpu.memory_space<vmem>>[vector<16xi32>], vector<16xf32>,
        %parallel_loop3A_955 = tpu.vector_load_idx %arg8[%parallel_loop3A_941, %and3A_35] : memref<128x32xf32, #tpu.memory_space<vmem>>[vector<16xi32>, vector<16xi32>], vector<16xf32>,
        %parallel_loop3A_956 = arith.addi %shift_left3A_112, %parallel_loop3A_941 : vector<16xi32>
        tpu.vector_store_idx %arg12[%parallel_loop3A_956], %parallel_loop3A_955 : memref<4096xf32, #tpu.memory_space<vmem>>[vector<16xi32>], vector<16xf32>,
        %parallel_loop3A_957 = tpu.vector_load_idx %arg8[%parallel_loop3A_941, %and3A_41] : memref<128x32xf32, #tpu.memory_space<vmem>>[vector<16xi32>, vector<16xi32>], vector<16xf32>,
        %parallel_loop3A_958 = arith.addi %shift_left3A_115, %parallel_loop3A_941 : vector<16xi32>
        tpu.vector_store_idx %arg12[%parallel_loop3A_958], %parallel_loop3A_957 : memref<4096xf32, #tpu.memory_space<vmem>>[vector<16xi32>], vector<16xf32>,
        %parallel_loop3A_959 = tpu.vector_load_idx %arg8[%parallel_loop3A_941, %and3A_47] : memref<128x32xf32, #tpu.memory_space<vmem>>[vector<16xi32>, vector<16xi32>], vector<16xf32>,
        %parallel_loop3A_960 = arith.addi %shift_left3A_118, %parallel_loop3A_941 : vector<16xi32>
        tpu.vector_store_idx %arg12[%parallel_loop3A_960], %parallel_loop3A_959 : memref<4096xf32, #tpu.memory_space<vmem>>[vector<16xi32>], vector<16xf32>,
        %parallel_loop3A_961 = tpu.vector_load_idx %arg8[%parallel_loop3A_941, %and3A_53] : memref<128x32xf32, #tpu.memory_space<vmem>>[vector<16xi32>, vector<16xi32>], vector<16xf32>,
        %parallel_loop3A_962 = arith.addi %shift_left3A_121, %parallel_loop3A_941 : vector<16xi32>
        tpu.vector_store_idx %arg12[%parallel_loop3A_962], %parallel_loop3A_961 : memref<4096xf32, #tpu.memory_space<vmem>>[vector<16xi32>], vector<16xf32>,
        %parallel_loop3A_963 = tpu.vector_load_idx %arg8[%parallel_loop3A_941, %and3A_59] : memref<128x32xf32, #tpu.memory_space<vmem>>[vector<16xi32>, vector<16xi32>], vector<16xf32>,
        %parallel_loop3A_964 = arith.addi %shift_left3A_124, %parallel_loop3A_941 : vector<16xi32>
        tpu.vector_store_idx %arg12[%parallel_loop3A_964], %parallel_loop3A_963 : memref<4096xf32, #tpu.memory_space<vmem>>[vector<16xi32>], vector<16xf32>,
        %parallel_loop3A_965 = tpu.vector_load_idx %arg8[%parallel_loop3A_941, %and3A_65] : memref<128x32xf32, #tpu.memory_space<vmem>>[vector<16xi32>, vector<16xi32>], vector<16xf32>,
        %parallel_loop3A_966 = arith.addi %shift_left3A_127, %parallel_loop3A_941 : vector<16xi32>
        tpu.vector_store_idx %arg12[%parallel_loop3A_966], %parallel_loop3A_965 : memref<4096xf32, #tpu.memory_space<vmem>>[vector<16xi32>], vector<16xf32>,
        %parallel_loop3A_967 = tpu.vector_load_idx %arg8[%parallel_loop3A_941, %and3A_71] : memref<128x32xf32, #tpu.memory_space<vmem>>[vector<16xi32>, vector<16xi32>], vector<16xf32>,
        %parallel_loop3A_968 = arith.addi %shift_left3A_130, %parallel_loop3A_941 : vector<16xi32>
        tpu.vector_store_idx %arg12[%parallel_loop3A_968], %parallel_loop3A_967 : memref<4096xf32, #tpu.memory_space<vmem>>[vector<16xi32>], vector<16xf32>,
        %parallel_loop3A_969 = tpu.vector_load_idx %arg8[%parallel_loop3A_941, %and3A_77] : memref<128x32xf32, #tpu.memory_space<vmem>>[vector<16xi32>, vector<16xi32>], vector<16xf32>,
        %parallel_loop3A_970 = arith.addi %shift_left3A_133, %parallel_loop3A_941 : vector<16xi32>
        tpu.vector_store_idx %arg12[%parallel_loop3A_970], %parallel_loop3A_969 : memref<4096xf32, #tpu.memory_space<vmem>>[vector<16xi32>], vector<16xf32>,
        %parallel_loop3A_971 = tpu.vector_load_idx %arg8[%parallel_loop3A_941, %and3A_83] : memref<128x32xf32, #tpu.memory_space<vmem>>[vector<16xi32>, vector<16xi32>], vector<16xf32>,
        %parallel_loop3A_972 = arith.addi %shift_left3A_136, %parallel_loop3A_941 : vector<16xi32>
        tpu.vector_store_idx %arg12[%parallel_loop3A_972], %parallel_loop3A_971 : memref<4096xf32, #tpu.memory_space<vmem>>[vector<16xi32>], vector<16xf32>,
        %parallel_loop3A_973 = tpu.vector_load_idx %arg8[%parallel_loop3A_941, %and3A_89] : memref<128x32xf32, #tpu.memory_space<vmem>>[vector<16xi32>, vector<16xi32>], vector<16xf32>,
        %parallel_loop3A_974 = arith.addi %shift_left3A_139, %parallel_loop3A_941 : vector<16xi32>
        tpu.vector_store_idx %arg12[%parallel_loop3A_974], %parallel_loop3A_973 : memref<4096xf32, #tpu.memory_space<vmem>>[vector<16xi32>], vector<16xf32>,
        %parallel_loop3A_975 = tpu.vector_load_idx %arg8[%parallel_loop3A_941, %and3A_95] : memref<128x32xf32, #tpu.memory_space<vmem>>[vector<16xi32>, vector<16xi32>], vector<16xf32>,
        %parallel_loop3A_976 = arith.addi %shift_left3A_142, %parallel_loop3A_941 : vector<16xi32>
        tpu.vector_store_idx %arg12[%parallel_loop3A_976], %parallel_loop3A_975 : memref<4096xf32, #tpu.memory_space<vmem>>[vector<16xi32>], vector<16xf32>,
        %parallel_loop3A_977 = arith.constant 16 : i32
        %parallel_loop3A_978 = vector.broadcast %parallel_loop3A_977 : i32 to vector<16xi32>
        %parallel_loop3A_979 = arith.addi %and3A_5, %parallel_loop3A_978 : vector<16xi32>
        %parallel_loop3A_980 = tpu.vector_load_idx %arg8[%parallel_loop3A_941, %parallel_loop3A_979] : memref<128x32xf32, #tpu.memory_space<vmem>>[vector<16xi32>, vector<16xi32>], vector<16xf32>,
        %parallel_loop3A_981 = arith.addi %shift_left3A_97, %parallel_loop3A_944 : vector<16xi32>
        tpu.vector_store_idx %arg12[%parallel_loop3A_981], %parallel_loop3A_980 : memref<4096xf32, #tpu.memory_space<vmem>>[vector<16xi32>], vector<16xf32>,
        %parallel_loop3A_982 = arith.constant 16 : i32
        %parallel_loop3A_983 = vector.broadcast %parallel_loop3A_982 : i32 to vector<16xi32>
        %parallel_loop3A_984 = arith.addi %and3A_11, %parallel_loop3A_983 : vector<16xi32>
        %parallel_loop3A_985 = tpu.vector_load_idx %arg8[%parallel_loop3A_941, %parallel_loop3A_984] : memref<128x32xf32, #tpu.memory_space<vmem>>[vector<16xi32>, vector<16xi32>], vector<16xf32>,
        %parallel_loop3A_986 = arith.addi %shift_left3A_100, %parallel_loop3A_944 : vector<16xi32>
        tpu.vector_store_idx %arg12[%parallel_loop3A_986], %parallel_loop3A_985 : memref<4096xf32, #tpu.memory_space<vmem>>[vector<16xi32>], vector<16xf32>,
        %parallel_loop3A_987 = arith.constant 16 : i32
        %parallel_loop3A_988 = vector.broadcast %parallel_loop3A_987 : i32 to vector<16xi32>
        %parallel_loop3A_989 = arith.addi %and3A_17, %parallel_loop3A_988 : vector<16xi32>
        %parallel_loop3A_990 = tpu.vector_load_idx %arg8[%parallel_loop3A_941, %parallel_loop3A_989] : memref<128x32xf32, #tpu.memory_space<vmem>>[vector<16xi32>, vector<16xi32>], vector<16xf32>,
        %parallel_loop3A_991 = arith.addi %shift_left3A_103, %parallel_loop3A_944 : vector<16xi32>
        tpu.vector_store_idx %arg12[%parallel_loop3A_991], %parallel_loop3A_990 : memref<4096xf32, #tpu.memory_space<vmem>>[vector<16xi32>], vector<16xf32>,
        %parallel_loop3A_992 = arith.constant 16 : i32
        %parallel_loop3A_993 = vector.broadcast %parallel_loop3A_992 : i32 to vector<16xi32>
        %parallel_loop3A_994 = arith.addi %and3A_23, %parallel_loop3A_993 : vector<16xi32>
        %parallel_loop3A_995 = tpu.vector_load_idx %arg8[%parallel_loop3A_941, %parallel_loop3A_994] : memref<128x32xf32, #tpu.memory_space<vmem>>[vector<16xi32>, vector<16xi32>], vector<16xf32>,
        %parallel_loop3A_996 = arith.addi %shift_left3A_106, %parallel_loop3A_944 : vector<16xi32>
        tpu.vector_store_idx %arg12[%parallel_loop3A_996], %parallel_loop3A_995 : memref<4096xf32, #tpu.memory_space<vmem>>[vector<16xi32>], vector<16xf32>,
        %parallel_loop3A_997 = arith.constant 16 : i32
        %parallel_loop3A_998 = vector.broadcast %parallel_loop3A_997 : i32 to vector<16xi32>
        %parallel_loop3A_999 = arith.addi %and3A_29, %parallel_loop3A_998 : vector<16xi32>
        %parallel_loop3A_1000 = tpu.vector_load_idx %arg8[%parallel_loop3A_941, %parallel_loop3A_999] : memref<128x32xf32, #tpu.memory_space<vmem>>[vector<16xi32>, vector<16xi32>], vector<16xf32>,
        %parallel_loop3A_1001 = arith.addi %shift_left3A_109, %parallel_loop3A_944 : vector<16xi32>
        tpu.vector_store_idx %arg12[%parallel_loop3A_1001], %parallel_loop3A_1000 : memref<4096xf32, #tpu.memory_space<vmem>>[vector<16xi32>], vector<16xf32>,
        %parallel_loop3A_1002 = arith.constant 16 : i32
        %parallel_loop3A_1003 = vector.broadcast %parallel_loop3A_1002 : i32 to vector<16xi32>
        %parallel_loop3A_1004 = arith.addi %and3A_35, %parallel_loop3A_1003 : vector<16xi32>
        %parallel_loop3A_1005 = tpu.vector_load_idx %arg8[%parallel_loop3A_941, %parallel_loop3A_1004] : memref<128x32xf32, #tpu.memory_space<vmem>>[vector<16xi32>, vector<16xi32>], vector<16xf32>,
        %parallel_loop3A_1006 = arith.addi %shift_left3A_112, %parallel_loop3A_944 : vector<16xi32>
        tpu.vector_store_idx %arg12[%parallel_loop3A_1006], %parallel_loop3A_1005 : memref<4096xf32, #tpu.memory_space<vmem>>[vector<16xi32>], vector<16xf32>,
        %parallel_loop3A_1007 = arith.constant 16 : i32
        %parallel_loop3A_1008 = vector.broadcast %parallel_loop3A_1007 : i32 to vector<16xi32>
        %parallel_loop3A_1009 = arith.addi %and3A_41, %parallel_loop3A_1008 : vector<16xi32>
        %parallel_loop3A_1010 = tpu.vector_load_idx %arg8[%parallel_loop3A_941, %parallel_loop3A_1009] : memref<128x32xf32, #tpu.memory_space<vmem>>[vector<16xi32>, vector<16xi32>], vector<16xf32>,
        %parallel_loop3A_1011 = arith.addi %shift_left3A_115, %parallel_loop3A_944 : vector<16xi32>
        tpu.vector_store_idx %arg12[%parallel_loop3A_1011], %parallel_loop3A_1010 : memref<4096xf32, #tpu.memory_space<vmem>>[vector<16xi32>], vector<16xf32>,
        %parallel_loop3A_1012 = arith.constant 16 : i32
        %parallel_loop3A_1013 = vector.broadcast %parallel_loop3A_1012 : i32 to vector<16xi32>
        %parallel_loop3A_1014 = arith.addi %and3A_47, %parallel_loop3A_1013 : vector<16xi32>
        %parallel_loop3A_1015 = tpu.vector_load_idx %arg8[%parallel_loop3A_941, %parallel_loop3A_1014] : memref<128x32xf32, #tpu.memory_space<vmem>>[vector<16xi32>, vector<16xi32>], vector<16xf32>,
        %parallel_loop3A_1016 = arith.addi %shift_left3A_118, %parallel_loop3A_944 : vector<16xi32>
        tpu.vector_store_idx %arg12[%parallel_loop3A_1016], %parallel_loop3A_1015 : memref<4096xf32, #tpu.memory_space<vmem>>[vector<16xi32>], vector<16xf32>,
        %parallel_loop3A_1017 = arith.constant 16 : i32
        %parallel_loop3A_1018 = vector.broadcast %parallel_loop3A_1017 : i32 to vector<16xi32>
        %parallel_loop3A_1019 = arith.addi %and3A_53, %parallel_loop3A_1018 : vector<16xi32>
        %parallel_loop3A_1020 = tpu.vector_load_idx %arg8[%parallel_loop3A_941, %parallel_loop3A_1019] : memref<128x32xf32, #tpu.memory_space<vmem>>[vector<16xi32>, vector<16xi32>], vector<16xf32>,
        %parallel_loop3A_1021 = arith.addi %shift_left3A_121, %parallel_loop3A_944 : vector<16xi32>
        tpu.vector_store_idx %arg12[%parallel_loop3A_1021], %parallel_loop3A_1020 : memref<4096xf32, #tpu.memory_space<vmem>>[vector<16xi32>], vector<16xf32>,
        %parallel_loop3A_1022 = arith.constant 16 : i32
        %parallel_loop3A_1023 = vector.broadcast %parallel_loop3A_1022 : i32 to vector<16xi32>
        %parallel_loop3A_1024 = arith.addi %and3A_59, %parallel_loop3A_1023 : vector<16xi32>
        %parallel_loop3A_1025 = tpu.vector_load_idx %arg8[%parallel_loop3A_941, %parallel_loop3A_1024] : memref<128x32xf32, #tpu.memory_space<vmem>>[vector<16xi32>, vector<16xi32>], vector<16xf32>,
        %parallel_loop3A_1026 = arith.addi %shift_left3A_124, %parallel_loop3A_944 : vector<16xi32>
        tpu.vector_store_idx %arg12[%parallel_loop3A_1026], %parallel_loop3A_1025 : memref<4096xf32, #tpu.memory_space<vmem>>[vector<16xi32>], vector<16xf32>,
        %parallel_loop3A_1027 = arith.constant 16 : i32
        %parallel_loop3A_1028 = vector.broadcast %parallel_loop3A_1027 : i32 to vector<16xi32>
        %parallel_loop3A_1029 = arith.addi %and3A_65, %parallel_loop3A_1028 : vector<16xi32>
        %parallel_loop3A_1030 = tpu.vector_load_idx %arg8[%parallel_loop3A_941, %parallel_loop3A_1029] : memref<128x32xf32, #tpu.memory_space<vmem>>[vector<16xi32>, vector<16xi32>], vector<16xf32>,
        %parallel_loop3A_1031 = arith.addi %shift_left3A_127, %parallel_loop3A_944 : vector<16xi32>
        tpu.vector_store_idx %arg12[%parallel_loop3A_1031], %parallel_loop3A_1030 : memref<4096xf32, #tpu.memory_space<vmem>>[vector<16xi32>], vector<16xf32>,
        %parallel_loop3A_1032 = arith.constant 16 : i32
        %parallel_loop3A_1033 = vector.broadcast %parallel_loop3A_1032 : i32 to vector<16xi32>
        %parallel_loop3A_1034 = arith.addi %and3A_71, %parallel_loop3A_1033 : vector<16xi32>
        %parallel_loop3A_1035 = tpu.vector_load_idx %arg8[%parallel_loop3A_941, %parallel_loop3A_1034] : memref<128x32xf32, #tpu.memory_space<vmem>>[vector<16xi32>, vector<16xi32>], vector<16xf32>,
        %parallel_loop3A_1036 = arith.addi %shift_left3A_130, %parallel_loop3A_944 : vector<16xi32>
        tpu.vector_store_idx %arg12[%parallel_loop3A_1036], %parallel_loop3A_1035 : memref<4096xf32, #tpu.memory_space<vmem>>[vector<16xi32>], vector<16xf32>,
        %parallel_loop3A_1037 = arith.constant 16 : i32
        %parallel_loop3A_1038 = vector.broadcast %parallel_loop3A_1037 : i32 to vector<16xi32>
        %parallel_loop3A_1039 = arith.addi %and3A_77, %parallel_loop3A_1038 : vector<16xi32>
        %parallel_loop3A_1040 = tpu.vector_load_idx %arg8[%parallel_loop3A_941, %parallel_loop3A_1039] : memref<128x32xf32, #tpu.memory_space<vmem>>[vector<16xi32>, vector<16xi32>], vector<16xf32>,
        %parallel_loop3A_1041 = arith.addi %shift_left3A_133, %parallel_loop3A_944 : vector<16xi32>
        tpu.vector_store_idx %arg12[%parallel_loop3A_1041], %parallel_loop3A_1040 : memref<4096xf32, #tpu.memory_space<vmem>>[vector<16xi32>], vector<16xf32>,
        %parallel_loop3A_1042 = arith.constant 16 : i32
        %parallel_loop3A_1043 = vector.broadcast %parallel_loop3A_1042 : i32 to vector<16xi32>
        %parallel_loop3A_1044 = arith.addi %and3A_83, %parallel_loop3A_1043 : vector<16xi32>
        %parallel_loop3A_1045 = tpu.vector_load_idx %arg8[%parallel_loop3A_941, %parallel_loop3A_1044] : memref<128x32xf32, #tpu.memory_space<vmem>>[vector<16xi32>, vector<16xi32>], vector<16xf32>,
        %parallel_loop3A_1046 = arith.addi %shift_left3A_136, %parallel_loop3A_944 : vector<16xi32>
        tpu.vector_store_idx %arg12[%parallel_loop3A_1046], %parallel_loop3A_1045 : memref<4096xf32, #tpu.memory_space<vmem>>[vector<16xi32>], vector<16xf32>,
        %parallel_loop3A_1047 = arith.constant 16 : i32
        %parallel_loop3A_1048 = vector.broadcast %parallel_loop3A_1047 : i32 to vector<16xi32>
        %parallel_loop3A_1049 = arith.addi %and3A_89, %parallel_loop3A_1048 : vector<16xi32>
        %parallel_loop3A_1050 = tpu.vector_load_idx %arg8[%parallel_loop3A_941, %parallel_loop3A_1049] : memref<128x32xf32, #tpu.memory_space<vmem>>[vector<16xi32>, vector<16xi32>], vector<16xf32>,
        %parallel_loop3A_1051 = arith.addi %shift_left3A_139, %parallel_loop3A_944 : vector<16xi32>
        tpu.vector_store_idx %arg12[%parallel_loop3A_1051], %parallel_loop3A_1050 : memref<4096xf32, #tpu.memory_space<vmem>>[vector<16xi32>], vector<16xf32>,
        %parallel_loop3A_1052 = arith.constant 16 : i32
        %parallel_loop3A_1053 = vector.broadcast %parallel_loop3A_1052 : i32 to vector<16xi32>
        %parallel_loop3A_1054 = arith.addi %and3A_95, %parallel_loop3A_1053 : vector<16xi32>
        %parallel_loop3A_1055 = tpu.vector_load_idx %arg8[%parallel_loop3A_941, %parallel_loop3A_1054] : memref<128x32xf32, #tpu.memory_space<vmem>>[vector<16xi32>, vector<16xi32>], vector<16xf32>,
        %parallel_loop3A_1056 = arith.addi %shift_left3A_142, %parallel_loop3A_944 : vector<16xi32>
        tpu.vector_store_idx %arg12[%parallel_loop3A_1056], %parallel_loop3A_1055 : memref<4096xf32, #tpu.memory_space<vmem>>[vector<16xi32>], vector<16xf32>,
      } {sc.loop_unroll_factor = 4 : i64, sc.parallel_access}
      %dma_start3A_747 = arith.constant 0 : i32
      %dma_start3A_748 = arith.constant 2 : i32
      %dma_start3A_749 = arith.constant 0 : i32
      %dma_start3A_750 = tpu.memref_slice %arg12[%dma_start3A_749] : memref<4096xf32, #tpu.memory_space<vmem>> -> memref<1024xf32, #tpu.memory_space<vmem>>
      %dma_start3A_751 = arith.constant 0 : i32
      %dma_start3A_752 = tpu.memref_slice %arg4[%select_n3A_729, %dma_start3A_747, %add3A_713, %dma_start3A_751] : memref<50x4x128x1024xf32, #tpu.memory_space<hbm>> -> memref<1x1x1x1024xf32, #tpu.memory_space<hbm>>
      %dma_start3A_753 = tpu.memref_squeeze %dma_start3A_752 : memref<1x1x1x1024xf32, #tpu.memory_space<hbm>> -> memref<1024xf32, #tpu.memory_space<hbm>>
      %dma_start3A_754 = tpu.memref_slice %arg15[%dma_start3A_748] : memref<4x!tpu.dma_semaphore, #tpu.memory_space<semaphore_mem>> -> memref<1x!tpu.dma_semaphore, #tpu.memory_space<semaphore_mem>>
      %dma_start3A_755 = tpu.memref_squeeze %dma_start3A_754 : memref<1x!tpu.dma_semaphore, #tpu.memory_space<semaphore_mem>> -> memref<!tpu.dma_semaphore, #tpu.memory_space<semaphore_mem>>
      %dma_start3A_756 = arith.constant 0 : i32
      %dma_start3A_757 = tpu.memref_slice %arg4[%select_n3A_729, %dma_start3A_747, %add3A_713, %dma_start3A_756] : memref<50x4x128x1024xf32, #tpu.memory_space<hbm>> -> memref<1x1x1x1024xf32, #tpu.memory_space<hbm>>
      %dma_start3A_758 = tpu.memref_squeeze %dma_start3A_757 : memref<1x1x1x1024xf32, #tpu.memory_space<hbm>> -> memref<1024xf32, #tpu.memory_space<hbm>>
      %dma_start3A_759 = arith.constant 0 : i32
      %dma_start3A_760 = tpu.memref_slice %arg12[%dma_start3A_759] : memref<4096xf32, #tpu.memory_space<vmem>> -> memref<1024xf32, #tpu.memory_space<vmem>>
      tpu.enqueue_dma source(%dma_start3A_760 : memref<1024xf32, #tpu.memory_space<vmem>>) target(%dma_start3A_758 : memref<1024xf32, #tpu.memory_space<hbm>>) target_semaphore(%dma_start3A_755 : memref<!tpu.dma_semaphore, #tpu.memory_space<semaphore_mem>>)
      %dma_start3A_761 = arith.constant 1 : i32
      %dma_start3A_762 = arith.constant 2 : i32
      %dma_start3A_763 = arith.constant 1024 : i32
      %dma_start3A_764 = tpu.memref_slice %arg12[%dma_start3A_763] : memref<4096xf32, #tpu.memory_space<vmem>> -> memref<1024xf32, #tpu.memory_space<vmem>>
      %dma_start3A_765 = arith.constant 0 : i32
      %dma_start3A_766 = tpu.memref_slice %arg4[%select_n3A_729, %dma_start3A_761, %add3A_713, %dma_start3A_765] : memref<50x4x128x1024xf32, #tpu.memory_space<hbm>> -> memref<1x1x1x1024xf32, #tpu.memory_space<hbm>>
      %dma_start3A_767 = tpu.memref_squeeze %dma_start3A_766 : memref<1x1x1x1024xf32, #tpu.memory_space<hbm>> -> memref<1024xf32, #tpu.memory_space<hbm>>
      %dma_start3A_768 = tpu.memref_slice %arg15[%dma_start3A_762] : memref<4x!tpu.dma_semaphore, #tpu.memory_space<semaphore_mem>> -> memref<1x!tpu.dma_semaphore, #tpu.memory_space<semaphore_mem>>
      %dma_start3A_769 = tpu.memref_squeeze %dma_start3A_768 : memref<1x!tpu.dma_semaphore, #tpu.memory_space<semaphore_mem>> -> memref<!tpu.dma_semaphore, #tpu.memory_space<semaphore_mem>>
      %dma_start3A_770 = arith.constant 0 : i32
      %dma_start3A_771 = tpu.memref_slice %arg4[%select_n3A_729, %dma_start3A_761, %add3A_713, %dma_start3A_770] : memref<50x4x128x1024xf32, #tpu.memory_space<hbm>> -> memref<1x1x1x1024xf32, #tpu.memory_space<hbm>>
      %dma_start3A_772 = tpu.memref_squeeze %dma_start3A_771 : memref<1x1x1x1024xf32, #tpu.memory_space<hbm>> -> memref<1024xf32, #tpu.memory_space<hbm>>
      %dma_start3A_773 = arith.constant 1024 : i32
      %dma_start3A_774 = tpu.memref_slice %arg12[%dma_start3A_773] : memref<4096xf32, #tpu.memory_space<vmem>> -> memref<1024xf32, #tpu.memory_space<vmem>>
      tpu.enqueue_dma source(%dma_start3A_774 : memref<1024xf32, #tpu.memory_space<vmem>>) target(%dma_start3A_772 : memref<1024xf32, #tpu.memory_space<hbm>>) target_semaphore(%dma_start3A_769 : memref<!tpu.dma_semaphore, #tpu.memory_space<semaphore_mem>>)
      %dma_start3A_775 = arith.constant 2 : i32
      %dma_start3A_776 = arith.constant 2 : i32
      %dma_start3A_777 = arith.constant 2048 : i32
      %dma_start3A_778 = tpu.memref_slice %arg12[%dma_start3A_777] : memref<4096xf32, #tpu.memory_space<vmem>> -> memref<1024xf32, #tpu.memory_space<vmem>>
      %dma_start3A_779 = arith.constant 0 : i32
      %dma_start3A_780 = tpu.memref_slice %arg4[%select_n3A_729, %dma_start3A_775, %add3A_713, %dma_start3A_779] : memref<50x4x128x1024xf32, #tpu.memory_space<hbm>> -> memref<1x1x1x1024xf32, #tpu.memory_space<hbm>>
      %dma_start3A_781 = tpu.memref_squeeze %dma_start3A_780 : memref<1x1x1x1024xf32, #tpu.memory_space<hbm>> -> memref<1024xf32, #tpu.memory_space<hbm>>
      %dma_start3A_782 = tpu.memref_slice %arg15[%dma_start3A_776] : memref<4x!tpu.dma_semaphore, #tpu.memory_space<semaphore_mem>> -> memref<1x!tpu.dma_semaphore, #tpu.memory_space<semaphore_mem>>
      %dma_start3A_783 = tpu.memref_squeeze %dma_start3A_782 : memref<1x!tpu.dma_semaphore, #tpu.memory_space<semaphore_mem>> -> memref<!tpu.dma_semaphore, #tpu.memory_space<semaphore_mem>>
      %dma_start3A_784 = arith.constant 0 : i32
      %dma_start3A_785 = tpu.memref_slice %arg4[%select_n3A_729, %dma_start3A_775, %add3A_713, %dma_start3A_784] : memref<50x4x128x1024xf32, #tpu.memory_space<hbm>> -> memref<1x1x1x1024xf32, #tpu.memory_space<hbm>>
      %dma_start3A_786 = tpu.memref_squeeze %dma_start3A_785 : memref<1x1x1x1024xf32, #tpu.memory_space<hbm>> -> memref<1024xf32, #tpu.memory_space<hbm>>
      %dma_start3A_787 = arith.constant 2048 : i32
      %dma_start3A_788 = tpu.memref_slice %arg12[%dma_start3A_787] : memref<4096xf32, #tpu.memory_space<vmem>> -> memref<1024xf32, #tpu.memory_space<vmem>>
      tpu.enqueue_dma source(%dma_start3A_788 : memref<1024xf32, #tpu.memory_space<vmem>>) target(%dma_start3A_786 : memref<1024xf32, #tpu.memory_space<hbm>>) target_semaphore(%dma_start3A_783 : memref<!tpu.dma_semaphore, #tpu.memory_space<semaphore_mem>>)
      %dma_start3A_789 = arith.constant 3 : i32
      %dma_start3A_790 = arith.constant 2 : i32
      %dma_start3A_791 = arith.constant 3072 : i32
      %dma_start3A_792 = tpu.memref_slice %arg12[%dma_start3A_791] : memref<4096xf32, #tpu.memory_space<vmem>> -> memref<1024xf32, #tpu.memory_space<vmem>>
      %dma_start3A_793 = arith.constant 0 : i32
      %dma_start3A_794 = tpu.memref_slice %arg4[%select_n3A_729, %dma_start3A_789, %add3A_713, %dma_start3A_793] : memref<50x4x128x1024xf32, #tpu.memory_space<hbm>> -> memref<1x1x1x1024xf32, #tpu.memory_space<hbm>>
      %dma_start3A_795 = tpu.memref_squeeze %dma_start3A_794 : memref<1x1x1x1024xf32, #tpu.memory_space<hbm>> -> memref<1024xf32, #tpu.memory_space<hbm>>
      %dma_start3A_796 = tpu.memref_slice %arg15[%dma_start3A_790] : memref<4x!tpu.dma_semaphore, #tpu.memory_space<semaphore_mem>> -> memref<1x!tpu.dma_semaphore, #tpu.memory_space<semaphore_mem>>
      %dma_start3A_797 = tpu.memref_squeeze %dma_start3A_796 : memref<1x!tpu.dma_semaphore, #tpu.memory_space<semaphore_mem>> -> memref<!tpu.dma_semaphore, #tpu.memory_space<semaphore_mem>>
      %dma_start3A_798 = arith.constant 0 : i32
      %dma_start3A_799 = tpu.memref_slice %arg4[%select_n3A_729, %dma_start3A_789, %add3A_713, %dma_start3A_798] : memref<50x4x128x1024xf32, #tpu.memory_space<hbm>> -> memref<1x1x1x1024xf32, #tpu.memory_space<hbm>>
      %dma_start3A_800 = tpu.memref_squeeze %dma_start3A_799 : memref<1x1x1x1024xf32, #tpu.memory_space<hbm>> -> memref<1024xf32, #tpu.memory_space<hbm>>
      %dma_start3A_801 = arith.constant 3072 : i32
      %dma_start3A_802 = tpu.memref_slice %arg12[%dma_start3A_801] : memref<4096xf32, #tpu.memory_space<vmem>> -> memref<1024xf32, #tpu.memory_space<vmem>>
      tpu.enqueue_dma source(%dma_start3A_802 : memref<1024xf32, #tpu.memory_space<vmem>>) target(%dma_start3A_800 : memref<1024xf32, #tpu.memory_space<hbm>>) target_semaphore(%dma_start3A_797 : memref<!tpu.dma_semaphore, #tpu.memory_space<semaphore_mem>>)
      %add3A_803 = arith.constant 4 : i32
      %add3A_804 = arith.addi %add3A_686, %add3A_803 : i32
      %lt3A_805 = arith.constant 200 : i32
      %lt3A_806 = arith.cmpi slt, %add3A_804, %lt3A_805 : i32
      %convert_element_type3A_807 = arith.extui %lt3A_806 : i1 to i32
      %cond3A_808 = arith.constant 0 : i32
      %cond3A_809 = arith.cmpi ne, %convert_element_type3A_807, %cond3A_808 : i32
      scf.if %cond3A_809 {
        %add3A_937 = arith.constant 4 : i32
        %add3A_938 = arith.addi %add3A_686, %add3A_937 : i32
        %dma_start3A_939 = arith.constant 2 : i32
        %dma_start3A_940 = arith.constant 0 : i32
        %dma_start3A_941 = tpu.memref_slice %arg5[%add3A_938, %dma_start3A_940] : memref<200x128xi32, #tpu.memory_space<vmem>> -> memref<1x128xi32, #tpu.memory_space<vmem>>
        %dma_start3A_942 = tpu.memref_squeeze %dma_start3A_941 : memref<1x128xi32, #tpu.memory_space<vmem>> -> memref<128xi32, #tpu.memory_space<vmem>>
        %dma_start3A_943 = arith.constant 0 : i32
        %dma_start3A_944 = arith.constant 0 : i32
        %dma_start3A_945 = tpu.memref_slice %arg2[%dma_start3A_943, %dma_start3A_944] : memref<1000000x32xf32, #tpu.memory_space<hbm>> -> memref<1000000x32xf32, #tpu.memory_space<hbm>>
        %dma_start3A_946 = tpu.memref_slice %arg14[%dma_start3A_939] : memref<4x!tpu.dma_semaphore, #tpu.memory_space<semaphore_mem>> -> memref<1x!tpu.dma_semaphore, #tpu.memory_space<semaphore_mem>>
        %dma_start3A_947 = tpu.memref_squeeze %dma_start3A_946 : memref<1x!tpu.dma_semaphore, #tpu.memory_space<semaphore_mem>> -> memref<!tpu.dma_semaphore, #tpu.memory_space<semaphore_mem>>
        tpu.enqueue_indirect_dma source(%dma_start3A_945 : memref<1000000x32xf32, #tpu.memory_space<hbm>>) target(%arg8 : memref<128x32xf32, #tpu.memory_space<vmem>>) offsets(%dma_start3A_942 : memref<128xi32, #tpu.memory_space<vmem>>) semaphore(%dma_start3A_947 : memref<!tpu.dma_semaphore, #tpu.memory_space<semaphore_mem>>)
      } else {
      }
      %mul3A_810 = arith.constant 4 : i32
      %mul3A_811 = arith.muli %scan3A_441, %mul3A_810 : i32
      %add3A_812 = arith.constant 3 : i32
      %add3A_813 = arith.addi %mul3A_811, %add3A_812 : i32
      %mul3A_814 = arith.constant 4 : i32
      %mul3A_815 = arith.muli %add3A, %mul3A_814 : i32
      %jit3A_816 = arith.constant 50 : i32
      %div3A_817 = arith.divsi %add3A_813, %jit3A_816 : i32
      %sign3A_818 = arith.constant 0 : i32
      %sign3A_819 = arith.cmpi sgt, %add3A_813, %sign3A_818 : i32
      %sign3A_820 = arith.extui %sign3A_819 : i1 to i32
      %sign3A_821 = arith.constant 0 : i32
      %sign3A_822 = arith.cmpi slt, %add3A_813, %sign3A_821 : i32
      %sign3A_823 = arith.extui %sign3A_822 : i1 to i32
      %sign3A_824 = arith.subi %sign3A_820, %sign3A_823 : i32
      %sign3A_825 = arith.constant 0 : i32
      %sign3A_826 = arith.cmpi sgt, %jit3A_816, %sign3A_825 : i32
      %sign3A_827 = arith.extui %sign3A_826 : i1 to i32
      %sign3A_828 = arith.constant 0 : i32
      %sign3A_829 = arith.cmpi slt, %jit3A_816, %sign3A_828 : i32
      %sign3A_830 = arith.extui %sign3A_829 : i1 to i32
      %sign3A_831 = arith.subi %sign3A_827, %sign3A_830 : i32
      %ne3A_832 = arith.cmpi ne, %sign3A_824, %sign3A_831 : i32
      %rem3A_833 = arith.remsi %add3A_813, %jit3A_816 : i32
      %ne3A_834 = arith.constant 0 : i32
      %ne3A_835 = arith.cmpi ne, %rem3A_833, %ne3A_834 : i32
      %and3A_836 = arith.andi %ne3A_832, %ne3A_835 : i1
      %sub3A_837 = arith.constant 1 : i32
      %sub3A_838 = arith.subi %div3A_817, %sub3A_837 : i32
      %select_n3A_839 = arith.select %and3A_836, %sub3A_838, %div3A_817 : i32
      %add3A_840 = arith.addi %mul3A_815, %select_n3A_839 : i32
      %jit3A_841 = arith.constant 50 : i32
      %eq3A_842 = arith.constant 0 : i32
      %eq3A_843 = arith.cmpi eq, %jit3A_841, %eq3A_842 : i32
      %jit3A_844 = arith.constant 1 : i32
      %select_n3A_845 = arith.select %eq3A_843, %jit3A_844, %jit3A_841 : i32
      %rem3A_846 = arith.remsi %add3A_813, %select_n3A_845 : i32
      %ne3A_847 = arith.constant 0 : i32
      %ne3A_848 = arith.cmpi ne, %rem3A_846, %ne3A_847 : i32
      %lt3A_849 = arith.constant 0 : i32
      %lt3A_850 = arith.cmpi slt, %rem3A_846, %lt3A_849 : i32
      %lt3A_851 = arith.constant 0 : i32
      %lt3A_852 = arith.cmpi slt, %select_n3A_845, %lt3A_851 : i32
      %ne3A_853 = arith.xori %lt3A_850, %lt3A_852 : i1
      %and3A_854 = arith.andi %ne3A_853, %ne3A_848 : i1
      %add3A_855 = arith.addi %rem3A_846, %select_n3A_845 : i32
      %select_n3A_856 = arith.select %and3A_854, %add3A_855, %rem3A_846 : i32
      %dma_wait3A_857 = arith.constant 3 : i32
      %dma_wait3A_858 = arith.constant 0 : i32
      %dma_wait3A_859 = tpu.memref_slice %arg5[%add3A_813, %dma_wait3A_858] : memref<200x128xi32, #tpu.memory_space<vmem>> -> memref<1x128xi32, #tpu.memory_space<vmem>>
      %dma_wait3A_860 = tpu.memref_squeeze %dma_wait3A_859 : memref<1x128xi32, #tpu.memory_space<vmem>> -> memref<128xi32, #tpu.memory_space<vmem>>
      %dma_wait3A_861 = arith.constant 0 : i32
      %dma_wait3A_862 = arith.constant 0 : i32
      %dma_wait3A_863 = tpu.memref_slice %arg2[%dma_wait3A_861, %dma_wait3A_862] : memref<1000000x32xf32, #tpu.memory_space<hbm>> -> memref<1000000x32xf32, #tpu.memory_space<hbm>>
      %dma_wait3A_864 = tpu.memref_slice %arg14[%dma_wait3A_857] : memref<4x!tpu.dma_semaphore, #tpu.memory_space<semaphore_mem>> -> memref<1x!tpu.dma_semaphore, #tpu.memory_space<semaphore_mem>>
      %dma_wait3A_865 = tpu.memref_squeeze %dma_wait3A_864 : memref<1x!tpu.dma_semaphore, #tpu.memory_space<semaphore_mem>> -> memref<!tpu.dma_semaphore, #tpu.memory_space<semaphore_mem>>
      tpu.wait_indirect_dma semaphore(%dma_wait3A_865 : memref<!tpu.dma_semaphore, #tpu.memory_space<semaphore_mem>>) src(%dma_wait3A_863 : memref<1000000x32xf32, #tpu.memory_space<hbm>>) dst(%arg9 : memref<128x32xf32, #tpu.memory_space<vmem>>)
      %ge3A_866 = arith.constant 4 : i32
      %ge3A_867 = arith.cmpi sge, %add3A_813, %ge3A_866 : i32
      %convert_element_type3A_868 = arith.extui %ge3A_867 : i1 to i32
      %cond3A_869 = arith.constant 0 : i32
      %cond3A_870 = arith.cmpi ne, %convert_element_type3A_868, %cond3A_869 : i32
      scf.if %cond3A_870 {
        %dma_wait3A_937 = arith.constant 0 : i32
        %dma_wait3A_938 = arith.constant 0 : i32
        %dma_wait3A_939 = arith.constant 0 : i32
        %dma_wait3A_940 = arith.constant 3 : i32
        %dma_wait3A_941 = arith.constant 0 : i32
        %dma_wait3A_942 = tpu.memref_slice %arg13[%dma_wait3A_941] : memref<4096xf32, #tpu.memory_space<vmem>> -> memref<1024xf32, #tpu.memory_space<vmem>>
        %dma_wait3A_943 = arith.constant 0 : i32
        %dma_wait3A_944 = tpu.memref_slice %arg4[%dma_wait3A_937, %dma_wait3A_938, %dma_wait3A_939, %dma_wait3A_943] : memref<50x4x128x1024xf32, #tpu.memory_space<hbm>> -> memref<1x1x1x1024xf32, #tpu.memory_space<hbm>>
        %dma_wait3A_945 = tpu.memref_squeeze %dma_wait3A_944 : memref<1x1x1x1024xf32, #tpu.memory_space<hbm>> -> memref<1024xf32, #tpu.memory_space<hbm>>
        %dma_wait3A_946 = tpu.memref_slice %arg15[%dma_wait3A_940] : memref<4x!tpu.dma_semaphore, #tpu.memory_space<semaphore_mem>> -> memref<1x!tpu.dma_semaphore, #tpu.memory_space<semaphore_mem>>
        %dma_wait3A_947 = tpu.memref_squeeze %dma_wait3A_946 : memref<1x!tpu.dma_semaphore, #tpu.memory_space<semaphore_mem>> -> memref<!tpu.dma_semaphore, #tpu.memory_space<semaphore_mem>>
        %dma_wait3A_948 = arith.constant 0 : i32
        %dma_wait3A_949 = tpu.memref_slice %arg4[%dma_wait3A_937, %dma_wait3A_938, %dma_wait3A_939, %dma_wait3A_948] : memref<50x4x128x1024xf32, #tpu.memory_space<hbm>> -> memref<1x1x1x1024xf32, #tpu.memory_space<hbm>>
        %dma_wait3A_950 = tpu.memref_squeeze %dma_wait3A_949 : memref<1x1x1x1024xf32, #tpu.memory_space<hbm>> -> memref<1024xf32, #tpu.memory_space<hbm>>
        %dma_wait3A_951 = arith.constant 0 : i32
        %dma_wait3A_952 = tpu.memref_slice %arg13[%dma_wait3A_951] : memref<4096xf32, #tpu.memory_space<vmem>> -> memref<1024xf32, #tpu.memory_space<vmem>>
        tpu.wait_dma2 semaphore(%dma_wait3A_947 : memref<!tpu.dma_semaphore, #tpu.memory_space<semaphore_mem>>) src(%dma_wait3A_952 : memref<1024xf32, #tpu.memory_space<vmem>>) dst(%dma_wait3A_950 : memref<1024xf32, #tpu.memory_space<hbm>>)
        %dma_wait3A_953 = arith.constant 0 : i32
        %dma_wait3A_954 = arith.constant 0 : i32
        %dma_wait3A_955 = arith.constant 0 : i32
        %dma_wait3A_956 = arith.constant 3 : i32
        %dma_wait3A_957 = arith.constant 1024 : i32
        %dma_wait3A_958 = tpu.memref_slice %arg13[%dma_wait3A_957] : memref<4096xf32, #tpu.memory_space<vmem>> -> memref<1024xf32, #tpu.memory_space<vmem>>
        %dma_wait3A_959 = arith.constant 0 : i32
        %dma_wait3A_960 = tpu.memref_slice %arg4[%dma_wait3A_953, %dma_wait3A_954, %dma_wait3A_955, %dma_wait3A_959] : memref<50x4x128x1024xf32, #tpu.memory_space<hbm>> -> memref<1x1x1x1024xf32, #tpu.memory_space<hbm>>
        %dma_wait3A_961 = tpu.memref_squeeze %dma_wait3A_960 : memref<1x1x1x1024xf32, #tpu.memory_space<hbm>> -> memref<1024xf32, #tpu.memory_space<hbm>>
        %dma_wait3A_962 = tpu.memref_slice %arg15[%dma_wait3A_956] : memref<4x!tpu.dma_semaphore, #tpu.memory_space<semaphore_mem>> -> memref<1x!tpu.dma_semaphore, #tpu.memory_space<semaphore_mem>>
        %dma_wait3A_963 = tpu.memref_squeeze %dma_wait3A_962 : memref<1x!tpu.dma_semaphore, #tpu.memory_space<semaphore_mem>> -> memref<!tpu.dma_semaphore, #tpu.memory_space<semaphore_mem>>
        %dma_wait3A_964 = arith.constant 0 : i32
        %dma_wait3A_965 = tpu.memref_slice %arg4[%dma_wait3A_953, %dma_wait3A_954, %dma_wait3A_955, %dma_wait3A_964] : memref<50x4x128x1024xf32, #tpu.memory_space<hbm>> -> memref<1x1x1x1024xf32, #tpu.memory_space<hbm>>
        %dma_wait3A_966 = tpu.memref_squeeze %dma_wait3A_965 : memref<1x1x1x1024xf32, #tpu.memory_space<hbm>> -> memref<1024xf32, #tpu.memory_space<hbm>>
        %dma_wait3A_967 = arith.constant 1024 : i32
        %dma_wait3A_968 = tpu.memref_slice %arg13[%dma_wait3A_967] : memref<4096xf32, #tpu.memory_space<vmem>> -> memref<1024xf32, #tpu.memory_space<vmem>>
        tpu.wait_dma2 semaphore(%dma_wait3A_963 : memref<!tpu.dma_semaphore, #tpu.memory_space<semaphore_mem>>) src(%dma_wait3A_968 : memref<1024xf32, #tpu.memory_space<vmem>>) dst(%dma_wait3A_966 : memref<1024xf32, #tpu.memory_space<hbm>>)
        %dma_wait3A_969 = arith.constant 0 : i32
        %dma_wait3A_970 = arith.constant 0 : i32
        %dma_wait3A_971 = arith.constant 0 : i32
        %dma_wait3A_972 = arith.constant 3 : i32
        %dma_wait3A_973 = arith.constant 2048 : i32
        %dma_wait3A_974 = tpu.memref_slice %arg13[%dma_wait3A_973] : memref<4096xf32, #tpu.memory_space<vmem>> -> memref<1024xf32, #tpu.memory_space<vmem>>
        %dma_wait3A_975 = arith.constant 0 : i32
        %dma_wait3A_976 = tpu.memref_slice %arg4[%dma_wait3A_969, %dma_wait3A_970, %dma_wait3A_971, %dma_wait3A_975] : memref<50x4x128x1024xf32, #tpu.memory_space<hbm>> -> memref<1x1x1x1024xf32, #tpu.memory_space<hbm>>
        %dma_wait3A_977 = tpu.memref_squeeze %dma_wait3A_976 : memref<1x1x1x1024xf32, #tpu.memory_space<hbm>> -> memref<1024xf32, #tpu.memory_space<hbm>>
        %dma_wait3A_978 = tpu.memref_slice %arg15[%dma_wait3A_972] : memref<4x!tpu.dma_semaphore, #tpu.memory_space<semaphore_mem>> -> memref<1x!tpu.dma_semaphore, #tpu.memory_space<semaphore_mem>>
        %dma_wait3A_979 = tpu.memref_squeeze %dma_wait3A_978 : memref<1x!tpu.dma_semaphore, #tpu.memory_space<semaphore_mem>> -> memref<!tpu.dma_semaphore, #tpu.memory_space<semaphore_mem>>
        %dma_wait3A_980 = arith.constant 0 : i32
        %dma_wait3A_981 = tpu.memref_slice %arg4[%dma_wait3A_969, %dma_wait3A_970, %dma_wait3A_971, %dma_wait3A_980] : memref<50x4x128x1024xf32, #tpu.memory_space<hbm>> -> memref<1x1x1x1024xf32, #tpu.memory_space<hbm>>
        %dma_wait3A_982 = tpu.memref_squeeze %dma_wait3A_981 : memref<1x1x1x1024xf32, #tpu.memory_space<hbm>> -> memref<1024xf32, #tpu.memory_space<hbm>>
        %dma_wait3A_983 = arith.constant 2048 : i32
        %dma_wait3A_984 = tpu.memref_slice %arg13[%dma_wait3A_983] : memref<4096xf32, #tpu.memory_space<vmem>> -> memref<1024xf32, #tpu.memory_space<vmem>>
        tpu.wait_dma2 semaphore(%dma_wait3A_979 : memref<!tpu.dma_semaphore, #tpu.memory_space<semaphore_mem>>) src(%dma_wait3A_984 : memref<1024xf32, #tpu.memory_space<vmem>>) dst(%dma_wait3A_982 : memref<1024xf32, #tpu.memory_space<hbm>>)
        %dma_wait3A_985 = arith.constant 0 : i32
        %dma_wait3A_986 = arith.constant 0 : i32
        %dma_wait3A_987 = arith.constant 0 : i32
        %dma_wait3A_988 = arith.constant 3 : i32
        %dma_wait3A_989 = arith.constant 3072 : i32
        %dma_wait3A_990 = tpu.memref_slice %arg13[%dma_wait3A_989] : memref<4096xf32, #tpu.memory_space<vmem>> -> memref<1024xf32, #tpu.memory_space<vmem>>
        %dma_wait3A_991 = arith.constant 0 : i32
        %dma_wait3A_992 = tpu.memref_slice %arg4[%dma_wait3A_985, %dma_wait3A_986, %dma_wait3A_987, %dma_wait3A_991] : memref<50x4x128x1024xf32, #tpu.memory_space<hbm>> -> memref<1x1x1x1024xf32, #tpu.memory_space<hbm>>
        %dma_wait3A_993 = tpu.memref_squeeze %dma_wait3A_992 : memref<1x1x1x1024xf32, #tpu.memory_space<hbm>> -> memref<1024xf32, #tpu.memory_space<hbm>>
        %dma_wait3A_994 = tpu.memref_slice %arg15[%dma_wait3A_988] : memref<4x!tpu.dma_semaphore, #tpu.memory_space<semaphore_mem>> -> memref<1x!tpu.dma_semaphore, #tpu.memory_space<semaphore_mem>>
        %dma_wait3A_995 = tpu.memref_squeeze %dma_wait3A_994 : memref<1x!tpu.dma_semaphore, #tpu.memory_space<semaphore_mem>> -> memref<!tpu.dma_semaphore, #tpu.memory_space<semaphore_mem>>
        %dma_wait3A_996 = arith.constant 0 : i32
        %dma_wait3A_997 = tpu.memref_slice %arg4[%dma_wait3A_985, %dma_wait3A_986, %dma_wait3A_987, %dma_wait3A_996] : memref<50x4x128x1024xf32, #tpu.memory_space<hbm>> -> memref<1x1x1x1024xf32, #tpu.memory_space<hbm>>
        %dma_wait3A_998 = tpu.memref_squeeze %dma_wait3A_997 : memref<1x1x1x1024xf32, #tpu.memory_space<hbm>> -> memref<1024xf32, #tpu.memory_space<hbm>>
        %dma_wait3A_999 = arith.constant 3072 : i32
        %dma_wait3A_1000 = tpu.memref_slice %arg13[%dma_wait3A_999] : memref<4096xf32, #tpu.memory_space<vmem>> -> memref<1024xf32, #tpu.memory_space<vmem>>
        tpu.wait_dma2 semaphore(%dma_wait3A_995 : memref<!tpu.dma_semaphore, #tpu.memory_space<semaphore_mem>>) src(%dma_wait3A_1000 : memref<1024xf32, #tpu.memory_space<vmem>>) dst(%dma_wait3A_998 : memref<1024xf32, #tpu.memory_space<hbm>>)
      } else {
      }
      %parallel_loop3A_871 = arith.constant 0 : i32
      %parallel_loop3A_872 = arith.constant 8 : i32
      %parallel_loop3A_873 = arith.constant 1 : i32
      scf.for %parallel_loop3A_937 = %parallel_loop3A_871 to %parallel_loop3A_872 step %parallel_loop3A_873  : i32 {
        %parallel_loop3A_938 = arith.constant 16 : i32
        %parallel_loop3A_939 = arith.muli %parallel_loop3A_938, %parallel_loop3A_937 : i32
        %parallel_loop3A_940 = vector.broadcast %parallel_loop3A_939 : i32 to vector<16xi32>
        %parallel_loop3A_941 = arith.addi %iota3A, %parallel_loop3A_940 : vector<16xi32>
        %parallel_loop3A_942 = arith.constant 2048 : i32
        %parallel_loop3A_943 = vector.broadcast %parallel_loop3A_942 : i32 to vector<16xi32>
        %parallel_loop3A_944 = arith.addi %parallel_loop3A_941, %parallel_loop3A_943 : vector<16xi32>
        %parallel_loop3A_945 = tpu.vector_load_idx %arg9[%parallel_loop3A_941, %and3A_5] : memref<128x32xf32, #tpu.memory_space<vmem>>[vector<16xi32>, vector<16xi32>], vector<16xf32>,
        %parallel_loop3A_946 = arith.addi %shift_left3A_97, %parallel_loop3A_941 : vector<16xi32>
        tpu.vector_store_idx %arg13[%parallel_loop3A_946], %parallel_loop3A_945 : memref<4096xf32, #tpu.memory_space<vmem>>[vector<16xi32>], vector<16xf32>,
        %parallel_loop3A_947 = tpu.vector_load_idx %arg9[%parallel_loop3A_941, %and3A_11] : memref<128x32xf32, #tpu.memory_space<vmem>>[vector<16xi32>, vector<16xi32>], vector<16xf32>,
        %parallel_loop3A_948 = arith.addi %shift_left3A_100, %parallel_loop3A_941 : vector<16xi32>
        tpu.vector_store_idx %arg13[%parallel_loop3A_948], %parallel_loop3A_947 : memref<4096xf32, #tpu.memory_space<vmem>>[vector<16xi32>], vector<16xf32>,
        %parallel_loop3A_949 = tpu.vector_load_idx %arg9[%parallel_loop3A_941, %and3A_17] : memref<128x32xf32, #tpu.memory_space<vmem>>[vector<16xi32>, vector<16xi32>], vector<16xf32>,
        %parallel_loop3A_950 = arith.addi %shift_left3A_103, %parallel_loop3A_941 : vector<16xi32>
        tpu.vector_store_idx %arg13[%parallel_loop3A_950], %parallel_loop3A_949 : memref<4096xf32, #tpu.memory_space<vmem>>[vector<16xi32>], vector<16xf32>,
        %parallel_loop3A_951 = tpu.vector_load_idx %arg9[%parallel_loop3A_941, %and3A_23] : memref<128x32xf32, #tpu.memory_space<vmem>>[vector<16xi32>, vector<16xi32>], vector<16xf32>,
        %parallel_loop3A_952 = arith.addi %shift_left3A_106, %parallel_loop3A_941 : vector<16xi32>
        tpu.vector_store_idx %arg13[%parallel_loop3A_952], %parallel_loop3A_951 : memref<4096xf32, #tpu.memory_space<vmem>>[vector<16xi32>], vector<16xf32>,
        %parallel_loop3A_953 = tpu.vector_load_idx %arg9[%parallel_loop3A_941, %and3A_29] : memref<128x32xf32, #tpu.memory_space<vmem>>[vector<16xi32>, vector<16xi32>], vector<16xf32>,
        %parallel_loop3A_954 = arith.addi %shift_left3A_109, %parallel_loop3A_941 : vector<16xi32>
        tpu.vector_store_idx %arg13[%parallel_loop3A_954], %parallel_loop3A_953 : memref<4096xf32, #tpu.memory_space<vmem>>[vector<16xi32>], vector<16xf32>,
        %parallel_loop3A_955 = tpu.vector_load_idx %arg9[%parallel_loop3A_941, %and3A_35] : memref<128x32xf32, #tpu.memory_space<vmem>>[vector<16xi32>, vector<16xi32>], vector<16xf32>,
        %parallel_loop3A_956 = arith.addi %shift_left3A_112, %parallel_loop3A_941 : vector<16xi32>
        tpu.vector_store_idx %arg13[%parallel_loop3A_956], %parallel_loop3A_955 : memref<4096xf32, #tpu.memory_space<vmem>>[vector<16xi32>], vector<16xf32>,
        %parallel_loop3A_957 = tpu.vector_load_idx %arg9[%parallel_loop3A_941, %and3A_41] : memref<128x32xf32, #tpu.memory_space<vmem>>[vector<16xi32>, vector<16xi32>], vector<16xf32>,
        %parallel_loop3A_958 = arith.addi %shift_left3A_115, %parallel_loop3A_941 : vector<16xi32>
        tpu.vector_store_idx %arg13[%parallel_loop3A_958], %parallel_loop3A_957 : memref<4096xf32, #tpu.memory_space<vmem>>[vector<16xi32>], vector<16xf32>,
        %parallel_loop3A_959 = tpu.vector_load_idx %arg9[%parallel_loop3A_941, %and3A_47] : memref<128x32xf32, #tpu.memory_space<vmem>>[vector<16xi32>, vector<16xi32>], vector<16xf32>,
        %parallel_loop3A_960 = arith.addi %shift_left3A_118, %parallel_loop3A_941 : vector<16xi32>
        tpu.vector_store_idx %arg13[%parallel_loop3A_960], %parallel_loop3A_959 : memref<4096xf32, #tpu.memory_space<vmem>>[vector<16xi32>], vector<16xf32>,
        %parallel_loop3A_961 = tpu.vector_load_idx %arg9[%parallel_loop3A_941, %and3A_53] : memref<128x32xf32, #tpu.memory_space<vmem>>[vector<16xi32>, vector<16xi32>], vector<16xf32>,
        %parallel_loop3A_962 = arith.addi %shift_left3A_121, %parallel_loop3A_941 : vector<16xi32>
        tpu.vector_store_idx %arg13[%parallel_loop3A_962], %parallel_loop3A_961 : memref<4096xf32, #tpu.memory_space<vmem>>[vector<16xi32>], vector<16xf32>,
        %parallel_loop3A_963 = tpu.vector_load_idx %arg9[%parallel_loop3A_941, %and3A_59] : memref<128x32xf32, #tpu.memory_space<vmem>>[vector<16xi32>, vector<16xi32>], vector<16xf32>,
        %parallel_loop3A_964 = arith.addi %shift_left3A_124, %parallel_loop3A_941 : vector<16xi32>
        tpu.vector_store_idx %arg13[%parallel_loop3A_964], %parallel_loop3A_963 : memref<4096xf32, #tpu.memory_space<vmem>>[vector<16xi32>], vector<16xf32>,
        %parallel_loop3A_965 = tpu.vector_load_idx %arg9[%parallel_loop3A_941, %and3A_65] : memref<128x32xf32, #tpu.memory_space<vmem>>[vector<16xi32>, vector<16xi32>], vector<16xf32>,
        %parallel_loop3A_966 = arith.addi %shift_left3A_127, %parallel_loop3A_941 : vector<16xi32>
        tpu.vector_store_idx %arg13[%parallel_loop3A_966], %parallel_loop3A_965 : memref<4096xf32, #tpu.memory_space<vmem>>[vector<16xi32>], vector<16xf32>,
        %parallel_loop3A_967 = tpu.vector_load_idx %arg9[%parallel_loop3A_941, %and3A_71] : memref<128x32xf32, #tpu.memory_space<vmem>>[vector<16xi32>, vector<16xi32>], vector<16xf32>,
        %parallel_loop3A_968 = arith.addi %shift_left3A_130, %parallel_loop3A_941 : vector<16xi32>
        tpu.vector_store_idx %arg13[%parallel_loop3A_968], %parallel_loop3A_967 : memref<4096xf32, #tpu.memory_space<vmem>>[vector<16xi32>], vector<16xf32>,
        %parallel_loop3A_969 = tpu.vector_load_idx %arg9[%parallel_loop3A_941, %and3A_77] : memref<128x32xf32, #tpu.memory_space<vmem>>[vector<16xi32>, vector<16xi32>], vector<16xf32>,
        %parallel_loop3A_970 = arith.addi %shift_left3A_133, %parallel_loop3A_941 : vector<16xi32>
        tpu.vector_store_idx %arg13[%parallel_loop3A_970], %parallel_loop3A_969 : memref<4096xf32, #tpu.memory_space<vmem>>[vector<16xi32>], vector<16xf32>,
        %parallel_loop3A_971 = tpu.vector_load_idx %arg9[%parallel_loop3A_941, %and3A_83] : memref<128x32xf32, #tpu.memory_space<vmem>>[vector<16xi32>, vector<16xi32>], vector<16xf32>,
        %parallel_loop3A_972 = arith.addi %shift_left3A_136, %parallel_loop3A_941 : vector<16xi32>
        tpu.vector_store_idx %arg13[%parallel_loop3A_972], %parallel_loop3A_971 : memref<4096xf32, #tpu.memory_space<vmem>>[vector<16xi32>], vector<16xf32>,
        %parallel_loop3A_973 = tpu.vector_load_idx %arg9[%parallel_loop3A_941, %and3A_89] : memref<128x32xf32, #tpu.memory_space<vmem>>[vector<16xi32>, vector<16xi32>], vector<16xf32>,
        %parallel_loop3A_974 = arith.addi %shift_left3A_139, %parallel_loop3A_941 : vector<16xi32>
        tpu.vector_store_idx %arg13[%parallel_loop3A_974], %parallel_loop3A_973 : memref<4096xf32, #tpu.memory_space<vmem>>[vector<16xi32>], vector<16xf32>,
        %parallel_loop3A_975 = tpu.vector_load_idx %arg9[%parallel_loop3A_941, %and3A_95] : memref<128x32xf32, #tpu.memory_space<vmem>>[vector<16xi32>, vector<16xi32>], vector<16xf32>,
        %parallel_loop3A_976 = arith.addi %shift_left3A_142, %parallel_loop3A_941 : vector<16xi32>
        tpu.vector_store_idx %arg13[%parallel_loop3A_976], %parallel_loop3A_975 : memref<4096xf32, #tpu.memory_space<vmem>>[vector<16xi32>], vector<16xf32>,
        %parallel_loop3A_977 = arith.constant 16 : i32
        %parallel_loop3A_978 = vector.broadcast %parallel_loop3A_977 : i32 to vector<16xi32>
        %parallel_loop3A_979 = arith.addi %and3A_5, %parallel_loop3A_978 : vector<16xi32>
        %parallel_loop3A_980 = tpu.vector_load_idx %arg9[%parallel_loop3A_941, %parallel_loop3A_979] : memref<128x32xf32, #tpu.memory_space<vmem>>[vector<16xi32>, vector<16xi32>], vector<16xf32>,
        %parallel_loop3A_981 = arith.addi %shift_left3A_97, %parallel_loop3A_944 : vector<16xi32>
        tpu.vector_store_idx %arg13[%parallel_loop3A_981], %parallel_loop3A_980 : memref<4096xf32, #tpu.memory_space<vmem>>[vector<16xi32>], vector<16xf32>,
        %parallel_loop3A_982 = arith.constant 16 : i32
        %parallel_loop3A_983 = vector.broadcast %parallel_loop3A_982 : i32 to vector<16xi32>
        %parallel_loop3A_984 = arith.addi %and3A_11, %parallel_loop3A_983 : vector<16xi32>
        %parallel_loop3A_985 = tpu.vector_load_idx %arg9[%parallel_loop3A_941, %parallel_loop3A_984] : memref<128x32xf32, #tpu.memory_space<vmem>>[vector<16xi32>, vector<16xi32>], vector<16xf32>,
        %parallel_loop3A_986 = arith.addi %shift_left3A_100, %parallel_loop3A_944 : vector<16xi32>
        tpu.vector_store_idx %arg13[%parallel_loop3A_986], %parallel_loop3A_985 : memref<4096xf32, #tpu.memory_space<vmem>>[vector<16xi32>], vector<16xf32>,
        %parallel_loop3A_987 = arith.constant 16 : i32
        %parallel_loop3A_988 = vector.broadcast %parallel_loop3A_987 : i32 to vector<16xi32>
        %parallel_loop3A_989 = arith.addi %and3A_17, %parallel_loop3A_988 : vector<16xi32>
        %parallel_loop3A_990 = tpu.vector_load_idx %arg9[%parallel_loop3A_941, %parallel_loop3A_989] : memref<128x32xf32, #tpu.memory_space<vmem>>[vector<16xi32>, vector<16xi32>], vector<16xf32>,
        %parallel_loop3A_991 = arith.addi %shift_left3A_103, %parallel_loop3A_944 : vector<16xi32>
        tpu.vector_store_idx %arg13[%parallel_loop3A_991], %parallel_loop3A_990 : memref<4096xf32, #tpu.memory_space<vmem>>[vector<16xi32>], vector<16xf32>,
        %parallel_loop3A_992 = arith.constant 16 : i32
        %parallel_loop3A_993 = vector.broadcast %parallel_loop3A_992 : i32 to vector<16xi32>
        %parallel_loop3A_994 = arith.addi %and3A_23, %parallel_loop3A_993 : vector<16xi32>
        %parallel_loop3A_995 = tpu.vector_load_idx %arg9[%parallel_loop3A_941, %parallel_loop3A_994] : memref<128x32xf32, #tpu.memory_space<vmem>>[vector<16xi32>, vector<16xi32>], vector<16xf32>,
        %parallel_loop3A_996 = arith.addi %shift_left3A_106, %parallel_loop3A_944 : vector<16xi32>
        tpu.vector_store_idx %arg13[%parallel_loop3A_996], %parallel_loop3A_995 : memref<4096xf32, #tpu.memory_space<vmem>>[vector<16xi32>], vector<16xf32>,
        %parallel_loop3A_997 = arith.constant 16 : i32
        %parallel_loop3A_998 = vector.broadcast %parallel_loop3A_997 : i32 to vector<16xi32>
        %parallel_loop3A_999 = arith.addi %and3A_29, %parallel_loop3A_998 : vector<16xi32>
        %parallel_loop3A_1000 = tpu.vector_load_idx %arg9[%parallel_loop3A_941, %parallel_loop3A_999] : memref<128x32xf32, #tpu.memory_space<vmem>>[vector<16xi32>, vector<16xi32>], vector<16xf32>,
        %parallel_loop3A_1001 = arith.addi %shift_left3A_109, %parallel_loop3A_944 : vector<16xi32>
        tpu.vector_store_idx %arg13[%parallel_loop3A_1001], %parallel_loop3A_1000 : memref<4096xf32, #tpu.memory_space<vmem>>[vector<16xi32>], vector<16xf32>,
        %parallel_loop3A_1002 = arith.constant 16 : i32
        %parallel_loop3A_1003 = vector.broadcast %parallel_loop3A_1002 : i32 to vector<16xi32>
        %parallel_loop3A_1004 = arith.addi %and3A_35, %parallel_loop3A_1003 : vector<16xi32>
        %parallel_loop3A_1005 = tpu.vector_load_idx %arg9[%parallel_loop3A_941, %parallel_loop3A_1004] : memref<128x32xf32, #tpu.memory_space<vmem>>[vector<16xi32>, vector<16xi32>], vector<16xf32>,
        %parallel_loop3A_1006 = arith.addi %shift_left3A_112, %parallel_loop3A_944 : vector<16xi32>
        tpu.vector_store_idx %arg13[%parallel_loop3A_1006], %parallel_loop3A_1005 : memref<4096xf32, #tpu.memory_space<vmem>>[vector<16xi32>], vector<16xf32>,
        %parallel_loop3A_1007 = arith.constant 16 : i32
        %parallel_loop3A_1008 = vector.broadcast %parallel_loop3A_1007 : i32 to vector<16xi32>
        %parallel_loop3A_1009 = arith.addi %and3A_41, %parallel_loop3A_1008 : vector<16xi32>
        %parallel_loop3A_1010 = tpu.vector_load_idx %arg9[%parallel_loop3A_941, %parallel_loop3A_1009] : memref<128x32xf32, #tpu.memory_space<vmem>>[vector<16xi32>, vector<16xi32>], vector<16xf32>,
        %parallel_loop3A_1011 = arith.addi %shift_left3A_115, %parallel_loop3A_944 : vector<16xi32>
        tpu.vector_store_idx %arg13[%parallel_loop3A_1011], %parallel_loop3A_1010 : memref<4096xf32, #tpu.memory_space<vmem>>[vector<16xi32>], vector<16xf32>,
        %parallel_loop3A_1012 = arith.constant 16 : i32
        %parallel_loop3A_1013 = vector.broadcast %parallel_loop3A_1012 : i32 to vector<16xi32>
        %parallel_loop3A_1014 = arith.addi %and3A_47, %parallel_loop3A_1013 : vector<16xi32>
        %parallel_loop3A_1015 = tpu.vector_load_idx %arg9[%parallel_loop3A_941, %parallel_loop3A_1014] : memref<128x32xf32, #tpu.memory_space<vmem>>[vector<16xi32>, vector<16xi32>], vector<16xf32>,
        %parallel_loop3A_1016 = arith.addi %shift_left3A_118, %parallel_loop3A_944 : vector<16xi32>
        tpu.vector_store_idx %arg13[%parallel_loop3A_1016], %parallel_loop3A_1015 : memref<4096xf32, #tpu.memory_space<vmem>>[vector<16xi32>], vector<16xf32>,
        %parallel_loop3A_1017 = arith.constant 16 : i32
        %parallel_loop3A_1018 = vector.broadcast %parallel_loop3A_1017 : i32 to vector<16xi32>
        %parallel_loop3A_1019 = arith.addi %and3A_53, %parallel_loop3A_1018 : vector<16xi32>
        %parallel_loop3A_1020 = tpu.vector_load_idx %arg9[%parallel_loop3A_941, %parallel_loop3A_1019] : memref<128x32xf32, #tpu.memory_space<vmem>>[vector<16xi32>, vector<16xi32>], vector<16xf32>,
        %parallel_loop3A_1021 = arith.addi %shift_left3A_121, %parallel_loop3A_944 : vector<16xi32>
        tpu.vector_store_idx %arg13[%parallel_loop3A_1021], %parallel_loop3A_1020 : memref<4096xf32, #tpu.memory_space<vmem>>[vector<16xi32>], vector<16xf32>,
        %parallel_loop3A_1022 = arith.constant 16 : i32
        %parallel_loop3A_1023 = vector.broadcast %parallel_loop3A_1022 : i32 to vector<16xi32>
        %parallel_loop3A_1024 = arith.addi %and3A_59, %parallel_loop3A_1023 : vector<16xi32>
        %parallel_loop3A_1025 = tpu.vector_load_idx %arg9[%parallel_loop3A_941, %parallel_loop3A_1024] : memref<128x32xf32, #tpu.memory_space<vmem>>[vector<16xi32>, vector<16xi32>], vector<16xf32>,
        %parallel_loop3A_1026 = arith.addi %shift_left3A_124, %parallel_loop3A_944 : vector<16xi32>
        tpu.vector_store_idx %arg13[%parallel_loop3A_1026], %parallel_loop3A_1025 : memref<4096xf32, #tpu.memory_space<vmem>>[vector<16xi32>], vector<16xf32>,
        %parallel_loop3A_1027 = arith.constant 16 : i32
        %parallel_loop3A_1028 = vector.broadcast %parallel_loop3A_1027 : i32 to vector<16xi32>
        %parallel_loop3A_1029 = arith.addi %and3A_65, %parallel_loop3A_1028 : vector<16xi32>
        %parallel_loop3A_1030 = tpu.vector_load_idx %arg9[%parallel_loop3A_941, %parallel_loop3A_1029] : memref<128x32xf32, #tpu.memory_space<vmem>>[vector<16xi32>, vector<16xi32>], vector<16xf32>,
        %parallel_loop3A_1031 = arith.addi %shift_left3A_127, %parallel_loop3A_944 : vector<16xi32>
        tpu.vector_store_idx %arg13[%parallel_loop3A_1031], %parallel_loop3A_1030 : memref<4096xf32, #tpu.memory_space<vmem>>[vector<16xi32>], vector<16xf32>,
        %parallel_loop3A_1032 = arith.constant 16 : i32
        %parallel_loop3A_1033 = vector.broadcast %parallel_loop3A_1032 : i32 to vector<16xi32>
        %parallel_loop3A_1034 = arith.addi %and3A_71, %parallel_loop3A_1033 : vector<16xi32>
        %parallel_loop3A_1035 = tpu.vector_load_idx %arg9[%parallel_loop3A_941, %parallel_loop3A_1034] : memref<128x32xf32, #tpu.memory_space<vmem>>[vector<16xi32>, vector<16xi32>], vector<16xf32>,
        %parallel_loop3A_1036 = arith.addi %shift_left3A_130, %parallel_loop3A_944 : vector<16xi32>
        tpu.vector_store_idx %arg13[%parallel_loop3A_1036], %parallel_loop3A_1035 : memref<4096xf32, #tpu.memory_space<vmem>>[vector<16xi32>], vector<16xf32>,
        %parallel_loop3A_1037 = arith.constant 16 : i32
        %parallel_loop3A_1038 = vector.broadcast %parallel_loop3A_1037 : i32 to vector<16xi32>
        %parallel_loop3A_1039 = arith.addi %and3A_77, %parallel_loop3A_1038 : vector<16xi32>
        %parallel_loop3A_1040 = tpu.vector_load_idx %arg9[%parallel_loop3A_941, %parallel_loop3A_1039] : memref<128x32xf32, #tpu.memory_space<vmem>>[vector<16xi32>, vector<16xi32>], vector<16xf32>,
        %parallel_loop3A_1041 = arith.addi %shift_left3A_133, %parallel_loop3A_944 : vector<16xi32>
        tpu.vector_store_idx %arg13[%parallel_loop3A_1041], %parallel_loop3A_1040 : memref<4096xf32, #tpu.memory_space<vmem>>[vector<16xi32>], vector<16xf32>,
        %parallel_loop3A_1042 = arith.constant 16 : i32
        %parallel_loop3A_1043 = vector.broadcast %parallel_loop3A_1042 : i32 to vector<16xi32>
        %parallel_loop3A_1044 = arith.addi %and3A_83, %parallel_loop3A_1043 : vector<16xi32>
        %parallel_loop3A_1045 = tpu.vector_load_idx %arg9[%parallel_loop3A_941, %parallel_loop3A_1044] : memref<128x32xf32, #tpu.memory_space<vmem>>[vector<16xi32>, vector<16xi32>], vector<16xf32>,
        %parallel_loop3A_1046 = arith.addi %shift_left3A_136, %parallel_loop3A_944 : vector<16xi32>
        tpu.vector_store_idx %arg13[%parallel_loop3A_1046], %parallel_loop3A_1045 : memref<4096xf32, #tpu.memory_space<vmem>>[vector<16xi32>], vector<16xf32>,
        %parallel_loop3A_1047 = arith.constant 16 : i32
        %parallel_loop3A_1048 = vector.broadcast %parallel_loop3A_1047 : i32 to vector<16xi32>
        %parallel_loop3A_1049 = arith.addi %and3A_89, %parallel_loop3A_1048 : vector<16xi32>
        %parallel_loop3A_1050 = tpu.vector_load_idx %arg9[%parallel_loop3A_941, %parallel_loop3A_1049] : memref<128x32xf32, #tpu.memory_space<vmem>>[vector<16xi32>, vector<16xi32>], vector<16xf32>,
        %parallel_loop3A_1051 = arith.addi %shift_left3A_139, %parallel_loop3A_944 : vector<16xi32>
        tpu.vector_store_idx %arg13[%parallel_loop3A_1051], %parallel_loop3A_1050 : memref<4096xf32, #tpu.memory_space<vmem>>[vector<16xi32>], vector<16xf32>,
        %parallel_loop3A_1052 = arith.constant 16 : i32
        %parallel_loop3A_1053 = vector.broadcast %parallel_loop3A_1052 : i32 to vector<16xi32>
        %parallel_loop3A_1054 = arith.addi %and3A_95, %parallel_loop3A_1053 : vector<16xi32>
        %parallel_loop3A_1055 = tpu.vector_load_idx %arg9[%parallel_loop3A_941, %parallel_loop3A_1054] : memref<128x32xf32, #tpu.memory_space<vmem>>[vector<16xi32>, vector<16xi32>], vector<16xf32>,
        %parallel_loop3A_1056 = arith.addi %shift_left3A_142, %parallel_loop3A_944 : vector<16xi32>
        tpu.vector_store_idx %arg13[%parallel_loop3A_1056], %parallel_loop3A_1055 : memref<4096xf32, #tpu.memory_space<vmem>>[vector<16xi32>], vector<16xf32>,
      } {sc.loop_unroll_factor = 4 : i64, sc.parallel_access}
      %dma_start3A_874 = arith.constant 0 : i32
      %dma_start3A_875 = arith.constant 3 : i32
      %dma_start3A_876 = arith.constant 0 : i32
      %dma_start3A_877 = tpu.memref_slice %arg13[%dma_start3A_876] : memref<4096xf32, #tpu.memory_space<vmem>> -> memref<1024xf32, #tpu.memory_space<vmem>>
      %dma_start3A_878 = arith.constant 0 : i32
      %dma_start3A_879 = tpu.memref_slice %arg4[%select_n3A_856, %dma_start3A_874, %add3A_840, %dma_start3A_878] : memref<50x4x128x1024xf32, #tpu.memory_space<hbm>> -> memref<1x1x1x1024xf32, #tpu.memory_space<hbm>>
      %dma_start3A_880 = tpu.memref_squeeze %dma_start3A_879 : memref<1x1x1x1024xf32, #tpu.memory_space<hbm>> -> memref<1024xf32, #tpu.memory_space<hbm>>
      %dma_start3A_881 = tpu.memref_slice %arg15[%dma_start3A_875] : memref<4x!tpu.dma_semaphore, #tpu.memory_space<semaphore_mem>> -> memref<1x!tpu.dma_semaphore, #tpu.memory_space<semaphore_mem>>
      %dma_start3A_882 = tpu.memref_squeeze %dma_start3A_881 : memref<1x!tpu.dma_semaphore, #tpu.memory_space<semaphore_mem>> -> memref<!tpu.dma_semaphore, #tpu.memory_space<semaphore_mem>>
      %dma_start3A_883 = arith.constant 0 : i32
      %dma_start3A_884 = tpu.memref_slice %arg4[%select_n3A_856, %dma_start3A_874, %add3A_840, %dma_start3A_883] : memref<50x4x128x1024xf32, #tpu.memory_space<hbm>> -> memref<1x1x1x1024xf32, #tpu.memory_space<hbm>>
      %dma_start3A_885 = tpu.memref_squeeze %dma_start3A_884 : memref<1x1x1x1024xf32, #tpu.memory_space<hbm>> -> memref<1024xf32, #tpu.memory_space<hbm>>
      %dma_start3A_886 = arith.constant 0 : i32
      %dma_start3A_887 = tpu.memref_slice %arg13[%dma_start3A_886] : memref<4096xf32, #tpu.memory_space<vmem>> -> memref<1024xf32, #tpu.memory_space<vmem>>
      tpu.enqueue_dma source(%dma_start3A_887 : memref<1024xf32, #tpu.memory_space<vmem>>) target(%dma_start3A_885 : memref<1024xf32, #tpu.memory_space<hbm>>) target_semaphore(%dma_start3A_882 : memref<!tpu.dma_semaphore, #tpu.memory_space<semaphore_mem>>)
      %dma_start3A_888 = arith.constant 1 : i32
      %dma_start3A_889 = arith.constant 3 : i32
      %dma_start3A_890 = arith.constant 1024 : i32
      %dma_start3A_891 = tpu.memref_slice %arg13[%dma_start3A_890] : memref<4096xf32, #tpu.memory_space<vmem>> -> memref<1024xf32, #tpu.memory_space<vmem>>
      %dma_start3A_892 = arith.constant 0 : i32
      %dma_start3A_893 = tpu.memref_slice %arg4[%select_n3A_856, %dma_start3A_888, %add3A_840, %dma_start3A_892] : memref<50x4x128x1024xf32, #tpu.memory_space<hbm>> -> memref<1x1x1x1024xf32, #tpu.memory_space<hbm>>
      %dma_start3A_894 = tpu.memref_squeeze %dma_start3A_893 : memref<1x1x1x1024xf32, #tpu.memory_space<hbm>> -> memref<1024xf32, #tpu.memory_space<hbm>>
      %dma_start3A_895 = tpu.memref_slice %arg15[%dma_start3A_889] : memref<4x!tpu.dma_semaphore, #tpu.memory_space<semaphore_mem>> -> memref<1x!tpu.dma_semaphore, #tpu.memory_space<semaphore_mem>>
      %dma_start3A_896 = tpu.memref_squeeze %dma_start3A_895 : memref<1x!tpu.dma_semaphore, #tpu.memory_space<semaphore_mem>> -> memref<!tpu.dma_semaphore, #tpu.memory_space<semaphore_mem>>
      %dma_start3A_897 = arith.constant 0 : i32
      %dma_start3A_898 = tpu.memref_slice %arg4[%select_n3A_856, %dma_start3A_888, %add3A_840, %dma_start3A_897] : memref<50x4x128x1024xf32, #tpu.memory_space<hbm>> -> memref<1x1x1x1024xf32, #tpu.memory_space<hbm>>
      %dma_start3A_899 = tpu.memref_squeeze %dma_start3A_898 : memref<1x1x1x1024xf32, #tpu.memory_space<hbm>> -> memref<1024xf32, #tpu.memory_space<hbm>>
      %dma_start3A_900 = arith.constant 1024 : i32
      %dma_start3A_901 = tpu.memref_slice %arg13[%dma_start3A_900] : memref<4096xf32, #tpu.memory_space<vmem>> -> memref<1024xf32, #tpu.memory_space<vmem>>
      tpu.enqueue_dma source(%dma_start3A_901 : memref<1024xf32, #tpu.memory_space<vmem>>) target(%dma_start3A_899 : memref<1024xf32, #tpu.memory_space<hbm>>) target_semaphore(%dma_start3A_896 : memref<!tpu.dma_semaphore, #tpu.memory_space<semaphore_mem>>)
      %dma_start3A_902 = arith.constant 2 : i32
      %dma_start3A_903 = arith.constant 3 : i32
      %dma_start3A_904 = arith.constant 2048 : i32
      %dma_start3A_905 = tpu.memref_slice %arg13[%dma_start3A_904] : memref<4096xf32, #tpu.memory_space<vmem>> -> memref<1024xf32, #tpu.memory_space<vmem>>
      %dma_start3A_906 = arith.constant 0 : i32
      %dma_start3A_907 = tpu.memref_slice %arg4[%select_n3A_856, %dma_start3A_902, %add3A_840, %dma_start3A_906] : memref<50x4x128x1024xf32, #tpu.memory_space<hbm>> -> memref<1x1x1x1024xf32, #tpu.memory_space<hbm>>
      %dma_start3A_908 = tpu.memref_squeeze %dma_start3A_907 : memref<1x1x1x1024xf32, #tpu.memory_space<hbm>> -> memref<1024xf32, #tpu.memory_space<hbm>>
      %dma_start3A_909 = tpu.memref_slice %arg15[%dma_start3A_903] : memref<4x!tpu.dma_semaphore, #tpu.memory_space<semaphore_mem>> -> memref<1x!tpu.dma_semaphore, #tpu.memory_space<semaphore_mem>>
      %dma_start3A_910 = tpu.memref_squeeze %dma_start3A_909 : memref<1x!tpu.dma_semaphore, #tpu.memory_space<semaphore_mem>> -> memref<!tpu.dma_semaphore, #tpu.memory_space<semaphore_mem>>
      %dma_start3A_911 = arith.constant 0 : i32
      %dma_start3A_912 = tpu.memref_slice %arg4[%select_n3A_856, %dma_start3A_902, %add3A_840, %dma_start3A_911] : memref<50x4x128x1024xf32, #tpu.memory_space<hbm>> -> memref<1x1x1x1024xf32, #tpu.memory_space<hbm>>
      %dma_start3A_913 = tpu.memref_squeeze %dma_start3A_912 : memref<1x1x1x1024xf32, #tpu.memory_space<hbm>> -> memref<1024xf32, #tpu.memory_space<hbm>>
      %dma_start3A_914 = arith.constant 2048 : i32
      %dma_start3A_915 = tpu.memref_slice %arg13[%dma_start3A_914] : memref<4096xf32, #tpu.memory_space<vmem>> -> memref<1024xf32, #tpu.memory_space<vmem>>
      tpu.enqueue_dma source(%dma_start3A_915 : memref<1024xf32, #tpu.memory_space<vmem>>) target(%dma_start3A_913 : memref<1024xf32, #tpu.memory_space<hbm>>) target_semaphore(%dma_start3A_910 : memref<!tpu.dma_semaphore, #tpu.memory_space<semaphore_mem>>)
      %dma_start3A_916 = arith.constant 3 : i32
      %dma_start3A_917 = arith.constant 3 : i32
      %dma_start3A_918 = arith.constant 3072 : i32
      %dma_start3A_919 = tpu.memref_slice %arg13[%dma_start3A_918] : memref<4096xf32, #tpu.memory_space<vmem>> -> memref<1024xf32, #tpu.memory_space<vmem>>
      %dma_start3A_920 = arith.constant 0 : i32
      %dma_start3A_921 = tpu.memref_slice %arg4[%select_n3A_856, %dma_start3A_916, %add3A_840, %dma_start3A_920] : memref<50x4x128x1024xf32, #tpu.memory_space<hbm>> -> memref<1x1x1x1024xf32, #tpu.memory_space<hbm>>
      %dma_start3A_922 = tpu.memref_squeeze %dma_start3A_921 : memref<1x1x1x1024xf32, #tpu.memory_space<hbm>> -> memref<1024xf32, #tpu.memory_space<hbm>>
      %dma_start3A_923 = tpu.memref_slice %arg15[%dma_start3A_917] : memref<4x!tpu.dma_semaphore, #tpu.memory_space<semaphore_mem>> -> memref<1x!tpu.dma_semaphore, #tpu.memory_space<semaphore_mem>>
      %dma_start3A_924 = tpu.memref_squeeze %dma_start3A_923 : memref<1x!tpu.dma_semaphore, #tpu.memory_space<semaphore_mem>> -> memref<!tpu.dma_semaphore, #tpu.memory_space<semaphore_mem>>
      %dma_start3A_925 = arith.constant 0 : i32
      %dma_start3A_926 = tpu.memref_slice %arg4[%select_n3A_856, %dma_start3A_916, %add3A_840, %dma_start3A_925] : memref<50x4x128x1024xf32, #tpu.memory_space<hbm>> -> memref<1x1x1x1024xf32, #tpu.memory_space<hbm>>
      %dma_start3A_927 = tpu.memref_squeeze %dma_start3A_926 : memref<1x1x1x1024xf32, #tpu.memory_space<hbm>> -> memref<1024xf32, #tpu.memory_space<hbm>>
      %dma_start3A_928 = arith.constant 3072 : i32
      %dma_start3A_929 = tpu.memref_slice %arg13[%dma_start3A_928] : memref<4096xf32, #tpu.memory_space<vmem>> -> memref<1024xf32, #tpu.memory_space<vmem>>
      tpu.enqueue_dma source(%dma_start3A_929 : memref<1024xf32, #tpu.memory_space<vmem>>) target(%dma_start3A_927 : memref<1024xf32, #tpu.memory_space<hbm>>) target_semaphore(%dma_start3A_924 : memref<!tpu.dma_semaphore, #tpu.memory_space<semaphore_mem>>)
      %add3A_930 = arith.constant 4 : i32
      %add3A_931 = arith.addi %add3A_813, %add3A_930 : i32
      %lt3A_932 = arith.constant 200 : i32
      %lt3A_933 = arith.cmpi slt, %add3A_931, %lt3A_932 : i32
      %convert_element_type3A_934 = arith.extui %lt3A_933 : i1 to i32
      %cond3A_935 = arith.constant 0 : i32
      %cond3A_936 = arith.cmpi ne, %convert_element_type3A_934, %cond3A_935 : i32
      scf.if %cond3A_936 {
        %add3A_937 = arith.constant 4 : i32
        %add3A_938 = arith.addi %add3A_813, %add3A_937 : i32
        %dma_start3A_939 = arith.constant 3 : i32
        %dma_start3A_940 = arith.constant 0 : i32
        %dma_start3A_941 = tpu.memref_slice %arg5[%add3A_938, %dma_start3A_940] : memref<200x128xi32, #tpu.memory_space<vmem>> -> memref<1x128xi32, #tpu.memory_space<vmem>>
        %dma_start3A_942 = tpu.memref_squeeze %dma_start3A_941 : memref<1x128xi32, #tpu.memory_space<vmem>> -> memref<128xi32, #tpu.memory_space<vmem>>
        %dma_start3A_943 = arith.constant 0 : i32
        %dma_start3A_944 = arith.constant 0 : i32
        %dma_start3A_945 = tpu.memref_slice %arg2[%dma_start3A_943, %dma_start3A_944] : memref<1000000x32xf32, #tpu.memory_space<hbm>> -> memref<1000000x32xf32, #tpu.memory_space<hbm>>
        %dma_start3A_946 = tpu.memref_slice %arg14[%dma_start3A_939] : memref<4x!tpu.dma_semaphore, #tpu.memory_space<semaphore_mem>> -> memref<1x!tpu.dma_semaphore, #tpu.memory_space<semaphore_mem>>
        %dma_start3A_947 = tpu.memref_squeeze %dma_start3A_946 : memref<1x!tpu.dma_semaphore, #tpu.memory_space<semaphore_mem>> -> memref<!tpu.dma_semaphore, #tpu.memory_space<semaphore_mem>>
        tpu.enqueue_indirect_dma source(%dma_start3A_945 : memref<1000000x32xf32, #tpu.memory_space<hbm>>) target(%arg9 : memref<128x32xf32, #tpu.memory_space<vmem>>) offsets(%dma_start3A_942 : memref<128xi32, #tpu.memory_space<vmem>>) semaphore(%dma_start3A_947 : memref<!tpu.dma_semaphore, #tpu.memory_space<semaphore_mem>>)
      } else {
      }
    }
    %scan3A_185 = arith.constant 50 : i32
    %dma_wait3A = arith.constant 0 : i32
    %dma_wait3A_186 = arith.constant 0 : i32
    %dma_wait3A_187 = arith.constant 0 : i32
    %dma_wait3A_188 = arith.constant 0 : i32
    %dma_wait3A_189 = arith.constant 0 : i32
    %dma_wait3A_190 = tpu.memref_slice %arg10[%dma_wait3A_189] : memref<4096xf32, #tpu.memory_space<vmem>> -> memref<1024xf32, #tpu.memory_space<vmem>>
    %dma_wait3A_191 = arith.constant 0 : i32
    %dma_wait3A_192 = tpu.memref_slice %arg4[%dma_wait3A, %dma_wait3A_186, %dma_wait3A_187, %dma_wait3A_191] : memref<50x4x128x1024xf32, #tpu.memory_space<hbm>> -> memref<1x1x1x1024xf32, #tpu.memory_space<hbm>>
    %dma_wait3A_193 = tpu.memref_squeeze %dma_wait3A_192 : memref<1x1x1x1024xf32, #tpu.memory_space<hbm>> -> memref<1024xf32, #tpu.memory_space<hbm>>
    %dma_wait3A_194 = tpu.memref_slice %arg15[%dma_wait3A_188] : memref<4x!tpu.dma_semaphore, #tpu.memory_space<semaphore_mem>> -> memref<1x!tpu.dma_semaphore, #tpu.memory_space<semaphore_mem>>
    %dma_wait3A_195 = tpu.memref_squeeze %dma_wait3A_194 : memref<1x!tpu.dma_semaphore, #tpu.memory_space<semaphore_mem>> -> memref<!tpu.dma_semaphore, #tpu.memory_space<semaphore_mem>>
    %dma_wait3A_196 = arith.constant 0 : i32
    %dma_wait3A_197 = tpu.memref_slice %arg4[%dma_wait3A, %dma_wait3A_186, %dma_wait3A_187, %dma_wait3A_196] : memref<50x4x128x1024xf32, #tpu.memory_space<hbm>> -> memref<1x1x1x1024xf32, #tpu.memory_space<hbm>>
    %dma_wait3A_198 = tpu.memref_squeeze %dma_wait3A_197 : memref<1x1x1x1024xf32, #tpu.memory_space<hbm>> -> memref<1024xf32, #tpu.memory_space<hbm>>
    %dma_wait3A_199 = arith.constant 0 : i32
    %dma_wait3A_200 = tpu.memref_slice %arg10[%dma_wait3A_199] : memref<4096xf32, #tpu.memory_space<vmem>> -> memref<1024xf32, #tpu.memory_space<vmem>>
    tpu.wait_dma2 semaphore(%dma_wait3A_195 : memref<!tpu.dma_semaphore, #tpu.memory_space<semaphore_mem>>) src(%dma_wait3A_200 : memref<1024xf32, #tpu.memory_space<vmem>>) dst(%dma_wait3A_198 : memref<1024xf32, #tpu.memory_space<hbm>>)
    %dma_wait3A_201 = arith.constant 0 : i32
    %dma_wait3A_202 = arith.constant 0 : i32
    %dma_wait3A_203 = arith.constant 0 : i32
    %dma_wait3A_204 = arith.constant 0 : i32
    %dma_wait3A_205 = arith.constant 1024 : i32
    %dma_wait3A_206 = tpu.memref_slice %arg10[%dma_wait3A_205] : memref<4096xf32, #tpu.memory_space<vmem>> -> memref<1024xf32, #tpu.memory_space<vmem>>
    %dma_wait3A_207 = arith.constant 0 : i32
    %dma_wait3A_208 = tpu.memref_slice %arg4[%dma_wait3A_201, %dma_wait3A_202, %dma_wait3A_203, %dma_wait3A_207] : memref<50x4x128x1024xf32, #tpu.memory_space<hbm>> -> memref<1x1x1x1024xf32, #tpu.memory_space<hbm>>
    %dma_wait3A_209 = tpu.memref_squeeze %dma_wait3A_208 : memref<1x1x1x1024xf32, #tpu.memory_space<hbm>> -> memref<1024xf32, #tpu.memory_space<hbm>>
    %dma_wait3A_210 = tpu.memref_slice %arg15[%dma_wait3A_204] : memref<4x!tpu.dma_semaphore, #tpu.memory_space<semaphore_mem>> -> memref<1x!tpu.dma_semaphore, #tpu.memory_space<semaphore_mem>>
    %dma_wait3A_211 = tpu.memref_squeeze %dma_wait3A_210 : memref<1x!tpu.dma_semaphore, #tpu.memory_space<semaphore_mem>> -> memref<!tpu.dma_semaphore, #tpu.memory_space<semaphore_mem>>
    %dma_wait3A_212 = arith.constant 0 : i32
    %dma_wait3A_213 = tpu.memref_slice %arg4[%dma_wait3A_201, %dma_wait3A_202, %dma_wait3A_203, %dma_wait3A_212] : memref<50x4x128x1024xf32, #tpu.memory_space<hbm>> -> memref<1x1x1x1024xf32, #tpu.memory_space<hbm>>
    %dma_wait3A_214 = tpu.memref_squeeze %dma_wait3A_213 : memref<1x1x1x1024xf32, #tpu.memory_space<hbm>> -> memref<1024xf32, #tpu.memory_space<hbm>>
    %dma_wait3A_215 = arith.constant 1024 : i32
    %dma_wait3A_216 = tpu.memref_slice %arg10[%dma_wait3A_215] : memref<4096xf32, #tpu.memory_space<vmem>> -> memref<1024xf32, #tpu.memory_space<vmem>>
    tpu.wait_dma2 semaphore(%dma_wait3A_211 : memref<!tpu.dma_semaphore, #tpu.memory_space<semaphore_mem>>) src(%dma_wait3A_216 : memref<1024xf32, #tpu.memory_space<vmem>>) dst(%dma_wait3A_214 : memref<1024xf32, #tpu.memory_space<hbm>>)
    %dma_wait3A_217 = arith.constant 0 : i32
    %dma_wait3A_218 = arith.constant 0 : i32
    %dma_wait3A_219 = arith.constant 0 : i32
    %dma_wait3A_220 = arith.constant 0 : i32
    %dma_wait3A_221 = arith.constant 2048 : i32
    %dma_wait3A_222 = tpu.memref_slice %arg10[%dma_wait3A_221] : memref<4096xf32, #tpu.memory_space<vmem>> -> memref<1024xf32, #tpu.memory_space<vmem>>
    %dma_wait3A_223 = arith.constant 0 : i32
    %dma_wait3A_224 = tpu.memref_slice %arg4[%dma_wait3A_217, %dma_wait3A_218, %dma_wait3A_219, %dma_wait3A_223] : memref<50x4x128x1024xf32, #tpu.memory_space<hbm>> -> memref<1x1x1x1024xf32, #tpu.memory_space<hbm>>
    %dma_wait3A_225 = tpu.memref_squeeze %dma_wait3A_224 : memref<1x1x1x1024xf32, #tpu.memory_space<hbm>> -> memref<1024xf32, #tpu.memory_space<hbm>>
    %dma_wait3A_226 = tpu.memref_slice %arg15[%dma_wait3A_220] : memref<4x!tpu.dma_semaphore, #tpu.memory_space<semaphore_mem>> -> memref<1x!tpu.dma_semaphore, #tpu.memory_space<semaphore_mem>>
    %dma_wait3A_227 = tpu.memref_squeeze %dma_wait3A_226 : memref<1x!tpu.dma_semaphore, #tpu.memory_space<semaphore_mem>> -> memref<!tpu.dma_semaphore, #tpu.memory_space<semaphore_mem>>
    %dma_wait3A_228 = arith.constant 0 : i32
    %dma_wait3A_229 = tpu.memref_slice %arg4[%dma_wait3A_217, %dma_wait3A_218, %dma_wait3A_219, %dma_wait3A_228] : memref<50x4x128x1024xf32, #tpu.memory_space<hbm>> -> memref<1x1x1x1024xf32, #tpu.memory_space<hbm>>
    %dma_wait3A_230 = tpu.memref_squeeze %dma_wait3A_229 : memref<1x1x1x1024xf32, #tpu.memory_space<hbm>> -> memref<1024xf32, #tpu.memory_space<hbm>>
    %dma_wait3A_231 = arith.constant 2048 : i32
    %dma_wait3A_232 = tpu.memref_slice %arg10[%dma_wait3A_231] : memref<4096xf32, #tpu.memory_space<vmem>> -> memref<1024xf32, #tpu.memory_space<vmem>>
    tpu.wait_dma2 semaphore(%dma_wait3A_227 : memref<!tpu.dma_semaphore, #tpu.memory_space<semaphore_mem>>) src(%dma_wait3A_232 : memref<1024xf32, #tpu.memory_space<vmem>>) dst(%dma_wait3A_230 : memref<1024xf32, #tpu.memory_space<hbm>>)
    %dma_wait3A_233 = arith.constant 0 : i32
    %dma_wait3A_234 = arith.constant 0 : i32
    %dma_wait3A_235 = arith.constant 0 : i32
    %dma_wait3A_236 = arith.constant 0 : i32
    %dma_wait3A_237 = arith.constant 3072 : i32
    %dma_wait3A_238 = tpu.memref_slice %arg10[%dma_wait3A_237] : memref<4096xf32, #tpu.memory_space<vmem>> -> memref<1024xf32, #tpu.memory_space<vmem>>
    %dma_wait3A_239 = arith.constant 0 : i32
    %dma_wait3A_240 = tpu.memref_slice %arg4[%dma_wait3A_233, %dma_wait3A_234, %dma_wait3A_235, %dma_wait3A_239] : memref<50x4x128x1024xf32, #tpu.memory_space<hbm>> -> memref<1x1x1x1024xf32, #tpu.memory_space<hbm>>
    %dma_wait3A_241 = tpu.memref_squeeze %dma_wait3A_240 : memref<1x1x1x1024xf32, #tpu.memory_space<hbm>> -> memref<1024xf32, #tpu.memory_space<hbm>>
    %dma_wait3A_242 = tpu.memref_slice %arg15[%dma_wait3A_236] : memref<4x!tpu.dma_semaphore, #tpu.memory_space<semaphore_mem>> -> memref<1x!tpu.dma_semaphore, #tpu.memory_space<semaphore_mem>>
    %dma_wait3A_243 = tpu.memref_squeeze %dma_wait3A_242 : memref<1x!tpu.dma_semaphore, #tpu.memory_space<semaphore_mem>> -> memref<!tpu.dma_semaphore, #tpu.memory_space<semaphore_mem>>
    %dma_wait3A_244 = arith.constant 0 : i32
    %dma_wait3A_245 = tpu.memref_slice %arg4[%dma_wait3A_233, %dma_wait3A_234, %dma_wait3A_235, %dma_wait3A_244] : memref<50x4x128x1024xf32, #tpu.memory_space<hbm>> -> memref<1x1x1x1024xf32, #tpu.memory_space<hbm>>
    %dma_wait3A_246 = tpu.memref_squeeze %dma_wait3A_245 : memref<1x1x1x1024xf32, #tpu.memory_space<hbm>> -> memref<1024xf32, #tpu.memory_space<hbm>>
    %dma_wait3A_247 = arith.constant 3072 : i32
    %dma_wait3A_248 = tpu.memref_slice %arg10[%dma_wait3A_247] : memref<4096xf32, #tpu.memory_space<vmem>> -> memref<1024xf32, #tpu.memory_space<vmem>>
    tpu.wait_dma2 semaphore(%dma_wait3A_243 : memref<!tpu.dma_semaphore, #tpu.memory_space<semaphore_mem>>) src(%dma_wait3A_248 : memref<1024xf32, #tpu.memory_space<vmem>>) dst(%dma_wait3A_246 : memref<1024xf32, #tpu.memory_space<hbm>>)
    %dma_wait3A_249 = arith.constant 0 : i32
    %dma_wait3A_250 = arith.constant 0 : i32
    %dma_wait3A_251 = arith.constant 0 : i32
    %dma_wait3A_252 = arith.constant 1 : i32
    %dma_wait3A_253 = arith.constant 0 : i32
    %dma_wait3A_254 = tpu.memref_slice %arg11[%dma_wait3A_253] : memref<4096xf32, #tpu.memory_space<vmem>> -> memref<1024xf32, #tpu.memory_space<vmem>>
    %dma_wait3A_255 = arith.constant 0 : i32
    %dma_wait3A_256 = tpu.memref_slice %arg4[%dma_wait3A_249, %dma_wait3A_250, %dma_wait3A_251, %dma_wait3A_255] : memref<50x4x128x1024xf32, #tpu.memory_space<hbm>> -> memref<1x1x1x1024xf32, #tpu.memory_space<hbm>>
    %dma_wait3A_257 = tpu.memref_squeeze %dma_wait3A_256 : memref<1x1x1x1024xf32, #tpu.memory_space<hbm>> -> memref<1024xf32, #tpu.memory_space<hbm>>
    %dma_wait3A_258 = tpu.memref_slice %arg15[%dma_wait3A_252] : memref<4x!tpu.dma_semaphore, #tpu.memory_space<semaphore_mem>> -> memref<1x!tpu.dma_semaphore, #tpu.memory_space<semaphore_mem>>
    %dma_wait3A_259 = tpu.memref_squeeze %dma_wait3A_258 : memref<1x!tpu.dma_semaphore, #tpu.memory_space<semaphore_mem>> -> memref<!tpu.dma_semaphore, #tpu.memory_space<semaphore_mem>>
    %dma_wait3A_260 = arith.constant 0 : i32
    %dma_wait3A_261 = tpu.memref_slice %arg4[%dma_wait3A_249, %dma_wait3A_250, %dma_wait3A_251, %dma_wait3A_260] : memref<50x4x128x1024xf32, #tpu.memory_space<hbm>> -> memref<1x1x1x1024xf32, #tpu.memory_space<hbm>>
    %dma_wait3A_262 = tpu.memref_squeeze %dma_wait3A_261 : memref<1x1x1x1024xf32, #tpu.memory_space<hbm>> -> memref<1024xf32, #tpu.memory_space<hbm>>
    %dma_wait3A_263 = arith.constant 0 : i32
    %dma_wait3A_264 = tpu.memref_slice %arg11[%dma_wait3A_263] : memref<4096xf32, #tpu.memory_space<vmem>> -> memref<1024xf32, #tpu.memory_space<vmem>>
    tpu.wait_dma2 semaphore(%dma_wait3A_259 : memref<!tpu.dma_semaphore, #tpu.memory_space<semaphore_mem>>) src(%dma_wait3A_264 : memref<1024xf32, #tpu.memory_space<vmem>>) dst(%dma_wait3A_262 : memref<1024xf32, #tpu.memory_space<hbm>>)
    %dma_wait3A_265 = arith.constant 0 : i32
    %dma_wait3A_266 = arith.constant 0 : i32
    %dma_wait3A_267 = arith.constant 0 : i32
    %dma_wait3A_268 = arith.constant 1 : i32
    %dma_wait3A_269 = arith.constant 1024 : i32
    %dma_wait3A_270 = tpu.memref_slice %arg11[%dma_wait3A_269] : memref<4096xf32, #tpu.memory_space<vmem>> -> memref<1024xf32, #tpu.memory_space<vmem>>
    %dma_wait3A_271 = arith.constant 0 : i32
    %dma_wait3A_272 = tpu.memref_slice %arg4[%dma_wait3A_265, %dma_wait3A_266, %dma_wait3A_267, %dma_wait3A_271] : memref<50x4x128x1024xf32, #tpu.memory_space<hbm>> -> memref<1x1x1x1024xf32, #tpu.memory_space<hbm>>
    %dma_wait3A_273 = tpu.memref_squeeze %dma_wait3A_272 : memref<1x1x1x1024xf32, #tpu.memory_space<hbm>> -> memref<1024xf32, #tpu.memory_space<hbm>>
    %dma_wait3A_274 = tpu.memref_slice %arg15[%dma_wait3A_268] : memref<4x!tpu.dma_semaphore, #tpu.memory_space<semaphore_mem>> -> memref<1x!tpu.dma_semaphore, #tpu.memory_space<semaphore_mem>>
    %dma_wait3A_275 = tpu.memref_squeeze %dma_wait3A_274 : memref<1x!tpu.dma_semaphore, #tpu.memory_space<semaphore_mem>> -> memref<!tpu.dma_semaphore, #tpu.memory_space<semaphore_mem>>
    %dma_wait3A_276 = arith.constant 0 : i32
    %dma_wait3A_277 = tpu.memref_slice %arg4[%dma_wait3A_265, %dma_wait3A_266, %dma_wait3A_267, %dma_wait3A_276] : memref<50x4x128x1024xf32, #tpu.memory_space<hbm>> -> memref<1x1x1x1024xf32, #tpu.memory_space<hbm>>
    %dma_wait3A_278 = tpu.memref_squeeze %dma_wait3A_277 : memref<1x1x1x1024xf32, #tpu.memory_space<hbm>> -> memref<1024xf32, #tpu.memory_space<hbm>>
    %dma_wait3A_279 = arith.constant 1024 : i32
    %dma_wait3A_280 = tpu.memref_slice %arg11[%dma_wait3A_279] : memref<4096xf32, #tpu.memory_space<vmem>> -> memref<1024xf32, #tpu.memory_space<vmem>>
    tpu.wait_dma2 semaphore(%dma_wait3A_275 : memref<!tpu.dma_semaphore, #tpu.memory_space<semaphore_mem>>) src(%dma_wait3A_280 : memref<1024xf32, #tpu.memory_space<vmem>>) dst(%dma_wait3A_278 : memref<1024xf32, #tpu.memory_space<hbm>>)
    %dma_wait3A_281 = arith.constant 0 : i32
    %dma_wait3A_282 = arith.constant 0 : i32
    %dma_wait3A_283 = arith.constant 0 : i32
    %dma_wait3A_284 = arith.constant 1 : i32
    %dma_wait3A_285 = arith.constant 2048 : i32
    %dma_wait3A_286 = tpu.memref_slice %arg11[%dma_wait3A_285] : memref<4096xf32, #tpu.memory_space<vmem>> -> memref<1024xf32, #tpu.memory_space<vmem>>
    %dma_wait3A_287 = arith.constant 0 : i32
    %dma_wait3A_288 = tpu.memref_slice %arg4[%dma_wait3A_281, %dma_wait3A_282, %dma_wait3A_283, %dma_wait3A_287] : memref<50x4x128x1024xf32, #tpu.memory_space<hbm>> -> memref<1x1x1x1024xf32, #tpu.memory_space<hbm>>
    %dma_wait3A_289 = tpu.memref_squeeze %dma_wait3A_288 : memref<1x1x1x1024xf32, #tpu.memory_space<hbm>> -> memref<1024xf32, #tpu.memory_space<hbm>>
    %dma_wait3A_290 = tpu.memref_slice %arg15[%dma_wait3A_284] : memref<4x!tpu.dma_semaphore, #tpu.memory_space<semaphore_mem>> -> memref<1x!tpu.dma_semaphore, #tpu.memory_space<semaphore_mem>>
    %dma_wait3A_291 = tpu.memref_squeeze %dma_wait3A_290 : memref<1x!tpu.dma_semaphore, #tpu.memory_space<semaphore_mem>> -> memref<!tpu.dma_semaphore, #tpu.memory_space<semaphore_mem>>
    %dma_wait3A_292 = arith.constant 0 : i32
    %dma_wait3A_293 = tpu.memref_slice %arg4[%dma_wait3A_281, %dma_wait3A_282, %dma_wait3A_283, %dma_wait3A_292] : memref<50x4x128x1024xf32, #tpu.memory_space<hbm>> -> memref<1x1x1x1024xf32, #tpu.memory_space<hbm>>
    %dma_wait3A_294 = tpu.memref_squeeze %dma_wait3A_293 : memref<1x1x1x1024xf32, #tpu.memory_space<hbm>> -> memref<1024xf32, #tpu.memory_space<hbm>>
    %dma_wait3A_295 = arith.constant 2048 : i32
    %dma_wait3A_296 = tpu.memref_slice %arg11[%dma_wait3A_295] : memref<4096xf32, #tpu.memory_space<vmem>> -> memref<1024xf32, #tpu.memory_space<vmem>>
    tpu.wait_dma2 semaphore(%dma_wait3A_291 : memref<!tpu.dma_semaphore, #tpu.memory_space<semaphore_mem>>) src(%dma_wait3A_296 : memref<1024xf32, #tpu.memory_space<vmem>>) dst(%dma_wait3A_294 : memref<1024xf32, #tpu.memory_space<hbm>>)
    %dma_wait3A_297 = arith.constant 0 : i32
    %dma_wait3A_298 = arith.constant 0 : i32
    %dma_wait3A_299 = arith.constant 0 : i32
    %dma_wait3A_300 = arith.constant 1 : i32
    %dma_wait3A_301 = arith.constant 3072 : i32
    %dma_wait3A_302 = tpu.memref_slice %arg11[%dma_wait3A_301] : memref<4096xf32, #tpu.memory_space<vmem>> -> memref<1024xf32, #tpu.memory_space<vmem>>
    %dma_wait3A_303 = arith.constant 0 : i32
    %dma_wait3A_304 = tpu.memref_slice %arg4[%dma_wait3A_297, %dma_wait3A_298, %dma_wait3A_299, %dma_wait3A_303] : memref<50x4x128x1024xf32, #tpu.memory_space<hbm>> -> memref<1x1x1x1024xf32, #tpu.memory_space<hbm>>
    %dma_wait3A_305 = tpu.memref_squeeze %dma_wait3A_304 : memref<1x1x1x1024xf32, #tpu.memory_space<hbm>> -> memref<1024xf32, #tpu.memory_space<hbm>>
    %dma_wait3A_306 = tpu.memref_slice %arg15[%dma_wait3A_300] : memref<4x!tpu.dma_semaphore, #tpu.memory_space<semaphore_mem>> -> memref<1x!tpu.dma_semaphore, #tpu.memory_space<semaphore_mem>>
    %dma_wait3A_307 = tpu.memref_squeeze %dma_wait3A_306 : memref<1x!tpu.dma_semaphore, #tpu.memory_space<semaphore_mem>> -> memref<!tpu.dma_semaphore, #tpu.memory_space<semaphore_mem>>
    %dma_wait3A_308 = arith.constant 0 : i32
    %dma_wait3A_309 = tpu.memref_slice %arg4[%dma_wait3A_297, %dma_wait3A_298, %dma_wait3A_299, %dma_wait3A_308] : memref<50x4x128x1024xf32, #tpu.memory_space<hbm>> -> memref<1x1x1x1024xf32, #tpu.memory_space<hbm>>
    %dma_wait3A_310 = tpu.memref_squeeze %dma_wait3A_309 : memref<1x1x1x1024xf32, #tpu.memory_space<hbm>> -> memref<1024xf32, #tpu.memory_space<hbm>>
    %dma_wait3A_311 = arith.constant 3072 : i32
    %dma_wait3A_312 = tpu.memref_slice %arg11[%dma_wait3A_311] : memref<4096xf32, #tpu.memory_space<vmem>> -> memref<1024xf32, #tpu.memory_space<vmem>>
    tpu.wait_dma2 semaphore(%dma_wait3A_307 : memref<!tpu.dma_semaphore, #tpu.memory_space<semaphore_mem>>) src(%dma_wait3A_312 : memref<1024xf32, #tpu.memory_space<vmem>>) dst(%dma_wait3A_310 : memref<1024xf32, #tpu.memory_space<hbm>>)
    %dma_wait3A_313 = arith.constant 0 : i32
    %dma_wait3A_314 = arith.constant 0 : i32
    %dma_wait3A_315 = arith.constant 0 : i32
    %dma_wait3A_316 = arith.constant 2 : i32
    %dma_wait3A_317 = arith.constant 0 : i32
    %dma_wait3A_318 = tpu.memref_slice %arg12[%dma_wait3A_317] : memref<4096xf32, #tpu.memory_space<vmem>> -> memref<1024xf32, #tpu.memory_space<vmem>>
    %dma_wait3A_319 = arith.constant 0 : i32
    %dma_wait3A_320 = tpu.memref_slice %arg4[%dma_wait3A_313, %dma_wait3A_314, %dma_wait3A_315, %dma_wait3A_319] : memref<50x4x128x1024xf32, #tpu.memory_space<hbm>> -> memref<1x1x1x1024xf32, #tpu.memory_space<hbm>>
    %dma_wait3A_321 = tpu.memref_squeeze %dma_wait3A_320 : memref<1x1x1x1024xf32, #tpu.memory_space<hbm>> -> memref<1024xf32, #tpu.memory_space<hbm>>
    %dma_wait3A_322 = tpu.memref_slice %arg15[%dma_wait3A_316] : memref<4x!tpu.dma_semaphore, #tpu.memory_space<semaphore_mem>> -> memref<1x!tpu.dma_semaphore, #tpu.memory_space<semaphore_mem>>
    %dma_wait3A_323 = tpu.memref_squeeze %dma_wait3A_322 : memref<1x!tpu.dma_semaphore, #tpu.memory_space<semaphore_mem>> -> memref<!tpu.dma_semaphore, #tpu.memory_space<semaphore_mem>>
    %dma_wait3A_324 = arith.constant 0 : i32
    %dma_wait3A_325 = tpu.memref_slice %arg4[%dma_wait3A_313, %dma_wait3A_314, %dma_wait3A_315, %dma_wait3A_324] : memref<50x4x128x1024xf32, #tpu.memory_space<hbm>> -> memref<1x1x1x1024xf32, #tpu.memory_space<hbm>>
    %dma_wait3A_326 = tpu.memref_squeeze %dma_wait3A_325 : memref<1x1x1x1024xf32, #tpu.memory_space<hbm>> -> memref<1024xf32, #tpu.memory_space<hbm>>
    %dma_wait3A_327 = arith.constant 0 : i32
    %dma_wait3A_328 = tpu.memref_slice %arg12[%dma_wait3A_327] : memref<4096xf32, #tpu.memory_space<vmem>> -> memref<1024xf32, #tpu.memory_space<vmem>>
    tpu.wait_dma2 semaphore(%dma_wait3A_323 : memref<!tpu.dma_semaphore, #tpu.memory_space<semaphore_mem>>) src(%dma_wait3A_328 : memref<1024xf32, #tpu.memory_space<vmem>>) dst(%dma_wait3A_326 : memref<1024xf32, #tpu.memory_space<hbm>>)
    %dma_wait3A_329 = arith.constant 0 : i32
    %dma_wait3A_330 = arith.constant 0 : i32
    %dma_wait3A_331 = arith.constant 0 : i32
    %dma_wait3A_332 = arith.constant 2 : i32
    %dma_wait3A_333 = arith.constant 1024 : i32
    %dma_wait3A_334 = tpu.memref_slice %arg12[%dma_wait3A_333] : memref<4096xf32, #tpu.memory_space<vmem>> -> memref<1024xf32, #tpu.memory_space<vmem>>
    %dma_wait3A_335 = arith.constant 0 : i32
    %dma_wait3A_336 = tpu.memref_slice %arg4[%dma_wait3A_329, %dma_wait3A_330, %dma_wait3A_331, %dma_wait3A_335] : memref<50x4x128x1024xf32, #tpu.memory_space<hbm>> -> memref<1x1x1x1024xf32, #tpu.memory_space<hbm>>
    %dma_wait3A_337 = tpu.memref_squeeze %dma_wait3A_336 : memref<1x1x1x1024xf32, #tpu.memory_space<hbm>> -> memref<1024xf32, #tpu.memory_space<hbm>>
    %dma_wait3A_338 = tpu.memref_slice %arg15[%dma_wait3A_332] : memref<4x!tpu.dma_semaphore, #tpu.memory_space<semaphore_mem>> -> memref<1x!tpu.dma_semaphore, #tpu.memory_space<semaphore_mem>>
    %dma_wait3A_339 = tpu.memref_squeeze %dma_wait3A_338 : memref<1x!tpu.dma_semaphore, #tpu.memory_space<semaphore_mem>> -> memref<!tpu.dma_semaphore, #tpu.memory_space<semaphore_mem>>
    %dma_wait3A_340 = arith.constant 0 : i32
    %dma_wait3A_341 = tpu.memref_slice %arg4[%dma_wait3A_329, %dma_wait3A_330, %dma_wait3A_331, %dma_wait3A_340] : memref<50x4x128x1024xf32, #tpu.memory_space<hbm>> -> memref<1x1x1x1024xf32, #tpu.memory_space<hbm>>
    %dma_wait3A_342 = tpu.memref_squeeze %dma_wait3A_341 : memref<1x1x1x1024xf32, #tpu.memory_space<hbm>> -> memref<1024xf32, #tpu.memory_space<hbm>>
    %dma_wait3A_343 = arith.constant 1024 : i32
    %dma_wait3A_344 = tpu.memref_slice %arg12[%dma_wait3A_343] : memref<4096xf32, #tpu.memory_space<vmem>> -> memref<1024xf32, #tpu.memory_space<vmem>>
    tpu.wait_dma2 semaphore(%dma_wait3A_339 : memref<!tpu.dma_semaphore, #tpu.memory_space<semaphore_mem>>) src(%dma_wait3A_344 : memref<1024xf32, #tpu.memory_space<vmem>>) dst(%dma_wait3A_342 : memref<1024xf32, #tpu.memory_space<hbm>>)
    %dma_wait3A_345 = arith.constant 0 : i32
    %dma_wait3A_346 = arith.constant 0 : i32
    %dma_wait3A_347 = arith.constant 0 : i32
    %dma_wait3A_348 = arith.constant 2 : i32
    %dma_wait3A_349 = arith.constant 2048 : i32
    %dma_wait3A_350 = tpu.memref_slice %arg12[%dma_wait3A_349] : memref<4096xf32, #tpu.memory_space<vmem>> -> memref<1024xf32, #tpu.memory_space<vmem>>
    %dma_wait3A_351 = arith.constant 0 : i32
    %dma_wait3A_352 = tpu.memref_slice %arg4[%dma_wait3A_345, %dma_wait3A_346, %dma_wait3A_347, %dma_wait3A_351] : memref<50x4x128x1024xf32, #tpu.memory_space<hbm>> -> memref<1x1x1x1024xf32, #tpu.memory_space<hbm>>
    %dma_wait3A_353 = tpu.memref_squeeze %dma_wait3A_352 : memref<1x1x1x1024xf32, #tpu.memory_space<hbm>> -> memref<1024xf32, #tpu.memory_space<hbm>>
    %dma_wait3A_354 = tpu.memref_slice %arg15[%dma_wait3A_348] : memref<4x!tpu.dma_semaphore, #tpu.memory_space<semaphore_mem>> -> memref<1x!tpu.dma_semaphore, #tpu.memory_space<semaphore_mem>>
    %dma_wait3A_355 = tpu.memref_squeeze %dma_wait3A_354 : memref<1x!tpu.dma_semaphore, #tpu.memory_space<semaphore_mem>> -> memref<!tpu.dma_semaphore, #tpu.memory_space<semaphore_mem>>
    %dma_wait3A_356 = arith.constant 0 : i32
    %dma_wait3A_357 = tpu.memref_slice %arg4[%dma_wait3A_345, %dma_wait3A_346, %dma_wait3A_347, %dma_wait3A_356] : memref<50x4x128x1024xf32, #tpu.memory_space<hbm>> -> memref<1x1x1x1024xf32, #tpu.memory_space<hbm>>
    %dma_wait3A_358 = tpu.memref_squeeze %dma_wait3A_357 : memref<1x1x1x1024xf32, #tpu.memory_space<hbm>> -> memref<1024xf32, #tpu.memory_space<hbm>>
    %dma_wait3A_359 = arith.constant 2048 : i32
    %dma_wait3A_360 = tpu.memref_slice %arg12[%dma_wait3A_359] : memref<4096xf32, #tpu.memory_space<vmem>> -> memref<1024xf32, #tpu.memory_space<vmem>>
    tpu.wait_dma2 semaphore(%dma_wait3A_355 : memref<!tpu.dma_semaphore, #tpu.memory_space<semaphore_mem>>) src(%dma_wait3A_360 : memref<1024xf32, #tpu.memory_space<vmem>>) dst(%dma_wait3A_358 : memref<1024xf32, #tpu.memory_space<hbm>>)
    %dma_wait3A_361 = arith.constant 0 : i32
    %dma_wait3A_362 = arith.constant 0 : i32
    %dma_wait3A_363 = arith.constant 0 : i32
    %dma_wait3A_364 = arith.constant 2 : i32
    %dma_wait3A_365 = arith.constant 3072 : i32
    %dma_wait3A_366 = tpu.memref_slice %arg12[%dma_wait3A_365] : memref<4096xf32, #tpu.memory_space<vmem>> -> memref<1024xf32, #tpu.memory_space<vmem>>
    %dma_wait3A_367 = arith.constant 0 : i32
    %dma_wait3A_368 = tpu.memref_slice %arg4[%dma_wait3A_361, %dma_wait3A_362, %dma_wait3A_363, %dma_wait3A_367] : memref<50x4x128x1024xf32, #tpu.memory_space<hbm>> -> memref<1x1x1x1024xf32, #tpu.memory_space<hbm>>
    %dma_wait3A_369 = tpu.memref_squeeze %dma_wait3A_368 : memref<1x1x1x1024xf32, #tpu.memory_space<hbm>> -> memref<1024xf32, #tpu.memory_space<hbm>>
    %dma_wait3A_370 = tpu.memref_slice %arg15[%dma_wait3A_364] : memref<4x!tpu.dma_semaphore, #tpu.memory_space<semaphore_mem>> -> memref<1x!tpu.dma_semaphore, #tpu.memory_space<semaphore_mem>>
    %dma_wait3A_371 = tpu.memref_squeeze %dma_wait3A_370 : memref<1x!tpu.dma_semaphore, #tpu.memory_space<semaphore_mem>> -> memref<!tpu.dma_semaphore, #tpu.memory_space<semaphore_mem>>
    %dma_wait3A_372 = arith.constant 0 : i32
    %dma_wait3A_373 = tpu.memref_slice %arg4[%dma_wait3A_361, %dma_wait3A_362, %dma_wait3A_363, %dma_wait3A_372] : memref<50x4x128x1024xf32, #tpu.memory_space<hbm>> -> memref<1x1x1x1024xf32, #tpu.memory_space<hbm>>
    %dma_wait3A_374 = tpu.memref_squeeze %dma_wait3A_373 : memref<1x1x1x1024xf32, #tpu.memory_space<hbm>> -> memref<1024xf32, #tpu.memory_space<hbm>>
    %dma_wait3A_375 = arith.constant 3072 : i32
    %dma_wait3A_376 = tpu.memref_slice %arg12[%dma_wait3A_375] : memref<4096xf32, #tpu.memory_space<vmem>> -> memref<1024xf32, #tpu.memory_space<vmem>>
    tpu.wait_dma2 semaphore(%dma_wait3A_371 : memref<!tpu.dma_semaphore, #tpu.memory_space<semaphore_mem>>) src(%dma_wait3A_376 : memref<1024xf32, #tpu.memory_space<vmem>>) dst(%dma_wait3A_374 : memref<1024xf32, #tpu.memory_space<hbm>>)
    %dma_wait3A_377 = arith.constant 0 : i32
    %dma_wait3A_378 = arith.constant 0 : i32
    %dma_wait3A_379 = arith.constant 0 : i32
    %dma_wait3A_380 = arith.constant 3 : i32
    %dma_wait3A_381 = arith.constant 0 : i32
    %dma_wait3A_382 = tpu.memref_slice %arg13[%dma_wait3A_381] : memref<4096xf32, #tpu.memory_space<vmem>> -> memref<1024xf32, #tpu.memory_space<vmem>>
    %dma_wait3A_383 = arith.constant 0 : i32
    %dma_wait3A_384 = tpu.memref_slice %arg4[%dma_wait3A_377, %dma_wait3A_378, %dma_wait3A_379, %dma_wait3A_383] : memref<50x4x128x1024xf32, #tpu.memory_space<hbm>> -> memref<1x1x1x1024xf32, #tpu.memory_space<hbm>>
    %dma_wait3A_385 = tpu.memref_squeeze %dma_wait3A_384 : memref<1x1x1x1024xf32, #tpu.memory_space<hbm>> -> memref<1024xf32, #tpu.memory_space<hbm>>
    %dma_wait3A_386 = tpu.memref_slice %arg15[%dma_wait3A_380] : memref<4x!tpu.dma_semaphore, #tpu.memory_space<semaphore_mem>> -> memref<1x!tpu.dma_semaphore, #tpu.memory_space<semaphore_mem>>
    %dma_wait3A_387 = tpu.memref_squeeze %dma_wait3A_386 : memref<1x!tpu.dma_semaphore, #tpu.memory_space<semaphore_mem>> -> memref<!tpu.dma_semaphore, #tpu.memory_space<semaphore_mem>>
    %dma_wait3A_388 = arith.constant 0 : i32
    %dma_wait3A_389 = tpu.memref_slice %arg4[%dma_wait3A_377, %dma_wait3A_378, %dma_wait3A_379, %dma_wait3A_388] : memref<50x4x128x1024xf32, #tpu.memory_space<hbm>> -> memref<1x1x1x1024xf32, #tpu.memory_space<hbm>>
    %dma_wait3A_390 = tpu.memref_squeeze %dma_wait3A_389 : memref<1x1x1x1024xf32, #tpu.memory_space<hbm>> -> memref<1024xf32, #tpu.memory_space<hbm>>
    %dma_wait3A_391 = arith.constant 0 : i32
    %dma_wait3A_392 = tpu.memref_slice %arg13[%dma_wait3A_391] : memref<4096xf32, #tpu.memory_space<vmem>> -> memref<1024xf32, #tpu.memory_space<vmem>>
    tpu.wait_dma2 semaphore(%dma_wait3A_387 : memref<!tpu.dma_semaphore, #tpu.memory_space<semaphore_mem>>) src(%dma_wait3A_392 : memref<1024xf32, #tpu.memory_space<vmem>>) dst(%dma_wait3A_390 : memref<1024xf32, #tpu.memory_space<hbm>>)
    %dma_wait3A_393 = arith.constant 0 : i32
    %dma_wait3A_394 = arith.constant 0 : i32
    %dma_wait3A_395 = arith.constant 0 : i32
    %dma_wait3A_396 = arith.constant 3 : i32
    %dma_wait3A_397 = arith.constant 1024 : i32
    %dma_wait3A_398 = tpu.memref_slice %arg13[%dma_wait3A_397] : memref<4096xf32, #tpu.memory_space<vmem>> -> memref<1024xf32, #tpu.memory_space<vmem>>
    %dma_wait3A_399 = arith.constant 0 : i32
    %dma_wait3A_400 = tpu.memref_slice %arg4[%dma_wait3A_393, %dma_wait3A_394, %dma_wait3A_395, %dma_wait3A_399] : memref<50x4x128x1024xf32, #tpu.memory_space<hbm>> -> memref<1x1x1x1024xf32, #tpu.memory_space<hbm>>
    %dma_wait3A_401 = tpu.memref_squeeze %dma_wait3A_400 : memref<1x1x1x1024xf32, #tpu.memory_space<hbm>> -> memref<1024xf32, #tpu.memory_space<hbm>>
    %dma_wait3A_402 = tpu.memref_slice %arg15[%dma_wait3A_396] : memref<4x!tpu.dma_semaphore, #tpu.memory_space<semaphore_mem>> -> memref<1x!tpu.dma_semaphore, #tpu.memory_space<semaphore_mem>>
    %dma_wait3A_403 = tpu.memref_squeeze %dma_wait3A_402 : memref<1x!tpu.dma_semaphore, #tpu.memory_space<semaphore_mem>> -> memref<!tpu.dma_semaphore, #tpu.memory_space<semaphore_mem>>
    %dma_wait3A_404 = arith.constant 0 : i32
    %dma_wait3A_405 = tpu.memref_slice %arg4[%dma_wait3A_393, %dma_wait3A_394, %dma_wait3A_395, %dma_wait3A_404] : memref<50x4x128x1024xf32, #tpu.memory_space<hbm>> -> memref<1x1x1x1024xf32, #tpu.memory_space<hbm>>
    %dma_wait3A_406 = tpu.memref_squeeze %dma_wait3A_405 : memref<1x1x1x1024xf32, #tpu.memory_space<hbm>> -> memref<1024xf32, #tpu.memory_space<hbm>>
    %dma_wait3A_407 = arith.constant 1024 : i32
    %dma_wait3A_408 = tpu.memref_slice %arg13[%dma_wait3A_407] : memref<4096xf32, #tpu.memory_space<vmem>> -> memref<1024xf32, #tpu.memory_space<vmem>>
    tpu.wait_dma2 semaphore(%dma_wait3A_403 : memref<!tpu.dma_semaphore, #tpu.memory_space<semaphore_mem>>) src(%dma_wait3A_408 : memref<1024xf32, #tpu.memory_space<vmem>>) dst(%dma_wait3A_406 : memref<1024xf32, #tpu.memory_space<hbm>>)
    %dma_wait3A_409 = arith.constant 0 : i32
    %dma_wait3A_410 = arith.constant 0 : i32
    %dma_wait3A_411 = arith.constant 0 : i32
    %dma_wait3A_412 = arith.constant 3 : i32
    %dma_wait3A_413 = arith.constant 2048 : i32
    %dma_wait3A_414 = tpu.memref_slice %arg13[%dma_wait3A_413] : memref<4096xf32, #tpu.memory_space<vmem>> -> memref<1024xf32, #tpu.memory_space<vmem>>
    %dma_wait3A_415 = arith.constant 0 : i32
    %dma_wait3A_416 = tpu.memref_slice %arg4[%dma_wait3A_409, %dma_wait3A_410, %dma_wait3A_411, %dma_wait3A_415] : memref<50x4x128x1024xf32, #tpu.memory_space<hbm>> -> memref<1x1x1x1024xf32, #tpu.memory_space<hbm>>
    %dma_wait3A_417 = tpu.memref_squeeze %dma_wait3A_416 : memref<1x1x1x1024xf32, #tpu.memory_space<hbm>> -> memref<1024xf32, #tpu.memory_space<hbm>>
    %dma_wait3A_418 = tpu.memref_slice %arg15[%dma_wait3A_412] : memref<4x!tpu.dma_semaphore, #tpu.memory_space<semaphore_mem>> -> memref<1x!tpu.dma_semaphore, #tpu.memory_space<semaphore_mem>>
    %dma_wait3A_419 = tpu.memref_squeeze %dma_wait3A_418 : memref<1x!tpu.dma_semaphore, #tpu.memory_space<semaphore_mem>> -> memref<!tpu.dma_semaphore, #tpu.memory_space<semaphore_mem>>
    %dma_wait3A_420 = arith.constant 0 : i32
    %dma_wait3A_421 = tpu.memref_slice %arg4[%dma_wait3A_409, %dma_wait3A_410, %dma_wait3A_411, %dma_wait3A_420] : memref<50x4x128x1024xf32, #tpu.memory_space<hbm>> -> memref<1x1x1x1024xf32, #tpu.memory_space<hbm>>
    %dma_wait3A_422 = tpu.memref_squeeze %dma_wait3A_421 : memref<1x1x1x1024xf32, #tpu.memory_space<hbm>> -> memref<1024xf32, #tpu.memory_space<hbm>>
    %dma_wait3A_423 = arith.constant 2048 : i32
    %dma_wait3A_424 = tpu.memref_slice %arg13[%dma_wait3A_423] : memref<4096xf32, #tpu.memory_space<vmem>> -> memref<1024xf32, #tpu.memory_space<vmem>>
    tpu.wait_dma2 semaphore(%dma_wait3A_419 : memref<!tpu.dma_semaphore, #tpu.memory_space<semaphore_mem>>) src(%dma_wait3A_424 : memref<1024xf32, #tpu.memory_space<vmem>>) dst(%dma_wait3A_422 : memref<1024xf32, #tpu.memory_space<hbm>>)
    %dma_wait3A_425 = arith.constant 0 : i32
    %dma_wait3A_426 = arith.constant 0 : i32
    %dma_wait3A_427 = arith.constant 0 : i32
    %dma_wait3A_428 = arith.constant 3 : i32
    %dma_wait3A_429 = arith.constant 3072 : i32
    %dma_wait3A_430 = tpu.memref_slice %arg13[%dma_wait3A_429] : memref<4096xf32, #tpu.memory_space<vmem>> -> memref<1024xf32, #tpu.memory_space<vmem>>
    %dma_wait3A_431 = arith.constant 0 : i32
    %dma_wait3A_432 = tpu.memref_slice %arg4[%dma_wait3A_425, %dma_wait3A_426, %dma_wait3A_427, %dma_wait3A_431] : memref<50x4x128x1024xf32, #tpu.memory_space<hbm>> -> memref<1x1x1x1024xf32, #tpu.memory_space<hbm>>
    %dma_wait3A_433 = tpu.memref_squeeze %dma_wait3A_432 : memref<1x1x1x1024xf32, #tpu.memory_space<hbm>> -> memref<1024xf32, #tpu.memory_space<hbm>>
    %dma_wait3A_434 = tpu.memref_slice %arg15[%dma_wait3A_428] : memref<4x!tpu.dma_semaphore, #tpu.memory_space<semaphore_mem>> -> memref<1x!tpu.dma_semaphore, #tpu.memory_space<semaphore_mem>>
    %dma_wait3A_435 = tpu.memref_squeeze %dma_wait3A_434 : memref<1x!tpu.dma_semaphore, #tpu.memory_space<semaphore_mem>> -> memref<!tpu.dma_semaphore, #tpu.memory_space<semaphore_mem>>
    %dma_wait3A_436 = arith.constant 0 : i32
    %dma_wait3A_437 = tpu.memref_slice %arg4[%dma_wait3A_425, %dma_wait3A_426, %dma_wait3A_427, %dma_wait3A_436] : memref<50x4x128x1024xf32, #tpu.memory_space<hbm>> -> memref<1x1x1x1024xf32, #tpu.memory_space<hbm>>
    %dma_wait3A_438 = tpu.memref_squeeze %dma_wait3A_437 : memref<1x1x1x1024xf32, #tpu.memory_space<hbm>> -> memref<1024xf32, #tpu.memory_space<hbm>>
    %dma_wait3A_439 = arith.constant 3072 : i32
    %dma_wait3A_440 = tpu.memref_slice %arg13[%dma_wait3A_439] : memref<4096xf32, #tpu.memory_space<vmem>> -> memref<1024xf32, #tpu.memory_space<vmem>>
    tpu.wait_dma2 semaphore(%dma_wait3A_435 : memref<!tpu.dma_semaphore, #tpu.memory_space<semaphore_mem>>) src(%dma_wait3A_440 : memref<1024xf32, #tpu.memory_space<vmem>>) dst(%dma_wait3A_438 : memref<1024xf32, #tpu.memory_space<hbm>>)
    return
  }
}

</mosaic_0001>

<sc_bundles>
// kernel: kernel.3.cloned.1.call-start
scs
__scs_entry_jumppad:
0x0: {  	(pc) =	sbr.rel $0x88, $3  }
0x1: {  	(tag) =	ssettag $0x0;
	lr =	simm.s32 $0x1  }
0x2: {  	[smem:$0x3F9F] =	sst lr;
	_ =	strace $0xD0000000  }
0x3: {  	_ = 	snop  }
0x4: {  	_ = 	snop  }
0x5: {  	_ = 	snop  }
0x6: {  	_ = 	snop  }
0x7: {  	_ = 	snop  }
__scs_overlays_trampoline_lowered:
0x8: {  	[smem:$0x3FAE] =	sst s0  }
0x9: {  	[smem:$0x3FAF] =	sst s1  }
0xa: {  	[smem:$0x3FB0] =	sst s2  }
0xb: {  	[smem:$0x3FB1] =	sst s3  }
0xc: {  	[smem:$0x3FB2] =	sst s4  }
0xd: {  	[smem:$0x3FB3] =	sst s5  }
0xe: {  	[smem:$0x3FB4] =	sst s6  }
0xf: {  	[smem:$0x3FB5] =	sst s7  }
0x10: {  	[smem:$0x3FB6] =	sst s8  }
0x11: {  	[smem:$0x3FB7] =	sst s9;
	s0 =	simm.s32 @!p0 $0x0  }
0x12: {  	s1 =	sld [smem:$0x3F9D];
	s0 =	simm.s32 @p0 $0x1  }
0x13: {  	[smem:$0x3FB8] =	sst s0;
	s0 =	simm.s32 @!p1 $0x0  }
0x14: {  	s2 =	sld [smem:$0x3F9C];
	s0 =	simm.s32 @p1 $0x1  }
0x15: {  	[smem:$0x3FB9] =	sst s0;
	s0 =	simm.s32 @!p2 $0x0  }
0x16: {  	s3 =	sld [smem:$0x3FDB];
	s0 =	simm.s32 @p2 $0x1  }
0x17: {  	s4 =	simm.s32 $0x1BF5;
	[smem:$0x3FBB] =	sst s0  }
0x18: {  	s0 =	sld [smem:$0x3F9E];
	_ =	swait.ge [sflag:s4], $0x0  }
0x19: {  	s7 =	sld [smem:$0x3F9F]  }
0x1a: {  	s8 =	sadd.s32 $0xFFFFE003, lr  }
0x1b: {  	s9 =	sadd.s32 $0xFFFFFEF7, lr;
	s5 =	simm.s32 $0xFFFFFFFF;
	p2 =	slt.u32 s8, $0xFFFFF086  }
0x1c: {  	p1 =	slt.u32 s9, $0xF7A;
	s5 =	simm.s32 @!p2 $0x0  }
0x1d: {  	s5 =	simm.s32 @p1 $0x1;
	p0 =	seq.s32 s7, s2  }
0x1e: {  	s7 =	smul.u32 @!p0 $0xF7A, s2;
	p2 =	seq.s32 @!p0 s5, $0x0  }
0x1f: {  	s9 =	smul.u32 $0xF7A, s1;
	s8 =	simm.s32 @!p0 $0x1BF5;
	p2 =	por !p2, p0  }
0x20: {  	[sflag:s8] =	ssyncset.s32 @!p0 $0xFFFFF086;
	s6 =	sadd.s32 @!p0 s3, s7;
	s7 =	simm.s32 @!p0 $0x108  }
0x21: {  	s3 =	sadd.s32 s3, s9;
	s6 =	sadd.s32 @!p0 $0x88, s6;
	s7 =	simm.s32 @p2 $0x1082  }
0x22: {  	[simem:s7], [sflag:s8] =	dma.local @!p0 [hbm:s6], $0xF7A  }
0x23: {  	s9 =	sor.u32 $0xD0000000, s2;
	s6 =	simm.s32 $0x108;
	_ =	swait.ge @!p0 [sflag:s8], $0x0  }
0x24: {  	s3 =	sadd.s32 $0x88, s3;
	s6 =	simm.s32 @!p1 $0x1082;
	[sflag:s4] =	ssyncset.s32 $0xFFFFF086  }
0x25: {  	[simem:s6], [sflag:s4] =	dma.local [hbm:s3], $0xF7A  }
0x26: {  	[smem:$0x3F9F] =	sst s1;
	(tag) =	ssettag s2;
	_ =	strace s9  }
0x27: {  	s1 =	sld [smem:$0x3FAF]  }
0x28: {  	s2 =	sld [smem:$0x3FB0]  }
0x29: {  	s4 =	sld [smem:$0x3FB2]  }
0x2a: {  	p0 =	seq.s32 s5, $0x0;
	s5 =	sld [smem:$0x3FB3]  }
0x2b: {  	s6 =	sld [smem:$0x3FB4]  }
0x2c: {  	s7 =	sld [smem:$0x3FB5]  }
0x2d: {  	s3 =	simm.s32 $0x108;
	s8 =	sld [smem:$0x3FB6]  }
0x2e: {  	s3 =	simm.s32 @!p0 $0x1082;
	s9 =	sld [smem:$0x3FB7]  }
0x2f: {  	lr =	sadd.s32 s0, s3;
	s0 =	sld [smem:$0x3FAE]  }
0x30: {  	s3 =	sld [smem:$0x3FB1]  }
0x31: {  	[smem:$0x3FBA] =	sst s10  }
0x32: {  	s10 =	sld [smem:$0x3FB8];
	_ =	sdelay $0x3  }
0x33: {  	p0 =	seq.s32 s10, $0x1;
	s10 =	sld [smem:$0x3FBA];
	_ =	sdelay $0x3  }
0x34: {  	[smem:$0x3FBA] =	sst s10  }
0x35: {  	s10 =	sld [smem:$0x3FB9];
	_ =	sdelay $0x3  }
0x36: {  	p1 =	seq.s32 s10, $0x1;
	s10 =	sld [smem:$0x3FBA];
	_ =	sdelay $0x3  }
0x37: {  	[smem:$0x3FBA] =	sst s10  }
0x38: {  	s10 =	sld [smem:$0x3FBB]  }
0x39: {  	_ = 	snop;
	(pc) =	sbr.ind lr, $3  }
0x3a: {  	_ = 	snop  }
0x3b: {  	_ = 	snop  }
0x3c: {  	p2 =	seq.s32 s10, $0x1;
	s10 =	sld [smem:$0x3FBA]  }
0x3d: {  	_ =	shalt  }
0x3e: {  	_ =	shalt  }
0x3f: {  	_ =	shalt  }
0x40: {  	_ =	shalt  }
0x41: {  	_ =	shalt  }
0x42: {  	_ =	shalt  }
0x43: {  	_ =	shalt  }
0x44: {  	_ =	shalt  }
0x45: {  	_ =	shalt  }
0x46: {  	_ =	shalt  }
0x47: {  	_ =	shalt  }
0x48: {  	_ =	shalt  }
0x49: {  	_ =	shalt  }
0x4a: {  	_ =	shalt  }
0x4b: {  	_ =	shalt  }
0x4c: {  	_ =	shalt  }
0x4d: {  	_ =	shalt  }
0x4e: {  	_ =	shalt  }
0x4f: {  	_ =	shalt  }
0x50: {  	_ =	shalt  }
0x51: {  	_ =	shalt  }
0x52: {  	_ =	shalt  }
0x53: {  	_ =	shalt  }
0x54: {  	_ =	shalt  }
0x55: {  	_ =	shalt  }
0x56: {  	_ =	shalt  }
0x57: {  	_ =	shalt  }
0x58: {  	_ =	shalt  }
0x59: {  	_ =	shalt  }
0x5a: {  	_ =	shalt  }
0x5b: {  	_ =	shalt  }
0x5c: {  	_ =	shalt  }
0x5d: {  	_ =	shalt  }
0x5e: {  	_ =	shalt  }
0x5f: {  	_ =	shalt  }
0x60: {  	_ =	shalt  }
0x61: {  	_ =	shalt  }
0x62: {  	_ =	shalt  }
0x63: {  	_ =	shalt  }
0x64: {  	_ =	shalt  }
0x65: {  	_ =	shalt  }
0x66: {  	_ =	shalt  }
0x67: {  	_ =	shalt  }
0x68: {  	_ =	shalt  }
0x69: {  	_ =	shalt  }
0x6a: {  	_ =	shalt  }
0x6b: {  	_ =	shalt  }
0x6c: {  	_ =	shalt  }
0x6d: {  	_ =	shalt  }
0x6e: {  	_ =	shalt  }
0x6f: {  	_ =	shalt  }
0x70: {  	_ =	shalt  }
0x71: {  	_ =	shalt  }
0x72: {  	_ =	shalt  }
0x73: {  	_ =	shalt  }
0x74: {  	_ =	shalt  }
0x75: {  	_ =	shalt  }
0x76: {  	_ =	shalt  }
0x77: {  	_ =	shalt  }
0x78: {  	_ =	shalt  }
0x79: {  	_ =	shalt  }
0x7a: {  	_ =	shalt  }
0x7b: {  	_ =	shalt  }
0x7c: {  	_ =	shalt  }
0x7d: {  	_ =	shalt  }
0x7e: {  	_ =	shalt  }
0x7f: {  	_ =	shalt  }
0x80: {  	_ =	shalt  }
0x81: {  	_ =	shalt  }
0x82: {  	_ =	shalt  }
0x83: {  	_ =	shalt  }
0x84: {  	_ =	shalt  }
0x85: {  	_ =	shalt  }
0x86: {  	_ =	shalt  }
0x87: {  	_ =	shalt  }
.Lfunc_end0:
.L_simem_size_0:
called_computation_lowered:
.L_overlay_start_0:
0x88: {  	s2 =	sld [smem:$0x3FD9]  }
0x89: {  	s3 =	sld [smem:$0x3FFE];
	_ =	sdelay $0x1  }
0x8a: {  	s1 =	srdreg.scid  }
0x8b: {  	s0 =	sand.u32 $0x1, s1  }
0x8c: {  	s17 =	sshll.u32 s0, $0xA;
	s2 =	sadd.s32 s3, s2  }
0x8d: {  	s2 =	sadd.s32 s2, s17  }
0x8e: {  	[smem:$0x3FC6] =	sst s2  }
0x8f: {  	_ = 	snop  }
0x90: {  	s2 =	sld [smem:$0x3FD0];
	(tm) =	ssettm $0x1  }
0x91: {  	s18 =	sld [smem:$0x3FFB];
	_ =	sdelay $0x3  }
0x92: {  	_ =	strace s18  }
0x93: {  	s3 =	sld [smem:$0x3FFC];
	_ =	sdelay $0x3  }
0x94: {  	_ =	strace s3  }
0x95: {  	s3 =	sld [smem:$0x3FFD];
	_ =	sdelay $0x3  }
0x96: {  	_ =	strace s3  }
0x97: {  	_ =	strace $0x8FFFFFFF  }
0x98: {  	s19 =	sld [smem:$0x3FDB];
	_ =	sdelay $0x1  }
0x99: {  	s4 =	simm.s32 $_scs_section_size  }
0x9a: {  	s5 =	simm.s32 $_size__tile_overlayer_lowered;
	s6 =	simm.s32 $_tile_overlayer_lowered  }
0x9b: {  	s22 =	simm.s32 $0x1BFF;
	s21 =	sshll.u32 s6, $0x1;
	s3 =	sadd.s32 s4, s19  }
0x9c: {  	s7 =	simm.s32 $0x0;
	s20 =	sshll.u32 s5, $0x1;
	s5 =	sadd.s32 s21, s3  }
0x9d: {  	[timem:s7], [sflag:s22] =	dma.local [hbm:s5], s20  }
0x9e: {  	_ =	swait.ge [sflag:s22], s20  }
0x9f: {  	s4 =	ssub.s32 $0x0, s20;
	[sflag:s22] =	ssyncset.done $0x0  }
0xa0: {  	[sflag:s22] =	ssyncadd.s32 s4;
	_ =	sdelay $0x1  }
0xa1: {  	s23 =	simm.s32 $0x1B8B  }
0xa2: {  	_ =	swait.ge [sflag:s23], $0x1  }
0xa3: {  	[sflag:s23] =	ssyncset.done $0x0  }
0xa4: {  	s25 =	simm.s32 $0x1B8E;
	s24 =	sld [smem:$0x3FFE];
	[sflag:s23] =	ssyncadd.s32 $0xFFFFFFFF  }
0xa5: {  	s26 =	simm.s32 $execute0_lowered;
	[smem:$0x3FD2] =	sst s25  }
0xa6: {  	s5 =	sshll.u32 s26, $0x1;
	_ =	strace $0x80000046;
	[dreg:$0x1] =	wrdreg $0xFFFFFFFF  }
0xa7: {  	s28 =	simm.s32 $_size_execute0_lowered;
	s3 =	sadd.s32 s3, s5;
	[dreg:$0x0] =	wrdreg $0x0  }
0xa8: {  	s5 =	sshll.u32 s28, $0x1;
	[dreg:$0x2] =	wrdreg s3  }
0xa9: {  	[dreg:$0x3] =	wrdreg s5  }
0xaa: {  	[dreg:$0x4] =	wrdreg $0xC0  }
0xab: {  	_ =	task [dreg:s7], $0x5FFFF  }
0xac: {  	[dreg:$0x1] =	wrdreg $0xFFFFFFFF  }
0xad: {  	[dreg:$0x0] =	wrdreg $0x60  }
0xae: {  	[dreg:$0x2] =	wrdreg s24  }
0xaf: {  	[dreg:$0x3] =	wrdreg s2  }
0xb0: {  	[dreg:$0x4] =	wrdreg $0x9  }
0xb1: {  	_ =	task.clear_ibuf [dreg:s7], $0x5FFFF;
	_ =	strace $0x90000046  }
0xb2: {  	s29 =	simm.s32 $0x9;
	_ =	strace $0x80000048  }
0xb3: {  	_ =	swait.ge [sflag:s29], $0x1  }
0xb4: {  	[sflag:s29] =	ssyncadd.s32 $0xFFFFFFFF  }
0xb5: {  	_ =	strace $0x90000048  }
0xb6: {  	_ =	sfence  }
0xb7: {  	s30 =	sld [smem:$0x0];
	_ =	sdelay $0x2  }
0xb8: {  	s31 =	sshll.u32 s1, $0xD;
	s1 =	sshrl.u32 s1, $0x2  }
0xb9: {  	s3 =	sand.u32 $0x4000, s31;
	s1 =	sadd.s32 s1, s30  }
0xba: {  	s0 =	sor.u32 s3, s0;
	s1 =	sshll.u32 s1, $0x11  }
0xbb: {  	s0 =	sor.u32 s1, s0  }
0xbc: {  	s0 =	sadd.s32 $0x8F2B, s0  }
0xbd: {  	[sflag:s0] =	ssyncadd.remote.s32 $0x1  }
0xbe: {  	_ =	sfence.sel $0xFFFF  }
0xbf: {  	[dreg:$0x0] =	wrdreg $0xFFFFFFFF;
	(pc) =	sbr.abs _section_cstart, $3  }
0xc0: {  	[dreg:$0x1] =	wrdreg $0xFFFFFFFF  }
0xc1: {  	_ =	task.clear_ibuf [dreg:s7], $0x2FFFF;
	_ =	strace $0x9FFFFFFF  }
0xc2: {  	(tm) =	ssettm $0x7FFFFFFF  }
0xc3: {  	_ =	shalt  }
tec
execute0_lowered:
.L_overlay_start_1:
0x0: {  	(tag) =	ssettag $0x1  }
0x1: {  	v17 =	vlaneseq.u32  }
0x2: {  	v7 =	vimm.s32 $0xFEDCBA9;
	vm15 =	vcmask $0x300;
	v1 =	vimm.s32 $0xF  }
0x3: {  	vm14 =	vcmask $0x704;
	v2 =	vimm.s32 $0x87654321;
	vm13 =	vcmask $0xB08  }
0x4: {  	vm12 =	vcmask $0xF0C;
	vm11 =	vcmask $0x1310;
	vm10 =	vcmask $0x1714  }
0x5: {  	vm9 =	vcmask $0x1B18;
	vm8 =	vcmask $0x1F1C;
	vm7 =	vcmask $0x2320  }
0x6: {  	v4 =	vimm.s32 $0x8F;
	vm6 =	vcmask $0x2724;
	vm5 =	vcmask $0x2B28  }
0x7: {  	vm4 =	vcmask $0x2F2C;
	vm3 =	vcmask $0x3330;
	vm1 =	vcmask $0x3734  }
0x8: {  	vm2 =	vcmask $0x3B38;
	v11 =	vimm.s32 $0x10FEDCBA;
	v13 =	vimm.s32 $0x98765432  }
0x9: {  	v5 =	vimm.s32 $0x10F;
	v33 =	vimm.s32 $0x210FEDCB;
	v34 =	vimm.s32 $0xA9876543  }
0xa: {  	v42 =	vimm.s32 $0x18F;
	v44 =	vimm.s32 $0x3210FEDC;
	v45 =	vimm.s32 $0xBA987654  }
0xb: {  	v47 =	vimm.s32 $0x20F;
	v50 =	vimm.s32 $0x43210FED;
	v51 =	vimm.s32 $0xCBA98765  }
0xc: {  	v53 =	vimm.s32 $0x28F;
	v57 =	vimm.s32 $0x30F;
	v58 =	vimm.s32 $0x543210FE  }
0xd: {  	v59 =	vimm.s32 $0xDCBA9876;
	v60 =	vimm.s32 $0x6543210F;
	v62 =	vimm.s32 $0xEDCBA987  }
0xe: {  	v63 =	vimm.s32 $0x38F;
	v36 =	vimm.s32 $0x76543210;
	v37 =	vimm.s32 $0xFEDCBA98  }
0xf: {  	v38 =	vimm.s32 $0x48F;
	v0 =	vmul.u32 $0x20, v17;
	v1 =	vsel vm15, $0x80, v1  }
0x10: {  	v2 =	vunpack.c.l.s4.s8 v2;
	v4 =	vsel vm15, $0x100, v4;
	v12 =	vunpack.c.l.s4.s8 v11  }
0x11: {  	v5 =	vsel vm15, $0x180, v5;
	v43 =	vsel vm15, $0x200, v42;
	v11 =	vimm.s32 $0x68F  }
0x12: {  	v1 =	vsel vm14, $0x101, v1;
	v4 =	vsel vm14, $0x181, v4;
	v32 =	vsel vm14, $0x201, v5  }
0x13: {  	v5 =	vunpack.c.l.s4.s8 v34;
	[tilespmem:$0x1FD10] =	vst v0;
	v0 =	vunpack.c.l.s4.s8 v7;
	v1 =	vsel vm13, $0x182, v1  }
0x14: {  	v4 =	vsel vm13, $0x202, v4;
	v3 =	vsel vm12, $0x203, v1;
	v1 =	vunpack.c.0.s8.s32 v2  }
0x15: {  	v4 =	vsel vm12, $0x283, v4;
	v0 =	vunpack.c.0.s8.s32 v0;
	v8 =	vsel vm11, $0x284, v3  }
0x16: {  	v20 =	vunpack.c.0.s8.s32 v12;
	v4 =	vsel vm11, $0x304, v4;
	v2 =	vsel vm10, $0x305, v8  }
0x17: {  	v10 =	vsel vm10, $0x385, v4;
	v4 =	vunpack.c.l.s4.s8 v13;
	v9 =	vcombine.low v1, v0  }
0x18: {  	v2 =	vsel vm9, $0x386, v2;
	v3 =	vsel vm9, $0x406, v10;
	v0 =	vcombine.low v0, v1  }
0x19: {  	v2 =	vsel vm8, $0x407, v2;
	v3 =	vsel vm8, $0x487, v3;
	v19 =	vunpack.c.0.s8.s32 v4  }
0x1a: {  	v4 =	vunpack.c.l.s4.s8 v33;
	v2 =	vsel vm7, $0x488, v2;
	v3 =	vsel vm7, $0x508, v3  }
0x1b: {  	v2 =	vsel vm6, $0x509, v2;
	v3 =	vsel vm6, $0x589, v3;
	v6 =	vcombine.low v19, v20  }
0x1c: {  	v2 =	vsel vm5, $0x58A, v2;
	v14 =	vsel vm5, $0x60A, v3;
	v3 =	vsel vm13, $0x282, v32  }
0x1d: {  	v24 =	vand.u32 $0xF, v9;
	v2 =	vsel vm4, $0x60B, v2;
	v3 =	vsel vm12, $0x303, v3  }
0x1e: {  	v39 =	vand.u32 $0xF, v6;
	v2 =	vsel vm3, $0x68C, v2;
	v3 =	vsel vm11, $0x384, v3  }
0x1f: {  	v6 =	vunpack.c.l.s4.s8 v44;
	v2 =	vsel vm1, $0x70D, v2;
	v8 =	vsel vm10, $0x405, v3  }
0x20: {  	v3 =	vunpack.c.0.s8.s32 v5;
	v5 =	vsel vm14, $0x281, v43;
	v27 =	vsel vm2, $0x78E, v2  }
0x21: {  	v2 =	vsel vm4, $0x68B, v14;
	v35 =	vsel vm9, $0x486, v8;
	v5 =	vsel vm13, $0x302, v5  }
0x22: {  	v8 =	vunpack.c.l.s4.s8 v51;
	v14 =	vsel vm15, $0x400, v63;
	v7 =	vsel vm3, $0x70C, v2  }
0x23: {  	v2 =	vunpack.c.0.s8.s32 v4;
	v4 =	vsel vm8, $0x507, v35;
	v5 =	vsel vm12, $0x383, v5  }
0x24: {  	v35 =	vimm.s32 $0x40F;
	v40 =	vsel vm1, $0x78D, v7;
	v4 =	vsel vm7, $0x588, v4  }
0x25: {  	v7 =	vunpack.c.l.s4.s8 v45;
	v5 =	vsel vm11, $0x404, v5;
	v23 =	vunpack.c.0.s8.s32 v8  }
0x26: {  	v41 =	vcombine.low v3, v2;
	v21 =	vsel vm2, $0xE, v40;
	v4 =	vsel vm6, $0x609, v4  }
0x27: {  	v5 =	vsel vm10, $0x485, v5;
	v2 =	vcombine.low v2, v3;
	v4 =	vsel vm5, $0x68A, v4  }
0x28: {  	v16 =	vunpack.c.0.s8.s32 v7;
	v5 =	vsel vm9, $0x506, v5;
	v7 =	vunpack.c.l.s4.s8 v50  }
0x29: {  	v50 =	vimm.s32 $0x58F;
	v52 =	vand.u32 $0xF, v41;
	v4 =	vsel vm4, $0x70B, v4  }
0x2a: {  	v5 =	vsel vm8, $0x587, v5;
	v46 =	vsel vm3, $0x78C, v4;
	v4 =	vunpack.c.0.s8.s32 v6  }
0x2b: {  	v6 =	vsel vm15, $0x280, v47;
	v5 =	vsel vm7, $0x608, v5;
	v26 =	vunpack.c.0.s8.s32 v7  }
0x2c: {  	v7 =	vsel vm15, $0x300, v53;
	v47 =	vimm.s32 $0x50F;
	v48 =	vsel vm1, $0xD, v46  }
0x2d: {  	v6 =	vsel vm14, $0x301, v6;
	v5 =	vsel vm6, $0x689, v5;
	v7 =	vsel vm14, $0x381, v7  }
0x2e: {  	v46 =	vcombine.low v20, v19;
	v49 =	vcombine.low v16, v4;
	v6 =	vsel vm13, $0x382, v6  }
0x2f: {  	v18 =	vsel vm2, $0x8E, v48;
	v5 =	vsel vm5, $0x70A, v5;
	v8 =	vcombine.low v23, v26  }
0x30: {  	v7 =	vsel vm13, $0x402, v7;
	v10 =	vcombine.low v26, v23;
	v6 =	vsel vm12, $0x403, v6  }
0x31: {  	v5 =	vsel vm4, $0x78B, v5;
	v55 =	vsel vm12, $0x483, v7;
	v7 =	vunpack.c.l.s4.s8 v58  }
0x32: {  	v58 =	vand.u32 $0xF, v46;
	v46 =	vimm.s32 $0x1C1B1A19;
	v13 =	vand.u32 $0xF, v49  }
0x33: {  	v6 =	vsel vm11, $0x484, v6;
	v5 =	vsel vm3, $0xC, v5;
	v32 =	vand.u32 $0xF, v8  }
0x34: {  	v8 =	vunpack.c.l.s4.s8 v59;
	v49 =	vsel vm15, $0x580, v47;
	v47 =	vimm.s32 $0x101F1E1D  }
0x35: {  	v6 =	vsel vm10, $0x505, v6;
	v5 =	vsel vm1, $0x8D, v5;
	v28 =	vunpack.c.0.s8.s32 v7  }
0x36: {  	v7 =	vunpack.c.l.s4.s8 v60;
	v60 =	vand.u32 $0xF, v2;
	v6 =	vsel vm9, $0x586, v6  }
0x37: {  	v29 =	vunpack.c.0.s8.s32 v8;
	v8 =	vunpack.c.l.s4.s8 v62;
	v6 =	vsel vm8, $0x607, v6  }
0x38: {  	v20 =	vmovc v13;
	v13 =	vsel vm15, $0x700, v11;
	v11 =	vimm.s32 $0x1E1D1C1B;
	v6 =	vsel vm7, $0x688, v6  }
0x39: {  	v30 =	vunpack.c.0.s8.s32 v7;
	v34 =	vunpack.c.0.s8.s32 v8;
	v6 =	vsel vm6, $0x709, v6  }
0x3a: {  	v9 =	vcombine.low v29, v28;
	v8 =	vunpack.c.l.s4.s8 v37;
	v6 =	vsel vm5, $0x78A, v6  }
0x3b: {  	v61 =	vsel vm2, $0x10E, v5;
	v7 =	vcombine.low v34, v30;
	v6 =	vsel vm4, $0xB, v6  }
0x3c: {  	v42 =	vand.u32 $0xF, v9;
	v8 =	vunpack.c.0.s8.s32 v8;
	v54 =	vsel vm3, $0x8C, v6  }
0x3d: {  	v6 =	vsel vm11, $0x504, v55;
	v7 =	vand.u32 $0xF, v7;
	v5 =	vsel vm1, $0x10D, v54  }
0x3e: {  	v56 =	vsel vm10, $0x585, v6;
	v6 =	vsel vm15, $0x380, v57;
	[tilespmem:$0x1FD40] =	vst v7;
	v7 =	vunpack.c.l.s4.s8 v36  }
0x3f: {  	v8 =	vand.u32 $0xF, v8;
	v5 =	vsel vm2, $0x18E, v5;
	v6 =	vsel vm14, $0x401, v6  }
0x40: {  	[tilespmem:$0x1FD20] =	vst v5;
	v5 =	vsel vm9, $0x606, v56;
	v6 =	vsel vm13, $0x482, v6;
	v7 =	vunpack.c.0.s8.s32 v7  }
0x41: {  	v56 =	vand.u32 $0xF, v0;
	v5 =	vsel vm8, $0x687, v5;
	v6 =	vsel vm12, $0x503, v6  }
0x42: {  	v5 =	vsel vm7, $0x708, v5;
	v6 =	vsel vm11, $0x584, v6;
	v54 =	vcombine.low v8, v7  }
0x43: {  	v7 =	vsel vm15, $0x500, v38;
	v5 =	vsel vm6, $0x789, v5;
	v6 =	vsel vm10, $0x605, v6  }
0x44: {  	v7 =	vsel vm14, $0x581, v7;
	v5 =	vsel vm5, $0xA, v5;
	v6 =	vsel vm9, $0x686, v6  }
0x45: {  	v41 =	vsel vm13, $0x602, v7;
	v7 =	vcombine.low v4, v16;
	v6 =	vsel vm8, $0x707, v6  }
0x46: {  	v4 =	vimm.s32 $0x90F;
	v5 =	vsel vm4, $0x8B, v5;
	v6 =	vsel vm7, $0x788, v6  }
0x47: {  	v43 =	vsel vm12, $0x683, v41;
	v41 =	vcombine.low v30, v34;
	v6 =	vsel vm6, $0x9, v6  }
0x48: {  	v5 =	vsel vm3, $0x10C, v5;
	v45 =	vsel vm11, $0x704, v43;
	v6 =	vsel vm5, $0x8A, v6  }
0x49: {  	v62 =	vand.u32 $0xF, v7;
	v5 =	vsel vm1, $0x18D, v5;
	v6 =	vsel vm4, $0x10B, v6  }
0x4a: {  	v5 =	vsel vm2, $0x20E, v5;
	v12 =	vsel vm3, $0x18C, v6;
	v6 =	vsel vm14, $0x481, v14  }
0x4b: {  	[tilespmem:$0x1FD30] =	vst v5;
	v5 =	vsel vm1, $0x20D, v12;
	v33 =	vsel vm13, $0x502, v6;
	v6 =	vsel vm15, $0x480, v35  }
0x4c: {  	v53 =	vsel vm2, $0x28E, v5;
	v5 =	vsel vm12, $0x583, v33;
	v6 =	vsel vm14, $0x501, v6  }
0x4d: {  	v7 =	vimm.s32 $0x1D1C1B1A;
	v5 =	vsel vm11, $0x604, v5;
	v6 =	vsel vm13, $0x582, v6  }
0x4e: {  	v14 =	vimm.s32 $0x70F;
	v5 =	vsel vm10, $0x685, v5;
	v6 =	vsel vm12, $0x603, v6  }
0x4f: {  	v35 =	vcombine.low v28, v29;
	v5 =	vsel vm9, $0x706, v5;
	v6 =	vsel vm11, $0x684, v6  }
0x50: {  	v33 =	vand.u32 $0xF, v10;
	v5 =	vsel vm8, $0x787, v5;
	v6 =	vsel vm10, $0x705, v6  }
0x51: {  	v10 =	vimm.s32 $0x19181716;
	v5 =	vsel vm7, $0x8, v5;
	v6 =	vsel vm9, $0x786, v6  }
0x52: {  	v38 =	vand.u32 $0xF, v35;
	v5 =	vsel vm6, $0x89, v5;
	v6 =	vsel vm8, $0x7, v6  }
0x53: {  	[tilespmem:$0x1FD80] =	vst v38;
	v38 =	vunpack.c.0.s8.s32 v7;
	v5 =	vsel vm5, $0x10A, v5;
	v6 =	vsel vm7, $0x88, v6  }
0x54: {  	v7 =	vunpack.c.0.s8.s32 v11;
	v5 =	vsel vm4, $0x18B, v5;
	v6 =	vsel vm6, $0x109, v6  }
0x55: {  	v11 =	vimm.s32 $0xB0F;
	v5 =	vsel vm3, $0x20C, v5;
	v6 =	vsel vm5, $0x18A, v6  }
0x56: {  	v5 =	vsel vm1, $0x28D, v5;
	v40 =	vsel vm4, $0x20B, v6;
	v6 =	vimm.s32 $0x60F  }
0x57: {  	v55 =	vsel vm2, $0x30E, v5;
	v1 =	vsel vm3, $0x28C, v40;
	v5 =	vsel vm15, $0x600, v50  }
0x58: {  	v2 =	vsel vm15, $0x680, v6;
	v40 =	vimm.s32 $0x80F;
	v44 =	vsel vm1, $0x30D, v1  }
0x59: {  	v1 =	vsel vm10, $0x785, v45;
	v5 =	vsel vm14, $0x681, v5;
	v2 =	vsel vm14, $0x701, v2  }
0x5a: {  	v0 =	vsel vm2, $0x38E, v44;
	v48 =	vsel vm9, $0x6, v1;
	v1 =	vsel vm14, $0x601, v49  }
0x5b: {  	v5 =	vsel vm13, $0x702, v5;
	v2 =	vsel vm13, $0x782, v2;
	v49 =	vimm.s32 $0x88F  }
0x5c: {  	[tilespmem:$0x1FD50] =	vst v0;
	v0 =	vsel vm8, $0x87, v48;
	v1 =	vsel vm13, $0x682, v1;
	v5 =	vsel vm12, $0x783, v5  }
0x5d: {  	v9 =	vsel vm12, $0x3, v2;
	v2 =	vsel vm15, $0x780, v14;
	v48 =	vimm.s32 $0x14131211  }
0x5e: {  	v50 =	vsel vm15, $0x900, v49;
	v14 =	vimm.s32 $0x1A191817;
	v49 =	vimm.s32 $0xA8F  }
0x5f: {  	v0 =	vsel vm7, $0x108, v0;
	v1 =	vsel vm12, $0x703, v1;
	v5 =	vsel vm11, $0x4, v5  }
0x60: {  	v2 =	vsel vm14, $0x1, v2;
	v34 =	vunpack.c.0.s8.s32 v48;
	v48 =	vimm.s32 $0xA0F  }
0x61: {  	v0 =	vsel vm6, $0x189, v0;
	v1 =	vsel vm11, $0x784, v1;
	v51 =	vsel vm10, $0x85, v5  }
0x62: {  	v2 =	vsel vm13, $0x82, v2;
	v0 =	vsel vm5, $0x20A, v0;
	v1 =	vsel vm10, $0x5, v1  }
0x63: {  	v5 =	vsel vm9, $0x106, v51;
	v2 =	vsel vm12, $0x103, v2;
	v51 =	vimm.s32 $0x18171615  }
0x64: {  	v0 =	vsel vm4, $0x28B, v0;
	v1 =	vsel vm9, $0x86, v1;
	v2 =	vsel vm11, $0x184, v2  }
0x65: {  	v35 =	vunpack.c.0.s8.s32 v51;
	v0 =	vsel vm3, $0x30C, v0;
	v1 =	vsel vm8, $0x107, v1  }
0x66: {  	v2 =	vsel vm10, $0x205, v2;
	v0 =	vsel vm1, $0x38D, v0;
	v1 =	vsel vm7, $0x188, v1  }
0x67: {  	v37 =	vsel vm9, $0x286, v2;
	v2 =	vsel vm15, $0x880, v40;
	v40 =	vunpack.c.0.s8.s32 v46  }
0x68: {  	v46 =	vimm.s32 $0x98F;
	v57 =	vsel vm6, $0x209, v1;
	v1 =	vsel vm8, $0x187, v5  }
0x69: {  	v59 =	vsel vm2, $0x40E, v0;
	v2 =	vsel vm14, $0x901, v2;
	v1 =	vsel vm7, $0x208, v1  }
0x6a: {  	v0 =	vsel vm5, $0x28A, v57;
	v2 =	vsel vm13, $0x982, v2;
	v1 =	vsel vm6, $0x289, v1  }
0x6b: {  	v57 =	vand.u32 $0xF, v41;
	v41 =	vunpack.c.0.s8.s32 v47;
	v1 =	vsel vm5, $0x30A, v1  }
0x6c: {  	v0 =	vsel vm4, $0x30B, v0;
	v44 =	vsel vm12, $0xA03, v2;
	v1 =	vsel vm4, $0x38B, v1  }
0x6d: {  	v0 =	vsel vm3, $0x38C, v0;
	v8 =	vsel vm3, $0x40C, v1;
	v1 =	vsel vm11, $0x84, v9  }
0x6e: {  	v2 =	vsel vm15, $0x980, v4;
	v0 =	vsel vm1, $0x40D, v0;
	v1 =	vsel vm10, $0x105, v1  }
0x6f: {  	v0 =	vsel vm2, $0x48E, v0;
	v12 =	vsel vm9, $0x186, v1;
	v1 =	vsel vm14, $0x781, v13  }
0x70: {  	v6 =	vsel vm14, $0xA01, v2;
	[tilespmem:$0x1FD60] =	vst v0;
	v0 =	vsel vm1, $0x48D, v8;
	v1 =	vsel vm13, $0x2, v1  }
0x71: {  	v2 =	vsel vm15, $0xB00, v49;
	v0 =	vsel vm2, $0x50E, v0;
	v1 =	vsel vm12, $0x83, v1  }
0x72: {  	v2 =	vsel vm14, $0xB81, v2;
	[tilespmem:$0x1FD70] =	vst v0;
	v0 =	vsel vm8, $0x207, v12;
	v1 =	vsel vm11, $0x104, v1  }
0x73: {  	v9 =	vimm.s32 $0x15141312;
	v0 =	vsel vm7, $0x288, v0;
	v1 =	vsel vm10, $0x185, v1  }
0x74: {  	v2 =	vsel vm13, $0xC02, v2;
	v0 =	vsel vm6, $0x309, v0;
	v1 =	vsel vm9, $0x206, v1  }
0x75: {  	v8 =	vimm.s32 $0x11101F1E;
	v0 =	vsel vm5, $0x38A, v0;
	v1 =	vsel vm8, $0x287, v1  }
0x76: {  	v4 =	vunpack.c.0.s8.s32 v9;
	v0 =	vsel vm4, $0x40B, v0;
	v1 =	vsel vm7, $0x308, v1  }
0x77: {  	v0 =	vsel vm3, $0x48C, v0;
	v36 =	vsel vm6, $0x389, v1;
	v1 =	vsel vm8, $0x307, v37  }
0x78: {  	v2 =	vsel vm12, $0xC83, v2;
	v0 =	vsel vm1, $0x50D, v0;
	v1 =	vsel vm7, $0x388, v1  }
0x79: {  	v31 =	vsel vm2, $0x58E, v0;
	v0 =	vsel vm5, $0x40A, v36;
	v1 =	vsel vm6, $0x409, v1  }
0x7a: {  	v3 =	vunpack.c.0.s8.s32 v8;
	v0 =	vsel vm4, $0x48B, v0;
	v1 =	vsel vm5, $0x48A, v1  }
0x7b: {  	v13 =	vimm.s32 $0x16151413;
	v0 =	vsel vm3, $0x50C, v0;
	v1 =	vsel vm4, $0x50B, v1  }
0x7c: {  	v0 =	vsel vm1, $0x58D, v0;
	v43 =	vsel vm3, $0x58C, v1;
	v1 =	vsel vm11, $0xA84, v44  }
0x7d: {  	v25 =	vsel vm2, $0x60E, v0;
	v0 =	vsel vm1, $0x60D, v43;
	v45 =	vsel vm10, $0xB05, v1  }
0x7e: {  	v2 =	vsel vm11, $0xD04, v2;
	v63 =	vsel vm2, $0x68E, v0;
	v0 =	vsel vm9, $0xB86, v45  }
0x7f: {  	v12 =	vimm.s32 $0x1211101F;
	v9 =	vunpack.c.0.s8.s32 v13;
	v0 =	vsel vm8, $0xC07, v0  }
0x80: {  	v2 =	vsel vm10, $0xD85, v2;
	v1 =	vsel vm14, $0x981, v50;
	v0 =	vsel vm7, $0xC88, v0  }
0x81: {  	v8 =	vunpack.c.0.s8.s32 v12;
	v1 =	vsel vm13, $0xA02, v1;
	v0 =	vsel vm6, $0xD09, v0  }
0x82: {  	v2 =	vsel vm9, $0xE06, v2;
	v1 =	vsel vm12, $0xA83, v1;
	v0 =	vsel vm5, $0xD8A, v0  }
0x83: {  	v2 =	vsel vm8, $0xE87, v2;
	v1 =	vsel vm11, $0xB04, v1;
	v0 =	vsel vm4, $0xE0B, v0  }
0x84: {  	v5 =	vsel vm10, $0xB85, v1;
	v1 =	vsel vm13, $0xA82, v6;
	v0 =	vsel vm3, $0xE8C, v0  }
0x85: {  	v2 =	vsel vm7, $0xF08, v2;
	v1 =	vsel vm12, $0xB03, v1;
	v0 =	vsel vm1, $0xF0D, v0  }
0x86: {  	v1 =	vsel vm11, $0xB84, v1;
	v36 =	vsel vm2, $0xF8E, v0;
	v0 =	vsel vm9, $0xC06, v5  }
0x87: {  	v2 =	vsel vm6, $0xF89, v2;
	v1 =	vsel vm10, $0xC05, v1;
	v0 =	vsel vm8, $0xC87, v0  }
0x88: {  	v2 =	vsel vm5, $0x80A, v2;
	v1 =	vsel vm9, $0xC86, v1;
	v0 =	vsel vm7, $0xD08, v0  }
0x89: {  	v2 =	vsel vm4, $0x88B, v2;
	v1 =	vsel vm8, $0xD07, v1;
	v0 =	vsel vm6, $0xD89, v0  }
0x8a: {  	v37 =	vimm.s32 $0x1F1E1D1C;
	v1 =	vsel vm7, $0xD88, v1;
	v0 =	vsel vm5, $0xE0A, v0  }
0x8b: {  	v2 =	vsel vm3, $0x90C, v2;
	v1 =	vsel vm6, $0xE09, v1;
	v0 =	vsel vm4, $0xE8B, v0  }
0x8c: {  	v12 =	vunpack.c.0.s8.s32 v37;
	v1 =	vsel vm5, $0xE8A, v1;
	v0 =	vsel vm3, $0xF0C, v0  }
0x8d: {  	v51 =	vsel vm1, $0x98D, v2;
	v1 =	vsel vm4, $0xF0B, v1;
	v0 =	vsel vm1, $0xF8D, v0  }
0x8e: {  	v1 =	vsel vm3, $0xF8C, v1;
	v6 =	vsel vm2, $0x80E, v0;
	v0 =	vsel vm15, $0xA00, v46  }
0x8f: {  	v37 =	vimm.s32 $0xB8F;
	v1 =	vsel vm1, $0x80D, v1;
	v0 =	vsel vm14, $0xA81, v0  }
0x90: {  	v47 =	vsel vm2, $0x88E, v1;
	v1 =	vsel vm15, $0xA80, v48;
	v0 =	vsel vm13, $0xB02, v0  }
0x91: {  	v44 =	vimm.s32 $0x17161514;
	v1 =	vsel vm14, $0xB01, v1;
	v0 =	vsel vm12, $0xB83, v0  }
0x92: {  	v43 =	vimm.s32 $0x13121110;
	v1 =	vsel vm13, $0xB82, v1;
	v0 =	vsel vm11, $0xC04, v0  }
0x93: {  	v13 =	vunpack.c.0.s8.s32 v43;
	v1 =	vsel vm12, $0xC03, v1;
	v0 =	vsel vm10, $0xC85, v0  }
0x94: {  	v45 =	vimm.s32 $0x1B1A1918;
	v1 =	vsel vm11, $0xC84, v1;
	v0 =	vsel vm9, $0xD06, v0  }
0x95: {  	v43 =	vimm.s32 $0xC0F;
	v1 =	vsel vm10, $0xD05, v1;
	v0 =	vsel vm8, $0xD87, v0  }
0x96: {  	v15 =	vunpack.c.0.s8.s32 v45;
	v1 =	vsel vm9, $0xD86, v1;
	v0 =	vsel vm7, $0xE08, v0  }
0x97: {  	v2 =	vsel vm15, $0xC80, v43;
	v1 =	vsel vm8, $0xE07, v1;
	v0 =	vsel vm6, $0xE89, v0  }
0x98: {  	v2 =	vsel vm14, $0xD01, v2;
	v1 =	vsel vm7, $0xE88, v1;
	v0 =	vsel vm5, $0xF0A, v0  }
0x99: {  	v2 =	vsel vm13, $0xD82, v2;
	v1 =	vsel vm6, $0xF09, v1;
	v0 =	vsel vm4, $0xF8B, v0  }
0x9a: {  	v2 =	vsel vm12, $0xE03, v2;
	v1 =	vsel vm5, $0xF8A, v1;
	v0 =	vsel vm3, $0x80C, v0  }
0x9b: {  	v2 =	vsel vm11, $0xE84, v2;
	v1 =	vsel vm4, $0x80B, v1;
	v0 =	vsel vm1, $0x88D, v0  }
0x9c: {  	v1 =	vsel vm3, $0x88C, v1;
	v16 =	vsel vm2, $0x90E, v0;
	v0 =	vsel vm2, $0xA0E, v51  }
0x9d: {  	v2 =	vsel vm10, $0xF05, v2;
	v1 =	vsel vm1, $0x90D, v1;
	[tilespmem:$0x1FDA0] =	vst v0;
	v0 =	vsel vm15, $0xB80, v11  }
0x9e: {  	v50 =	vsel vm2, $0x98E, v1;
	v1 =	vsel vm15, $0xC00, v37;
	v0 =	vsel vm14, $0xC01, v0  }
0x9f: {  	v2 =	vsel vm9, $0xF86, v2;
	v1 =	vsel vm14, $0xC81, v1;
	v0 =	vsel vm13, $0xC82, v0  }
0xa0: {  	v5 =	vunpack.c.0.s8.s32 v10;
	v1 =	vsel vm13, $0xD02, v1;
	v0 =	vsel vm12, $0xD03, v0  }
0xa1: {  	v10 =	vunpack.c.0.s8.s32 v14;
	v1 =	vsel vm12, $0xD83, v1;
	v0 =	vsel vm11, $0xD84, v0  }
0xa2: {  	v14 =	vunpack.c.0.s8.s32 v44;
	v1 =	vsel vm11, $0xE04, v1;
	v0 =	vsel vm10, $0xE05, v0  }
0xa3: {  	v2 =	vsel vm8, $0x807, v2;
	v1 =	vsel vm10, $0xE85, v1;
	v0 =	vsel vm9, $0xE86, v0  }
0xa4: {  	v2 =	vsel vm7, $0x888, v2;
	v1 =	vsel vm9, $0xF06, v1;
	v0 =	vsel vm8, $0xF07, v0  }
0xa5: {  	v2 =	vsel vm6, $0x909, v2;
	v1 =	vsel vm8, $0xF87, v1;
	v0 =	vsel vm7, $0xF88, v0  }
0xa6: {  	v2 =	vsel vm5, $0x98A, v2;
	v1 =	vsel vm7, $0x808, v1;
	v0 =	vsel vm6, $0x809, v0  }
0xa7: {  	v2 =	vsel vm4, $0xA0B, v2;
	v1 =	vsel vm6, $0x889, v1;
	v0 =	vsel vm5, $0x88A, v0  }
0xa8: {  	v2 =	vsel vm3, $0xA8C, v2;
	v1 =	vsel vm5, $0x90A, v1;
	v0 =	vsel vm4, $0x90B, v0  }
0xa9: {  	v45 =	vsel vm1, $0xB0D, v2;
	v1 =	vsel vm4, $0x98B, v1;
	v0 =	vsel vm3, $0x98C, v0  }
0xaa: {  	v48 =	vimm.s32 $0xD0F;
	v1 =	vsel vm3, $0xA0C, v1;
	v0 =	vsel vm1, $0xA0D, v0  }
0xab: {  	v46 =	vimm.s32 $0xC8F;
	v1 =	vsel vm1, $0xA8D, v1;
	v0 =	vsel vm2, $0xA8E, v0  }
0xac: {  	v44 =	vsel vm2, $0xB0E, v1;
	v1 =	vsel vm15, $0xD80, v48;
	[tilespmem:$0x1FDB0] =	vst v0;
	v0 =	vsel vm2, $0xB8E, v45  }
0xad: {  	v49 =	vimm.s32 $0xD8F;
	v1 =	vsel vm14, $0xE01, v1;
	[tilespmem:$0x1FDD0] =	vst v0;
	v0 =	vsel vm15, $0xD00, v46  }
0xae: {  	v2 =	vsel vm15, $0xE00, v49;
	v1 =	vsel vm13, $0xE82, v1;
	v0 =	vsel vm14, $0xD81, v0  }
0xaf: {  	v2 =	vsel vm14, $0xE81, v2;
	v1 =	vsel vm12, $0xF03, v1;
	v0 =	vsel vm13, $0xE02, v0  }
0xb0: {  	v2 =	vsel vm13, $0xF02, v2;
	v1 =	vsel vm11, $0xF84, v1;
	v0 =	vsel vm12, $0xE83, v0  }
0xb1: {  	v2 =	vsel vm12, $0xF83, v2;
	v1 =	vsel vm10, $0x805, v1;
	v0 =	vsel vm11, $0xF04, v0  }
0xb2: {  	v2 =	vsel vm11, $0x804, v2;
	v1 =	vsel vm9, $0x886, v1;
	v0 =	vsel vm10, $0xF85, v0  }
0xb3: {  	v2 =	vsel vm10, $0x885, v2;
	v1 =	vsel vm8, $0x907, v1;
	v0 =	vsel vm9, $0x806, v0  }
0xb4: {  	v2 =	vsel vm9, $0x906, v2;
	v1 =	vsel vm7, $0x988, v1;
	v0 =	vsel vm8, $0x887, v0  }
0xb5: {  	v2 =	vsel vm8, $0x987, v2;
	v1 =	vsel vm6, $0xA09, v1;
	v0 =	vsel vm7, $0x908, v0  }
0xb6: {  	v2 =	vsel vm7, $0xA08, v2;
	v1 =	vsel vm5, $0xA8A, v1;
	v0 =	vsel vm6, $0x989, v0  }
0xb7: {  	v2 =	vsel vm6, $0xA89, v2;
	v1 =	vsel vm4, $0xB0B, v1;
	v0 =	vsel vm5, $0xA0A, v0  }
0xb8: {  	v2 =	vsel vm5, $0xB0A, v2;
	v1 =	vsel vm3, $0xB8C, v1;
	v0 =	vsel vm4, $0xA8B, v0  }
0xb9: {  	v2 =	vsel vm4, $0xB8B, v2;
	[tilespmem:$0x1FD90] =	vst v50;
	v1 =	vsel vm1, $0xC0D, v1;
	v0 =	vsel vm3, $0xB0C, v0  }
0xba: {  	v2 =	vsel vm3, $0xC0C, v2;
	[tilespmem:$0x1FDC0] =	vst v44;
	v50 =	vsel vm2, $0xC8E, v1;
	v0 =	vsel vm1, $0xB8D, v0  }
0xbb: {  	s3 =	stileid.u32;
	v51 =	vsel vm1, $0xC8D, v2;
	[tilespmem:$0x1FDF0] =	vst v50;
	v0 =	vsel vm2, $0xC0E, v0  }
0xbc: {  	s0 =	rddreg [dreg:$0x0];
	s4 =	sshll.u32 s3, $0x1;
	s3 =	simm.s32 $0x0;
	[tilespmem:$0x1FDE0] =	vst v0;
	v0 =	vsel vm2, $0xD0E, v51  }
0xbd: {  	[smem:$0x7FF] =	sst s3;
	v46 =	vor.u32 $0x10, v17;
	[tilespmem:$0x1FE00] =	vst v0  }
0xbe: {  	s2 =	rddreg [dreg:$0x1];
	_ =	strace $0x80000047;
	[tilespmem:$0x1FE40] =	vst v46  }
0xbf: {  	vm0 =	vcmask $0x1F10;
	[tilespmem:$0x1FE50] =	vst v40  }
0xc0: {  	v48 =	vsel vm0, v41, v40;
	[tilespmem:$0x1FE60] =	vst v41  }
0xc1: {  	v43 =	vimm.s32 $0xF0F;
	v49 =	vsel vm0, v35, v34;
	[tilespmem:$0x1FE80] =	vst v48  }
0xc2: {  	v2 =	vsel vm15, $0xF80, v43;
	v43 =	vsel vm0, v5, v4;
	v50 =	vsel vm0, v3, v38;
	[tilespmem:$0x1FE90] =	vst v49  }
0xc3: {  	v51 =	vcombine.low v43, v50;
	[tilespmem:$0x1FEB0] =	vst v50  }
0xc4: {  	[tilespmem:$0x1FEC0] =	vst v43  }
0xc5: {  	[tilespmem:$0x1FED0] =	vst v51  }
0xc6: {  	[tilespmem:$0x1FEE0] =	vst v36  }
0xc7: {  	[tilespmem:$0x1FEF0] =	vst v3  }
0xc8: {  	v37 =	vimm.s32 $0xE8F;
	[tilespmem:$0x1FF00] =	vst v4  }
0xc9: {  	v11 =	vimm.s32 $0xE0F;
	v1 =	vsel vm15, $0xF00, v37;
	[tilespmem:$0x1FF10] =	vst v5  }
0xca: {  	v1 =	vsel vm14, $0xF81, v1;
	v0 =	vsel vm15, $0xE80, v11;
	[tilespmem:$0x1FF20] =	vst v7  }
0xcb: {  	v1 =	vsel vm13, $0x802, v1;
	v0 =	vsel vm14, $0xF01, v0;
	[tilespmem:$0x1FF30] =	vst v8  }
0xcc: {  	v2 =	vsel vm14, $0x801, v2;
	v1 =	vsel vm12, $0x883, v1;
	[tilespmem:$0x1FF40] =	vst v9;
	v0 =	vsel vm13, $0xF82, v0  }
0xcd: {  	v2 =	vsel vm13, $0x882, v2;
	v1 =	vsel vm11, $0x904, v1;
	[tilespmem:$0x1FF50] =	vst v10;
	v0 =	vsel vm12, $0x803, v0  }
0xce: {  	v2 =	vsel vm12, $0x903, v2;
	v1 =	vsel vm10, $0x985, v1;
	[tilespmem:$0x1FF60] =	vst v12;
	v0 =	vsel vm11, $0x884, v0  }
0xcf: {  	v2 =	vsel vm11, $0x984, v2;
	v1 =	vsel vm9, $0xA06, v1;
	[tilespmem:$0x1FF70] =	vst v13;
	v0 =	vsel vm10, $0x905, v0  }
0xd0: {  	v2 =	vsel vm10, $0xA05, v2;
	v1 =	vsel vm8, $0xA87, v1;
	[tilespmem:$0x1FF80] =	vst v14;
	v0 =	vsel vm9, $0x986, v0  }
0xd1: {  	s1 =	srdreg.scid;
	v2 =	vsel vm9, $0xA86, v2;
	[tilespmem:$0x1FF90] =	vst v15;
	v1 =	vsel vm7, $0xB08, v1;
	v0 =	vsel vm8, $0xA07, v0  }
0xd2: {  	s9 =	simm.s32 $0x80;
	s10 =	simm.s32 $0x6400;
	s11 =	simm.s32 $0x7400;
	v2 =	vsel vm8, $0xB07, v2;
	[tilespmem:$0x1FFA0] =	vst v6;
	v1 =	vsel vm6, $0xB89, v1;
	v0 =	vsel vm7, $0xA88, v0  }
0xd3: {  	s13 =	simm.s32 $0x8400;
	s15 =	simm.s32 $0x9400;
	s16 =	simm.s32 $0x1;
	v2 =	vsel vm7, $0xB88, v2;
	[tilespmem:$0x1FFB0] =	vst v47;
	v1 =	vsel vm5, $0xC0A, v1;
	v0 =	vsel vm6, $0xB09, v0  }
0xd4: {  	s17 =	simm.s32 $0xA400;
	s21 =	simm.s32 $0x2;
	s22 =	simm.s32 $0xB400;
	v2 =	vsel vm6, $0xC09, v2;
	[tilespmem:$0x1FFC0] =	vst v16;
	v1 =	vsel vm4, $0xC8B, v1;
	v0 =	vsel vm5, $0xB8A, v0  }
0xd5: {  	s28 =	simm.s32 $0xC400;
	s30 =	simm.s32 $0xCC00;
	s1 =	sand.u32 $0x1, s1;
	v2 =	vsel vm5, $0xC8A, v2;
	[tilespmem:$0x1FFD0] =	vst v38;
	v1 =	vsel vm3, $0xD0C, v1;
	v0 =	vsel vm4, $0xC0B, v0  }
0xd6: {  	s31 =	simm.s32 $0xD000;
	s12 =	simm.s32 $0xD800;
	s5 =	sor.u32 s1, s4;
	v2 =	vsel vm4, $0xD0B, v2;
	[tilespmem:$0x1FFE0] =	vst v35;
	v1 =	vsel vm1, $0xD8D, v1;
	v0 =	vsel vm3, $0xC8C, v0  }
0xd7: {  	s26 =	simm.s32 $0x3;
	s14 =	simm.s32 $0xDC00;
	s6 =	smul.u32 $0xC80, s5;
	v2 =	vsel vm3, $0xD8C, v2;
	[tilespmem:$0x1FFF0] =	vst v34;
	v44 =	vsel vm2, $0xE0E, v1;
	v0 =	vsel vm1, $0xD0D, v0  }
.Ltmp0:
0xd8: {  	s18 =	simm.s32 $0x0;
	v22 =	vmul.u32 $0x81, v17;
	s1 =	ssub.s32 $0x2, s1;
	v45 =	vsel vm1, $0xE0D, v2;
	[tilespmem:$0x1FE20] =	vst v44;
	v0 =	vsel vm2, $0xD8E, v0;
	(pc) =	sbr.rel .LBB2_1-.Ltmp0, $4  }
0xd9: {  	s4 =	sadd.s32 $0xF42A00, s0;
	s7 =	sshrl.u32 s1, $0x1;
	s0 =	sadd.s32 s6, s0;
	[tilespmem:$0x1FE10] =	vst v0;
	v0 =	vsel vm2, $0xE8E, v45  }
0xda: {  	s1 =	ssub.s32 s1, s7;
	s6 =	sshll.u32 s5, $0x2;
	s0 =	sadd.s32 $0x600, s0;
	v44 =	vor.u32 $0x800, v22;
	[tilespmem:$0x1FE30] =	vst v0;
	v0 =	vcombine.low v49, v48  }
0xdb: {  	s29 =	smax.u32 s1, $0x1;
	s1 =	simm.s32 $0x4;
	[dreg:$0x3] =	wrdreg s0;
	[tilespmem:$0x1FE70] =	vst v44  }
0xdc: {  	s5 =	simm.s32 $0xE000;
	v19 =	vmov v22;
	[dreg:$0x4] =	wrdreg s29;
	s0 =	simm.s32 $0xD400;
	[tilespmem:$0x1FEA0] =	vst v0  }
.LBB2_12:
0xdd: {  	s7 =	simm.s32 $0x5  }
0xde: {  	_ =	swait.ge [sflag:s7], $0x400  }
0xdf: {  	[sflag:s7] =	ssyncset.done $0x0  }
0xe0: {  	[sflag:s7] =	ssyncadd.s32 $0xFFFFFC00  }
0xe1: {  	_ =	swait.ge [sflag:s7], $0x400  }
0xe2: {  	[sflag:s7] =	ssyncset.done $0x0  }
0xe3: {  	[sflag:s7] =	ssyncadd.s32 $0xFFFFFC00  }
0xe4: {  	_ =	swait.ge [sflag:s7], $0x400  }
0xe5: {  	[sflag:s7] =	ssyncset.done $0x0  }
0xe6: {  	[sflag:s7] =	ssyncadd.s32 $0xFFFFFC00  }
0xe7: {  	_ =	swait.ge [sflag:s7], $0x400  }
0xe8: {  	[sflag:s7] =	ssyncset.done $0x0  }
0xe9: {  	s24 =	simm.s32 $0x6;
	[sflag:s7] =	ssyncadd.s32 $0xFFFFFC00  }
0xea: {  	_ =	swait.ge [sflag:s24], $0x400  }
0xeb: {  	[sflag:s24] =	ssyncset.done $0x0  }
0xec: {  	[sflag:s24] =	ssyncadd.s32 $0xFFFFFC00  }
0xed: {  	_ =	swait.ge [sflag:s24], $0x400  }
0xee: {  	[sflag:s24] =	ssyncset.done $0x0  }
0xef: {  	[sflag:s24] =	ssyncadd.s32 $0xFFFFFC00  }
0xf0: {  	_ =	swait.ge [sflag:s24], $0x400  }
0xf1: {  	[sflag:s24] =	ssyncset.done $0x0  }
0xf2: {  	[sflag:s24] =	ssyncadd.s32 $0xFFFFFC00  }
0xf3: {  	_ =	swait.ge [sflag:s24], $0x400  }
0xf4: {  	[sflag:s24] =	ssyncset.done $0x0  }
0xf5: {  	s25 =	simm.s32 $0x7;
	[sflag:s24] =	ssyncadd.s32 $0xFFFFFC00  }
0xf6: {  	_ =	swait.ge [sflag:s25], $0x400  }
0xf7: {  	[sflag:s25] =	ssyncset.done $0x0  }
0xf8: {  	[sflag:s25] =	ssyncadd.s32 $0xFFFFFC00  }
0xf9: {  	_ =	swait.ge [sflag:s25], $0x400  }
0xfa: {  	[sflag:s25] =	ssyncset.done $0x0  }
0xfb: {  	[sflag:s25] =	ssyncadd.s32 $0xFFFFFC00  }
0xfc: {  	_ =	swait.ge [sflag:s25], $0x400  }
0xfd: {  	[sflag:s25] =	ssyncset.done $0x0  }
0xfe: {  	[sflag:s25] =	ssyncadd.s32 $0xFFFFFC00  }
0xff: {  	_ =	swait.ge [sflag:s25], $0x400  }
0x100: {  	[sflag:s25] =	ssyncset.done $0x0  }
0x101: {  	s8 =	simm.s32 $0x8;
	[sflag:s25] =	ssyncadd.s32 $0xFFFFFC00  }
0x102: {  	_ =	swait.ge [sflag:s8], $0x400  }
0x103: {  	[sflag:s8] =	ssyncset.done $0x0  }
0x104: {  	[sflag:s8] =	ssyncadd.s32 $0xFFFFFC00  }
0x105: {  	_ =	swait.ge [sflag:s8], $0x400  }
0x106: {  	[sflag:s8] =	ssyncset.done $0x0  }
0x107: {  	[sflag:s8] =	ssyncadd.s32 $0xFFFFFC00  }
0x108: {  	_ =	swait.ge [sflag:s8], $0x400  }
0x109: {  	[sflag:s8] =	ssyncset.done $0x0  }
0x10a: {  	[sflag:s8] =	ssyncadd.s32 $0xFFFFFC00  }
0x10b: {  	_ =	swait.ge [sflag:s8], $0x400  }
0x10c: {  	s18 =	rddreg [dreg:$0x5]  }
0x10d: {  	s29 =	rddreg [dreg:$0x4];
	s18 =	sadd.s32 $0x1, s18  }
0x10e: {  	p0 =	sne.s32 s18, s29  }
.Ltmp1:
0x10f: {  	_ = 	snop;
	(pc) =	sbr.rel @!p0 .LBB2_13-.Ltmp1, $3  }
0x110: {  	_ =	sdelay $0x1  }
0x111: {  	[sflag:s8] =	ssyncset.done $0x0  }
0x112: {  	[sflag:s8] =	ssyncadd.s32 $0xFFFFFC00  }
.LBB2_1:
0x113: {  	[dreg:$0x5] =	wrdreg s18  }
0x114: {  	s7 =	rddreg [dreg:$0x3];
	s24 =	simm.s32 $0x9  }
0x115: {  	[tilespmem:s3], [sflag:$0x9] =	stream.linear.gather [hbm4b:s7+s3], $0x6400, $0x38;
	[tilespmem:$0xE400] =	vst v63  }
0x116: {  	_ =	swait.ge [sflag:s24], $0x6400  }
0x117: {  	[sflag:s24] =	ssyncset.done $0x0  }
0x118: {  	[sflag:s24] =	ssyncadd.s32 $0xFFFF9C00  }
0x119: {  	[tilespmem:s10], [sflag:$0x1] =	stream.indirect.gather [hbm4b:s4+s9], $0x20, s3, s9, $0xb8;
	[tilespmem:$0xE400] =	vst v63  }
0x11a: {  	_ = 	snop  }
0x11b: {  	[tilespmem:s11], [sflag:$0x2] =	stream.indirect.gather [hbm4b:s4+s9], $0x20, s9, s9, $0xb8;
	[tilespmem:$0xE400] =	vst v63  }
0x11c: {  	s25 =	simm.s32 $0x100  }
0x11d: {  	[tilespmem:s13], [sflag:$0x3] =	stream.indirect.gather [hbm4b:s4+s9], $0x20, s25, s9, $0xb8;
	[tilespmem:$0xE400] =	vst v63  }
0x11e: {  	s29 =	simm.s32 $0x180;
	s8 =	simm.s32 $0x0  }
0x11f: {  	[tilespmem:s15], [sflag:$0x4] =	stream.indirect.gather [hbm4b:s4+s9], $0x20, s29, s9, $0xb8;
	[tilespmem:$0xE400] =	vst v63  }
.LBB2_2:
0x120: {  	_ =	swait.ge [sflag:s16], $0x1000  }
0x121: {  	p0 =	seq.s32 s8, $0x0;
	[sflag:s16] =	ssyncset.done $0x0  }
0x122: {  	s20 =	simm.s32 @!p0 $0x5;
	[sflag:s16] =	ssyncadd.s32 $0xFFFFF000  }
0x123: {  	_ =	swait.ge @!p0 [sflag:s20], $0x400  }
0x124: {  	[sflag:s20] =	ssyncset.done @!p0 $0x0  }
0x125: {  	[sflag:s20] =	ssyncadd.s32 @!p0 $0xFFFFFC00  }
0x126: {  	_ =	swait.ge @!p0 [sflag:s20], $0x400  }
0x127: {  	s7 =	smul.u32 $0xA4, s8;
	[sflag:s20] =	ssyncset.done @!p0 $0x0  }
0x128: {  	[sflag:s20] =	ssyncadd.s32 @!p0 $0xFFFFFC00  }
0x129: {  	s7 =	sshrl.u32 s7, $0xB;
	_ =	swait.ge @!p0 [sflag:s20], $0x400  }
0x12a: {  	s19 =	sand.u32 $0x1F, s7;
	[sflag:s20] =	ssyncset.done @!p0 $0x0  }
0x12b: {  	s18 =	smul.u32 $0x32, s19;
	[sflag:s20] =	ssyncadd.s32 @!p0 $0xFFFFFC00  }
0x12c: {  	p1 =	por $0x1, $0x1;
	s7 =	sshll.u32 s8, $0x2;
	_ =	swait.ge @!p0 [sflag:s20], $0x400  }
0x12d: {  	s19 =	sadd.s32 s19, s6;
	s18 =	ssub.s32 s7, s18;
	[sflag:s20] =	ssyncset.done @!p0 $0x0  }
0x12e: {  	s18 =	sand.u32 $0xFE, s18;
	v37 =	vld [tilespmem:$0x1FD90];
	[sflag:s20] =	ssyncadd.s32 @!p0 $0xFFFFFC00;
	s20 =	simm.s32 $0x0  }
.LBB2_3:
0x12f: {  	v8 =	vld [tilespmem:$0x1FD10];
	_ =	sdelay $0x2  }
0x130: {  	v0 =	vmov s20  }
0x131: {  	s24 =	sor.u32 $0x10, s20;
	v0 =	vshll.u32 v0, $0x5  }
0x132: {  	s23 =	sor.u32 $0x20, s20;
	s25 =	sor.u32 $0x30, s20;
	v1 =	vor.u32 v8, v0;
	v0 =	vmov s24  }
0x133: {  	v3 =	vmov s23;
	v4 =	vmov s25;
	v0 =	vshll.u32 v0, $0x5  }
0x134: {  	v5 =	vor.u32 v17, v1;
	v2 =	vor.u32 v8, v0;
	v0 =	vshll.u32 v3, $0x5  }
0x135: {  	v6 =	vor.u32 v17, v2;
	v3 =	vor.u32 v8, v0;
	v0 =	vshll.u32 v4, $0x5  }
0x136: {  	v7 =	vor.u32 v17, v3;
	v4 =	vor.u32 v8, v0  }
0x137: {  	v0 =	vor.u32 v17, v4;
	_ =	sdelay $0x1  }
0x138: {  	v51 =	vor.u32 s20, v19;
	v5 =	vld.idx.msk [tilespmem:v5+s10+$0x0], $0xffff  }
0x139: {  	v34 =	vor.u32 s24, v19;
	v9 =	vor.u32 v24, v1;
	v6 =	vld.idx.msk [tilespmem:v6+s10+$0x0], $0xffff  }
0x13a: {  	v36 =	vor.u32 s23, v19;
	v35 =	vor.u32 v24, v2;
	v7 =	vld.idx.msk [tilespmem:v7+s10+$0x0], $0xffff  }
0x13b: {  	v43 =	vor.u32 s25, v19;
	v38 =	vor.u32 v24, v3;
	v0 =	vld.idx.msk [tilespmem:v0+s10+$0x0], $0xffff  }
0x13c: {  	v44 =	vor.u32 v24, v4  }
0x13d: {  	[tilespmem:v51+s17+$0x0] =	vst.idx.msk $0xffff, v5  }
0x13e: {  	v8 =	vor.u32 s20, v27;
	v5 =	vld.idx.msk [tilespmem:v9+s10+$0x0], $0xffff;
	[tilespmem:v34+s17+$0x0] =	vst.idx.msk $0xffff, v6  }
0x13f: {  	v12 =	vor.u32 s24, v27;
	v6 =	vor.u32 v39, v1;
	v9 =	vld.idx.msk [tilespmem:v35+s10+$0x0], $0xffff;
	[tilespmem:v36+s17+$0x0] =	vst.idx.msk $0xffff, v7  }
0x140: {  	v48 =	vor.u32 s23, v27;
	v13 =	vor.u32 v39, v2;
	v14 =	vld.idx.msk [tilespmem:v38+s10+$0x0], $0xffff;
	[tilespmem:v43+s17+$0x0] =	vst.idx.msk $0xffff, v0  }
0x141: {  	v50 =	vor.u32 s25, v27;
	v0 =	vor.u32 v39, v3;
	v49 =	vld.idx.msk [tilespmem:v44+s10+$0x0], $0xffff  }
0x142: {  	v51 =	vor.u32 v39, v4  }
0x143: {  	[tilespmem:v8+s17+$0x0] =	vst.idx.msk $0xffff, v5  }
0x144: {  	v5 =	vld.idx.msk [tilespmem:v6+s10+$0x0], $0xffff;
	v6 =	vor.u32 s20, v21;
	[tilespmem:v12+s17+$0x0] =	vst.idx.msk $0xffff, v9  }
0x145: {  	v12 =	vor.u32 v52, v1;
	v7 =	vld.idx.msk [tilespmem:v13+s10+$0x0], $0xffff;
	v13 =	vor.u32 s24, v21;
	[tilespmem:v48+s17+$0x0] =	vst.idx.msk $0xffff, v14  }
0x146: {  	v14 =	vor.u32 v52, v2;
	v48 =	vor.u32 s23, v21;
	v0 =	vld.idx.msk [tilespmem:v0+s10+$0x0], $0xffff;
	[tilespmem:v50+s17+$0x0] =	vst.idx.msk $0xffff, v49  }
0x147: {  	v49 =	vor.u32 v52, v3;
	v50 =	vor.u32 s25, v21;
	v38 =	vld.idx.msk [tilespmem:v51+s10+$0x0], $0xffff  }
0x148: {  	v51 =	vor.u32 v52, v4  }
0x149: {  	[tilespmem:v6+s17+$0x0] =	vst.idx.msk $0xffff, v5  }
0x14a: {  	v6 =	vor.u32 s20, v18;
	v5 =	vld.idx.msk [tilespmem:v12+s10+$0x0], $0xffff;
	[tilespmem:v13+s17+$0x0] =	vst.idx.msk $0xffff, v7  }
0x14b: {  	v28 =	vmov v52;
	v52 =	vor.u32 v20, v1;
	v13 =	vor.u32 s24, v18;
	v12 =	vld.idx.msk [tilespmem:v14+s10+$0x0], $0xffff;
	[tilespmem:v48+s17+$0x0] =	vst.idx.msk $0xffff, v0  }
0x14c: {  	v0 =	vor.u32 v20, v2;
	v48 =	vor.u32 s23, v18;
	v14 =	vld.idx.msk [tilespmem:v49+s10+$0x0], $0xffff;
	[tilespmem:v50+s17+$0x0] =	vst.idx.msk $0xffff, v38  }
0x14d: {  	v49 =	vor.u32 v20, v3;
	v50 =	vor.u32 s25, v18;
	v38 =	vld.idx.msk [tilespmem:v51+s10+$0x0], $0xffff  }
0x14e: {  	v51 =	vor.u32 v20, v4  }
0x14f: {  	v10 =	vld [tilespmem:$0x1FD20];
	[tilespmem:v6+s17+$0x0] =	vst.idx.msk $0xffff, v5  }
0x150: {  	v5 =	vld.idx.msk [tilespmem:v52+s10+$0x0], $0xffff;
	v52 =	vor.u32 s20, v61;
	[tilespmem:v13+s17+$0x0] =	vst.idx.msk $0xffff, v12  }
0x151: {  	v12 =	vor.u32 v32, v1;
	v13 =	vor.u32 s24, v61;
	v0 =	vld.idx.msk [tilespmem:v0+s10+$0x0], $0xffff;
	[tilespmem:v48+s17+$0x0] =	vst.idx.msk $0xffff, v14  }
0x152: {  	v14 =	vor.u32 v32, v2;
	v48 =	vor.u32 s23, v61;
	v34 =	vld.idx.msk [tilespmem:v49+s10+$0x0], $0xffff;
	[tilespmem:v50+s17+$0x0] =	vst.idx.msk $0xffff, v38  }
0x153: {  	v49 =	vor.u32 v32, v3;
	v50 =	vor.u32 s25, v61;
	v38 =	vld.idx.msk [tilespmem:v51+s10+$0x0], $0xffff  }
0x154: {  	v46 =	vld [tilespmem:$0x1FD30];
	v51 =	vor.u32 v32, v4  }
0x155: {  	v11 =	vld [tilespmem:$0x1FD40];
	[tilespmem:v52+s17+$0x0] =	vst.idx.msk $0xffff, v5  }
0x156: {  	v30 =	vmov v20;
	v52 =	vor.u32 s20, v10;
	v5 =	vld.idx.msk [tilespmem:v12+s10+$0x0], $0xffff;
	[tilespmem:v13+s17+$0x0] =	vst.idx.msk $0xffff, v0  }
0x157: {  	v20 =	vmov v61;
	v12 =	vor.u32 s24, v10;
	v0 =	vor.u32 v42, v1;
	v61 =	vld.idx.msk [tilespmem:v14+s10+$0x0], $0xffff;
	[tilespmem:v48+s17+$0x0] =	vst.idx.msk $0xffff, v34  }
0x158: {  	v22 =	vmov v27;
	v13 =	vor.u32 v42, v2;
	v14 =	vor.u32 s23, v10;
	v34 =	vld.idx.msk [tilespmem:v49+s10+$0x0], $0xffff;
	[tilespmem:v50+s17+$0x0] =	vst.idx.msk $0xffff, v38  }
0x159: {  	v26 =	vmovc v39;
	v27 =	vmovc v21;
	v39 =	vor.u32 s25, v10;
	v21 =	vmov v32;
	v32 =	vor.u32 v42, v3;
	v38 =	vld.idx.msk [tilespmem:v51+s10+$0x0], $0xffff  }
0x15a: {  	v41 =	vor.u32 v42, v4  }
0x15b: {  	[tilespmem:v52+s17+$0x0] =	vst.idx.msk $0xffff, v5  }
0x15c: {  	v48 =	vor.u32 s20, v46;
	v0 =	vld.idx.msk [tilespmem:v0+s10+$0x0], $0xffff;
	[tilespmem:v12+s17+$0x0] =	vst.idx.msk $0xffff, v61  }
0x15d: {  	v49 =	vor.u32 v11, v1;
	v50 =	vor.u32 s24, v46;
	v7 =	vld.idx.msk [tilespmem:v13+s10+$0x0], $0xffff;
	[tilespmem:v14+s17+$0x0] =	vst.idx.msk $0xffff, v34  }
0x15e: {  	v51 =	vor.u32 v11, v2;
	v52 =	vor.u32 s23, v46;
	v34 =	vld.idx.msk [tilespmem:v32+s10+$0x0], $0xffff;
	[tilespmem:v39+s17+$0x0] =	vst.idx.msk $0xffff, v38  }
0x15f: {  	v61 =	vor.u32 v11, v3;
	v12 =	vor.u32 s25, v46;
	v38 =	vld.idx.msk [tilespmem:v41+s10+$0x0], $0xffff  }
0x160: {  	v13 =	vor.u32 v11, v4  }
0x161: {  	[tilespmem:v48+s17+$0x0] =	vst.idx.msk $0xffff, v0  }
0x162: {  	v0 =	vld.idx.msk [tilespmem:v49+s10+$0x0], $0xffff;
	[tilespmem:v50+s17+$0x0] =	vst.idx.msk $0xffff, v7  }
0x163: {  	v14 =	vor.u32 s20, v53;
	v7 =	vld.idx.msk [tilespmem:v51+s10+$0x0], $0xffff;
	[tilespmem:v52+s17+$0x0] =	vst.idx.msk $0xffff, v34  }
0x164: {  	v48 =	vor.u32 v54, v1;
	v49 =	vor.u32 s24, v53;
	v34 =	vld.idx.msk [tilespmem:v61+s10+$0x0], $0xffff;
	[tilespmem:v12+s17+$0x0] =	vst.idx.msk $0xffff, v38  }
0x165: {  	v50 =	vor.u32 v54, v2;
	v61 =	vor.u32 s25, v53;
	v38 =	vld.idx.msk [tilespmem:v13+s10+$0x0], $0xffff  }
0x166: {  	v12 =	vor.u32 v54, v4  }
0x167: {  	v51 =	vor.u32 s23, v53  }
0x168: {  	v52 =	vor.u32 v54, v3;
	[tilespmem:v14+s17+$0x0] =	vst.idx.msk $0xffff, v0  }
0x169: {  	v0 =	vld.idx.msk [tilespmem:v48+s10+$0x0], $0xffff;
	[tilespmem:v49+s17+$0x0] =	vst.idx.msk $0xffff, v7  }
0x16a: {  	v7 =	vld.idx.msk [tilespmem:v50+s10+$0x0], $0xffff;
	[tilespmem:v61+s17+$0x0] =	vst.idx.msk $0xffff, v38  }
0x16b: {  	v13 =	vor.u32 s20, v55;
	v38 =	vld.idx.msk [tilespmem:v12+s10+$0x0], $0xffff  }
0x16c: {  	v14 =	vor.u32 v56, v1;
	v48 =	vor.u32 s24, v55;
	[tilespmem:v51+s17+$0x0] =	vst.idx.msk $0xffff, v34;
	v12 =	vld [tilespmem:$0x1FD50]  }
0x16d: {  	v49 =	vor.u32 v56, v2;
	v50 =	vor.u32 s23, v55;
	v34 =	vld.idx.msk [tilespmem:v52+s10+$0x0], $0xffff  }
0x16e: {  	v51 =	vor.u32 v56, v3;
	v52 =	vor.u32 s25, v55  }
0x16f: {  	v61 =	vor.u32 v56, v4  }
0x170: {  	[tilespmem:v13+s17+$0x0] =	vst.idx.msk $0xffff, v0  }
0x171: {  	v0 =	vld.idx.msk [tilespmem:v14+s10+$0x0], $0xffff;
	[tilespmem:v48+s17+$0x0] =	vst.idx.msk $0xffff, v7;
	v13 =	vor.u32 s20, v12  }
0x172: {  	v14 =	vor.u32 v58, v1;
	v7 =	vld.idx.msk [tilespmem:v49+s10+$0x0], $0xffff;
	[tilespmem:v50+s17+$0x0] =	vst.idx.msk $0xffff, v34;
	v48 =	vor.u32 s24, v12  }
0x173: {  	v49 =	vor.u32 v58, v2;
	v34 =	vld.idx.msk [tilespmem:v51+s10+$0x0], $0xffff;
	v50 =	vor.u32 s23, v12;
	[tilespmem:v52+s17+$0x0] =	vst.idx.msk $0xffff, v38  }
0x174: {  	v51 =	vor.u32 v58, v3;
	v52 =	vor.u32 s25, v12;
	v38 =	vld.idx.msk [tilespmem:v61+s10+$0x0], $0xffff  }
0x175: {  	v61 =	vor.u32 v58, v4  }
0x176: {  	[tilespmem:v13+s17+$0x0] =	vst.idx.msk $0xffff, v0  }
0x177: {  	[tilespmem:v48+s17+$0x0] =	vst.idx.msk $0xffff, v7;
	v0 =	vld.idx.msk [tilespmem:v14+s10+$0x0], $0xffff  }
0x178: {  	[tilespmem:v50+s17+$0x0] =	vst.idx.msk $0xffff, v34;
	v7 =	vld.idx.msk [tilespmem:v49+s10+$0x0], $0xffff  }
0x179: {  	v12 =	vor.u32 s20, v59;
	v34 =	vld.idx.msk [tilespmem:v51+s10+$0x0], $0xffff;
	[tilespmem:v52+s17+$0x0] =	vst.idx.msk $0xffff, v38  }
0x17a: {  	v14 =	vor.u32 s24, v59;
	v38 =	vld.idx.msk [tilespmem:v61+s10+$0x0], $0xffff  }
0x17b: {  	v13 =	vor.u32 v60, v1;
	v49 =	vor.u32 s23, v59;
	v61 =	vld [tilespmem:$0x1FD60]  }
0x17c: {  	v51 =	vor.u32 s25, v59;
	_ =	sdelay $0x1  }
0x17d: {  	[tilespmem:v12+s17+$0x0] =	vst.idx.msk $0xffff, v0  }
0x17e: {  	v48 =	vor.u32 v60, v2;
	[tilespmem:v14+s17+$0x0] =	vst.idx.msk $0xffff, v7  }
0x17f: {  	[tilespmem:v49+s17+$0x0] =	vst.idx.msk $0xffff, v34;
	v0 =	vld.idx.msk [tilespmem:v13+s10+$0x0], $0xffff;
	v12 =	vor.u32 s20, v61;
	v13 =	vor.u32 v62, v1  }
0x180: {  	v14 =	vor.u32 s24, v61;
	v49 =	vor.u32 s23, v61;
	[tilespmem:v51+s17+$0x0] =	vst.idx.msk $0xffff, v38;
	v51 =	vor.u32 s25, v61;
	v61 =	vld [tilespmem:$0x1FD70];
	_ =	sdelay $0x1  }
0x181: {  	v50 =	vor.u32 v60, v3  }
0x182: {  	v52 =	vor.u32 v60, v4  }
0x183: {  	v7 =	vld.idx.msk [tilespmem:v48+s10+$0x0], $0xffff;
	[tilespmem:v12+s17+$0x0] =	vst.idx.msk $0xffff, v0  }
0x184: {  	v48 =	vor.u32 v62, v2;
	v12 =	vor.u32 s20, v61;
	v0 =	vld.idx.msk [tilespmem:v13+s10+$0x0], $0xffff  }
0x185: {  	v13 =	vor.u32 v33, v1  }
0x186: {  	v34 =	vld.idx.msk [tilespmem:v50+s10+$0x0], $0xffff  }
0x187: {  	v50 =	vor.u32 v62, v3;
	v38 =	vld.idx.msk [tilespmem:v52+s10+$0x0], $0xffff  }
0x188: {  	v52 =	vor.u32 v62, v4;
	[tilespmem:v14+s17+$0x0] =	vst.idx.msk $0xffff, v7  }
0x189: {  	v7 =	vld.idx.msk [tilespmem:v48+s10+$0x0], $0xffff;
	[tilespmem:v12+s17+$0x0] =	vst.idx.msk $0xffff, v0  }
0x18a: {  	v0 =	vld.idx.msk [tilespmem:v13+s10+$0x0], $0xffff  }
0x18b: {  	v14 =	vor.u32 s24, v61;
	[tilespmem:v49+s17+$0x0] =	vst.idx.msk $0xffff, v34;
	v13 =	vld [tilespmem:$0x1FD80]  }
0x18c: {  	v49 =	vor.u32 s23, v61;
	v48 =	vor.u32 v33, v2;
	v34 =	vld.idx.msk [tilespmem:v50+s10+$0x0], $0xffff;
	[tilespmem:v51+s17+$0x0] =	vst.idx.msk $0xffff, v38  }
0x18d: {  	v50 =	vor.u32 v33, v3;
	v51 =	vor.u32 s25, v61;
	v38 =	vld.idx.msk [tilespmem:v52+s10+$0x0], $0xffff  }
0x18e: {  	v52 =	vor.u32 v33, v4  }
0x18f: {  	v61 =	vor.u32 s20, v31  }
0x190: {  	[tilespmem:v14+s17+$0x0] =	vst.idx.msk $0xffff, v7;
	v14 =	vor.u32 v13, v1  }
0x191: {  	[tilespmem:v49+s17+$0x0] =	vst.idx.msk $0xffff, v34;
	v7 =	vld.idx.msk [tilespmem:v48+s10+$0x0], $0xffff;
	v48 =	vor.u32 s24, v31  }
0x192: {  	v34 =	vld.idx.msk [tilespmem:v50+s10+$0x0], $0xffff;
	v50 =	vor.u32 s23, v31;
	[tilespmem:v51+s17+$0x0] =	vst.idx.msk $0xffff, v38;
	v49 =	vor.u32 v13, v2  }
0x193: {  	v38 =	vld.idx.msk [tilespmem:v52+s10+$0x0], $0xffff;
	v52 =	vor.u32 s25, v31;
	v51 =	vor.u32 v13, v3  }
0x194: {  	v12 =	vor.u32 v13, v4;
	[tilespmem:v61+s17+$0x0] =	vst.idx.msk $0xffff, v0  }
0x195: {  	v13 =	vor.u32 s20, v25;
	v0 =	vld.idx.msk [tilespmem:v14+s10+$0x0], $0xffff  }
0x196: {  	[tilespmem:v48+s17+$0x0] =	vst.idx.msk $0xffff, v7  }
0x197: {  	[tilespmem:v50+s17+$0x0] =	vst.idx.msk $0xffff, v34;
	v7 =	vld.idx.msk [tilespmem:v49+s10+$0x0], $0xffff  }
0x198: {  	v48 =	vor.u32 s24, v25;
	[tilespmem:v52+s17+$0x0] =	vst.idx.msk $0xffff, v38;
	v34 =	vld.idx.msk [tilespmem:v51+s10+$0x0], $0xffff  }
0x199: {  	v50 =	vor.u32 s23, v25;
	v14 =	vor.u32 v57, v1;
	v38 =	vld.idx.msk [tilespmem:v12+s10+$0x0], $0xffff  }
0x19a: {  	v52 =	vor.u32 s25, v25;
	[tilespmem:v13+s17+$0x0] =	vst.idx.msk $0xffff, v0;
	v13 =	vld [tilespmem:$0x1FE40]  }
0x19b: {  	v49 =	vor.u32 v57, v2  }
0x19c: {  	v51 =	vor.u32 v57, v3  }
0x19d: {  	v61 =	vmov v57;
	v57 =	vor.u32 v57, v4;
	[tilespmem:v48+s17+$0x0] =	vst.idx.msk $0xffff, v7  }
0x19e: {  	v12 =	vor.u32 s20, v63;
	v48 =	vor.u32 s24, v63;
	[tilespmem:v50+s17+$0x0] =	vst.idx.msk $0xffff, v34;
	v0 =	vld.idx.msk [tilespmem:v14+s10+$0x0], $0xffff  }
0x19f: {  	v40 =	vmovc v63;
	v50 =	vor.u32 s23, v63;
	[tilespmem:v52+s17+$0x0] =	vst.idx.msk $0xffff, v38;
	v52 =	vor.u32 s25, v63;
	v63 =	vld [tilespmem:$0x1FE70];
	v14 =	vor.u32 v13, v1  }
0x1a0: {  	v7 =	vld.idx.msk [tilespmem:v49+s10+$0x0], $0xffff  }
0x1a1: {  	v34 =	vld.idx.msk [tilespmem:v51+s10+$0x0], $0xffff  }
0x1a2: {  	v38 =	vld.idx.msk [tilespmem:v57+s10+$0x0], $0xffff;
	v49 =	vor.u32 v13, v2  }
0x1a3: {  	v51 =	vor.u32 v13, v3;
	v57 =	vor.u32 v13, v4;
	v13 =	vld [tilespmem:$0x1FEA0];
	[tilespmem:v12+s17+$0x0] =	vst.idx.msk $0xffff, v0  }
0x1a4: {  	v12 =	vor.u32 s20, v63;
	v0 =	vld.idx.msk [tilespmem:v14+s10+$0x0], $0xffff  }
0x1a5: {  	v23 =	vmov v19;
	v19 =	vld [tilespmem:$0x1FF30]  }
0x1a6: {  	v29 =	vmov v18;
	v18 =	vld [tilespmem:$0x1FF20];
	[tilespmem:v48+s17+$0x0] =	vst.idx.msk $0xffff, v7  }
0x1a7: {  	[tilespmem:v52+s17+$0x0] =	vst.idx.msk $0xffff, v38;
	v7 =	vld.idx.msk [tilespmem:v49+s10+$0x0], $0xffff  }
0x1a8: {  	[tilespmem:v50+s17+$0x0] =	vst.idx.msk $0xffff, v34;
	v38 =	vld.idx.msk [tilespmem:v57+s10+$0x0], $0xffff  }
0x1a9: {  	v14 =	vor.u32 v13, v1;
	v57 =	vor.u32 s25, v63;
	[tilespmem:v12+s17+$0x0] =	vst.idx.msk $0xffff, v0;
	v0 =	vld [tilespmem:$0x1FEE0]  }
0x1aa: {  	v48 =	vor.u32 s24, v63;
	v50 =	vor.u32 s23, v63;
	v34 =	vld.idx.msk [tilespmem:v51+s10+$0x0], $0xffff;
	v63 =	vor.u32 v13, v4  }
0x1ab: {  	v49 =	vor.u32 v13, v2;
	v51 =	vor.u32 v13, v3;
	v13 =	vld [tilespmem:$0x1FED0]  }
0x1ac: {  	v32 =	vld [tilespmem:$0x1FF40]  }
0x1ad: {  	v41 =	vmov v25;
	v25 =	vld [tilespmem:$0x1FF50]  }
0x1ae: {  	[tilespmem:v57+s17+$0x0] =	vst.idx.msk $0xffff, v38;
	v5 =	vld.idx.msk [tilespmem:v14+s10+$0x0], $0xffff;
	v12 =	vor.u32 s20, v0  }
0x1af: {  	[tilespmem:v48+s17+$0x0] =	vst.idx.msk $0xffff, v7;
	v43 =	vld.idx.msk [tilespmem:v63+s10+$0x0], $0xffff;
	v63 =	vor.u32 s25, v0  }
0x1b0: {  	[tilespmem:v50+s17+$0x0] =	vst.idx.msk $0xffff, v34;
	v14 =	vor.u32 v13, v1;
	v8 =	vld.idx.msk [tilespmem:v49+s10+$0x0], $0xffff;
	v9 =	vor.u32 s24, v0  }
0x1b1: {  	v52 =	vor.u32 v13, v2;
	v57 =	vor.u32 v13, v3;
	v46 =	vor.u32 v13, v4;
	v13 =	vld [tilespmem:$0x1FFA0]  }
0x1b2: {  	v36 =	vld.idx.msk [tilespmem:v51+s10+$0x0], $0xffff;
	v45 =	vor.u32 s23, v0  }
0x1b3: {  	v39 =	vmov v31;
	v31 =	vld [tilespmem:$0x1FF90];
	[tilespmem:v12+s17+$0x0] =	vst.idx.msk $0xffff, v5  }
0x1b4: {  	[tilespmem:v63+s17+$0x0] =	vst.idx.msk $0xffff, v43;
	v63 =	vld [tilespmem:$0x1FF80]  }
0x1b5: {  	v48 =	vsel vm0, v25, v32;
	v0 =	vsel vm0, v19, v18;
	[tilespmem:v9+s17+$0x0] =	vst.idx.msk $0xffff, v8;
	v5 =	vld.idx.msk [tilespmem:v14+s10+$0x0], $0xffff  }
0x1b6: {  	v12 =	vcombine.low v48, v0;
	v14 =	vor.u32 s20, v13;
	v8 =	vld.idx.msk [tilespmem:v52+s10+$0x0], $0xffff  }
0x1b7: {  	v35 =	vor.u32 s25, v13;
	[tilespmem:v45+s17+$0x0] =	vst.idx.msk $0xffff, v36;
	v44 =	vld.idx.msk [tilespmem:v46+s10+$0x0], $0xffff  }
0x1b8: {  	v9 =	vor.u32 s24, v13;
	v38 =	vld.idx.msk [tilespmem:v57+s10+$0x0], $0xffff;
	v34 =	vor.u32 v12, v1  }
0x1b9: {  	v52 =	vld [tilespmem:$0x1FF60];
	v36 =	vor.u32 v12, v2  }
0x1ba: {  	v57 =	vld [tilespmem:$0x1FF70]  }
0x1bb: {  	v45 =	vor.u32 s23, v13;
	v13 =	vld [tilespmem:$0x1FFF0];
	[tilespmem:v14+s17+$0x0] =	vst.idx.msk $0xffff, v5  }
0x1bc: {  	[tilespmem:v35+s17+$0x0] =	vst.idx.msk $0xffff, v44;
	v35 =	vld [tilespmem:$0x1FE60]  }
0x1bd: {  	v43 =	vor.u32 v12, v3;
	[tilespmem:v9+s17+$0x0] =	vst.idx.msk $0xffff, v8;
	v6 =	vld.idx.msk [tilespmem:v34+s10+$0x0], $0xffff  }
0x1be: {  	v51 =	vor.u32 v12, v4;
	v9 =	vld.idx.msk [tilespmem:v36+s10+$0x0], $0xffff  }
0x1bf: {  	v10 =	vor.u32 s24, v47;
	v11 =	vor.u32 s25, v47;
	v50 =	vsel vm0, v31, v63;
	v36 =	vld [tilespmem:$0x1FE50]  }
0x1c0: {  	v49 =	vsel vm0, v57, v52;
	[tilespmem:v45+s17+$0x0] =	vst.idx.msk $0xffff, v38;
	v45 =	vor.u32 s23, v47;
	v34 =	vor.u32 s20, v47;
	v47 =	vld [tilespmem:$0x1FFE0]  }
0x1c1: {  	[tilespmem:$0x1FCE0] =	vst v12;
	v12 =	vcombine.low v50, v49  }
0x1c2: {  	v43 =	vld.idx.msk [tilespmem:v43+s10+$0x0], $0xffff  }
0x1c3: {  	v46 =	vld.idx.msk [tilespmem:v51+s10+$0x0], $0xffff;
	v38 =	vor.u32 v12, v2  }
0x1c4: {  	[tilespmem:$0x1FCF0] =	vst v12;
	v51 =	vsel vm0, v13, v35;
	v35 =	vld [tilespmem:$0x1FFC0]  }
0x1c5: {  	v5 =	vsel vm0, v36, v47;
	[tilespmem:v34+s17+$0x0] =	vst.idx.msk $0xffff, v6  }
0x1c6: {  	v15 =	vld [tilespmem:$0x1FF10];
	v8 =	vor.u32 v12, v1;
	[tilespmem:v10+s17+$0x0] =	vst.idx.msk $0xffff, v9;
	v34 =	vcombine.low v5, v51  }
0x1c7: {  	v44 =	vor.u32 v12, v3;
	[tilespmem:v45+s17+$0x0] =	vst.idx.msk $0xffff, v43;
	v47 =	vld [tilespmem:$0x1FEF0]  }
0x1c8: {  	v12 =	vor.u32 v12, v4;
	[tilespmem:v11+s17+$0x0] =	vst.idx.msk $0xffff, v46;
	v10 =	vld.idx.msk [tilespmem:v38+s10+$0x0], $0xffff;
	v9 =	vor.u32 v34, v1  }
0x1c9: {  	v38 =	vmovc v34;
	v43 =	vor.u32 v34, v2;
	v11 =	vor.u32 v34, v3;
	v34 =	vld [tilespmem:$0x1FF00];
	v13 =	vor.u32 s20, v35  }
0x1ca: {  	v14 =	vor.u32 s24, v35;
	v45 =	vor.u32 s23, v35;
	v46 =	vor.u32 s25, v35;
	v35 =	vld [tilespmem:$0x1FFD0]  }
0x1cb: {  	v8 =	vld.idx.msk [tilespmem:v8+s10+$0x0], $0xffff  }
0x1cc: {  	v44 =	vld.idx.msk [tilespmem:v44+s10+$0x0], $0xffff  }
0x1cd: {  	v12 =	vld.idx.msk [tilespmem:v12+s10+$0x0], $0xffff;
	_ =	sdelay $0x1  }
0x1ce: {  	v6 =	vsel vm0, v34, v47;
	v7 =	vsel vm0, v35, v15  }
0x1cf: {  	[tilespmem:v13+s17+$0x0] =	vst.idx.msk $0xffff, v8;
	v34 =	vcombine.low v7, v6  }
0x1d0: {  	v16 =	vor.u32 s20, v37;
	v17 =	vor.u32 s24, v37;
	v15 =	vor.u32 v38, v4;
	[tilespmem:v45+s17+$0x0] =	vst.idx.msk $0xffff, v44;
	v13 =	vld.idx.msk [tilespmem:v9+s10+$0x0], $0xffff  }
0x1d1: {  	v45 =	vor.u32 s23, v37;
	[tilespmem:v46+s17+$0x0] =	vst.idx.msk $0xffff, v12;
	v46 =	vor.u32 s25, v37;
	v37 =	vld [tilespmem:$0x1FDA0];
	v36 =	vor.u32 v34, v1  }
0x1d2: {  	[tilespmem:v14+s17+$0x0] =	vst.idx.msk $0xffff, v10  }
0x1d3: {  	v14 =	vld.idx.msk [tilespmem:v43+s10+$0x0], $0xffff  }
0x1d4: {  	v8 =	vsel vm0, v32, v19;
	v11 =	vld.idx.msk [tilespmem:v11+s10+$0x0], $0xffff;
	v9 =	vsel vm0, v18, v25  }
0x1d5: {  	v43 =	vcombine.low v9, v8;
	v15 =	vld.idx.msk [tilespmem:v15+s10+$0x0], $0xffff;
	[tilespmem:v16+s17+$0x0] =	vst.idx.msk $0xffff, v13  }
0x1d6: {  	v44 =	vor.u32 v34, v2;
	v13 =	vor.u32 s20, v37;
	v10 =	vld.idx.msk [tilespmem:v36+s10+$0x0], $0xffff  }
0x1d7: {  	v19 =	vsel vm0, v52, v31;
	v52 =	vld [tilespmem:$0x1FDB0];
	v36 =	vor.u32 v43, v1  }
0x1d8: {  	v18 =	vor.u32 v34, v4;
	[tilespmem:v17+s17+$0x0] =	vst.idx.msk $0xffff, v14  }
0x1d9: {  	[tilespmem:v45+s17+$0x0] =	vst.idx.msk $0xffff, v11  }
0x1da: {  	v12 =	vor.u32 v34, v3;
	[tilespmem:v46+s17+$0x0] =	vst.idx.msk $0xffff, v15  }
0x1db: {  	v17 =	vor.u32 s24, v37;
	v45 =	vor.u32 s23, v37;
	v16 =	vld.idx.msk [tilespmem:v44+s10+$0x0], $0xffff;
	[tilespmem:v13+s17+$0x0] =	vst.idx.msk $0xffff, v10  }
0x1dc: {  	v46 =	vor.u32 s25, v37;
	v37 =	vsel vm0, v63, v57;
	v57 =	vmovc v61;
	v61 =	vor.u32 s20, v52;
	v10 =	vld.idx.msk [tilespmem:v36+s10+$0x0], $0xffff  }
0x1dd: {  	v11 =	vor.u32 v43, v2;
	v18 =	vld.idx.msk [tilespmem:v18+s10+$0x0], $0xffff  }
0x1de: {  	[tilespmem:$0x1FD00] =	vst v34;
	v34 =	vmov v20;
	v20 =	vor.u32 v43, v4  }
0x1df: {  	v12 =	vld.idx.msk [tilespmem:v12+s10+$0x0], $0xffff;
	v44 =	vcombine.low v19, v37  }
0x1e0: {  	v15 =	vor.u32 v43, v3;
	v37 =	vld [tilespmem:$0x1FE80];
	[tilespmem:v17+s17+$0x0] =	vst.idx.msk $0xffff, v16  }
0x1e1: {  	v63 =	vor.u32 v44, v1;
	[tilespmem:v61+s17+$0x0] =	vst.idx.msk $0xffff, v10;
	v61 =	vld [tilespmem:$0x1FDC0]  }
0x1e2: {  	v16 =	vor.u32 s24, v52;
	v11 =	vld.idx.msk [tilespmem:v11+s10+$0x0], $0xffff;
	[tilespmem:v46+s17+$0x0] =	vst.idx.msk $0xffff, v18  }
0x1e3: {  	v32 =	vor.u32 v44, v2;
	v19 =	vld.idx.msk [tilespmem:v20+s10+$0x0], $0xffff;
	v20 =	vor.u32 s25, v52  }
0x1e4: {  	[tilespmem:v45+s17+$0x0] =	vst.idx.msk $0xffff, v12;
	v35 =	vor.u32 v44, v4;
	v45 =	vld [tilespmem:$0x1FE90]  }
0x1e5: {  	v17 =	vor.u32 s23, v52;
	v15 =	vld.idx.msk [tilespmem:v15+s10+$0x0], $0xffff  }
0x1e6: {  	v47 =	vld.idx.msk [tilespmem:v63+s10+$0x0], $0xffff;
	v63 =	vor.u32 s20, v61  }
0x1e7: {  	[tilespmem:v16+s17+$0x0] =	vst.idx.msk $0xffff, v11  }
0x1e8: {  	v12 =	vld.idx.msk [tilespmem:v32+s10+$0x0], $0xffff;
	[tilespmem:v20+s17+$0x0] =	vst.idx.msk $0xffff, v19  }
0x1e9: {  	v18 =	vor.u32 v44, v3;
	v45 =	vcombine.low v37, v45;
	v19 =	vld.idx.msk [tilespmem:v35+s10+$0x0], $0xffff  }
0x1ea: {  	[tilespmem:v17+s17+$0x0] =	vst.idx.msk $0xffff, v15;
	v52 =	vor.u32 s24, v61;
	v17 =	vor.u32 s23, v61;
	v20 =	vor.u32 s25, v61;
	v61 =	vld [tilespmem:$0x1FEB0]  }
0x1eb: {  	[tilespmem:v63+s17+$0x0] =	vst.idx.msk $0xffff, v47;
	v63 =	vld [tilespmem:$0x1FEC0]  }
0x1ec: {  	v37 =	vor.u32 v45, v1;
	v35 =	vld [tilespmem:$0x1FDD0]  }
0x1ed: {  	v15 =	vor.u32 v45, v2  }
0x1ee: {  	v16 =	vld.idx.msk [tilespmem:v18+s10+$0x0], $0xffff  }
0x1ef: {  	v18 =	vor.u32 v45, v3  }
0x1f0: {  	v36 =	vld [tilespmem:$0x1FDE0];
	v46 =	vcombine.low v61, v63  }
0x1f1: {  	v32 =	vmov v21;
	v21 =	vor.u32 v45, v4;
	v47 =	vor.u32 s20, v35;
	[tilespmem:v52+s17+$0x0] =	vst.idx.msk $0xffff, v12;
	v10 =	vld.idx.msk [tilespmem:v37+s10+$0x0], $0xffff  }
0x1f2: {  	v61 =	vld.idx.msk [tilespmem:v15+s10+$0x0], $0xffff;
	v63 =	vor.u32 s24, v35;
	v52 =	vor.u32 v46, v1  }
0x1f3: {  	[tilespmem:v17+s17+$0x0] =	vst.idx.msk $0xffff, v16;
	v15 =	vor.u32 v46, v2  }
0x1f4: {  	v17 =	vor.u32 s23, v35;
	v16 =	vld.idx.msk [tilespmem:v18+s10+$0x0], $0xffff  }
0x1f5: {  	v49 =	vcombine.low v49, v50;
	v50 =	vld [tilespmem:$0x1FDF0];
	[tilespmem:v20+s17+$0x0] =	vst.idx.msk $0xffff, v19;
	v18 =	vor.u32 v46, v3  }
0x1f6: {  	v48 =	vcombine.low v0, v48;
	v20 =	vor.u32 s25, v35;
	v19 =	vld.idx.msk [tilespmem:v21+s10+$0x0], $0xffff;
	[tilespmem:v47+s17+$0x0] =	vst.idx.msk $0xffff, v10  }
0x1f7: {  	v35 =	vor.u32 s20, v36;
	v21 =	vor.u32 v46, v4;
	[tilespmem:v63+s17+$0x0] =	vst.idx.msk $0xffff, v61;
	v0 =	vld.idx.msk [tilespmem:v52+s10+$0x0], $0xffff  }
0x1f8: {  	v37 =	vor.u32 v48, v1;
	v61 =	vor.u32 s24, v36;
	v12 =	vld.idx.msk [tilespmem:v15+s10+$0x0], $0xffff  }
0x1f9: {  	[tilespmem:v17+s17+$0x0] =	vst.idx.msk $0xffff, v16;
	v63 =	vor.u32 v48, v2  }
0x1fa: {  	v16 =	vor.u32 s23, v36;
	v15 =	vld.idx.msk [tilespmem:v18+s10+$0x0], $0xffff  }
0x1fb: {  	[tilespmem:v20+s17+$0x0] =	vst.idx.msk $0xffff, v19;
	v17 =	vor.u32 v48, v3  }
0x1fc: {  	v19 =	vor.u32 s25, v36;
	v18 =	vld.idx.msk [tilespmem:v21+s10+$0x0], $0xffff;
	[tilespmem:v35+s17+$0x0] =	vst.idx.msk $0xffff, v0  }
0x1fd: {  	v20 =	vor.u32 v48, v4;
	v35 =	vor.u32 s20, v50;
	[tilespmem:v61+s17+$0x0] =	vst.idx.msk $0xffff, v12;
	v0 =	vld.idx.msk [tilespmem:v37+s10+$0x0], $0xffff  }
0x1fe: {  	v61 =	vor.u32 s24, v50;
	v12 =	vld.idx.msk [tilespmem:v63+s10+$0x0], $0xffff  }
0x1ff: {  	v36 =	vld [tilespmem:$0x1FE00];
	[tilespmem:v16+s17+$0x0] =	vst.idx.msk $0xffff, v15;
	v37 =	vor.u32 v49, v1  }
0x200: {  	v16 =	vor.u32 s23, v50;
	v63 =	vor.u32 v49, v2;
	v15 =	vld.idx.msk [tilespmem:v17+s10+$0x0], $0xffff  }
0x201: {  	[tilespmem:v19+s17+$0x0] =	vst.idx.msk $0xffff, v18;
	v17 =	vor.u32 v49, v3  }
0x202: {  	v19 =	vor.u32 s25, v50;
	v18 =	vld.idx.msk [tilespmem:v20+s10+$0x0], $0xffff;
	[tilespmem:v35+s17+$0x0] =	vst.idx.msk $0xffff, v0  }
0x203: {  	v50 =	vcombine.low v51, v5;
	v20 =	vor.u32 v49, v4;
	[tilespmem:v61+s17+$0x0] =	vst.idx.msk $0xffff, v12;
	v61 =	vmov v34;
	v34 =	vld [tilespmem:$0x1FE10]  }
0x204: {  	v51 =	vor.u32 s20, v36;
	v0 =	vld.idx.msk [tilespmem:v37+s10+$0x0], $0xffff  }
0x205: {  	v35 =	vor.u32 v50, v1;
	v12 =	vor.u32 s24, v36;
	[tilespmem:v16+s17+$0x0] =	vst.idx.msk $0xffff, v15;
	v11 =	vld.idx.msk [tilespmem:v63+s10+$0x0], $0xffff  }
0x206: {  	v13 =	vor.u32 v50, v2;
	v15 =	vor.u32 s23, v36;
	v37 =	vld.idx.msk [tilespmem:v17+s10+$0x0], $0xffff  }
0x207: {  	[tilespmem:v19+s17+$0x0] =	vst.idx.msk $0xffff, v18;
	v16 =	vor.u32 v50, v3  }
0x208: {  	v18 =	vor.u32 s25, v36;
	v17 =	vld.idx.msk [tilespmem:v20+s10+$0x0], $0xffff  }
0x209: {  	v19 =	vor.u32 v50, v4;
	[tilespmem:v51+s17+$0x0] =	vst.idx.msk $0xffff, v0  }
0x20a: {  	v5 =	vor.u32 s20, v34;
	v51 =	vcombine.low v6, v7;
	[tilespmem:v12+s17+$0x0] =	vst.idx.msk $0xffff, v11;
	v0 =	vld.idx.msk [tilespmem:v35+s10+$0x0], $0xffff  }
0x20b: {  	v10 =	vor.u32 s24, v34;
	[tilespmem:v15+s17+$0x0] =	vst.idx.msk $0xffff, v37;
	v7 =	vld.idx.msk [tilespmem:v13+s10+$0x0], $0xffff  }
0x20c: {  	v12 =	vld.idx.msk [tilespmem:v16+s10+$0x0], $0xffff;
	v35 =	vor.u32 s23, v34;
	v11 =	vor.u32 v51, v2  }
0x20d: {  	[tilespmem:v18+s17+$0x0] =	vst.idx.msk $0xffff, v17;
	v16 =	vor.u32 s25, v34;
	v34 =	vld [tilespmem:$0x1FE20];
	v14 =	vor.u32 v51, v3  }
0x20e: {  	v15 =	vld.idx.msk [tilespmem:v19+s10+$0x0], $0xffff  }
0x20f: {  	v17 =	vor.u32 v51, v4;
	[tilespmem:v5+s17+$0x0] =	vst.idx.msk $0xffff, v0  }
0x210: {  	v6 =	vor.u32 v51, v1;
	[tilespmem:v10+s17+$0x0] =	vst.idx.msk $0xffff, v7;
	v10 =	vld [tilespmem:$0x1FE20]  }
0x211: {  	v0 =	vcombine.low v8, v9;
	[tilespmem:v35+s17+$0x0] =	vst.idx.msk $0xffff, v12;
	v7 =	vld.idx.msk [tilespmem:v11+s10+$0x0], $0xffff  }
0x212: {  	v35 =	vor.u32 s24, v34;
	v36 =	vld.idx.msk [tilespmem:v14+s10+$0x0], $0xffff  }
0x213: {  	v63 =	vmov v40;
	[tilespmem:v16+s17+$0x0] =	vst.idx.msk $0xffff, v15;
	v40 =	vor.u32 s23, v34;
	v14 =	vld [tilespmem:$0x1FE30];
	v2 =	vor.u32 v0, v2  }
0x214: {  	v25 =	vmov v41;
	v34 =	vor.u32 s25, v34;
	v41 =	vld.idx.msk [tilespmem:v17+s10+$0x0], $0xffff;
	v3 =	vor.u32 v0, v3  }
0x215: {  	v5 =	vld.idx.msk [tilespmem:v6+s10+$0x0], $0xffff;
	v4 =	vor.u32 v0, v4;
	v6 =	vor.u32 s20, v10  }
0x216: {  	v1 =	vor.u32 v0, v1  }
0x217: {  	[tilespmem:v35+s17+$0x0] =	vst.idx.msk $0xffff, v7  }
0x218: {  	[tilespmem:v40+s17+$0x0] =	vst.idx.msk $0xffff, v36;
	v36 =	vor.u32 s24, v14;
	v2 =	vld.idx.msk [tilespmem:v2+s10+$0x0], $0xffff  }
0x219: {  	[tilespmem:v34+s17+$0x0] =	vst.idx.msk $0xffff, v41;
	v40 =	vor.u32 s23, v14;
	v3 =	vld.idx.msk [tilespmem:v3+s10+$0x0], $0xffff  }
0x21a: {  	v41 =	vor.u32 s25, v14;
	v4 =	vld.idx.msk [tilespmem:v4+s10+$0x0], $0xffff;
	[tilespmem:v6+s17+$0x0] =	vst.idx.msk $0xffff, v5  }
0x21b: {  	p2 =	por p1, p1;
	v35 =	vor.u32 s20, v14;
	v1 =	vld.idx.msk [tilespmem:v1+s10+$0x0], $0xffff  }
.Ltmp2:
0x21c: {  	_ = 	snop;
	(pc) =	sbr.rel @p2 .LBB2_3-.Ltmp2, $4  }
0x21d: {  	[tilespmem:v36+s17+$0x0] =	vst.idx.msk $0xffff, v2  }
0x21e: {  	[tilespmem:v40+s17+$0x0] =	vst.idx.msk $0xffff, v3  }
0x21f: {  	v31 =	vmovc v39;
	v39 =	vmov v26;
	v47 =	vld [tilespmem:$0x1FFB0];
	v52 =	vmov v28;
	v21 =	vmov v27;
	[tilespmem:v41+s17+$0x0] =	vst.idx.msk $0xffff, v4  }
0x220: {  	p1 =	por $0x0, $0x0;
	v27 =	vmovc v22;
	v20 =	vmovc v30;
	v18 =	vmov v29;
	v37 =	vld [tilespmem:$0x1FD90];
	v19 =	vmov v23;
	v17 =	vlaneseq.u32;
	s20 =	simm.s32 $0x40;
	[tilespmem:v35+s17+$0x0] =	vst.idx.msk $0xffff, v1  }
0x221: {  	s18 =	sshll.u32 s18, $0x13;
	s19 =	sshll.u32 s19, $0xA  }
0x222: {  	s18 =	sor.u32 s18, s19  }
0x223: {  	s18 =	sshrl.u32 s18, $0x3  }
0x224: {  	s18 =	sadd.s32 s2, s18  }
0x225: {  	[hbm4b:s18+s3] =	stream.linear.scatter [tilespmem:s17], [sflag:$0x5], $0x400, $0x38;
	[tilespmem:$0xE400] =	vst v63  }
0x226: {  	s23 =	simm.s32 $0xA800;
	s20 =	sadd.s32 $0x4000, s18  }
0x227: {  	[hbm4b:s20+s3] =	stream.linear.scatter [tilespmem:s23], [sflag:$0x5], $0x400, $0x38;
	[tilespmem:$0xE400] =	vst v63  }
0x228: {  	s29 =	simm.s32 $0xAC00;
	s25 =	sadd.s32 $0x8000, s18  }
0x229: {  	[hbm4b:s25+s3] =	stream.linear.scatter [tilespmem:s29], [sflag:$0x5], $0x400, $0x38;
	[tilespmem:$0xE400] =	vst v63  }
0x22a: {  	s24 =	simm.s32 $0xB000;
	p1 =	seq.s32 s8, $0x31;
	s18 =	sadd.s32 $0xC000, s18  }
0x22b: {  	[hbm4b:s18+s3] =	stream.linear.scatter [tilespmem:s24], [sflag:$0x5], $0x400, $0x38;
	[tilespmem:$0xE400] =	vst v63  }
0x22c: {  	s18 =	sshll.u32 @!p1 s8, $0x9  }
0x22d: {  	s18 =	sand.u32 @!p1 $0x3FFFFE00, s18  }
0x22e: {  	s23 =	simm.s32 @!p1 $0x80;
	s24 =	simm.s32 @!p1 $0x6400;
	s20 =	sadd.s32 @!p1 $0x200, s18  }
0x22f: {  	[tilespmem:s24], [sflag:$0x1] =	stream.indirect.gather @!p1 [hbm4b:s4+s23], $0x20, s20, s23, $0xb8;
	[tilespmem:$0xE400] =	vst v63  }
0x230: {  	_ =	swait.ge [sflag:s21], $0x1000  }
0x231: {  	[sflag:s21] =	ssyncset.done $0x0  }
0x232: {  	s23 =	simm.s32 @!p0 $0x6;
	[sflag:s21] =	ssyncadd.s32 $0xFFFFF000  }
0x233: {  	_ =	swait.ge @!p0 [sflag:s23], $0x400  }
0x234: {  	[sflag:s23] =	ssyncset.done @!p0 $0x0  }
0x235: {  	[sflag:s23] =	ssyncadd.s32 @!p0 $0xFFFFFC00  }
0x236: {  	_ =	swait.ge @!p0 [sflag:s23], $0x400  }
0x237: {  	[sflag:s23] =	ssyncset.done @!p0 $0x0  }
0x238: {  	s25 =	sor.u32 $0x1, s7;
	[sflag:s23] =	ssyncadd.s32 @!p0 $0xFFFFFC00  }
0x239: {  	s29 =	smulhi.u32 $0x51EB851F, s25;
	_ =	swait.ge @!p0 [sflag:s23], $0x400  }
0x23a: {  	[sflag:s23] =	ssyncset.done @!p0 $0x0  }
0x23b: {  	s24 =	sshrl.u32 s29, $0x4;
	[sflag:s23] =	ssyncadd.s32 @!p0 $0xFFFFFC00  }
0x23c: {  	s24 =	smul.u32 $0x32, s24;
	_ =	swait.ge @!p0 [sflag:s23], $0x400  }
0x23d: {  	p2 =	por $0x1, $0x1;
	[sflag:s23] =	ssyncset.done @!p0 $0x0  }
0x23e: {  	s20 =	ssub.s32 s25, s24;
	v36 =	vld [tilespmem:$0x1FEE0];
	[sflag:s23] =	ssyncadd.s32 @!p0 $0xFFFFFC00;
	s23 =	simm.s32 $0x0  }
.LBB2_5:
0x23f: {  	v8 =	vld [tilespmem:$0x1FD10];
	_ =	sdelay $0x2  }
0x240: {  	v1 =	vmov s23;
	s25 =	sor.u32 $0x10, s23;
	s24 =	sor.u32 $0x20, s23  }
0x241: {  	s29 =	sor.u32 $0x30, s23;
	v1 =	vshll.u32 v1, $0x5;
	v2 =	vmov s25;
	v3 =	vmov s24  }
0x242: {  	v4 =	vmov s29;
	v2 =	vshll.u32 v2, $0x5;
	v1 =	vor.u32 v8, v1  }
0x243: {  	v3 =	vshll.u32 v3, $0x5;
	v2 =	vor.u32 v8, v2;
	v5 =	vor.u32 v17, v1  }
0x244: {  	v4 =	vshll.u32 v4, $0x5;
	v3 =	vor.u32 v8, v3;
	v6 =	vor.u32 v17, v2  }
0x245: {  	v4 =	vor.u32 v8, v4;
	v7 =	vor.u32 v17, v3  }
0x246: {  	v8 =	vor.u32 v17, v4;
	_ =	sdelay $0x1  }
0x247: {  	v9 =	vor.u32 s23, v19;
	v5 =	vld.idx.msk [tilespmem:v5+s11+$0x0], $0xffff  }
0x248: {  	v11 =	vor.u32 s25, v19;
	v10 =	vor.u32 v24, v1;
	v6 =	vld.idx.msk [tilespmem:v6+s11+$0x0], $0xffff  }
0x249: {  	v13 =	vor.u32 s24, v19;
	v12 =	vor.u32 v24, v2;
	v7 =	vld.idx.msk [tilespmem:v7+s11+$0x0], $0xffff  }
0x24a: {  	v15 =	vor.u32 s29, v19;
	v14 =	vor.u32 v24, v3;
	v8 =	vld.idx.msk [tilespmem:v8+s11+$0x0], $0xffff  }
0x24b: {  	v16 =	vor.u32 v24, v4  }
0x24c: {  	[tilespmem:v9+s22+$0x0] =	vst.idx.msk $0xffff, v5  }
0x24d: {  	v9 =	vor.u32 s23, v27;
	[tilespmem:v11+s22+$0x0] =	vst.idx.msk $0xffff, v6;
	v5 =	vld.idx.msk [tilespmem:v10+s11+$0x0], $0xffff  }
0x24e: {  	v40 =	vor.u32 s25, v27;
	v6 =	vor.u32 v39, v1;
	[tilespmem:v13+s22+$0x0] =	vst.idx.msk $0xffff, v7;
	v10 =	vld.idx.msk [tilespmem:v12+s11+$0x0], $0xffff  }
0x24f: {  	v47 =	vor.u32 s24, v27;
	v41 =	vor.u32 v39, v2;
	[tilespmem:v15+s22+$0x0] =	vst.idx.msk $0xffff, v8;
	v12 =	vld.idx.msk [tilespmem:v14+s11+$0x0], $0xffff  }
0x250: {  	v34 =	vor.u32 v39, v3;
	v15 =	vor.u32 s29, v27;
	v35 =	vld.idx.msk [tilespmem:v16+s11+$0x0], $0xffff  }
0x251: {  	v16 =	vor.u32 v39, v4  }
0x252: {  	[tilespmem:v9+s22+$0x0] =	vst.idx.msk $0xffff, v5  }
0x253: {  	[tilespmem:v40+s22+$0x0] =	vst.idx.msk $0xffff, v10;
	v5 =	vld.idx.msk [tilespmem:v6+s11+$0x0], $0xffff;
	v6 =	vor.u32 s23, v21  }
0x254: {  	v40 =	vor.u32 v52, v1;
	[tilespmem:v47+s22+$0x0] =	vst.idx.msk $0xffff, v12;
	v7 =	vld.idx.msk [tilespmem:v41+s11+$0x0], $0xffff;
	v41 =	vor.u32 s25, v21  }
0x255: {  	v47 =	vor.u32 v52, v2;
	[tilespmem:v15+s22+$0x0] =	vst.idx.msk $0xffff, v35;
	v8 =	vld.idx.msk [tilespmem:v34+s11+$0x0], $0xffff;
	v34 =	vor.u32 s24, v21  }
0x256: {  	v35 =	vor.u32 v52, v3;
	v15 =	vor.u32 s29, v21;
	v14 =	vld.idx.msk [tilespmem:v16+s11+$0x0], $0xffff  }
0x257: {  	v16 =	vor.u32 v52, v4  }
0x258: {  	[tilespmem:v6+s22+$0x0] =	vst.idx.msk $0xffff, v5  }
0x259: {  	v6 =	vor.u32 s23, v18;
	[tilespmem:v41+s22+$0x0] =	vst.idx.msk $0xffff, v7;
	v5 =	vld.idx.msk [tilespmem:v40+s11+$0x0], $0xffff  }
0x25a: {  	v7 =	vor.u32 v20, v1;
	[tilespmem:v34+s22+$0x0] =	vst.idx.msk $0xffff, v8;
	v9 =	vld.idx.msk [tilespmem:v47+s11+$0x0], $0xffff;
	v40 =	vor.u32 s25, v18  }
0x25b: {  	v41 =	vor.u32 v20, v2;
	v34 =	vor.u32 s24, v18;
	[tilespmem:v15+s22+$0x0] =	vst.idx.msk $0xffff, v14;
	v47 =	vld.idx.msk [tilespmem:v35+s11+$0x0], $0xffff  }
0x25c: {  	v15 =	vor.u32 s29, v18;
	v35 =	vor.u32 v20, v3;
	v14 =	vld.idx.msk [tilespmem:v16+s11+$0x0], $0xffff  }
0x25d: {  	v16 =	vor.u32 v20, v4  }
0x25e: {  	v22 =	vld [tilespmem:$0x1FD20];
	[tilespmem:v6+s22+$0x0] =	vst.idx.msk $0xffff, v5  }
0x25f: {  	v6 =	vor.u32 s23, v61;
	[tilespmem:v40+s22+$0x0] =	vst.idx.msk $0xffff, v9;
	v5 =	vld.idx.msk [tilespmem:v7+s11+$0x0], $0xffff  }
0x260: {  	[tilespmem:v34+s22+$0x0] =	vst.idx.msk $0xffff, v47;
	v8 =	vld.idx.msk [tilespmem:v41+s11+$0x0], $0xffff;
	v41 =	vor.u32 s25, v61  }
0x261: {  	v34 =	vor.u32 s24, v61;
	[tilespmem:v15+s22+$0x0] =	vst.idx.msk $0xffff, v14;
	v11 =	vld.idx.msk [tilespmem:v35+s11+$0x0], $0xffff  }
0x262: {  	v15 =	vor.u32 s29, v61;
	v14 =	vld.idx.msk [tilespmem:v16+s11+$0x0], $0xffff  }
0x263: {  	v40 =	vor.u32 v32, v1  }
0x264: {  	v47 =	vor.u32 v32, v2;
	[tilespmem:v6+s22+$0x0] =	vst.idx.msk $0xffff, v5  }
0x265: {  	v35 =	vor.u32 v32, v3;
	[tilespmem:v41+s22+$0x0] =	vst.idx.msk $0xffff, v8  }
0x266: {  	v23 =	vld [tilespmem:$0x1FD40];
	v16 =	vor.u32 v32, v4;
	v6 =	vor.u32 s23, v22;
	[tilespmem:v34+s22+$0x0] =	vst.idx.msk $0xffff, v11  }
0x267: {  	v41 =	vor.u32 s25, v22;
	v34 =	vor.u32 s24, v22;
	[tilespmem:v15+s22+$0x0] =	vst.idx.msk $0xffff, v14;
	v15 =	vor.u32 s29, v22;
	v22 =	vld [tilespmem:$0x1FD30]  }
0x268: {  	v5 =	vld.idx.msk [tilespmem:v40+s11+$0x0], $0xffff  }
0x269: {  	v40 =	vor.u32 v42, v1;
	v8 =	vld.idx.msk [tilespmem:v47+s11+$0x0], $0xffff  }
0x26a: {  	v47 =	vor.u32 v42, v2;
	v11 =	vld.idx.msk [tilespmem:v35+s11+$0x0], $0xffff  }
0x26b: {  	v35 =	vor.u32 v42, v3;
	v14 =	vld.idx.msk [tilespmem:v16+s11+$0x0], $0xffff  }
0x26c: {  	v16 =	vor.u32 v42, v4  }
0x26d: {  	[tilespmem:v6+s22+$0x0] =	vst.idx.msk $0xffff, v5  }
0x26e: {  	v6 =	vor.u32 s23, v22;
	[tilespmem:v41+s22+$0x0] =	vst.idx.msk $0xffff, v8;
	v5 =	vld.idx.msk [tilespmem:v40+s11+$0x0], $0xffff  }
0x26f: {  	v41 =	vor.u32 s25, v22;
	[tilespmem:v34+s22+$0x0] =	vst.idx.msk $0xffff, v11;
	v40 =	vor.u32 v23, v1;
	v8 =	vld.idx.msk [tilespmem:v47+s11+$0x0], $0xffff  }
0x270: {  	v34 =	vor.u32 s24, v22;
	[tilespmem:v15+s22+$0x0] =	vst.idx.msk $0xffff, v14;
	v47 =	vor.u32 v23, v2;
	v11 =	vld.idx.msk [tilespmem:v35+s11+$0x0], $0xffff  }
0x271: {  	v15 =	vor.u32 s29, v22;
	v35 =	vor.u32 v23, v3;
	v14 =	vld.idx.msk [tilespmem:v16+s11+$0x0], $0xffff  }
0x272: {  	v16 =	vor.u32 v23, v4  }
0x273: {  	[tilespmem:v6+s22+$0x0] =	vst.idx.msk $0xffff, v5  }
0x274: {  	v6 =	vor.u32 s23, v53;
	[tilespmem:v41+s22+$0x0] =	vst.idx.msk $0xffff, v8;
	v5 =	vld.idx.msk [tilespmem:v40+s11+$0x0], $0xffff  }
0x275: {  	v41 =	vor.u32 s25, v53;
	[tilespmem:v34+s22+$0x0] =	vst.idx.msk $0xffff, v11;
	v40 =	vor.u32 v54, v1;
	v8 =	vld.idx.msk [tilespmem:v47+s11+$0x0], $0xffff  }
0x276: {  	v34 =	vor.u32 s24, v53;
	[tilespmem:v15+s22+$0x0] =	vst.idx.msk $0xffff, v14;
	v47 =	vor.u32 v54, v2;
	v11 =	vld.idx.msk [tilespmem:v35+s11+$0x0], $0xffff  }
0x277: {  	v15 =	vor.u32 s29, v53;
	v35 =	vor.u32 v54, v3;
	v14 =	vld.idx.msk [tilespmem:v16+s11+$0x0], $0xffff  }
0x278: {  	v16 =	vor.u32 v54, v4  }
0x279: {  	v22 =	vld [tilespmem:$0x1FD50];
	[tilespmem:v6+s22+$0x0] =	vst.idx.msk $0xffff, v5  }
0x27a: {  	v6 =	vor.u32 s23, v55;
	[tilespmem:v41+s22+$0x0] =	vst.idx.msk $0xffff, v8;
	v5 =	vld.idx.msk [tilespmem:v40+s11+$0x0], $0xffff  }
0x27b: {  	v41 =	vor.u32 s25, v55;
	[tilespmem:v34+s22+$0x0] =	vst.idx.msk $0xffff, v11;
	v40 =	vor.u32 v56, v1;
	v8 =	vld.idx.msk [tilespmem:v47+s11+$0x0], $0xffff  }
0x27c: {  	v34 =	vor.u32 s24, v55;
	[tilespmem:v15+s22+$0x0] =	vst.idx.msk $0xffff, v14;
	v47 =	vor.u32 v56, v2;
	v11 =	vld.idx.msk [tilespmem:v35+s11+$0x0], $0xffff  }
0x27d: {  	v15 =	vor.u32 s29, v55;
	v35 =	vor.u32 v56, v3;
	v14 =	vld.idx.msk [tilespmem:v16+s11+$0x0], $0xffff  }
0x27e: {  	v16 =	vor.u32 v56, v4  }
0x27f: {  	[tilespmem:v6+s22+$0x0] =	vst.idx.msk $0xffff, v5  }
0x280: {  	v6 =	vor.u32 s23, v22;
	[tilespmem:v41+s22+$0x0] =	vst.idx.msk $0xffff, v8;
	v5 =	vld.idx.msk [tilespmem:v40+s11+$0x0], $0xffff  }
0x281: {  	v41 =	vor.u32 s25, v22;
	[tilespmem:v34+s22+$0x0] =	vst.idx.msk $0xffff, v11;
	v40 =	vor.u32 v58, v1;
	v8 =	vld.idx.msk [tilespmem:v47+s11+$0x0], $0xffff  }
0x282: {  	v34 =	vor.u32 s24, v22;
	[tilespmem:v15+s22+$0x0] =	vst.idx.msk $0xffff, v14;
	v47 =	vor.u32 v58, v2;
	v11 =	vld.idx.msk [tilespmem:v35+s11+$0x0], $0xffff  }
0x283: {  	v15 =	vor.u32 s29, v22;
	v35 =	vor.u32 v58, v3;
	v14 =	vld.idx.msk [tilespmem:v16+s11+$0x0], $0xffff  }
0x284: {  	v16 =	vor.u32 v58, v4  }
0x285: {  	v22 =	vld [tilespmem:$0x1FD60];
	[tilespmem:v6+s22+$0x0] =	vst.idx.msk $0xffff, v5  }
0x286: {  	v6 =	vor.u32 s23, v59;
	[tilespmem:v41+s22+$0x0] =	vst.idx.msk $0xffff, v8;
	v5 =	vld.idx.msk [tilespmem:v40+s11+$0x0], $0xffff  }
0x287: {  	v41 =	vor.u32 s25, v59;
	[tilespmem:v34+s22+$0x0] =	vst.idx.msk $0xffff, v11;
	v8 =	vld.idx.msk [tilespmem:v47+s11+$0x0], $0xffff  }
0x288: {  	v34 =	vor.u32 s24, v59;
	[tilespmem:v15+s22+$0x0] =	vst.idx.msk $0xffff, v14;
	v11 =	vld.idx.msk [tilespmem:v35+s11+$0x0], $0xffff  }
0x289: {  	v15 =	vor.u32 s29, v59;
	v14 =	vld.idx.msk [tilespmem:v16+s11+$0x0], $0xffff  }
0x28a: {  	v40 =	vor.u32 v60, v1  }
0x28b: {  	v47 =	vor.u32 v60, v2;
	[tilespmem:v6+s22+$0x0] =	vst.idx.msk $0xffff, v5  }
0x28c: {  	v35 =	vor.u32 v60, v3;
	[tilespmem:v41+s22+$0x0] =	vst.idx.msk $0xffff, v8  }
0x28d: {  	v16 =	vor.u32 v60, v4;
	v6 =	vor.u32 s23, v22;
	[tilespmem:v34+s22+$0x0] =	vst.idx.msk $0xffff, v11  }
0x28e: {  	v41 =	vor.u32 s25, v22;
	v34 =	vor.u32 s24, v22;
	[tilespmem:v15+s22+$0x0] =	vst.idx.msk $0xffff, v14;
	v15 =	vor.u32 s29, v22;
	v22 =	vld [tilespmem:$0x1FD70]  }
0x28f: {  	v5 =	vld.idx.msk [tilespmem:v40+s11+$0x0], $0xffff  }
0x290: {  	v40 =	vor.u32 v62, v1;
	v8 =	vld.idx.msk [tilespmem:v47+s11+$0x0], $0xffff  }
0x291: {  	v47 =	vor.u32 v62, v2;
	v11 =	vld.idx.msk [tilespmem:v35+s11+$0x0], $0xffff  }
0x292: {  	v14 =	vld.idx.msk [tilespmem:v16+s11+$0x0], $0xffff  }
0x293: {  	v35 =	vor.u32 v62, v3  }
0x294: {  	v16 =	vor.u32 v62, v4;
	[tilespmem:v6+s22+$0x0] =	vst.idx.msk $0xffff, v5  }
0x295: {  	v6 =	vor.u32 s23, v22;
	[tilespmem:v41+s22+$0x0] =	vst.idx.msk $0xffff, v8;
	v5 =	vld.idx.msk [tilespmem:v40+s11+$0x0], $0xffff  }
0x296: {  	v41 =	vor.u32 s25, v22;
	[tilespmem:v34+s22+$0x0] =	vst.idx.msk $0xffff, v11;
	v40 =	vor.u32 v33, v1;
	v8 =	vld.idx.msk [tilespmem:v47+s11+$0x0], $0xffff  }
0x297: {  	v34 =	vor.u32 s24, v22;
	[tilespmem:v15+s22+$0x0] =	vst.idx.msk $0xffff, v14;
	v15 =	vor.u32 s29, v22;
	v22 =	vld [tilespmem:$0x1FD80];
	v47 =	vor.u32 v33, v2  }
0x298: {  	v11 =	vld.idx.msk [tilespmem:v35+s11+$0x0], $0xffff  }
0x299: {  	v35 =	vor.u32 v33, v3;
	v14 =	vld.idx.msk [tilespmem:v16+s11+$0x0], $0xffff  }
0x29a: {  	v16 =	vor.u32 v33, v4;
	[tilespmem:v6+s22+$0x0] =	vst.idx.msk $0xffff, v5  }
0x29b: {  	v6 =	vor.u32 s23, v31;
	[tilespmem:v41+s22+$0x0] =	vst.idx.msk $0xffff, v8;
	v5 =	vld.idx.msk [tilespmem:v40+s11+$0x0], $0xffff  }
0x29c: {  	v41 =	vor.u32 s25, v31;
	v40 =	vor.u32 v22, v1;
	v8 =	vld.idx.msk [tilespmem:v47+s11+$0x0], $0xffff  }
0x29d: {  	[tilespmem:v34+s22+$0x0] =	vst.idx.msk $0xffff, v11;
	v34 =	vor.u32 v22, v2  }
0x29e: {  	[tilespmem:v15+s22+$0x0] =	vst.idx.msk $0xffff, v14;
	v11 =	vld.idx.msk [tilespmem:v35+s11+$0x0], $0xffff;
	v35 =	vor.u32 s24, v31  }
0x29f: {  	v15 =	vor.u32 s29, v31;
	v47 =	vor.u32 v22, v3;
	v14 =	vld.idx.msk [tilespmem:v16+s11+$0x0], $0xffff  }
0x2a0: {  	v16 =	vor.u32 v22, v4;
	[tilespmem:v6+s22+$0x0] =	vst.idx.msk $0xffff, v5  }
0x2a1: {  	[tilespmem:v41+s22+$0x0] =	vst.idx.msk $0xffff, v8;
	v5 =	vld.idx.msk [tilespmem:v40+s11+$0x0], $0xffff;
	v40 =	vor.u32 s23, v25  }
0x2a2: {  	v8 =	vld.idx.msk [tilespmem:v34+s11+$0x0], $0xffff;
	v34 =	vor.u32 s25, v25  }
0x2a3: {  	[tilespmem:v35+s22+$0x0] =	vst.idx.msk $0xffff, v11;
	v35 =	vor.u32 v57, v2  }
0x2a4: {  	v12 =	vor.u32 s24, v25;
	v41 =	vor.u32 v57, v1;
	[tilespmem:v15+s22+$0x0] =	vst.idx.msk $0xffff, v14;
	v11 =	vld.idx.msk [tilespmem:v47+s11+$0x0], $0xffff  }
0x2a5: {  	v15 =	vor.u32 s29, v25;
	v47 =	vor.u32 v57, v3;
	v14 =	vld.idx.msk [tilespmem:v16+s11+$0x0], $0xffff  }
0x2a6: {  	v16 =	vor.u32 v57, v4;
	[tilespmem:v40+s22+$0x0] =	vst.idx.msk $0xffff, v5;
	v40 =	vld [tilespmem:$0x1FE40]  }
0x2a7: {  	[tilespmem:v34+s22+$0x0] =	vst.idx.msk $0xffff, v8  }
0x2a8: {  	v8 =	vld.idx.msk [tilespmem:v35+s11+$0x0], $0xffff;
	v35 =	vor.u32 s25, v63  }
0x2a9: {  	[tilespmem:v12+s22+$0x0] =	vst.idx.msk $0xffff, v11;
	v5 =	vld.idx.msk [tilespmem:v41+s11+$0x0], $0xffff  }
0x2aa: {  	[tilespmem:v15+s22+$0x0] =	vst.idx.msk $0xffff, v14;
	v11 =	vld.idx.msk [tilespmem:v47+s11+$0x0], $0xffff  }
0x2ab: {  	v6 =	vor.u32 s23, v63;
	v14 =	vld.idx.msk [tilespmem:v16+s11+$0x0], $0xffff;
	v34 =	vor.u32 v40, v1  }
0x2ac: {  	v10 =	vor.u32 v40, v2;
	v47 =	vor.u32 v40, v3;
	v16 =	vor.u32 v40, v4;
	v40 =	vld [tilespmem:$0x1FE70]  }
0x2ad: {  	v12 =	vor.u32 s24, v63;
	[tilespmem:v35+s22+$0x0] =	vst.idx.msk $0xffff, v8;
	v35 =	vmov v38;
	v38 =	vld [tilespmem:$0x1FEA0]  }
0x2ae: {  	v15 =	vor.u32 s29, v63;
	_ =	sdelay $0x1  }
0x2af: {  	[tilespmem:v6+s22+$0x0] =	vst.idx.msk $0xffff, v5  }
0x2b0: {  	v5 =	vld.idx.msk [tilespmem:v34+s11+$0x0], $0xffff;
	v6 =	vor.u32 s23, v40  }
0x2b1: {  	[tilespmem:v12+s22+$0x0] =	vst.idx.msk $0xffff, v11;
	v8 =	vld.idx.msk [tilespmem:v10+s11+$0x0], $0xffff;
	v41 =	vor.u32 s25, v40;
	v7 =	vor.u32 v38, v1  }
0x2b2: {  	[tilespmem:v15+s22+$0x0] =	vst.idx.msk $0xffff, v14;
	v11 =	vld.idx.msk [tilespmem:v47+s11+$0x0], $0xffff;
	v47 =	vor.u32 s24, v40;
	v10 =	vor.u32 v38, v2  }
0x2b3: {  	v14 =	vld.idx.msk [tilespmem:v16+s11+$0x0], $0xffff;
	v15 =	vor.u32 s29, v40;
	v34 =	vor.u32 v38, v3  }
0x2b4: {  	v40 =	vld [tilespmem:$0x1FED0];
	v16 =	vor.u32 v38, v4  }
0x2b5: {  	[tilespmem:v6+s22+$0x0] =	vst.idx.msk $0xffff, v5  }
0x2b6: {  	[tilespmem:v41+s22+$0x0] =	vst.idx.msk $0xffff, v8;
	v5 =	vld.idx.msk [tilespmem:v7+s11+$0x0], $0xffff  }
0x2b7: {  	[tilespmem:v47+s22+$0x0] =	vst.idx.msk $0xffff, v11;
	v8 =	vld.idx.msk [tilespmem:v10+s11+$0x0], $0xffff  }
0x2b8: {  	v6 =	vor.u32 s23, v36;
	[tilespmem:v15+s22+$0x0] =	vst.idx.msk $0xffff, v14;
	v11 =	vld.idx.msk [tilespmem:v34+s11+$0x0], $0xffff  }
0x2b9: {  	v9 =	vor.u32 s25, v36;
	v41 =	vor.u32 v40, v1;
	v47 =	vor.u32 s24, v36;
	v14 =	vld.idx.msk [tilespmem:v16+s11+$0x0], $0xffff  }
0x2ba: {  	v10 =	vor.u32 v40, v2;
	v34 =	vor.u32 v40, v3;
	v16 =	vor.u32 v40, v4;
	v40 =	vld [tilespmem:$0x1FFA0]  }
0x2bb: {  	v15 =	vor.u32 s29, v36;
	_ =	sdelay $0x1  }
0x2bc: {  	[tilespmem:v6+s22+$0x0] =	vst.idx.msk $0xffff, v5  }
0x2bd: {  	[tilespmem:v9+s22+$0x0] =	vst.idx.msk $0xffff, v8  }
0x2be: {  	v38 =	vld [tilespmem:$0x1FCE0];
	v6 =	vor.u32 s23, v40;
	[tilespmem:v47+s22+$0x0] =	vst.idx.msk $0xffff, v11  }
0x2bf: {  	v9 =	vor.u32 s25, v40;
	v47 =	vor.u32 s24, v40;
	[tilespmem:v15+s22+$0x0] =	vst.idx.msk $0xffff, v14;
	v15 =	vor.u32 s29, v40;
	v40 =	vld [tilespmem:$0x1FFB0]  }
0x2c0: {  	v5 =	vld.idx.msk [tilespmem:v41+s11+$0x0], $0xffff  }
0x2c1: {  	v8 =	vld.idx.msk [tilespmem:v10+s11+$0x0], $0xffff  }
0x2c2: {  	v11 =	vld.idx.msk [tilespmem:v34+s11+$0x0], $0xffff  }
0x2c3: {  	v14 =	vld.idx.msk [tilespmem:v16+s11+$0x0], $0xffff  }
0x2c4: {  	v7 =	vor.u32 v38, v1;
	v10 =	vor.u32 v38, v2  }
0x2c5: {  	v34 =	vor.u32 v38, v3;
	v16 =	vor.u32 v38, v4;
	v38 =	vld [tilespmem:$0x1FCF0];
	[tilespmem:v6+s22+$0x0] =	vst.idx.msk $0xffff, v5  }
0x2c6: {  	[tilespmem:v9+s22+$0x0] =	vst.idx.msk $0xffff, v8  }
0x2c7: {  	v6 =	vor.u32 s23, v40;
	[tilespmem:v47+s22+$0x0] =	vst.idx.msk $0xffff, v11  }
0x2c8: {  	v9 =	vor.u32 s25, v40;
	v47 =	vor.u32 s24, v40;
	[tilespmem:v15+s22+$0x0] =	vst.idx.msk $0xffff, v14;
	v15 =	vor.u32 s29, v40;
	v40 =	vld [tilespmem:$0x1FFC0]  }
0x2c9: {  	v5 =	vld.idx.msk [tilespmem:v7+s11+$0x0], $0xffff  }
0x2ca: {  	v41 =	vor.u32 v38, v1;
	v8 =	vld.idx.msk [tilespmem:v10+s11+$0x0], $0xffff  }
0x2cb: {  	v10 =	vor.u32 v38, v2;
	v11 =	vld.idx.msk [tilespmem:v34+s11+$0x0], $0xffff  }
0x2cc: {  	v34 =	vor.u32 v38, v3;
	v14 =	vld.idx.msk [tilespmem:v16+s11+$0x0], $0xffff  }
0x2cd: {  	v16 =	vor.u32 v38, v4  }
0x2ce: {  	[tilespmem:v6+s22+$0x0] =	vst.idx.msk $0xffff, v5  }
0x2cf: {  	v6 =	vor.u32 s23, v40;
	[tilespmem:v9+s22+$0x0] =	vst.idx.msk $0xffff, v8;
	v5 =	vld.idx.msk [tilespmem:v41+s11+$0x0], $0xffff  }
0x2d0: {  	v7 =	vor.u32 v35, v1;
	[tilespmem:v47+s22+$0x0] =	vst.idx.msk $0xffff, v11;
	v8 =	vld.idx.msk [tilespmem:v10+s11+$0x0], $0xffff;
	v41 =	vor.u32 s25, v40  }
0x2d1: {  	v47 =	vor.u32 s24, v40;
	[tilespmem:v15+s22+$0x0] =	vst.idx.msk $0xffff, v14;
	v10 =	vor.u32 v35, v2;
	v11 =	vld.idx.msk [tilespmem:v34+s11+$0x0], $0xffff  }
0x2d2: {  	v15 =	vor.u32 s29, v40;
	v34 =	vor.u32 v35, v3;
	v14 =	vld.idx.msk [tilespmem:v16+s11+$0x0], $0xffff  }
0x2d3: {  	v16 =	vor.u32 v35, v4;
	v40 =	vld [tilespmem:$0x1FD00]  }
0x2d4: {  	[tilespmem:v6+s22+$0x0] =	vst.idx.msk $0xffff, v5  }
0x2d5: {  	[tilespmem:v41+s22+$0x0] =	vst.idx.msk $0xffff, v8;
	v5 =	vld.idx.msk [tilespmem:v7+s11+$0x0], $0xffff  }
0x2d6: {  	[tilespmem:v47+s22+$0x0] =	vst.idx.msk $0xffff, v11;
	v8 =	vld.idx.msk [tilespmem:v10+s11+$0x0], $0xffff  }
0x2d7: {  	v6 =	vor.u32 s23, v37;
	[tilespmem:v15+s22+$0x0] =	vst.idx.msk $0xffff, v14;
	v11 =	vld.idx.msk [tilespmem:v34+s11+$0x0], $0xffff  }
0x2d8: {  	v9 =	vor.u32 s25, v37;
	v41 =	vor.u32 v40, v1;
	v47 =	vor.u32 s24, v37;
	v14 =	vld.idx.msk [tilespmem:v16+s11+$0x0], $0xffff  }
0x2d9: {  	v10 =	vor.u32 v40, v2;
	v34 =	vor.u32 v40, v3;
	v16 =	vor.u32 v40, v4;
	v40 =	vld [tilespmem:$0x1FDA0]  }
0x2da: {  	v15 =	vor.u32 s29, v37;
	_ =	sdelay $0x1  }
0x2db: {  	[tilespmem:v6+s22+$0x0] =	vst.idx.msk $0xffff, v5  }
0x2dc: {  	[tilespmem:v9+s22+$0x0] =	vst.idx.msk $0xffff, v8  }
0x2dd: {  	v6 =	vor.u32 s23, v40;
	[tilespmem:v47+s22+$0x0] =	vst.idx.msk $0xffff, v11  }
0x2de: {  	v9 =	vor.u32 s25, v40;
	v47 =	vor.u32 s24, v40;
	[tilespmem:v15+s22+$0x0] =	vst.idx.msk $0xffff, v14;
	v15 =	vor.u32 s29, v40;
	v40 =	vld [tilespmem:$0x1FDB0]  }
0x2df: {  	v5 =	vld.idx.msk [tilespmem:v41+s11+$0x0], $0xffff  }
0x2e0: {  	v8 =	vld.idx.msk [tilespmem:v10+s11+$0x0], $0xffff  }
0x2e1: {  	v11 =	vld.idx.msk [tilespmem:v34+s11+$0x0], $0xffff  }
0x2e2: {  	v14 =	vld.idx.msk [tilespmem:v16+s11+$0x0], $0xffff  }
0x2e3: {  	v41 =	vor.u32 v43, v1  }
0x2e4: {  	v10 =	vor.u32 v43, v2;
	[tilespmem:v6+s22+$0x0] =	vst.idx.msk $0xffff, v5  }
0x2e5: {  	v34 =	vor.u32 v43, v3;
	[tilespmem:v9+s22+$0x0] =	vst.idx.msk $0xffff, v8  }
0x2e6: {  	v16 =	vor.u32 v43, v4;
	v6 =	vor.u32 s23, v40;
	[tilespmem:v47+s22+$0x0] =	vst.idx.msk $0xffff, v11  }
0x2e7: {  	v9 =	vor.u32 s25, v40;
	v47 =	vor.u32 s24, v40;
	[tilespmem:v15+s22+$0x0] =	vst.idx.msk $0xffff, v14;
	v15 =	vor.u32 s29, v40;
	v40 =	vld [tilespmem:$0x1FDC0]  }
0x2e8: {  	v5 =	vld.idx.msk [tilespmem:v41+s11+$0x0], $0xffff  }
0x2e9: {  	v8 =	vld.idx.msk [tilespmem:v10+s11+$0x0], $0xffff  }
0x2ea: {  	v11 =	vld.idx.msk [tilespmem:v34+s11+$0x0], $0xffff  }
0x2eb: {  	v14 =	vld.idx.msk [tilespmem:v16+s11+$0x0], $0xffff  }
0x2ec: {  	v41 =	vor.u32 v44, v1  }
0x2ed: {  	v10 =	vor.u32 v44, v2;
	[tilespmem:v6+s22+$0x0] =	vst.idx.msk $0xffff, v5  }
0x2ee: {  	v34 =	vor.u32 v44, v3;
	[tilespmem:v9+s22+$0x0] =	vst.idx.msk $0xffff, v8  }
0x2ef: {  	v16 =	vor.u32 v44, v4;
	v6 =	vor.u32 s23, v40;
	[tilespmem:v47+s22+$0x0] =	vst.idx.msk $0xffff, v11  }
0x2f0: {  	v9 =	vor.u32 s25, v40;
	v47 =	vor.u32 s24, v40;
	[tilespmem:v15+s22+$0x0] =	vst.idx.msk $0xffff, v14;
	v15 =	vor.u32 s29, v40;
	v40 =	vld [tilespmem:$0x1FDD0]  }
0x2f1: {  	v5 =	vld.idx.msk [tilespmem:v41+s11+$0x0], $0xffff  }
0x2f2: {  	v8 =	vld.idx.msk [tilespmem:v10+s11+$0x0], $0xffff  }
0x2f3: {  	v11 =	vld.idx.msk [tilespmem:v34+s11+$0x0], $0xffff  }
0x2f4: {  	v14 =	vld.idx.msk [tilespmem:v16+s11+$0x0], $0xffff  }
0x2f5: {  	v41 =	vor.u32 v45, v1  }
0x2f6: {  	v10 =	vor.u32 v45, v2;
	[tilespmem:v6+s22+$0x0] =	vst.idx.msk $0xffff, v5  }
0x2f7: {  	v34 =	vor.u32 v45, v3;
	[tilespmem:v9+s22+$0x0] =	vst.idx.msk $0xffff, v8  }
0x2f8: {  	v16 =	vor.u32 v45, v4;
	v6 =	vor.u32 s23, v40;
	[tilespmem:v47+s22+$0x0] =	vst.idx.msk $0xffff, v11  }
0x2f9: {  	v9 =	vor.u32 s25, v40;
	v47 =	vor.u32 s24, v40;
	[tilespmem:v15+s22+$0x0] =	vst.idx.msk $0xffff, v14;
	v15 =	vor.u32 s29, v40;
	v40 =	vld [tilespmem:$0x1FDE0]  }
0x2fa: {  	v5 =	vld.idx.msk [tilespmem:v41+s11+$0x0], $0xffff  }
0x2fb: {  	v8 =	vld.idx.msk [tilespmem:v10+s11+$0x0], $0xffff  }
0x2fc: {  	v11 =	vld.idx.msk [tilespmem:v34+s11+$0x0], $0xffff  }
0x2fd: {  	v14 =	vld.idx.msk [tilespmem:v16+s11+$0x0], $0xffff  }
0x2fe: {  	v41 =	vor.u32 v46, v1  }
0x2ff: {  	v10 =	vor.u32 v46, v2;
	[tilespmem:v6+s22+$0x0] =	vst.idx.msk $0xffff, v5  }
0x300: {  	v34 =	vor.u32 v46, v3;
	[tilespmem:v9+s22+$0x0] =	vst.idx.msk $0xffff, v8  }
0x301: {  	v16 =	vor.u32 v46, v4;
	v6 =	vor.u32 s23, v40;
	[tilespmem:v47+s22+$0x0] =	vst.idx.msk $0xffff, v11  }
0x302: {  	v9 =	vor.u32 s25, v40;
	v47 =	vor.u32 s24, v40;
	[tilespmem:v15+s22+$0x0] =	vst.idx.msk $0xffff, v14;
	v15 =	vor.u32 s29, v40;
	v40 =	vld [tilespmem:$0x1FDF0]  }
0x303: {  	v5 =	vld.idx.msk [tilespmem:v41+s11+$0x0], $0xffff  }
0x304: {  	v41 =	vor.u32 v48, v1;
	v8 =	vld.idx.msk [tilespmem:v10+s11+$0x0], $0xffff  }
0x305: {  	v10 =	vor.u32 v48, v2;
	v11 =	vld.idx.msk [tilespmem:v34+s11+$0x0], $0xffff  }
0x306: {  	v34 =	vor.u32 v48, v3  }
0x307: {  	v14 =	vld.idx.msk [tilespmem:v16+s11+$0x0], $0xffff  }
0x308: {  	v16 =	vor.u32 v48, v4;
	[tilespmem:v6+s22+$0x0] =	vst.idx.msk $0xffff, v5  }
0x309: {  	v6 =	vor.u32 s23, v40;
	[tilespmem:v9+s22+$0x0] =	vst.idx.msk $0xffff, v8;
	v5 =	vld.idx.msk [tilespmem:v41+s11+$0x0], $0xffff  }
0x30a: {  	v9 =	vor.u32 s25, v40;
	[tilespmem:v47+s22+$0x0] =	vst.idx.msk $0xffff, v11;
	v41 =	vor.u32 v49, v1;
	v8 =	vld.idx.msk [tilespmem:v10+s11+$0x0], $0xffff  }
0x30b: {  	v47 =	vor.u32 s24, v40;
	v10 =	vor.u32 v49, v2;
	v11 =	vld.idx.msk [tilespmem:v34+s11+$0x0], $0xffff  }
0x30c: {  	[tilespmem:v15+s22+$0x0] =	vst.idx.msk $0xffff, v14;
	v15 =	vor.u32 s29, v40;
	v40 =	vld [tilespmem:$0x1FE00];
	v34 =	vor.u32 v49, v3  }
0x30d: {  	v14 =	vld.idx.msk [tilespmem:v16+s11+$0x0], $0xffff  }
0x30e: {  	[tilespmem:v6+s22+$0x0] =	vst.idx.msk $0xffff, v5  }
0x30f: {  	[tilespmem:v9+s22+$0x0] =	vst.idx.msk $0xffff, v8;
	v5 =	vld.idx.msk [tilespmem:v41+s11+$0x0], $0xffff  }
0x310: {  	v16 =	vor.u32 v49, v4;
	[tilespmem:v47+s22+$0x0] =	vst.idx.msk $0xffff, v11;
	v8 =	vld.idx.msk [tilespmem:v10+s11+$0x0], $0xffff  }
0x311: {  	v6 =	vor.u32 s23, v40;
	v9 =	vor.u32 s25, v40;
	v11 =	vld.idx.msk [tilespmem:v34+s11+$0x0], $0xffff  }
0x312: {  	[tilespmem:v15+s22+$0x0] =	vst.idx.msk $0xffff, v14;
	v15 =	vor.u32 s29, v40;
	v41 =	vor.u32 v50, v1;
	v34 =	vor.u32 s24, v40;
	v40 =	vld [tilespmem:$0x1FE10]  }
0x313: {  	v10 =	vor.u32 v50, v2;
	_ =	sdelay $0x1  }
0x314: {  	v47 =	vor.u32 v50, v3;
	v14 =	vld.idx.msk [tilespmem:v16+s11+$0x0], $0xffff  }
0x315: {  	v16 =	vor.u32 v50, v4;
	[tilespmem:v6+s22+$0x0] =	vst.idx.msk $0xffff, v5  }
0x316: {  	v6 =	vor.u32 s23, v40;
	[tilespmem:v9+s22+$0x0] =	vst.idx.msk $0xffff, v8;
	v5 =	vld.idx.msk [tilespmem:v41+s11+$0x0], $0xffff  }
0x317: {  	v9 =	vor.u32 s25, v40;
	v8 =	vld.idx.msk [tilespmem:v10+s11+$0x0], $0xffff  }
0x318: {  	v7 =	vor.u32 v51, v1;
	[tilespmem:v34+s22+$0x0] =	vst.idx.msk $0xffff, v11  }
0x319: {  	v34 =	vor.u32 v51, v2;
	[tilespmem:v15+s22+$0x0] =	vst.idx.msk $0xffff, v14;
	v11 =	vld.idx.msk [tilespmem:v47+s11+$0x0], $0xffff  }
0x31a: {  	v14 =	vld.idx.msk [tilespmem:v16+s11+$0x0], $0xffff  }
0x31b: {  	v15 =	vor.u32 s29, v40;
	v41 =	vor.u32 s24, v40;
	v40 =	vld [tilespmem:$0x1FE20];
	[tilespmem:v6+s22+$0x0] =	vst.idx.msk $0xffff, v5  }
0x31c: {  	[tilespmem:v9+s22+$0x0] =	vst.idx.msk $0xffff, v8;
	v9 =	vld [tilespmem:$0x1FE20]  }
0x31d: {  	v47 =	vor.u32 v51, v3;
	v5 =	vld.idx.msk [tilespmem:v7+s11+$0x0], $0xffff  }
0x31e: {  	v16 =	vor.u32 v51, v4;
	v7 =	vld.idx.msk [tilespmem:v34+s11+$0x0], $0xffff  }
0x31f: {  	v34 =	vld [tilespmem:$0x1FE20];
	_ =	sdelay $0x1  }
0x320: {  	v13 =	vld [tilespmem:$0x1FE30];
	[tilespmem:v41+s22+$0x0] =	vst.idx.msk $0xffff, v11;
	v6 =	vor.u32 s23, v9  }
0x321: {  	v1 =	vor.u32 v0, v1;
	[tilespmem:v15+s22+$0x0] =	vst.idx.msk $0xffff, v14;
	v41 =	vor.u32 s24, v40;
	v9 =	vld.idx.msk [tilespmem:v47+s11+$0x0], $0xffff  }
0x322: {  	v3 =	vor.u32 v0, v3;
	v12 =	vor.u32 s29, v40;
	v47 =	vld.idx.msk [tilespmem:v16+s11+$0x0], $0xffff  }
0x323: {  	v4 =	vor.u32 v0, v4;
	v8 =	vor.u32 s25, v34  }
0x324: {  	v2 =	vor.u32 v0, v2  }
0x325: {  	[tilespmem:v6+s22+$0x0] =	vst.idx.msk $0xffff, v5  }
0x326: {  	v34 =	vor.u32 s23, v13;
	[tilespmem:v41+s22+$0x0] =	vst.idx.msk $0xffff, v9;
	v1 =	vld.idx.msk [tilespmem:v1+s11+$0x0], $0xffff  }
0x327: {  	[tilespmem:v12+s22+$0x0] =	vst.idx.msk $0xffff, v47;
	v41 =	vor.u32 s24, v13;
	v3 =	vld.idx.msk [tilespmem:v3+s11+$0x0], $0xffff  }
0x328: {  	v47 =	vor.u32 s29, v13;
	[tilespmem:v8+s22+$0x0] =	vst.idx.msk $0xffff, v7;
	v4 =	vld.idx.msk [tilespmem:v4+s11+$0x0], $0xffff  }
0x329: {  	p3 =	por p2, p2;
	v40 =	vor.u32 s25, v13;
	v2 =	vld.idx.msk [tilespmem:v2+s11+$0x0], $0xffff  }
.Ltmp3:
0x32a: {  	_ = 	snop;
	(pc) =	sbr.rel @p3 .LBB2_5-.Ltmp3, $4  }
0x32b: {  	[tilespmem:v34+s22+$0x0] =	vst.idx.msk $0xffff, v1  }
0x32c: {  	[tilespmem:v41+s22+$0x0] =	vst.idx.msk $0xffff, v3  }
0x32d: {  	[tilespmem:v47+s22+$0x0] =	vst.idx.msk $0xffff, v4  }
0x32e: {  	p2 =	por $0x0, $0x0;
	v38 =	vmov v35;
	s23 =	simm.s32 $0x40;
	[tilespmem:v40+s22+$0x0] =	vst.idx.msk $0xffff, v2  }
0x32f: {  	s20 =	sshll.u32 s20, $0x13  }
0x330: {  	s19 =	sor.u32 s20, s19  }
0x331: {  	s19 =	sshrl.u32 s19, $0x3  }
0x332: {  	s19 =	sadd.s32 s2, s19  }
0x333: {  	[hbm4b:s19+s3] =	stream.linear.scatter [tilespmem:s22], [sflag:$0x6], $0x400, $0x38;
	[tilespmem:$0xE400] =	vst v63  }
0x334: {  	s23 =	simm.s32 $0xB800;
	s24 =	sadd.s32 $0x4000, s19  }
0x335: {  	[hbm4b:s24+s3] =	stream.linear.scatter [tilespmem:s23], [sflag:$0x6], $0x400, $0x38;
	[tilespmem:$0xE400] =	vst v63  }
0x336: {  	s29 =	simm.s32 $0xBC00;
	s25 =	sadd.s32 $0x8000, s19  }
0x337: {  	[hbm4b:s25+s3] =	stream.linear.scatter [tilespmem:s29], [sflag:$0x6], $0x400, $0x38;
	[tilespmem:$0xE400] =	vst v63  }
0x338: {  	s19 =	sadd.s32 $0xC000, s19;
	s24 =	simm.s32 $0xC000  }
0x339: {  	[hbm4b:s19+s3] =	stream.linear.scatter [tilespmem:s24], [sflag:$0x6], $0x400, $0x38;
	[tilespmem:$0xE400] =	vst v63  }
0x33a: {  	s20 =	simm.s32 @!p1 $0x80;
	s23 =	simm.s32 @!p1 $0x7400;
	s19 =	sadd.s32 @!p1 $0x280, s18  }
0x33b: {  	[tilespmem:s23], [sflag:$0x2] =	stream.indirect.gather @!p1 [hbm4b:s4+s20], $0x20, s19, s20, $0xb8;
	[tilespmem:$0xE400] =	vst v63  }
0x33c: {  	_ =	swait.ge [sflag:s26], $0x1000  }
0x33d: {  	[sflag:s26] =	ssyncset.done $0x0  }
0x33e: {  	s23 =	simm.s32 @!p0 $0x7;
	[sflag:s26] =	ssyncadd.s32 $0xFFFFF000  }
0x33f: {  	_ =	swait.ge @!p0 [sflag:s23], $0x400  }
0x340: {  	[sflag:s23] =	ssyncset.done @!p0 $0x0  }
0x341: {  	[sflag:s23] =	ssyncadd.s32 @!p0 $0xFFFFFC00  }
0x342: {  	_ =	swait.ge @!p0 [sflag:s23], $0x400  }
0x343: {  	[sflag:s23] =	ssyncset.done @!p0 $0x0  }
0x344: {  	s25 =	sor.u32 $0x2, s7;
	[sflag:s23] =	ssyncadd.s32 @!p0 $0xFFFFFC00  }
0x345: {  	s29 =	smulhi.u32 $0x51EB851F, s25;
	_ =	swait.ge @!p0 [sflag:s23], $0x400  }
0x346: {  	[sflag:s23] =	ssyncset.done @!p0 $0x0  }
0x347: {  	s20 =	sshrl.u32 s29, $0x4;
	[sflag:s23] =	ssyncadd.s32 @!p0 $0xFFFFFC00  }
0x348: {  	s24 =	smul.u32 $0x32, s20;
	_ =	swait.ge @!p0 [sflag:s23], $0x400  }
0x349: {  	p2 =	por $0x1, $0x1;
	s20 =	sadd.s32 s6, s20;
	[sflag:s23] =	ssyncset.done @!p0 $0x0  }
0x34a: {  	s19 =	ssub.s32 s25, s24;
	[sflag:s23] =	ssyncadd.s32 @!p0 $0xFFFFFC00;
	s23 =	simm.s32 $0x0  }
.LBB2_7:
0x34b: {  	v8 =	vld [tilespmem:$0x1FD10];
	_ =	sdelay $0x2  }
0x34c: {  	v1 =	vmov s23;
	s25 =	sor.u32 $0x10, s23;
	s24 =	sor.u32 $0x20, s23  }
0x34d: {  	s29 =	sor.u32 $0x30, s23;
	v1 =	vshll.u32 v1, $0x5;
	v2 =	vmov s25;
	v3 =	vmov s24  }
0x34e: {  	v4 =	vmov s29;
	v2 =	vshll.u32 v2, $0x5;
	v1 =	vor.u32 v8, v1  }
0x34f: {  	v3 =	vshll.u32 v3, $0x5;
	v2 =	vor.u32 v8, v2;
	v5 =	vor.u32 v17, v1  }
0x350: {  	v4 =	vshll.u32 v4, $0x5;
	v3 =	vor.u32 v8, v3;
	v6 =	vor.u32 v17, v2  }
0x351: {  	v4 =	vor.u32 v8, v4;
	v7 =	vor.u32 v17, v3  }
0x352: {  	v8 =	vor.u32 v17, v4;
	_ =	sdelay $0x1  }
0x353: {  	v9 =	vor.u32 s23, v19;
	v5 =	vld.idx.msk [tilespmem:v5+s13+$0x0], $0xffff  }
0x354: {  	v11 =	vor.u32 s25, v19;
	v10 =	vor.u32 v24, v1;
	v6 =	vld.idx.msk [tilespmem:v6+s13+$0x0], $0xffff  }
0x355: {  	v13 =	vor.u32 s24, v19;
	v12 =	vor.u32 v24, v2;
	v7 =	vld.idx.msk [tilespmem:v7+s13+$0x0], $0xffff  }
0x356: {  	v15 =	vor.u32 s29, v19;
	v14 =	vor.u32 v24, v3;
	v8 =	vld.idx.msk [tilespmem:v8+s13+$0x0], $0xffff  }
0x357: {  	v16 =	vor.u32 v24, v4  }
0x358: {  	[tilespmem:v9+s28+$0x0] =	vst.idx.msk $0xffff, v5  }
0x359: {  	v9 =	vor.u32 s23, v27;
	[tilespmem:v11+s28+$0x0] =	vst.idx.msk $0xffff, v6;
	v5 =	vld.idx.msk [tilespmem:v10+s13+$0x0], $0xffff  }
0x35a: {  	v38 =	vor.u32 s25, v27;
	v6 =	vor.u32 v39, v1;
	[tilespmem:v13+s28+$0x0] =	vst.idx.msk $0xffff, v7;
	v10 =	vld.idx.msk [tilespmem:v12+s13+$0x0], $0xffff  }
0x35b: {  	v41 =	vor.u32 s24, v27;
	v40 =	vor.u32 v39, v2;
	[tilespmem:v15+s28+$0x0] =	vst.idx.msk $0xffff, v8;
	v12 =	vld.idx.msk [tilespmem:v14+s13+$0x0], $0xffff  }
0x35c: {  	v47 =	vor.u32 v39, v3;
	v15 =	vor.u32 s29, v27;
	v34 =	vld.idx.msk [tilespmem:v16+s13+$0x0], $0xffff  }
0x35d: {  	v16 =	vor.u32 v39, v4  }
0x35e: {  	[tilespmem:v9+s28+$0x0] =	vst.idx.msk $0xffff, v5  }
0x35f: {  	[tilespmem:v38+s28+$0x0] =	vst.idx.msk $0xffff, v10;
	v5 =	vld.idx.msk [tilespmem:v6+s13+$0x0], $0xffff;
	v6 =	vor.u32 s23, v21  }
0x360: {  	v38 =	vor.u32 v52, v1;
	[tilespmem:v41+s28+$0x0] =	vst.idx.msk $0xffff, v12;
	v7 =	vld.idx.msk [tilespmem:v40+s13+$0x0], $0xffff;
	v40 =	vor.u32 s25, v21  }
0x361: {  	v41 =	vor.u32 v52, v2;
	[tilespmem:v15+s28+$0x0] =	vst.idx.msk $0xffff, v34;
	v8 =	vld.idx.msk [tilespmem:v47+s13+$0x0], $0xffff;
	v47 =	vor.u32 s24, v21  }
0x362: {  	v34 =	vor.u32 v52, v3;
	v15 =	vor.u32 s29, v21;
	v14 =	vld.idx.msk [tilespmem:v16+s13+$0x0], $0xffff  }
0x363: {  	v16 =	vor.u32 v52, v4  }
0x364: {  	[tilespmem:v6+s28+$0x0] =	vst.idx.msk $0xffff, v5  }
0x365: {  	v6 =	vor.u32 s23, v18;
	[tilespmem:v40+s28+$0x0] =	vst.idx.msk $0xffff, v7;
	v5 =	vld.idx.msk [tilespmem:v38+s13+$0x0], $0xffff  }
0x366: {  	v7 =	vor.u32 v20, v1;
	[tilespmem:v47+s28+$0x0] =	vst.idx.msk $0xffff, v8;
	v9 =	vld.idx.msk [tilespmem:v41+s13+$0x0], $0xffff;
	v38 =	vor.u32 s25, v18  }
0x367: {  	v40 =	vor.u32 v20, v2;
	v47 =	vor.u32 s24, v18;
	[tilespmem:v15+s28+$0x0] =	vst.idx.msk $0xffff, v14;
	v41 =	vld.idx.msk [tilespmem:v34+s13+$0x0], $0xffff  }
0x368: {  	v15 =	vor.u32 s29, v18;
	v34 =	vor.u32 v20, v3;
	v14 =	vld.idx.msk [tilespmem:v16+s13+$0x0], $0xffff  }
0x369: {  	v16 =	vor.u32 v20, v4  }
0x36a: {  	v22 =	vld [tilespmem:$0x1FD20];
	[tilespmem:v6+s28+$0x0] =	vst.idx.msk $0xffff, v5  }
0x36b: {  	v6 =	vor.u32 s23, v61;
	[tilespmem:v38+s28+$0x0] =	vst.idx.msk $0xffff, v9;
	v5 =	vld.idx.msk [tilespmem:v7+s13+$0x0], $0xffff  }
0x36c: {  	[tilespmem:v47+s28+$0x0] =	vst.idx.msk $0xffff, v41;
	v8 =	vld.idx.msk [tilespmem:v40+s13+$0x0], $0xffff;
	v40 =	vor.u32 s25, v61  }
0x36d: {  	v47 =	vor.u32 s24, v61;
	[tilespmem:v15+s28+$0x0] =	vst.idx.msk $0xffff, v14;
	v11 =	vld.idx.msk [tilespmem:v34+s13+$0x0], $0xffff  }
0x36e: {  	v15 =	vor.u32 s29, v61;
	v14 =	vld.idx.msk [tilespmem:v16+s13+$0x0], $0xffff  }
0x36f: {  	v38 =	vor.u32 v32, v1  }
0x370: {  	v41 =	vor.u32 v32, v2;
	[tilespmem:v6+s28+$0x0] =	vst.idx.msk $0xffff, v5  }
0x371: {  	v34 =	vor.u32 v32, v3;
	[tilespmem:v40+s28+$0x0] =	vst.idx.msk $0xffff, v8  }
0x372: {  	v23 =	vld [tilespmem:$0x1FD40];
	v16 =	vor.u32 v32, v4;
	v6 =	vor.u32 s23, v22;
	[tilespmem:v47+s28+$0x0] =	vst.idx.msk $0xffff, v11  }
0x373: {  	v40 =	vor.u32 s25, v22;
	v47 =	vor.u32 s24, v22;
	[tilespmem:v15+s28+$0x0] =	vst.idx.msk $0xffff, v14;
	v15 =	vor.u32 s29, v22;
	v22 =	vld [tilespmem:$0x1FD30]  }
0x374: {  	v5 =	vld.idx.msk [tilespmem:v38+s13+$0x0], $0xffff  }
0x375: {  	v38 =	vor.u32 v42, v1;
	v8 =	vld.idx.msk [tilespmem:v41+s13+$0x0], $0xffff  }
0x376: {  	v41 =	vor.u32 v42, v2;
	v11 =	vld.idx.msk [tilespmem:v34+s13+$0x0], $0xffff  }
0x377: {  	v34 =	vor.u32 v42, v3;
	v14 =	vld.idx.msk [tilespmem:v16+s13+$0x0], $0xffff  }
0x378: {  	v16 =	vor.u32 v42, v4  }
0x379: {  	[tilespmem:v6+s28+$0x0] =	vst.idx.msk $0xffff, v5  }
0x37a: {  	v6 =	vor.u32 s23, v22;
	[tilespmem:v40+s28+$0x0] =	vst.idx.msk $0xffff, v8;
	v5 =	vld.idx.msk [tilespmem:v38+s13+$0x0], $0xffff  }
0x37b: {  	v40 =	vor.u32 s25, v22;
	[tilespmem:v47+s28+$0x0] =	vst.idx.msk $0xffff, v11;
	v38 =	vor.u32 v23, v1;
	v8 =	vld.idx.msk [tilespmem:v41+s13+$0x0], $0xffff  }
0x37c: {  	v47 =	vor.u32 s24, v22;
	[tilespmem:v15+s28+$0x0] =	vst.idx.msk $0xffff, v14;
	v41 =	vor.u32 v23, v2;
	v11 =	vld.idx.msk [tilespmem:v34+s13+$0x0], $0xffff  }
0x37d: {  	v15 =	vor.u32 s29, v22;
	v34 =	vor.u32 v23, v3;
	v14 =	vld.idx.msk [tilespmem:v16+s13+$0x0], $0xffff  }
0x37e: {  	v16 =	vor.u32 v23, v4  }
0x37f: {  	[tilespmem:v6+s28+$0x0] =	vst.idx.msk $0xffff, v5  }
0x380: {  	v6 =	vor.u32 s23, v53;
	[tilespmem:v40+s28+$0x0] =	vst.idx.msk $0xffff, v8;
	v5 =	vld.idx.msk [tilespmem:v38+s13+$0x0], $0xffff  }
0x381: {  	v40 =	vor.u32 s25, v53;
	[tilespmem:v47+s28+$0x0] =	vst.idx.msk $0xffff, v11;
	v38 =	vor.u32 v54, v1;
	v8 =	vld.idx.msk [tilespmem:v41+s13+$0x0], $0xffff  }
0x382: {  	v47 =	vor.u32 s24, v53;
	[tilespmem:v15+s28+$0x0] =	vst.idx.msk $0xffff, v14;
	v41 =	vor.u32 v54, v2;
	v11 =	vld.idx.msk [tilespmem:v34+s13+$0x0], $0xffff  }
0x383: {  	v15 =	vor.u32 s29, v53;
	v34 =	vor.u32 v54, v3;
	v14 =	vld.idx.msk [tilespmem:v16+s13+$0x0], $0xffff  }
0x384: {  	v16 =	vor.u32 v54, v4  }
0x385: {  	v22 =	vld [tilespmem:$0x1FD50];
	[tilespmem:v6+s28+$0x0] =	vst.idx.msk $0xffff, v5  }
0x386: {  	v6 =	vor.u32 s23, v55;
	[tilespmem:v40+s28+$0x0] =	vst.idx.msk $0xffff, v8;
	v5 =	vld.idx.msk [tilespmem:v38+s13+$0x0], $0xffff  }
0x387: {  	v40 =	vor.u32 s25, v55;
	[tilespmem:v47+s28+$0x0] =	vst.idx.msk $0xffff, v11;
	v38 =	vor.u32 v56, v1;
	v8 =	vld.idx.msk [tilespmem:v41+s13+$0x0], $0xffff  }
0x388: {  	v47 =	vor.u32 s24, v55;
	[tilespmem:v15+s28+$0x0] =	vst.idx.msk $0xffff, v14;
	v41 =	vor.u32 v56, v2;
	v11 =	vld.idx.msk [tilespmem:v34+s13+$0x0], $0xffff  }
0x389: {  	v15 =	vor.u32 s29, v55;
	v34 =	vor.u32 v56, v3;
	v14 =	vld.idx.msk [tilespmem:v16+s13+$0x0], $0xffff  }
0x38a: {  	v16 =	vor.u32 v56, v4  }
0x38b: {  	[tilespmem:v6+s28+$0x0] =	vst.idx.msk $0xffff, v5  }
0x38c: {  	v6 =	vor.u32 s23, v22;
	[tilespmem:v40+s28+$0x0] =	vst.idx.msk $0xffff, v8;
	v5 =	vld.idx.msk [tilespmem:v38+s13+$0x0], $0xffff  }
0x38d: {  	v40 =	vor.u32 s25, v22;
	[tilespmem:v47+s28+$0x0] =	vst.idx.msk $0xffff, v11;
	v38 =	vor.u32 v58, v1;
	v8 =	vld.idx.msk [tilespmem:v41+s13+$0x0], $0xffff  }
0x38e: {  	v47 =	vor.u32 s24, v22;
	[tilespmem:v15+s28+$0x0] =	vst.idx.msk $0xffff, v14;
	v41 =	vor.u32 v58, v2;
	v11 =	vld.idx.msk [tilespmem:v34+s13+$0x0], $0xffff  }
0x38f: {  	v15 =	vor.u32 s29, v22;
	v34 =	vor.u32 v58, v3;
	v14 =	vld.idx.msk [tilespmem:v16+s13+$0x0], $0xffff  }
0x390: {  	v16 =	vor.u32 v58, v4  }
0x391: {  	v22 =	vld [tilespmem:$0x1FD60];
	[tilespmem:v6+s28+$0x0] =	vst.idx.msk $0xffff, v5  }
0x392: {  	v6 =	vor.u32 s23, v59;
	[tilespmem:v40+s28+$0x0] =	vst.idx.msk $0xffff, v8;
	v5 =	vld.idx.msk [tilespmem:v38+s13+$0x0], $0xffff  }
0x393: {  	v40 =	vor.u32 s25, v59;
	[tilespmem:v47+s28+$0x0] =	vst.idx.msk $0xffff, v11;
	v8 =	vld.idx.msk [tilespmem:v41+s13+$0x0], $0xffff  }
0x394: {  	v47 =	vor.u32 s24, v59;
	[tilespmem:v15+s28+$0x0] =	vst.idx.msk $0xffff, v14;
	v11 =	vld.idx.msk [tilespmem:v34+s13+$0x0], $0xffff  }
0x395: {  	v15 =	vor.u32 s29, v59;
	v14 =	vld.idx.msk [tilespmem:v16+s13+$0x0], $0xffff  }
0x396: {  	v38 =	vor.u32 v60, v1  }
0x397: {  	v41 =	vor.u32 v60, v2;
	[tilespmem:v6+s28+$0x0] =	vst.idx.msk $0xffff, v5  }
0x398: {  	v34 =	vor.u32 v60, v3;
	[tilespmem:v40+s28+$0x0] =	vst.idx.msk $0xffff, v8  }
0x399: {  	v16 =	vor.u32 v60, v4;
	v6 =	vor.u32 s23, v22;
	[tilespmem:v47+s28+$0x0] =	vst.idx.msk $0xffff, v11  }
0x39a: {  	v40 =	vor.u32 s25, v22;
	v47 =	vor.u32 s24, v22;
	[tilespmem:v15+s28+$0x0] =	vst.idx.msk $0xffff, v14;
	v15 =	vor.u32 s29, v22;
	v22 =	vld [tilespmem:$0x1FD70]  }
0x39b: {  	v5 =	vld.idx.msk [tilespmem:v38+s13+$0x0], $0xffff  }
0x39c: {  	v8 =	vld.idx.msk [tilespmem:v41+s13+$0x0], $0xffff  }
0x39d: {  	v38 =	vor.u32 v62, v1;
	v11 =	vld.idx.msk [tilespmem:v34+s13+$0x0], $0xffff  }
0x39e: {  	v14 =	vld.idx.msk [tilespmem:v16+s13+$0x0], $0xffff  }
0x39f: {  	v41 =	vor.u32 v62, v2  }
0x3a0: {  	[tilespmem:v6+s28+$0x0] =	vst.idx.msk $0xffff, v5  }
0x3a1: {  	v34 =	vor.u32 v62, v3;
	[tilespmem:v40+s28+$0x0] =	vst.idx.msk $0xffff, v8  }
0x3a2: {  	v16 =	vor.u32 v62, v4;
	v6 =	vor.u32 s23, v22;
	v40 =	vor.u32 s25, v22;
	[tilespmem:v47+s28+$0x0] =	vst.idx.msk $0xffff, v11;
	v5 =	vld.idx.msk [tilespmem:v38+s13+$0x0], $0xffff  }
0x3a3: {  	v47 =	vor.u32 s24, v22;
	[tilespmem:v15+s28+$0x0] =	vst.idx.msk $0xffff, v14;
	v15 =	vor.u32 s29, v22;
	v22 =	vld [tilespmem:$0x1FD80];
	v38 =	vor.u32 v33, v1  }
0x3a4: {  	v8 =	vld.idx.msk [tilespmem:v41+s13+$0x0], $0xffff  }
0x3a5: {  	v41 =	vor.u32 v33, v2  }
0x3a6: {  	v11 =	vld.idx.msk [tilespmem:v34+s13+$0x0], $0xffff  }
0x3a7: {  	v34 =	vor.u32 v33, v3;
	v14 =	vld.idx.msk [tilespmem:v16+s13+$0x0], $0xffff;
	[tilespmem:v6+s28+$0x0] =	vst.idx.msk $0xffff, v5  }
0x3a8: {  	v16 =	vor.u32 v33, v4;
	v6 =	vor.u32 s23, v31;
	v5 =	vld.idx.msk [tilespmem:v38+s13+$0x0], $0xffff  }
0x3a9: {  	[tilespmem:v40+s28+$0x0] =	vst.idx.msk $0xffff, v8;
	v38 =	vor.u32 v22, v1  }
0x3aa: {  	v40 =	vor.u32 s25, v31;
	v8 =	vld.idx.msk [tilespmem:v41+s13+$0x0], $0xffff  }
0x3ab: {  	[tilespmem:v47+s28+$0x0] =	vst.idx.msk $0xffff, v11  }
0x3ac: {  	v47 =	vor.u32 s24, v31;
	[tilespmem:v15+s28+$0x0] =	vst.idx.msk $0xffff, v14;
	v41 =	vor.u32 v22, v2;
	v11 =	vld.idx.msk [tilespmem:v34+s13+$0x0], $0xffff  }
0x3ad: {  	v15 =	vor.u32 s29, v31;
	v34 =	vor.u32 v22, v3;
	v14 =	vld.idx.msk [tilespmem:v16+s13+$0x0], $0xffff;
	[tilespmem:v6+s28+$0x0] =	vst.idx.msk $0xffff, v5  }
0x3ae: {  	v16 =	vor.u32 v22, v4;
	v6 =	vor.u32 s23, v25;
	v5 =	vld.idx.msk [tilespmem:v38+s13+$0x0], $0xffff  }
0x3af: {  	[tilespmem:v40+s28+$0x0] =	vst.idx.msk $0xffff, v8;
	v40 =	vor.u32 v57, v1;
	_ =	sdelay $0x1  }
0x3b0: {  	[tilespmem:v47+s28+$0x0] =	vst.idx.msk $0xffff, v11;
	v8 =	vld.idx.msk [tilespmem:v41+s13+$0x0], $0xffff;
	v41 =	vor.u32 s25, v25  }
0x3b1: {  	[tilespmem:v15+s28+$0x0] =	vst.idx.msk $0xffff, v14;
	v38 =	vor.u32 v57, v2;
	v11 =	vld.idx.msk [tilespmem:v34+s13+$0x0], $0xffff  }
0x3b2: {  	v47 =	vor.u32 s24, v25;
	v14 =	vld.idx.msk [tilespmem:v16+s13+$0x0], $0xffff;
	[tilespmem:v6+s28+$0x0] =	vst.idx.msk $0xffff, v5  }
0x3b3: {  	v15 =	vor.u32 s29, v25;
	v34 =	vor.u32 v57, v3;
	v5 =	vld.idx.msk [tilespmem:v40+s13+$0x0], $0xffff  }
0x3b4: {  	v16 =	vor.u32 v57, v4;
	v40 =	vld [tilespmem:$0x1FE40]  }
0x3b5: {  	[tilespmem:v41+s28+$0x0] =	vst.idx.msk $0xffff, v8  }
0x3b6: {  	v8 =	vld.idx.msk [tilespmem:v38+s13+$0x0], $0xffff;
	v38 =	vor.u32 s25, v63  }
0x3b7: {  	[tilespmem:v47+s28+$0x0] =	vst.idx.msk $0xffff, v11  }
0x3b8: {  	[tilespmem:v15+s28+$0x0] =	vst.idx.msk $0xffff, v14;
	v11 =	vld.idx.msk [tilespmem:v34+s13+$0x0], $0xffff  }
0x3b9: {  	v6 =	vor.u32 s23, v63;
	v14 =	vld.idx.msk [tilespmem:v16+s13+$0x0], $0xffff;
	v41 =	vor.u32 v40, v1  }
0x3ba: {  	v10 =	vor.u32 v40, v2;
	v34 =	vor.u32 v40, v3;
	v16 =	vor.u32 v40, v4;
	v40 =	vld [tilespmem:$0x1FE70]  }
0x3bb: {  	v47 =	vor.u32 s24, v63;
	[tilespmem:v38+s28+$0x0] =	vst.idx.msk $0xffff, v8;
	v38 =	vld [tilespmem:$0x1FEA0]  }
0x3bc: {  	v15 =	vor.u32 s29, v63;
	_ =	sdelay $0x1  }
0x3bd: {  	[tilespmem:v6+s28+$0x0] =	vst.idx.msk $0xffff, v5  }
0x3be: {  	v5 =	vld.idx.msk [tilespmem:v41+s13+$0x0], $0xffff;
	v6 =	vor.u32 s23, v40  }
0x3bf: {  	[tilespmem:v47+s28+$0x0] =	vst.idx.msk $0xffff, v11;
	v7 =	vor.u32 v38, v1;
	v8 =	vld.idx.msk [tilespmem:v10+s13+$0x0], $0xffff;
	v41 =	vor.u32 s25, v40  }
0x3c0: {  	[tilespmem:v15+s28+$0x0] =	vst.idx.msk $0xffff, v14;
	v10 =	vor.u32 v38, v2;
	v11 =	vld.idx.msk [tilespmem:v34+s13+$0x0], $0xffff;
	v47 =	vor.u32 s24, v40  }
0x3c1: {  	v34 =	vor.u32 v38, v3;
	v14 =	vld.idx.msk [tilespmem:v16+s13+$0x0], $0xffff;
	v15 =	vor.u32 s29, v40  }
0x3c2: {  	v16 =	vor.u32 v38, v4;
	v40 =	vld [tilespmem:$0x1FED0]  }
0x3c3: {  	[tilespmem:v6+s28+$0x0] =	vst.idx.msk $0xffff, v5  }
0x3c4: {  	[tilespmem:v41+s28+$0x0] =	vst.idx.msk $0xffff, v8;
	v5 =	vld.idx.msk [tilespmem:v7+s13+$0x0], $0xffff  }
0x3c5: {  	[tilespmem:v47+s28+$0x0] =	vst.idx.msk $0xffff, v11;
	v8 =	vld.idx.msk [tilespmem:v10+s13+$0x0], $0xffff  }
0x3c6: {  	v6 =	vor.u32 s23, v36;
	[tilespmem:v15+s28+$0x0] =	vst.idx.msk $0xffff, v14;
	v11 =	vld.idx.msk [tilespmem:v34+s13+$0x0], $0xffff  }
0x3c7: {  	v9 =	vor.u32 s25, v36;
	v41 =	vor.u32 v40, v1;
	v47 =	vor.u32 s24, v36;
	v14 =	vld.idx.msk [tilespmem:v16+s13+$0x0], $0xffff  }
0x3c8: {  	v10 =	vor.u32 v40, v2;
	v34 =	vor.u32 v40, v3;
	v16 =	vor.u32 v40, v4;
	v40 =	vld [tilespmem:$0x1FFA0]  }
0x3c9: {  	v15 =	vor.u32 s29, v36;
	_ =	sdelay $0x1  }
0x3ca: {  	[tilespmem:v6+s28+$0x0] =	vst.idx.msk $0xffff, v5  }
0x3cb: {  	[tilespmem:v9+s28+$0x0] =	vst.idx.msk $0xffff, v8  }
0x3cc: {  	v38 =	vld [tilespmem:$0x1FCE0];
	v6 =	vor.u32 s23, v40;
	[tilespmem:v47+s28+$0x0] =	vst.idx.msk $0xffff, v11  }
0x3cd: {  	v9 =	vor.u32 s25, v40;
	v47 =	vor.u32 s24, v40;
	[tilespmem:v15+s28+$0x0] =	vst.idx.msk $0xffff, v14;
	v15 =	vor.u32 s29, v40;
	v40 =	vld [tilespmem:$0x1FFB0]  }
0x3ce: {  	v5 =	vld.idx.msk [tilespmem:v41+s13+$0x0], $0xffff  }
0x3cf: {  	v8 =	vld.idx.msk [tilespmem:v10+s13+$0x0], $0xffff  }
0x3d0: {  	v11 =	vld.idx.msk [tilespmem:v34+s13+$0x0], $0xffff  }
0x3d1: {  	v14 =	vld.idx.msk [tilespmem:v16+s13+$0x0], $0xffff  }
0x3d2: {  	v7 =	vor.u32 v38, v1;
	v10 =	vor.u32 v38, v2  }
0x3d3: {  	v34 =	vor.u32 v38, v3;
	v16 =	vor.u32 v38, v4;
	v38 =	vld [tilespmem:$0x1FCF0];
	[tilespmem:v6+s28+$0x0] =	vst.idx.msk $0xffff, v5  }
0x3d4: {  	[tilespmem:v9+s28+$0x0] =	vst.idx.msk $0xffff, v8  }
0x3d5: {  	v6 =	vor.u32 s23, v40;
	[tilespmem:v47+s28+$0x0] =	vst.idx.msk $0xffff, v11  }
0x3d6: {  	v9 =	vor.u32 s25, v40;
	v47 =	vor.u32 s24, v40;
	[tilespmem:v15+s28+$0x0] =	vst.idx.msk $0xffff, v14;
	v15 =	vor.u32 s29, v40;
	v40 =	vld [tilespmem:$0x1FFC0]  }
0x3d7: {  	v5 =	vld.idx.msk [tilespmem:v7+s13+$0x0], $0xffff  }
0x3d8: {  	v41 =	vor.u32 v38, v1;
	v8 =	vld.idx.msk [tilespmem:v10+s13+$0x0], $0xffff  }
0x3d9: {  	v10 =	vor.u32 v38, v2;
	v11 =	vld.idx.msk [tilespmem:v34+s13+$0x0], $0xffff  }
0x3da: {  	v34 =	vor.u32 v38, v3;
	v14 =	vld.idx.msk [tilespmem:v16+s13+$0x0], $0xffff  }
0x3db: {  	v16 =	vor.u32 v38, v4  }
0x3dc: {  	[tilespmem:v6+s28+$0x0] =	vst.idx.msk $0xffff, v5  }
0x3dd: {  	v6 =	vor.u32 s23, v40;
	[tilespmem:v9+s28+$0x0] =	vst.idx.msk $0xffff, v8;
	v5 =	vld.idx.msk [tilespmem:v41+s13+$0x0], $0xffff  }
0x3de: {  	v38 =	vor.u32 v35, v1;
	[tilespmem:v47+s28+$0x0] =	vst.idx.msk $0xffff, v11;
	v8 =	vld.idx.msk [tilespmem:v10+s13+$0x0], $0xffff;
	v41 =	vor.u32 s25, v40  }
0x3df: {  	v47 =	vor.u32 s24, v40;
	[tilespmem:v15+s28+$0x0] =	vst.idx.msk $0xffff, v14;
	v10 =	vor.u32 v35, v2;
	v11 =	vld.idx.msk [tilespmem:v34+s13+$0x0], $0xffff  }
0x3e0: {  	v15 =	vor.u32 s29, v40;
	v34 =	vor.u32 v35, v3;
	v14 =	vld.idx.msk [tilespmem:v16+s13+$0x0], $0xffff  }
0x3e1: {  	v16 =	vor.u32 v35, v4;
	v40 =	vld [tilespmem:$0x1FD00]  }
0x3e2: {  	[tilespmem:v6+s28+$0x0] =	vst.idx.msk $0xffff, v5  }
0x3e3: {  	[tilespmem:v41+s28+$0x0] =	vst.idx.msk $0xffff, v8;
	v5 =	vld.idx.msk [tilespmem:v38+s13+$0x0], $0xffff  }
0x3e4: {  	[tilespmem:v47+s28+$0x0] =	vst.idx.msk $0xffff, v11;
	v8 =	vld.idx.msk [tilespmem:v10+s13+$0x0], $0xffff  }
0x3e5: {  	v6 =	vor.u32 s23, v37;
	[tilespmem:v15+s28+$0x0] =	vst.idx.msk $0xffff, v14;
	v11 =	vld.idx.msk [tilespmem:v34+s13+$0x0], $0xffff  }
0x3e6: {  	v9 =	vor.u32 s25, v37;
	v41 =	vor.u32 v40, v1;
	v47 =	vor.u32 s24, v37;
	v14 =	vld.idx.msk [tilespmem:v16+s13+$0x0], $0xffff  }
0x3e7: {  	v10 =	vor.u32 v40, v2;
	v34 =	vor.u32 v40, v3;
	v16 =	vor.u32 v40, v4;
	v40 =	vld [tilespmem:$0x1FDA0];
	_ =	sdelay $0x1  }
0x3e8: {  	v15 =	vor.u32 s29, v37  }
0x3e9: {  	[tilespmem:v6+s28+$0x0] =	vst.idx.msk $0xffff, v5  }
0x3ea: {  	[tilespmem:v9+s28+$0x0] =	vst.idx.msk $0xffff, v8;
	v5 =	vld.idx.msk [tilespmem:v41+s13+$0x0], $0xffff  }
0x3eb: {  	v6 =	vor.u32 s23, v40;
	[tilespmem:v47+s28+$0x0] =	vst.idx.msk $0xffff, v11;
	v8 =	vld.idx.msk [tilespmem:v10+s13+$0x0], $0xffff  }
0x3ec: {  	v9 =	vor.u32 s25, v40;
	v11 =	vld.idx.msk [tilespmem:v34+s13+$0x0], $0xffff  }
0x3ed: {  	[tilespmem:v15+s28+$0x0] =	vst.idx.msk $0xffff, v14;
	v15 =	vor.u32 s29, v40;
	v34 =	vor.u32 s24, v40;
	v40 =	vld [tilespmem:$0x1FDB0]  }
0x3ee: {  	v14 =	vld.idx.msk [tilespmem:v16+s13+$0x0], $0xffff  }
0x3ef: {  	v41 =	vor.u32 v43, v1  }
0x3f0: {  	v47 =	vor.u32 v43, v2;
	[tilespmem:v6+s28+$0x0] =	vst.idx.msk $0xffff, v5  }
0x3f1: {  	v38 =	vor.u32 v43, v3;
	[tilespmem:v9+s28+$0x0] =	vst.idx.msk $0xffff, v8  }
0x3f2: {  	v16 =	vor.u32 v43, v4;
	v6 =	vor.u32 s23, v40;
	[tilespmem:v34+s28+$0x0] =	vst.idx.msk $0xffff, v11  }
0x3f3: {  	v9 =	vor.u32 s25, v40;
	v34 =	vor.u32 s24, v40;
	[tilespmem:v15+s28+$0x0] =	vst.idx.msk $0xffff, v14;
	v15 =	vor.u32 s29, v40;
	v40 =	vld [tilespmem:$0x1FDC0]  }
0x3f4: {  	v5 =	vld.idx.msk [tilespmem:v41+s13+$0x0], $0xffff  }
0x3f5: {  	v8 =	vld.idx.msk [tilespmem:v47+s13+$0x0], $0xffff  }
0x3f6: {  	v11 =	vld.idx.msk [tilespmem:v38+s13+$0x0], $0xffff  }
0x3f7: {  	v14 =	vld.idx.msk [tilespmem:v16+s13+$0x0], $0xffff  }
0x3f8: {  	v41 =	vor.u32 v44, v1  }
0x3f9: {  	v47 =	vor.u32 v44, v2;
	[tilespmem:v6+s28+$0x0] =	vst.idx.msk $0xffff, v5  }
0x3fa: {  	v38 =	vor.u32 v44, v3;
	[tilespmem:v9+s28+$0x0] =	vst.idx.msk $0xffff, v8  }
0x3fb: {  	v16 =	vor.u32 v44, v4;
	v6 =	vor.u32 s23, v40;
	[tilespmem:v34+s28+$0x0] =	vst.idx.msk $0xffff, v11  }
0x3fc: {  	v9 =	vor.u32 s25, v40;
	v34 =	vor.u32 s24, v40;
	[tilespmem:v15+s28+$0x0] =	vst.idx.msk $0xffff, v14;
	v15 =	vor.u32 s29, v40;
	v40 =	vld [tilespmem:$0x1FDD0]  }
0x3fd: {  	v5 =	vld.idx.msk [tilespmem:v41+s13+$0x0], $0xffff  }
0x3fe: {  	v8 =	vld.idx.msk [tilespmem:v47+s13+$0x0], $0xffff  }
0x3ff: {  	v11 =	vld.idx.msk [tilespmem:v38+s13+$0x0], $0xffff  }
0x400: {  	v14 =	vld.idx.msk [tilespmem:v16+s13+$0x0], $0xffff  }
0x401: {  	v41 =	vor.u32 v45, v1  }
0x402: {  	v47 =	vor.u32 v45, v2;
	[tilespmem:v6+s28+$0x0] =	vst.idx.msk $0xffff, v5  }
0x403: {  	v38 =	vor.u32 v45, v3;
	[tilespmem:v9+s28+$0x0] =	vst.idx.msk $0xffff, v8  }
0x404: {  	v16 =	vor.u32 v45, v4;
	v6 =	vor.u32 s23, v40;
	[tilespmem:v34+s28+$0x0] =	vst.idx.msk $0xffff, v11  }
0x405: {  	v9 =	vor.u32 s25, v40;
	v34 =	vor.u32 s24, v40;
	[tilespmem:v15+s28+$0x0] =	vst.idx.msk $0xffff, v14;
	v15 =	vor.u32 s29, v40;
	v40 =	vld [tilespmem:$0x1FDE0]  }
0x406: {  	v5 =	vld.idx.msk [tilespmem:v41+s13+$0x0], $0xffff  }
0x407: {  	v8 =	vld.idx.msk [tilespmem:v47+s13+$0x0], $0xffff  }
0x408: {  	v11 =	vld.idx.msk [tilespmem:v38+s13+$0x0], $0xffff  }
0x409: {  	v14 =	vld.idx.msk [tilespmem:v16+s13+$0x0], $0xffff  }
0x40a: {  	v41 =	vor.u32 v46, v1  }
0x40b: {  	v47 =	vor.u32 v46, v2;
	[tilespmem:v6+s28+$0x0] =	vst.idx.msk $0xffff, v5  }
0x40c: {  	v38 =	vor.u32 v46, v3;
	[tilespmem:v9+s28+$0x0] =	vst.idx.msk $0xffff, v8  }
0x40d: {  	v16 =	vor.u32 v46, v4;
	v6 =	vor.u32 s23, v40;
	[tilespmem:v34+s28+$0x0] =	vst.idx.msk $0xffff, v11  }
0x40e: {  	v9 =	vor.u32 s25, v40;
	v34 =	vor.u32 s24, v40;
	[tilespmem:v15+s28+$0x0] =	vst.idx.msk $0xffff, v14;
	v15 =	vor.u32 s29, v40;
	v40 =	vld [tilespmem:$0x1FDF0]  }
0x40f: {  	v5 =	vld.idx.msk [tilespmem:v41+s13+$0x0], $0xffff  }
0x410: {  	v41 =	vor.u32 v48, v1;
	v8 =	vld.idx.msk [tilespmem:v47+s13+$0x0], $0xffff  }
0x411: {  	v47 =	vor.u32 v48, v2;
	v11 =	vld.idx.msk [tilespmem:v38+s13+$0x0], $0xffff  }
0x412: {  	v38 =	vor.u32 v48, v3  }
0x413: {  	v14 =	vld.idx.msk [tilespmem:v16+s13+$0x0], $0xffff  }
0x414: {  	v16 =	vor.u32 v48, v4;
	[tilespmem:v6+s28+$0x0] =	vst.idx.msk $0xffff, v5  }
0x415: {  	v6 =	vor.u32 s23, v40;
	[tilespmem:v9+s28+$0x0] =	vst.idx.msk $0xffff, v8;
	v5 =	vld.idx.msk [tilespmem:v41+s13+$0x0], $0xffff  }
0x416: {  	v9 =	vor.u32 s25, v40;
	[tilespmem:v34+s28+$0x0] =	vst.idx.msk $0xffff, v11;
	v41 =	vor.u32 v49, v1;
	v8 =	vld.idx.msk [tilespmem:v47+s13+$0x0], $0xffff  }
0x417: {  	v34 =	vor.u32 s24, v40;
	v47 =	vor.u32 v49, v2;
	v11 =	vld.idx.msk [tilespmem:v38+s13+$0x0], $0xffff  }
0x418: {  	[tilespmem:v15+s28+$0x0] =	vst.idx.msk $0xffff, v14;
	v15 =	vor.u32 s29, v40;
	v40 =	vld [tilespmem:$0x1FE00];
	v38 =	vor.u32 v49, v3  }
0x419: {  	v14 =	vld.idx.msk [tilespmem:v16+s13+$0x0], $0xffff  }
0x41a: {  	[tilespmem:v6+s28+$0x0] =	vst.idx.msk $0xffff, v5  }
0x41b: {  	[tilespmem:v9+s28+$0x0] =	vst.idx.msk $0xffff, v8;
	v5 =	vld.idx.msk [tilespmem:v41+s13+$0x0], $0xffff  }
0x41c: {  	[tilespmem:v34+s28+$0x0] =	vst.idx.msk $0xffff, v11;
	v8 =	vld.idx.msk [tilespmem:v47+s13+$0x0], $0xffff  }
0x41d: {  	v16 =	vor.u32 v49, v4;
	v6 =	vor.u32 s23, v40;
	v9 =	vor.u32 s25, v40;
	v11 =	vld.idx.msk [tilespmem:v38+s13+$0x0], $0xffff  }
0x41e: {  	[tilespmem:v15+s28+$0x0] =	vst.idx.msk $0xffff, v14;
	v15 =	vor.u32 s29, v40;
	v41 =	vor.u32 v50, v1;
	v38 =	vor.u32 s24, v40;
	v40 =	vld [tilespmem:$0x1FE10]  }
0x41f: {  	v34 =	vor.u32 v50, v2  }
0x420: {  	v47 =	vor.u32 v50, v3;
	_ =	sdelay $0x1  }
0x421: {  	v14 =	vld.idx.msk [tilespmem:v16+s13+$0x0], $0xffff;
	[tilespmem:v6+s28+$0x0] =	vst.idx.msk $0xffff, v5  }
0x422: {  	v16 =	vor.u32 v50, v4;
	v6 =	vor.u32 s23, v40;
	[tilespmem:v9+s28+$0x0] =	vst.idx.msk $0xffff, v8;
	v5 =	vld.idx.msk [tilespmem:v41+s13+$0x0], $0xffff  }
0x423: {  	[tilespmem:v38+s28+$0x0] =	vst.idx.msk $0xffff, v11;
	v8 =	vld.idx.msk [tilespmem:v34+s13+$0x0], $0xffff;
	v34 =	vor.u32 s25, v40  }
0x424: {  	v11 =	vld.idx.msk [tilespmem:v47+s13+$0x0], $0xffff;
	v41 =	vor.u32 s24, v40  }
0x425: {  	v7 =	vor.u32 v51, v1  }
0x426: {  	v38 =	vor.u32 v51, v2;
	[tilespmem:v15+s28+$0x0] =	vst.idx.msk $0xffff, v14  }
0x427: {  	v14 =	vld.idx.msk [tilespmem:v16+s13+$0x0], $0xffff;
	[tilespmem:v6+s28+$0x0] =	vst.idx.msk $0xffff, v5  }
0x428: {  	[tilespmem:v34+s28+$0x0] =	vst.idx.msk $0xffff, v8;
	v34 =	vld [tilespmem:$0x1FE20]  }
0x429: {  	[tilespmem:v41+s28+$0x0] =	vst.idx.msk $0xffff, v11;
	v41 =	vld [tilespmem:$0x1FE20]  }
0x42a: {  	v15 =	vor.u32 s29, v40;
	v47 =	vor.u32 v51, v3;
	v5 =	vld.idx.msk [tilespmem:v7+s13+$0x0], $0xffff  }
0x42b: {  	v16 =	vor.u32 v51, v4;
	v7 =	vld.idx.msk [tilespmem:v38+s13+$0x0], $0xffff  }
0x42c: {  	v38 =	vld [tilespmem:$0x1FE20];
	_ =	sdelay $0x1  }
0x42d: {  	v13 =	vld [tilespmem:$0x1FE30];
	v6 =	vor.u32 s23, v34  }
0x42e: {  	v1 =	vor.u32 v0, v1;
	[tilespmem:v15+s28+$0x0] =	vst.idx.msk $0xffff, v14;
	v40 =	vld.idx.msk [tilespmem:v47+s13+$0x0], $0xffff;
	v47 =	vor.u32 s24, v41  }
0x42f: {  	v3 =	vor.u32 v0, v3;
	v34 =	vld.idx.msk [tilespmem:v16+s13+$0x0], $0xffff;
	v12 =	vor.u32 s29, v41  }
0x430: {  	v4 =	vor.u32 v0, v4;
	v8 =	vor.u32 s25, v38  }
0x431: {  	v2 =	vor.u32 v0, v2  }
0x432: {  	[tilespmem:v6+s28+$0x0] =	vst.idx.msk $0xffff, v5  }
0x433: {  	v38 =	vor.u32 s23, v13;
	[tilespmem:v47+s28+$0x0] =	vst.idx.msk $0xffff, v40;
	v1 =	vld.idx.msk [tilespmem:v1+s13+$0x0], $0xffff  }
0x434: {  	v41 =	vor.u32 s24, v13;
	[tilespmem:v12+s28+$0x0] =	vst.idx.msk $0xffff, v34;
	v3 =	vld.idx.msk [tilespmem:v3+s13+$0x0], $0xffff  }
0x435: {  	v47 =	vor.u32 s29, v13;
	[tilespmem:v8+s28+$0x0] =	vst.idx.msk $0xffff, v7;
	v4 =	vld.idx.msk [tilespmem:v4+s13+$0x0], $0xffff  }
0x436: {  	p3 =	por p2, p2;
	v40 =	vor.u32 s25, v13;
	v2 =	vld.idx.msk [tilespmem:v2+s13+$0x0], $0xffff  }
.Ltmp4:
0x437: {  	_ = 	snop;
	(pc) =	sbr.rel @p3 .LBB2_7-.Ltmp4, $4  }
0x438: {  	[tilespmem:v38+s28+$0x0] =	vst.idx.msk $0xffff, v1  }
0x439: {  	[tilespmem:v41+s28+$0x0] =	vst.idx.msk $0xffff, v3  }
0x43a: {  	[tilespmem:v47+s28+$0x0] =	vst.idx.msk $0xffff, v4  }
0x43b: {  	p2 =	por $0x0, $0x0;
	s23 =	simm.s32 $0x40;
	[tilespmem:v40+s28+$0x0] =	vst.idx.msk $0xffff, v2  }
0x43c: {  	s19 =	sshll.u32 s19, $0x13;
	s20 =	sshll.u32 s20, $0xA  }
0x43d: {  	s19 =	sadd.s32 s19, s20  }
0x43e: {  	s19 =	sshrl.u32 s19, $0x3  }
0x43f: {  	s19 =	sadd.s32 s2, s19  }
0x440: {  	[hbm4b:s19+s3] =	stream.linear.scatter [tilespmem:s28], [sflag:$0x7], $0x400, $0x38;
	[tilespmem:$0xE400] =	vst v63  }
0x441: {  	s23 =	simm.s32 $0xC800;
	s29 =	sadd.s32 $0x4000, s19  }
0x442: {  	[hbm4b:s29+s3] =	stream.linear.scatter [tilespmem:s23], [sflag:$0x7], $0x400, $0x38;
	[tilespmem:$0xE400] =	vst v63  }
0x443: {  	s24 =	sadd.s32 $0x8000, s19  }
0x444: {  	[hbm4b:s24+s3] =	stream.linear.scatter [tilespmem:s30], [sflag:$0x7], $0x400, $0x38;
	[tilespmem:$0xE400] =	vst v63  }
0x445: {  	s19 =	sadd.s32 $0xC000, s19  }
0x446: {  	[hbm4b:s19+s3] =	stream.linear.scatter [tilespmem:s31], [sflag:$0x7], $0x400, $0x38;
	[tilespmem:$0xE400] =	vst v63  }
0x447: {  	s18 =	sadd.s32 @!p1 $0x300, s18;
	s20 =	simm.s32 @!p1 $0x8400;
	s19 =	simm.s32 @!p1 $0x80  }
0x448: {  	[tilespmem:s20], [sflag:$0x3] =	stream.indirect.gather @!p1 [hbm4b:s4+s19], $0x20, s18, s19, $0xb8;
	[tilespmem:$0xE400] =	vst v63  }
0x449: {  	_ =	swait.ge [sflag:s1], $0x1000  }
0x44a: {  	[sflag:s1] =	ssyncset.done $0x0  }
0x44b: {  	s19 =	simm.s32 @!p0 $0x8;
	[sflag:s1] =	ssyncadd.s32 $0xFFFFF000  }
0x44c: {  	_ =	swait.ge @!p0 [sflag:s19], $0x400  }
0x44d: {  	[sflag:s19] =	ssyncset.done @!p0 $0x0  }
0x44e: {  	[sflag:s19] =	ssyncadd.s32 @!p0 $0xFFFFFC00  }
0x44f: {  	_ =	swait.ge @!p0 [sflag:s19], $0x400  }
0x450: {  	s7 =	sor.u32 $0x3, s7;
	[sflag:s19] =	ssyncset.done @!p0 $0x0  }
0x451: {  	s25 =	smulhi.u32 $0x51EB851F, s7;
	[sflag:s19] =	ssyncadd.s32 @!p0 $0xFFFFFC00  }
0x452: {  	_ =	swait.ge @!p0 [sflag:s19], $0x400  }
0x453: {  	s18 =	sshrl.u32 s25, $0x4;
	[sflag:s19] =	ssyncset.done @!p0 $0x0  }
0x454: {  	s29 =	smul.u32 $0x32, s18;
	[sflag:s19] =	ssyncadd.s32 @!p0 $0xFFFFFC00  }
0x455: {  	_ =	swait.ge @!p0 [sflag:s19], $0x400  }
0x456: {  	s18 =	sadd.s32 s6, s18;
	s7 =	ssub.s32 s7, s29;
	[sflag:s19] =	ssyncset.done @!p0 $0x0  }
0x457: {  	[sflag:s19] =	ssyncadd.s32 @!p0 $0xFFFFFC00;
	s19 =	simm.s32 $0x0;
	p0 =	por $0x1, $0x1  }
.LBB2_9:
0x458: {  	v8 =	vld [tilespmem:$0x1FD10];
	_ =	sdelay $0x2  }
0x459: {  	v1 =	vmov s19;
	s23 =	sor.u32 $0x10, s19;
	s20 =	sor.u32 $0x20, s19  }
0x45a: {  	s24 =	sor.u32 $0x30, s19;
	v1 =	vshll.u32 v1, $0x5;
	v2 =	vmov s23;
	v3 =	vmov s20  }
0x45b: {  	v4 =	vmov s24;
	v2 =	vshll.u32 v2, $0x5;
	v1 =	vor.u32 v8, v1  }
0x45c: {  	v3 =	vshll.u32 v3, $0x5;
	v2 =	vor.u32 v8, v2;
	v5 =	vor.u32 v17, v1  }
0x45d: {  	v4 =	vshll.u32 v4, $0x5;
	v3 =	vor.u32 v8, v3;
	v6 =	vor.u32 v17, v2  }
0x45e: {  	v4 =	vor.u32 v8, v4;
	v7 =	vor.u32 v17, v3  }
0x45f: {  	v8 =	vor.u32 v17, v4;
	_ =	sdelay $0x1  }
0x460: {  	v9 =	vor.u32 s19, v19;
	v5 =	vld.idx.msk [tilespmem:v5+s15+$0x0], $0xffff  }
0x461: {  	v11 =	vor.u32 s23, v19;
	v10 =	vor.u32 v24, v1;
	v6 =	vld.idx.msk [tilespmem:v6+s15+$0x0], $0xffff  }
0x462: {  	v13 =	vor.u32 s20, v19;
	v12 =	vor.u32 v24, v2;
	v7 =	vld.idx.msk [tilespmem:v7+s15+$0x0], $0xffff  }
0x463: {  	v15 =	vor.u32 s24, v19;
	v14 =	vor.u32 v24, v3;
	v8 =	vld.idx.msk [tilespmem:v8+s15+$0x0], $0xffff  }
0x464: {  	v16 =	vor.u32 v24, v4  }
0x465: {  	[tilespmem:v9+s0+$0x0] =	vst.idx.msk $0xffff, v5  }
0x466: {  	v9 =	vor.u32 s19, v27;
	[tilespmem:v11+s0+$0x0] =	vst.idx.msk $0xffff, v6;
	v5 =	vld.idx.msk [tilespmem:v10+s15+$0x0], $0xffff  }
0x467: {  	v41 =	vor.u32 s23, v27;
	v40 =	vor.u32 v39, v1;
	[tilespmem:v13+s0+$0x0] =	vst.idx.msk $0xffff, v7;
	v10 =	vld.idx.msk [tilespmem:v12+s15+$0x0], $0xffff  }
0x468: {  	v34 =	vor.u32 s20, v27;
	v47 =	vor.u32 v39, v2;
	[tilespmem:v15+s0+$0x0] =	vst.idx.msk $0xffff, v8;
	v12 =	vld.idx.msk [tilespmem:v14+s15+$0x0], $0xffff  }
0x469: {  	v37 =	vor.u32 v39, v3;
	v15 =	vor.u32 s24, v27;
	v38 =	vld.idx.msk [tilespmem:v16+s15+$0x0], $0xffff  }
0x46a: {  	v16 =	vor.u32 v39, v4  }
0x46b: {  	[tilespmem:v9+s0+$0x0] =	vst.idx.msk $0xffff, v5  }
0x46c: {  	[tilespmem:v41+s0+$0x0] =	vst.idx.msk $0xffff, v10;
	v5 =	vld.idx.msk [tilespmem:v40+s15+$0x0], $0xffff;
	v40 =	vor.u32 s19, v21  }
0x46d: {  	v41 =	vor.u32 v52, v1;
	[tilespmem:v34+s0+$0x0] =	vst.idx.msk $0xffff, v12;
	v7 =	vld.idx.msk [tilespmem:v47+s15+$0x0], $0xffff;
	v47 =	vor.u32 s23, v21  }
0x46e: {  	v34 =	vor.u32 v52, v2;
	[tilespmem:v15+s0+$0x0] =	vst.idx.msk $0xffff, v38;
	v8 =	vld.idx.msk [tilespmem:v37+s15+$0x0], $0xffff;
	v37 =	vor.u32 s20, v21  }
0x46f: {  	v38 =	vor.u32 v52, v3;
	v15 =	vor.u32 s24, v21;
	v14 =	vld.idx.msk [tilespmem:v16+s15+$0x0], $0xffff  }
0x470: {  	v16 =	vor.u32 v52, v4  }
0x471: {  	[tilespmem:v40+s0+$0x0] =	vst.idx.msk $0xffff, v5  }
0x472: {  	v6 =	vor.u32 s19, v18;
	[tilespmem:v47+s0+$0x0] =	vst.idx.msk $0xffff, v7;
	v5 =	vld.idx.msk [tilespmem:v41+s15+$0x0], $0xffff  }
0x473: {  	v40 =	vor.u32 v20, v1;
	[tilespmem:v37+s0+$0x0] =	vst.idx.msk $0xffff, v8;
	v9 =	vld.idx.msk [tilespmem:v34+s15+$0x0], $0xffff;
	v41 =	vor.u32 s23, v18  }
0x474: {  	v37 =	vor.u32 v20, v2;
	v47 =	vor.u32 s20, v18;
	[tilespmem:v15+s0+$0x0] =	vst.idx.msk $0xffff, v14;
	v38 =	vld.idx.msk [tilespmem:v38+s15+$0x0], $0xffff  }
0x475: {  	v15 =	vor.u32 s24, v18;
	v34 =	vor.u32 v20, v3;
	v14 =	vld.idx.msk [tilespmem:v16+s15+$0x0], $0xffff  }
0x476: {  	v16 =	vor.u32 v20, v4  }
0x477: {  	v22 =	vld [tilespmem:$0x1FD20];
	[tilespmem:v6+s0+$0x0] =	vst.idx.msk $0xffff, v5  }
0x478: {  	[tilespmem:v41+s0+$0x0] =	vst.idx.msk $0xffff, v9;
	v5 =	vld.idx.msk [tilespmem:v40+s15+$0x0], $0xffff;
	v40 =	vor.u32 s19, v61  }
0x479: {  	[tilespmem:v47+s0+$0x0] =	vst.idx.msk $0xffff, v38;
	v8 =	vld.idx.msk [tilespmem:v37+s15+$0x0], $0xffff;
	v37 =	vor.u32 s23, v61  }
0x47a: {  	v47 =	vor.u32 s20, v61;
	[tilespmem:v15+s0+$0x0] =	vst.idx.msk $0xffff, v14;
	v11 =	vld.idx.msk [tilespmem:v34+s15+$0x0], $0xffff  }
0x47b: {  	v15 =	vor.u32 s24, v61;
	v14 =	vld.idx.msk [tilespmem:v16+s15+$0x0], $0xffff  }
0x47c: {  	v41 =	vor.u32 v32, v1  }
0x47d: {  	v38 =	vor.u32 v32, v2;
	[tilespmem:v40+s0+$0x0] =	vst.idx.msk $0xffff, v5  }
0x47e: {  	v34 =	vor.u32 v32, v3;
	[tilespmem:v37+s0+$0x0] =	vst.idx.msk $0xffff, v8  }
0x47f: {  	v23 =	vld [tilespmem:$0x1FD40];
	v16 =	vor.u32 v32, v4;
	v40 =	vor.u32 s19, v22;
	[tilespmem:v47+s0+$0x0] =	vst.idx.msk $0xffff, v11  }
0x480: {  	v37 =	vor.u32 s23, v22;
	v47 =	vor.u32 s20, v22;
	[tilespmem:v15+s0+$0x0] =	vst.idx.msk $0xffff, v14;
	v15 =	vor.u32 s24, v22;
	v22 =	vld [tilespmem:$0x1FD30]  }
0x481: {  	v5 =	vld.idx.msk [tilespmem:v41+s15+$0x0], $0xffff  }
0x482: {  	v41 =	vor.u32 v42, v1;
	v8 =	vld.idx.msk [tilespmem:v38+s15+$0x0], $0xffff  }
0x483: {  	v38 =	vor.u32 v42, v2;
	v11 =	vld.idx.msk [tilespmem:v34+s15+$0x0], $0xffff  }
0x484: {  	v34 =	vor.u32 v42, v3;
	v14 =	vld.idx.msk [tilespmem:v16+s15+$0x0], $0xffff  }
0x485: {  	v16 =	vor.u32 v42, v4  }
0x486: {  	[tilespmem:v40+s0+$0x0] =	vst.idx.msk $0xffff, v5  }
0x487: {  	v40 =	vor.u32 s19, v22;
	[tilespmem:v37+s0+$0x0] =	vst.idx.msk $0xffff, v8;
	v5 =	vld.idx.msk [tilespmem:v41+s15+$0x0], $0xffff  }
0x488: {  	v37 =	vor.u32 s23, v22;
	[tilespmem:v47+s0+$0x0] =	vst.idx.msk $0xffff, v11;
	v41 =	vor.u32 v23, v1;
	v8 =	vld.idx.msk [tilespmem:v38+s15+$0x0], $0xffff  }
0x489: {  	v47 =	vor.u32 s20, v22;
	[tilespmem:v15+s0+$0x0] =	vst.idx.msk $0xffff, v14;
	v38 =	vor.u32 v23, v2;
	v11 =	vld.idx.msk [tilespmem:v34+s15+$0x0], $0xffff  }
0x48a: {  	v15 =	vor.u32 s24, v22;
	v34 =	vor.u32 v23, v3;
	v14 =	vld.idx.msk [tilespmem:v16+s15+$0x0], $0xffff  }
0x48b: {  	v16 =	vor.u32 v23, v4  }
0x48c: {  	[tilespmem:v40+s0+$0x0] =	vst.idx.msk $0xffff, v5  }
0x48d: {  	v40 =	vor.u32 s19, v53;
	[tilespmem:v37+s0+$0x0] =	vst.idx.msk $0xffff, v8;
	v5 =	vld.idx.msk [tilespmem:v41+s15+$0x0], $0xffff  }
0x48e: {  	v37 =	vor.u32 s23, v53;
	[tilespmem:v47+s0+$0x0] =	vst.idx.msk $0xffff, v11;
	v41 =	vor.u32 v54, v1;
	v8 =	vld.idx.msk [tilespmem:v38+s15+$0x0], $0xffff  }
0x48f: {  	v47 =	vor.u32 s20, v53;
	[tilespmem:v15+s0+$0x0] =	vst.idx.msk $0xffff, v14;
	v38 =	vor.u32 v54, v2;
	v11 =	vld.idx.msk [tilespmem:v34+s15+$0x0], $0xffff  }
0x490: {  	v15 =	vor.u32 s24, v53;
	v34 =	vor.u32 v54, v3;
	v14 =	vld.idx.msk [tilespmem:v16+s15+$0x0], $0xffff  }
0x491: {  	v16 =	vor.u32 v54, v4  }
0x492: {  	v22 =	vld [tilespmem:$0x1FD50];
	[tilespmem:v40+s0+$0x0] =	vst.idx.msk $0xffff, v5  }
0x493: {  	v40 =	vor.u32 s19, v55;
	[tilespmem:v37+s0+$0x0] =	vst.idx.msk $0xffff, v8;
	v5 =	vld.idx.msk [tilespmem:v41+s15+$0x0], $0xffff  }
0x494: {  	v37 =	vor.u32 s23, v55;
	[tilespmem:v47+s0+$0x0] =	vst.idx.msk $0xffff, v11;
	v41 =	vor.u32 v56, v1;
	v8 =	vld.idx.msk [tilespmem:v38+s15+$0x0], $0xffff  }
0x495: {  	v47 =	vor.u32 s20, v55;
	[tilespmem:v15+s0+$0x0] =	vst.idx.msk $0xffff, v14;
	v38 =	vor.u32 v56, v2;
	v11 =	vld.idx.msk [tilespmem:v34+s15+$0x0], $0xffff  }
0x496: {  	v15 =	vor.u32 s24, v55;
	v34 =	vor.u32 v56, v3;
	v14 =	vld.idx.msk [tilespmem:v16+s15+$0x0], $0xffff  }
0x497: {  	v16 =	vor.u32 v56, v4  }
0x498: {  	[tilespmem:v40+s0+$0x0] =	vst.idx.msk $0xffff, v5  }
0x499: {  	v40 =	vor.u32 s19, v22;
	[tilespmem:v37+s0+$0x0] =	vst.idx.msk $0xffff, v8;
	v5 =	vld.idx.msk [tilespmem:v41+s15+$0x0], $0xffff  }
0x49a: {  	v37 =	vor.u32 s23, v22;
	[tilespmem:v47+s0+$0x0] =	vst.idx.msk $0xffff, v11;
	v41 =	vor.u32 v58, v1;
	v8 =	vld.idx.msk [tilespmem:v38+s15+$0x0], $0xffff  }
0x49b: {  	v47 =	vor.u32 s20, v22;
	[tilespmem:v15+s0+$0x0] =	vst.idx.msk $0xffff, v14;
	v38 =	vor.u32 v58, v2;
	v11 =	vld.idx.msk [tilespmem:v34+s15+$0x0], $0xffff  }
0x49c: {  	v15 =	vor.u32 s24, v22;
	v34 =	vor.u32 v58, v3;
	v14 =	vld.idx.msk [tilespmem:v16+s15+$0x0], $0xffff  }
0x49d: {  	v16 =	vor.u32 v58, v4  }
0x49e: {  	v22 =	vld [tilespmem:$0x1FD60];
	[tilespmem:v40+s0+$0x0] =	vst.idx.msk $0xffff, v5  }
0x49f: {  	v40 =	vor.u32 s19, v59;
	[tilespmem:v37+s0+$0x0] =	vst.idx.msk $0xffff, v8;
	v5 =	vld.idx.msk [tilespmem:v41+s15+$0x0], $0xffff  }
0x4a0: {  	v37 =	vor.u32 s23, v59;
	[tilespmem:v47+s0+$0x0] =	vst.idx.msk $0xffff, v11;
	v8 =	vld.idx.msk [tilespmem:v38+s15+$0x0], $0xffff  }
0x4a1: {  	v47 =	vor.u32 s20, v59;
	[tilespmem:v15+s0+$0x0] =	vst.idx.msk $0xffff, v14;
	v11 =	vld.idx.msk [tilespmem:v34+s15+$0x0], $0xffff  }
0x4a2: {  	v15 =	vor.u32 s24, v59;
	v14 =	vld.idx.msk [tilespmem:v16+s15+$0x0], $0xffff  }
0x4a3: {  	v41 =	vor.u32 v60, v1  }
0x4a4: {  	v38 =	vor.u32 v60, v2;
	[tilespmem:v40+s0+$0x0] =	vst.idx.msk $0xffff, v5  }
0x4a5: {  	v34 =	vor.u32 v60, v3;
	[tilespmem:v37+s0+$0x0] =	vst.idx.msk $0xffff, v8  }
0x4a6: {  	v16 =	vor.u32 v60, v4;
	v40 =	vor.u32 s19, v22;
	[tilespmem:v47+s0+$0x0] =	vst.idx.msk $0xffff, v11  }
0x4a7: {  	v37 =	vor.u32 s23, v22;
	v47 =	vor.u32 s20, v22;
	[tilespmem:v15+s0+$0x0] =	vst.idx.msk $0xffff, v14;
	v15 =	vor.u32 s24, v22;
	v22 =	vld [tilespmem:$0x1FD70]  }
0x4a8: {  	v5 =	vld.idx.msk [tilespmem:v41+s15+$0x0], $0xffff  }
0x4a9: {  	v41 =	vor.u32 v62, v1;
	v8 =	vld.idx.msk [tilespmem:v38+s15+$0x0], $0xffff  }
0x4aa: {  	v38 =	vor.u32 v62, v2;
	v11 =	vld.idx.msk [tilespmem:v34+s15+$0x0], $0xffff  }
0x4ab: {  	v14 =	vld.idx.msk [tilespmem:v16+s15+$0x0], $0xffff  }
0x4ac: {  	v34 =	vor.u32 v62, v3  }
0x4ad: {  	v16 =	vor.u32 v62, v4;
	[tilespmem:v40+s0+$0x0] =	vst.idx.msk $0xffff, v5  }
0x4ae: {  	v40 =	vor.u32 s19, v22;
	[tilespmem:v37+s0+$0x0] =	vst.idx.msk $0xffff, v8;
	v5 =	vld.idx.msk [tilespmem:v41+s15+$0x0], $0xffff  }
0x4af: {  	v37 =	vor.u32 s23, v22;
	[tilespmem:v47+s0+$0x0] =	vst.idx.msk $0xffff, v11;
	v41 =	vor.u32 v33, v1;
	v8 =	vld.idx.msk [tilespmem:v38+s15+$0x0], $0xffff  }
0x4b0: {  	v47 =	vor.u32 s20, v22;
	[tilespmem:v15+s0+$0x0] =	vst.idx.msk $0xffff, v14;
	v15 =	vor.u32 s24, v22;
	v22 =	vld [tilespmem:$0x1FD80];
	v38 =	vor.u32 v33, v2  }
0x4b1: {  	v11 =	vld.idx.msk [tilespmem:v34+s15+$0x0], $0xffff  }
0x4b2: {  	v34 =	vor.u32 v33, v3;
	v14 =	vld.idx.msk [tilespmem:v16+s15+$0x0], $0xffff  }
0x4b3: {  	v16 =	vor.u32 v33, v4;
	[tilespmem:v40+s0+$0x0] =	vst.idx.msk $0xffff, v5  }
0x4b4: {  	v40 =	vor.u32 s19, v31;
	[tilespmem:v37+s0+$0x0] =	vst.idx.msk $0xffff, v8;
	v5 =	vld.idx.msk [tilespmem:v41+s15+$0x0], $0xffff  }
0x4b5: {  	v37 =	vor.u32 s23, v31;
	v41 =	vor.u32 v22, v1;
	v8 =	vld.idx.msk [tilespmem:v38+s15+$0x0], $0xffff  }
0x4b6: {  	[tilespmem:v47+s0+$0x0] =	vst.idx.msk $0xffff, v11;
	v38 =	vor.u32 v22, v2  }
0x4b7: {  	v47 =	vor.u32 s20, v31;
	[tilespmem:v15+s0+$0x0] =	vst.idx.msk $0xffff, v14;
	v11 =	vld.idx.msk [tilespmem:v34+s15+$0x0], $0xffff  }
0x4b8: {  	v15 =	vor.u32 s24, v31;
	v34 =	vor.u32 v22, v3;
	v14 =	vld.idx.msk [tilespmem:v16+s15+$0x0], $0xffff  }
0x4b9: {  	v16 =	vor.u32 v22, v4;
	[tilespmem:v40+s0+$0x0] =	vst.idx.msk $0xffff, v5  }
0x4ba: {  	v40 =	vor.u32 s19, v25;
	[tilespmem:v37+s0+$0x0] =	vst.idx.msk $0xffff, v8;
	v5 =	vld.idx.msk [tilespmem:v41+s15+$0x0], $0xffff  }
0x4bb: {  	v37 =	vor.u32 s23, v25;
	v8 =	vld.idx.msk [tilespmem:v38+s15+$0x0], $0xffff  }
0x4bc: {  	[tilespmem:v47+s0+$0x0] =	vst.idx.msk $0xffff, v11;
	v38 =	vor.u32 v57, v2  }
0x4bd: {  	v47 =	vor.u32 s20, v25;
	[tilespmem:v15+s0+$0x0] =	vst.idx.msk $0xffff, v14;
	v41 =	vor.u32 v57, v1;
	v11 =	vld.idx.msk [tilespmem:v34+s15+$0x0], $0xffff  }
0x4be: {  	v15 =	vor.u32 s24, v25;
	v34 =	vor.u32 v57, v3;
	v14 =	vld.idx.msk [tilespmem:v16+s15+$0x0], $0xffff  }
0x4bf: {  	v16 =	vor.u32 v57, v4;
	[tilespmem:v40+s0+$0x0] =	vst.idx.msk $0xffff, v5;
	v40 =	vld [tilespmem:$0x1FE40]  }
0x4c0: {  	[tilespmem:v37+s0+$0x0] =	vst.idx.msk $0xffff, v8  }
0x4c1: {  	v8 =	vld.idx.msk [tilespmem:v38+s15+$0x0], $0xffff;
	v38 =	vor.u32 s23, v63  }
0x4c2: {  	[tilespmem:v47+s0+$0x0] =	vst.idx.msk $0xffff, v11;
	v5 =	vld.idx.msk [tilespmem:v41+s15+$0x0], $0xffff  }
0x4c3: {  	[tilespmem:v15+s0+$0x0] =	vst.idx.msk $0xffff, v14;
	v11 =	vld.idx.msk [tilespmem:v34+s15+$0x0], $0xffff  }
0x4c4: {  	v6 =	vor.u32 s19, v63;
	v14 =	vld.idx.msk [tilespmem:v16+s15+$0x0], $0xffff;
	v37 =	vor.u32 v40, v1  }
0x4c5: {  	v47 =	vor.u32 v40, v2;
	v34 =	vor.u32 v40, v3;
	v16 =	vor.u32 v40, v4;
	v40 =	vld [tilespmem:$0x1FE70]  }
0x4c6: {  	[tilespmem:v38+s0+$0x0] =	vst.idx.msk $0xffff, v8;
	v38 =	vld [tilespmem:$0x1FEA0];
	_ =	sdelay $0x2  }
0x4c7: {  	[tilespmem:v6+s0+$0x0] =	vst.idx.msk $0xffff, v5  }
0x4c8: {  	v5 =	vld.idx.msk [tilespmem:v37+s15+$0x0], $0xffff;
	v6 =	vor.u32 s19, v40  }
0x4c9: {  	v41 =	vor.u32 v38, v1;
	_ =	sdelay $0x2  }
0x4ca: {  	v12 =	vor.u32 s20, v63  }
0x4cb: {  	v8 =	vld.idx.msk [tilespmem:v47+s15+$0x0], $0xffff;
	[tilespmem:v6+s0+$0x0] =	vst.idx.msk $0xffff, v5  }
0x4cc: {  	v15 =	vor.u32 s24, v63;
	v5 =	vld.idx.msk [tilespmem:v41+s15+$0x0], $0xffff  }
0x4cd: {  	v47 =	vor.u32 s23, v40;
	v41 =	vld [tilespmem:$0x1FED0];
	_ =	sdelay $0x1  }
0x4ce: {  	[tilespmem:v12+s0+$0x0] =	vst.idx.msk $0xffff, v11  }
0x4cf: {  	v11 =	vld.idx.msk [tilespmem:v34+s15+$0x0], $0xffff;
	v12 =	vor.u32 s20, v40;
	v10 =	vor.u32 v38, v2  }
0x4d0: {  	[tilespmem:v15+s0+$0x0] =	vst.idx.msk $0xffff, v14;
	v15 =	vor.u32 s24, v40;
	v40 =	vor.u32 s19, v36;
	v34 =	vor.u32 v38, v3  }
0x4d1: {  	[tilespmem:v47+s0+$0x0] =	vst.idx.msk $0xffff, v8;
	v47 =	vor.u32 v41, v1  }
0x4d2: {  	v14 =	vld.idx.msk [tilespmem:v16+s15+$0x0], $0xffff  }
0x4d3: {  	v16 =	vor.u32 v38, v4;
	v38 =	vld [tilespmem:$0x1FCE0]  }
0x4d4: {  	[tilespmem:v12+s0+$0x0] =	vst.idx.msk $0xffff, v11;
	v8 =	vld.idx.msk [tilespmem:v10+s15+$0x0], $0xffff  }
0x4d5: {  	v11 =	vld.idx.msk [tilespmem:v34+s15+$0x0], $0xffff;
	[tilespmem:v40+s0+$0x0] =	vst.idx.msk $0xffff, v5  }
0x4d6: {  	v37 =	vor.u32 s23, v36;
	v5 =	vld.idx.msk [tilespmem:v47+s15+$0x0], $0xffff  }
0x4d7: {  	v12 =	vor.u32 s20, v36;
	[tilespmem:v15+s0+$0x0] =	vst.idx.msk $0xffff, v14;
	v47 =	vld [tilespmem:$0x1FFA0]  }
0x4d8: {  	v15 =	vor.u32 s24, v36;
	v14 =	vld.idx.msk [tilespmem:v16+s15+$0x0], $0xffff  }
0x4d9: {  	v10 =	vor.u32 v41, v2;
	_ =	sdelay $0x1  }
0x4da: {  	v34 =	vor.u32 v41, v3;
	[tilespmem:v37+s0+$0x0] =	vst.idx.msk $0xffff, v8  }
0x4db: {  	v16 =	vor.u32 v41, v4;
	v37 =	vor.u32 v38, v1;
	[tilespmem:v12+s0+$0x0] =	vst.idx.msk $0xffff, v11;
	v40 =	vld [tilespmem:$0x1FCF0];
	v6 =	vor.u32 s19, v47  }
0x4dc: {  	[tilespmem:v15+s0+$0x0] =	vst.idx.msk $0xffff, v14;
	v41 =	vor.u32 s23, v47;
	v12 =	vor.u32 s20, v47;
	v15 =	vor.u32 s24, v47;
	v47 =	vld [tilespmem:$0x1FFB0]  }
0x4dd: {  	v8 =	vld.idx.msk [tilespmem:v10+s15+$0x0], $0xffff;
	_ =	sdelay $0x2  }
0x4de: {  	[tilespmem:v6+s0+$0x0] =	vst.idx.msk $0xffff, v5  }
0x4df: {  	v10 =	vor.u32 v38, v2;
	v6 =	vor.u32 s19, v47;
	v5 =	vld.idx.msk [tilespmem:v37+s15+$0x0], $0xffff  }
0x4e0: {  	[tilespmem:v41+s0+$0x0] =	vst.idx.msk $0xffff, v8;
	v41 =	vor.u32 v40, v1;
	_ =	sdelay $0x1  }
0x4e1: {  	v11 =	vld.idx.msk [tilespmem:v34+s15+$0x0], $0xffff  }
0x4e2: {  	v34 =	vor.u32 v38, v3;
	v14 =	vld.idx.msk [tilespmem:v16+s15+$0x0], $0xffff  }
0x4e3: {  	v8 =	vld.idx.msk [tilespmem:v10+s15+$0x0], $0xffff;
	[tilespmem:v6+s0+$0x0] =	vst.idx.msk $0xffff, v5  }
0x4e4: {  	v16 =	vor.u32 v38, v4;
	v37 =	vor.u32 s23, v47;
	v5 =	vld.idx.msk [tilespmem:v41+s15+$0x0], $0xffff  }
0x4e5: {  	v10 =	vor.u32 v40, v2;
	v41 =	vld [tilespmem:$0x1FFC0]  }
0x4e6: {  	[tilespmem:v12+s0+$0x0] =	vst.idx.msk $0xffff, v11  }
0x4e7: {  	v12 =	vor.u32 s20, v47;
	v11 =	vld.idx.msk [tilespmem:v34+s15+$0x0], $0xffff  }
0x4e8: {  	[tilespmem:v15+s0+$0x0] =	vst.idx.msk $0xffff, v14;
	v34 =	vor.u32 v40, v3  }
0x4e9: {  	v15 =	vor.u32 s24, v47;
	v14 =	vld.idx.msk [tilespmem:v16+s15+$0x0], $0xffff;
	[tilespmem:v37+s0+$0x0] =	vst.idx.msk $0xffff, v8  }
0x4ea: {  	v8 =	vld.idx.msk [tilespmem:v10+s15+$0x0], $0xffff;
	v38 =	vor.u32 s23, v41  }
0x4eb: {  	v16 =	vor.u32 v40, v4  }
0x4ec: {  	[tilespmem:v12+s0+$0x0] =	vst.idx.msk $0xffff, v11;
	v6 =	vor.u32 s19, v41  }
0x4ed: {  	v37 =	vor.u32 v35, v1;
	v11 =	vld.idx.msk [tilespmem:v34+s15+$0x0], $0xffff  }
0x4ee: {  	[tilespmem:v15+s0+$0x0] =	vst.idx.msk $0xffff, v14;
	v10 =	vor.u32 v35, v2;
	v12 =	vor.u32 s20, v41;
	v15 =	vor.u32 s24, v41;
	v41 =	vld [tilespmem:$0x1FD90]  }
0x4ef: {  	v34 =	vor.u32 v35, v3;
	[tilespmem:v38+s0+$0x0] =	vst.idx.msk $0xffff, v8;
	v38 =	vld [tilespmem:$0x1FD00]  }
0x4f0: {  	v14 =	vld.idx.msk [tilespmem:v16+s15+$0x0], $0xffff  }
0x4f1: {  	[tilespmem:v6+s0+$0x0] =	vst.idx.msk $0xffff, v5  }
0x4f2: {  	v16 =	vor.u32 v35, v4;
	v5 =	vld.idx.msk [tilespmem:v37+s15+$0x0], $0xffff  }
0x4f3: {  	v6 =	vor.u32 s19, v41;
	[tilespmem:v12+s0+$0x0] =	vst.idx.msk $0xffff, v11;
	v8 =	vld.idx.msk [tilespmem:v10+s15+$0x0], $0xffff  }
0x4f4: {  	v9 =	vor.u32 s23, v41;
	v11 =	vld.idx.msk [tilespmem:v34+s15+$0x0], $0xffff;
	v40 =	vor.u32 v38, v1  }
0x4f5: {  	[tilespmem:v15+s0+$0x0] =	vst.idx.msk $0xffff, v14;
	v15 =	vor.u32 s24, v41;
	v34 =	vor.u32 s20, v41;
	v41 =	vld [tilespmem:$0x1FDA0];
	v10 =	vor.u32 v38, v2  }
0x4f6: {  	v37 =	vor.u32 v38, v3  }
0x4f7: {  	v14 =	vld.idx.msk [tilespmem:v16+s15+$0x0], $0xffff  }
0x4f8: {  	v16 =	vor.u32 v38, v4;
	[tilespmem:v6+s0+$0x0] =	vst.idx.msk $0xffff, v5  }
0x4f9: {  	[tilespmem:v9+s0+$0x0] =	vst.idx.msk $0xffff, v8;
	v5 =	vld.idx.msk [tilespmem:v40+s15+$0x0], $0xffff  }
0x4fa: {  	v6 =	vor.u32 s19, v41;
	[tilespmem:v34+s0+$0x0] =	vst.idx.msk $0xffff, v11;
	v8 =	vld.idx.msk [tilespmem:v10+s15+$0x0], $0xffff  }
0x4fb: {  	v9 =	vor.u32 s23, v41;
	v11 =	vld.idx.msk [tilespmem:v37+s15+$0x0], $0xffff  }
0x4fc: {  	[tilespmem:v15+s0+$0x0] =	vst.idx.msk $0xffff, v14;
	v15 =	vor.u32 s24, v41;
	v37 =	vor.u32 s20, v41;
	v41 =	vld [tilespmem:$0x1FDB0]  }
0x4fd: {  	v14 =	vld.idx.msk [tilespmem:v16+s15+$0x0], $0xffff  }
0x4fe: {  	v40 =	vor.u32 v43, v1  }
0x4ff: {  	v34 =	vor.u32 v43, v2;
	[tilespmem:v6+s0+$0x0] =	vst.idx.msk $0xffff, v5  }
0x500: {  	v38 =	vor.u32 v43, v3;
	[tilespmem:v9+s0+$0x0] =	vst.idx.msk $0xffff, v8  }
0x501: {  	v16 =	vor.u32 v43, v4;
	v6 =	vor.u32 s19, v41;
	[tilespmem:v37+s0+$0x0] =	vst.idx.msk $0xffff, v11  }
0x502: {  	v9 =	vor.u32 s23, v41;
	v37 =	vor.u32 s20, v41;
	[tilespmem:v15+s0+$0x0] =	vst.idx.msk $0xffff, v14;
	v15 =	vor.u32 s24, v41;
	v41 =	vld [tilespmem:$0x1FDC0]  }
0x503: {  	v5 =	vld.idx.msk [tilespmem:v40+s15+$0x0], $0xffff  }
0x504: {  	v8 =	vld.idx.msk [tilespmem:v34+s15+$0x0], $0xffff  }
0x505: {  	v11 =	vld.idx.msk [tilespmem:v38+s15+$0x0], $0xffff  }
0x506: {  	v14 =	vld.idx.msk [tilespmem:v16+s15+$0x0], $0xffff  }
0x507: {  	v40 =	vor.u32 v44, v1  }
0x508: {  	v34 =	vor.u32 v44, v2;
	[tilespmem:v6+s0+$0x0] =	vst.idx.msk $0xffff, v5  }
0x509: {  	v38 =	vor.u32 v44, v3;
	[tilespmem:v9+s0+$0x0] =	vst.idx.msk $0xffff, v8  }
0x50a: {  	v16 =	vor.u32 v44, v4;
	v6 =	vor.u32 s19, v41;
	[tilespmem:v37+s0+$0x0] =	vst.idx.msk $0xffff, v11  }
0x50b: {  	v9 =	vor.u32 s23, v41;
	v37 =	vor.u32 s20, v41;
	[tilespmem:v15+s0+$0x0] =	vst.idx.msk $0xffff, v14;
	v15 =	vor.u32 s24, v41;
	v41 =	vld [tilespmem:$0x1FDD0]  }
0x50c: {  	v5 =	vld.idx.msk [tilespmem:v40+s15+$0x0], $0xffff  }
0x50d: {  	v8 =	vld.idx.msk [tilespmem:v34+s15+$0x0], $0xffff  }
0x50e: {  	v11 =	vld.idx.msk [tilespmem:v38+s15+$0x0], $0xffff  }
0x50f: {  	v14 =	vld.idx.msk [tilespmem:v16+s15+$0x0], $0xffff  }
0x510: {  	v40 =	vor.u32 v45, v1  }
0x511: {  	v34 =	vor.u32 v45, v2;
	[tilespmem:v6+s0+$0x0] =	vst.idx.msk $0xffff, v5  }
0x512: {  	v38 =	vor.u32 v45, v3;
	[tilespmem:v9+s0+$0x0] =	vst.idx.msk $0xffff, v8  }
0x513: {  	v16 =	vor.u32 v45, v4;
	v6 =	vor.u32 s19, v41;
	[tilespmem:v37+s0+$0x0] =	vst.idx.msk $0xffff, v11  }
0x514: {  	v9 =	vor.u32 s23, v41;
	v37 =	vor.u32 s20, v41;
	[tilespmem:v15+s0+$0x0] =	vst.idx.msk $0xffff, v14;
	v15 =	vor.u32 s24, v41;
	v41 =	vld [tilespmem:$0x1FDE0]  }
0x515: {  	v5 =	vld.idx.msk [tilespmem:v40+s15+$0x0], $0xffff  }
0x516: {  	v8 =	vld.idx.msk [tilespmem:v34+s15+$0x0], $0xffff  }
0x517: {  	v11 =	vld.idx.msk [tilespmem:v38+s15+$0x0], $0xffff  }
0x518: {  	v14 =	vld.idx.msk [tilespmem:v16+s15+$0x0], $0xffff  }
0x519: {  	v40 =	vor.u32 v46, v1  }
0x51a: {  	v34 =	vor.u32 v46, v2;
	[tilespmem:v6+s0+$0x0] =	vst.idx.msk $0xffff, v5  }
0x51b: {  	v38 =	vor.u32 v46, v3;
	[tilespmem:v9+s0+$0x0] =	vst.idx.msk $0xffff, v8  }
0x51c: {  	v16 =	vor.u32 v46, v4;
	v6 =	vor.u32 s19, v41;
	[tilespmem:v37+s0+$0x0] =	vst.idx.msk $0xffff, v11  }
0x51d: {  	v9 =	vor.u32 s23, v41;
	v37 =	vor.u32 s20, v41;
	[tilespmem:v15+s0+$0x0] =	vst.idx.msk $0xffff, v14;
	v15 =	vor.u32 s24, v41;
	v41 =	vld [tilespmem:$0x1FDF0]  }
0x51e: {  	v5 =	vld.idx.msk [tilespmem:v40+s15+$0x0], $0xffff  }
0x51f: {  	v8 =	vld.idx.msk [tilespmem:v34+s15+$0x0], $0xffff  }
0x520: {  	v11 =	vld.idx.msk [tilespmem:v38+s15+$0x0], $0xffff  }
0x521: {  	v14 =	vld.idx.msk [tilespmem:v16+s15+$0x0], $0xffff  }
0x522: {  	v40 =	vor.u32 v48, v1  }
0x523: {  	v34 =	vor.u32 v48, v2;
	[tilespmem:v6+s0+$0x0] =	vst.idx.msk $0xffff, v5  }
0x524: {  	v38 =	vor.u32 v48, v3;
	[tilespmem:v9+s0+$0x0] =	vst.idx.msk $0xffff, v8  }
0x525: {  	v16 =	vor.u32 v48, v4;
	v6 =	vor.u32 s19, v41;
	[tilespmem:v37+s0+$0x0] =	vst.idx.msk $0xffff, v11  }
0x526: {  	v9 =	vor.u32 s23, v41;
	v37 =	vor.u32 s20, v41;
	[tilespmem:v15+s0+$0x0] =	vst.idx.msk $0xffff, v14;
	v15 =	vor.u32 s24, v41;
	v41 =	vld [tilespmem:$0x1FE00]  }
0x527: {  	v5 =	vld.idx.msk [tilespmem:v40+s15+$0x0], $0xffff  }
0x528: {  	v8 =	vld.idx.msk [tilespmem:v34+s15+$0x0], $0xffff  }
0x529: {  	v11 =	vld.idx.msk [tilespmem:v38+s15+$0x0], $0xffff  }
0x52a: {  	v14 =	vld.idx.msk [tilespmem:v16+s15+$0x0], $0xffff  }
0x52b: {  	v40 =	vor.u32 v49, v1  }
0x52c: {  	v34 =	vor.u32 v49, v2;
	[tilespmem:v6+s0+$0x0] =	vst.idx.msk $0xffff, v5  }
0x52d: {  	[tilespmem:v9+s0+$0x0] =	vst.idx.msk $0xffff, v8  }
0x52e: {  	v38 =	vor.u32 v49, v3;
	v6 =	vor.u32 s19, v41;
	[tilespmem:v37+s0+$0x0] =	vst.idx.msk $0xffff, v11  }
0x52f: {  	v9 =	vor.u32 s23, v41;
	v37 =	vor.u32 s20, v41;
	[tilespmem:v15+s0+$0x0] =	vst.idx.msk $0xffff, v14;
	v15 =	vor.u32 s24, v41;
	v41 =	vld [tilespmem:$0x1FE10]  }
0x530: {  	v16 =	vor.u32 v49, v4;
	v5 =	vld.idx.msk [tilespmem:v40+s15+$0x0], $0xffff  }
0x531: {  	v40 =	vor.u32 v50, v1;
	v8 =	vld.idx.msk [tilespmem:v34+s15+$0x0], $0xffff  }
0x532: {  	v34 =	vor.u32 v50, v2;
	_ =	sdelay $0x1  }
0x533: {  	v11 =	vld.idx.msk [tilespmem:v38+s15+$0x0], $0xffff  }
0x534: {  	v38 =	vor.u32 v50, v3;
	v14 =	vld.idx.msk [tilespmem:v16+s15+$0x0], $0xffff;
	[tilespmem:v6+s0+$0x0] =	vst.idx.msk $0xffff, v5  }
0x535: {  	v16 =	vor.u32 v50, v4;
	v6 =	vor.u32 s19, v41;
	[tilespmem:v9+s0+$0x0] =	vst.idx.msk $0xffff, v8;
	v5 =	vld.idx.msk [tilespmem:v40+s15+$0x0], $0xffff  }
0x536: {  	v8 =	vld.idx.msk [tilespmem:v34+s15+$0x0], $0xffff;
	v34 =	vor.u32 s23, v41  }
0x537: {  	v7 =	vor.u32 v51, v1  }
0x538: {  	[tilespmem:v37+s0+$0x0] =	vst.idx.msk $0xffff, v11;
	v37 =	vor.u32 v51, v2  }
0x539: {  	[tilespmem:v15+s0+$0x0] =	vst.idx.msk $0xffff, v14;
	v11 =	vld.idx.msk [tilespmem:v38+s15+$0x0], $0xffff;
	v38 =	vor.u32 s20, v41  }
0x53a: {  	v40 =	vor.u32 v51, v3;
	v14 =	vld.idx.msk [tilespmem:v16+s15+$0x0], $0xffff;
	[tilespmem:v6+s0+$0x0] =	vst.idx.msk $0xffff, v5  }
0x53b: {  	[tilespmem:v34+s0+$0x0] =	vst.idx.msk $0xffff, v8;
	v34 =	vld [tilespmem:$0x1FE20]  }
0x53c: {  	v5 =	vld.idx.msk [tilespmem:v7+s15+$0x0], $0xffff  }
0x53d: {  	v7 =	vld.idx.msk [tilespmem:v37+s15+$0x0], $0xffff  }
0x53e: {  	[tilespmem:v38+s0+$0x0] =	vst.idx.msk $0xffff, v11;
	v37 =	vld [tilespmem:$0x1FE20]  }
0x53f: {  	v38 =	vld.idx.msk [tilespmem:v40+s15+$0x0], $0xffff  }
0x540: {  	v15 =	vor.u32 s24, v41;
	v40 =	vld [tilespmem:$0x1FE20]  }
0x541: {  	v16 =	vor.u32 v51, v4;
	_ =	sdelay $0x1  }
0x542: {  	v6 =	vor.u32 s19, v34  }
0x543: {  	v13 =	vld [tilespmem:$0x1FE30];
	v1 =	vor.u32 v0, v1;
	v8 =	vor.u32 s23, v37  }
0x544: {  	v2 =	vor.u32 v0, v2;
	[tilespmem:v15+s0+$0x0] =	vst.idx.msk $0xffff, v14;
	v41 =	vor.u32 s20, v40  }
0x545: {  	v3 =	vor.u32 v0, v3;
	v34 =	vld.idx.msk [tilespmem:v16+s15+$0x0], $0xffff;
	v12 =	vor.u32 s24, v40  }
0x546: {  	v4 =	vor.u32 v0, v4  }
0x547: {  	[tilespmem:v6+s0+$0x0] =	vst.idx.msk $0xffff, v5  }
0x548: {  	v37 =	vor.u32 s19, v13;
	[tilespmem:v8+s0+$0x0] =	vst.idx.msk $0xffff, v7;
	v1 =	vld.idx.msk [tilespmem:v1+s15+$0x0], $0xffff  }
0x549: {  	[tilespmem:v41+s0+$0x0] =	vst.idx.msk $0xffff, v38;
	v38 =	vor.u32 s23, v13;
	v2 =	vld.idx.msk [tilespmem:v2+s15+$0x0], $0xffff  }
0x54a: {  	v40 =	vor.u32 s20, v13;
	[tilespmem:v12+s0+$0x0] =	vst.idx.msk $0xffff, v34;
	v3 =	vld.idx.msk [tilespmem:v3+s15+$0x0], $0xffff  }
0x54b: {  	p2 =	por p0, p0;
	v41 =	vor.u32 s24, v13;
	v4 =	vld.idx.msk [tilespmem:v4+s15+$0x0], $0xffff  }
.Ltmp5:
0x54c: {  	_ = 	snop;
	(pc) =	sbr.rel @p2 .LBB2_9-.Ltmp5, $4  }
0x54d: {  	[tilespmem:v37+s0+$0x0] =	vst.idx.msk $0xffff, v1  }
0x54e: {  	[tilespmem:v38+s0+$0x0] =	vst.idx.msk $0xffff, v2  }
0x54f: {  	[tilespmem:v40+s0+$0x0] =	vst.idx.msk $0xffff, v3  }
0x550: {  	p0 =	por $0x0, $0x0;
	s19 =	simm.s32 $0x40;
	[tilespmem:v41+s0+$0x0] =	vst.idx.msk $0xffff, v4  }
0x551: {  	s7 =	sshll.u32 s7, $0x13;
	s18 =	sshll.u32 s18, $0xA  }
0x552: {  	s7 =	sadd.s32 s7, s18  }
0x553: {  	s7 =	sshrl.u32 s7, $0x3  }
0x554: {  	s7 =	sadd.s32 s2, s7  }
0x555: {  	[hbm4b:s7+s3] =	stream.linear.scatter [tilespmem:s0], [sflag:$0x8], $0x400, $0x38;
	[tilespmem:$0xE400] =	vst v63  }
0x556: {  	s25 =	sadd.s32 $0x4000, s7  }
0x557: {  	[hbm4b:s25+s3] =	stream.linear.scatter [tilespmem:s12], [sflag:$0x8], $0x400, $0x38;
	[tilespmem:$0xE400] =	vst v63  }
.Ltmp6:
0x558: {  	_ = 	snop;
	(pc) =	sbr.rel @p1 .LBB2_12-.Ltmp6, $4  }
0x559: {  	s29 =	sadd.s32 $0x8000, s7  }
0x55a: {  	[hbm4b:s29+s3] =	stream.linear.scatter [tilespmem:s14], [sflag:$0x8], $0x400, $0x38;
	[tilespmem:$0xE400] =	vst v63  }
0x55b: {  	s7 =	sadd.s32 $0xC000, s7  }
0x55c: {  	[hbm4b:s7+s3] =	stream.linear.scatter [tilespmem:s5], [sflag:$0x8], $0x400, $0x38;
	[tilespmem:$0xE400] =	vst v63  }
.Ltmp7:
0x55d: {  	(pc) =	sbr.rel .LBB2_2-.Ltmp7, $4  }
0x55e: {  	s7 =	sshll.u32 s8, $0x9  }
0x55f: {  	s7 =	sand.u32 $0x3FFFFE00, s7  }
0x560: {  	s8 =	sadd.s32 $0x1, s8;
	s7 =	sadd.s32 $0x380, s7  }
0x561: {  	[tilespmem:s15], [sflag:$0x4] =	stream.indirect.gather [hbm4b:s4+s9], $0x20, s7, s9, $0xb8;
	[tilespmem:$0xE400] =	vst v63  }
.LBB2_13:
0x562: {  	_ =	sfence.sel $0x180000  }
0x563: {  	[bflag:$0x0] =	sbarrier.arrive $0xFFFF  }
0x564: {  	_ =	strace $0x90000047  }
0x565: {  	s0 =	stileid.u32;
	[bflag:$0x2] =	sbarrier.arrive $0xFFFF  }
0x566: {  	p0 =	sne.s32 s0, $0x0;
	s0 =	rddreg [dreg:$0x2]  }
0x567: {  	s0 =	sadd.s32 @!p0 $0x100000, s0  }
0x568: {  	[sflag:s0] =	ssyncadd.tile.s32 @!p0 $0x1;
	_ =	shalt  }
.Lfunc_end2:
_tile_overlayer_lowered:
.L_overlay_start_2:
0x569: {  	(tag) =	ssettag $0x2  }
0x56a: {  	s0 =	rddreg [dreg:$0x0];
	s2 =	stileid.u32  }
0x56b: {  	s1 =	rddreg [dreg:$0x1];
	p0 =	sne.s32 s2, $0x0  }
0x56c: {  	s3 =	rddreg [dreg:$0x2];
	[bflag:$0x3] =	sbarrier.arrive $0xFFFF;
	s2 =	simm.s32 @!p0 $0x1C09  }
0x56d: {  	[timem:s3], [sflag:s2] =	dma.local @!p0 [hbm:s0], s1  }
0x56e: {  	s0 =	simm.s32 @!p0 $0x9  }
0x56f: {  	_ =	swait.ge @!p0 [sflag:s0], s1  }
0x570: {  	s1 =	ssub.s32 @!p0 $0x0, s1;
	[sflag:s0] =	ssyncset.done @!p0 $0x0  }
0x571: {  	[sflag:s0] =	ssyncadd.s32 @!p0 s1  }
0x572: {  	[bflag:$0x3] =	sbarrier.arrive $0xFFFF  }
0x573: {  	_ =	shalt  }

</sc_bundles>
